<compile_context>
chip_gen: v7x
topology: tpu7x:2x2x1
jax: 0.10.2.dev20260603
libtpu: 0.0.44.dev20260713+nightly
codegen_flags: <defaults>
</compile_context>

<pallas_src>
import dataclasses
import functools

import jax
import jax.numpy as jnp
from jax import lax
from jax.experimental import pallas as pl
from jax.experimental.pallas import tpu as pltpu
from jax.experimental.pallas import tpu_sc as plsc

N = 10000
E = 320000
F_IN = 128
H = 20
OUT = 20
C = 40

NC = 2
NS = 16
CH = 128
ER = E // CH
NP = 10240
NPT = NP // NS
HP = 32
BLK = 1024


def _spmm_body(srcr, dstr, wr, hs, out,
               src_a, src_b, dst_a, dst_b, w_a, w_b, rows_a, rows_b, zbuf,
               acc_sh,
               si_a, si_b, sd_a, sd_b, sg_a, sg_b, ss_a, ss_b):
    c = lax.axis_index("c")
    s = lax.axis_index("s")
    wid = c * NS + s
    base = jnp.where(wid < 2, wid * 80, 160 + (wid - 2) * 78)
    ncd = jnp.where(wid < 2, 80, 78)

    @pl.loop(0, NPT, unroll=4)
    def _(i):
        zbuf[i, pl.ds(0, 16)] = jnp.zeros((16,), jnp.float32)
        zbuf[i, pl.ds(16, 16)] = jnp.zeros((16,), jnp.float32)

    pltpu.sync_copy(zbuf, acc_sh.at[pl.ds(s * NPT, NPT)])
    plsc.subcore_barrier()

    slot_refs = ((src_a, dst_a, w_a, rows_a, si_a, sd_a, sg_a, ss_a),
                 (src_b, dst_b, w_b, rows_b, si_b, sd_b, sg_b, ss_b))

    pltpu.async_copy(srcr.at[base], src_a, si_a)
    pltpu.async_copy(wr.at[base], w_a, si_a)
    pltpu.async_copy(srcr.at[base + 1], src_b, si_b)
    pltpu.async_copy(wr.at[base + 1], w_b, si_b)
    pltpu.make_async_copy(srcr.at[base], src_a, si_a).wait()
    pltpu.make_async_copy(wr.at[base], w_a, si_a).wait()
    pltpu.async_copy(dstr.at[base], dst_a, sd_a)
    pltpu.async_copy(hs.at[src_a], rows_a, sg_a)

    def chunk_step(j, this, other):
        (src_t, dst_t, w_t, rows_t, si_t, sd_t, sg_t, ss_t) = this
        (src_o, dst_o, w_o, rows_o, si_o, sd_o, sg_o, ss_o) = other
        pltpu.make_async_copy(hs.at[src_t], rows_t, sg_t).wait()

        @pl.when(j + 1 < ncd)
        def _():
            pltpu.make_async_copy(srcr.at[base], src_o, si_o).wait()
            pltpu.make_async_copy(wr.at[base], w_o, si_o).wait()

            @pl.when(j >= 1)
            def _():
                pltpu.make_async_copy(rows_o, acc_sh.at[dst_o], ss_o).wait()

            pltpu.async_copy(hs.at[src_o], rows_o, sg_o)
            pltpu.async_copy(dstr.at[base + j + 1], dst_o, sd_o)

        @pl.loop(0, CH, unroll=4)
        def _(k):
            wk = plsc.load_gather(w_t, [jnp.full((16,), k, jnp.int32)])
            rows_t[k, pl.ds(0, 16)] = rows_t[k, pl.ds(0, 16)] * wk
            rows_t[k, pl.ds(16, 16)] = rows_t[k, pl.ds(16, 16)] * wk

        pltpu.make_async_copy(dstr.at[base], dst_t, sd_t).wait()
        pltpu.async_copy(rows_t, acc_sh.at[dst_t], ss_t, add=True)

        @pl.when(j + 2 < ncd)
        def _():
            pltpu.async_copy(srcr.at[base + j + 2], src_t, si_t)
            pltpu.async_copy(wr.at[base + j + 2], w_t, si_t)

    @pl.loop(0, ncd // 2)
    def _(i):
        chunk_step(2 * i, slot_refs[0], slot_refs[1])
        chunk_step(2 * i + 1, slot_refs[1], slot_refs[0])

    pltpu.make_async_copy(rows_a, acc_sh.at[dst_a], ss_a).wait()
    pltpu.make_async_copy(rows_b, acc_sh.at[dst_b], ss_b).wait()

    plsc.subcore_barrier()
    pltpu.sync_copy(acc_sh.at[pl.ds(s * NPT, NPT)],
                    out.at[c].at[pl.ds(s * NPT, NPT)])


def _deg_body(dstr, wr, out, dst_a, dst_b, w_a, w_b, zbuf, deg_sh,
              si_a, si_b, ss_a, ss_b):
    c = lax.axis_index("c")
    s = lax.axis_index("s")
    wid = c * NS + s
    base = jnp.where(wid < 2, wid * 80, 160 + (wid - 2) * 78)
    ncd = jnp.where(wid < 2, 80, 78)
    slots = ((dst_a, w_a, si_a, ss_a), (dst_b, w_b, si_b, ss_b))

    @pl.loop(0, NPT, step=16, unroll=4)
    def _(i):
        zbuf[pl.ds(i, 16)] = jnp.zeros((16,), jnp.float32)

    pltpu.sync_copy(zbuf, deg_sh.at[pl.ds(s * NPT, NPT)])
    plsc.subcore_barrier()

    pltpu.async_copy(dstr.at[base], dst_a, si_a)
    pltpu.async_copy(wr.at[base], w_a, si_a)
    pltpu.async_copy(dstr.at[base + 1], dst_b, si_b)
    pltpu.async_copy(wr.at[base + 1], w_b, si_b)

    def deg_step(j, this):
        dst_t, w_t, si_t, ss_t = this
        pltpu.make_async_copy(dstr.at[base], dst_t, si_t).wait()
        pltpu.make_async_copy(wr.at[base], w_t, si_t).wait()
        pltpu.async_copy(w_t, deg_sh.at[dst_t], ss_t, add=True)

        @pl.when(j + 2 < ncd)
        def _():
            pltpu.make_async_copy(w_t, deg_sh.at[dst_t], ss_t).wait()
            pltpu.async_copy(dstr.at[base + j + 2], dst_t, si_t)
            pltpu.async_copy(wr.at[base + j + 2], w_t, si_t)

    @pl.loop(0, ncd // 2)
    def _(i):
        deg_step(2 * i, slots[0])
        deg_step(2 * i + 1, slots[1])

    pltpu.make_async_copy(w_a, deg_sh.at[dst_a], ss_a).wait()
    pltpu.make_async_copy(w_b, deg_sh.at[dst_b], ss_b).wait()

    plsc.subcore_barrier()
    pltpu.sync_copy(deg_sh.at[pl.ds(s * NPT, NPT)],
                    out.at[c].at[pl.ds(s * NPT, NPT)])


def _make_sc_kernels():
    mesh = plsc.VectorSubcoreMesh(core_axis_name="c", subcore_axis_name="s")
    cp = pltpu.CompilerParams()
    if "needs_layout_passes" in pltpu.CompilerParams.__dataclass_fields__:
        cp = dataclasses.replace(cp, needs_layout_passes=False)
    if "use_tc_tiling_on_sc" in pltpu.CompilerParams.__dataclass_fields__:
        cp = dataclasses.replace(cp, use_tc_tiling_on_sc=False)
    spmm = functools.partial(
        pl.kernel, mesh=mesh, compiler_params=cp,
        out_type=jax.ShapeDtypeStruct((NC, NP, HP), jnp.float32),
        scratch_types=(
            [pltpu.VMEM((CH,), jnp.int32)] * 4 +
            [pltpu.VMEM((CH,), jnp.float32)] * 2 +
            [pltpu.VMEM((CH, HP), jnp.float32)] * 2 +
            [pltpu.VMEM((NPT, HP), jnp.float32),
             pltpu.VMEM_SHARED((NP, HP), jnp.float32)] +
            [pltpu.SemaphoreType.DMA] * 8
        ))(_spmm_body)
    deg = functools.partial(
        pl.kernel, mesh=mesh, compiler_params=cp,
        out_type=jax.ShapeDtypeStruct((NC, NP), jnp.float32),
        scratch_types=(
            [pltpu.VMEM((CH,), jnp.int32)] * 2 +
            [pltpu.VMEM((CH,), jnp.float32)] * 2 +
            [pltpu.VMEM((NPT,), jnp.float32),
             pltpu.VMEM_SHARED((NP,), jnp.float32)] +
            [pltpu.SemaphoreType.DMA] * 4
        ))(_deg_body)
    return spmm, deg



def _head_body(x_ref, w_ref, d_ref, hs_ref, dv_ref):
    h1 = jnp.dot(x_ref[...], w_ref[...], preferred_element_type=jnp.float32)
    deg = d_ref[0] + d_ref[1] + 1.0
    dinv = jnp.where(deg > 0, lax.rsqrt(jnp.maximum(deg, 1e-12)), 0.0)
    dv = jnp.broadcast_to(dinv, (BLK, HP))
    dv_ref[...] = dv
    hs_ref[...] = h1 * dv


def _layer_body(a_ref, hs_ref, dv_ref, w_ref, b_ref,
                x_ref, hsn_ref, *, double_relu):
    conv = dv_ref[...] * (a_ref[0] + a_ref[1] + hs_ref[...])
    if double_relu:
        xl = jax.nn.relu(jax.nn.relu(conv) + b_ref[...])
    else:
        xl = jax.nn.relu(conv + b_ref[...])
    x_ref[...] = xl
    hsn_ref[...] = dv_ref[...] * jnp.dot(xl, w_ref[...],
                                         preferred_element_type=jnp.float32)


def _final_body(a_ref, hs_ref, dv_ref, b_ref, x1_ref, x2_ref,
                lw_ref, lb_ref, o_ref):
    conv = dv_ref[...] * (a_ref[0] + a_ref[1] + hs_ref[...])
    x3 = jax.nn.relu(conv + b_ref[...])
    hcat = jnp.concatenate(
        [x1_ref[...][:, :H], x2_ref[...][:, :H], x3[:, :OUT],
         jnp.zeros((BLK, 4), jnp.float32)], axis=1)
    logits = jnp.dot(hcat, lw_ref[...],
                     preferred_element_type=jnp.float32) + lb_ref[...]
    m = jnp.max(logits, axis=1, keepdims=True)
    lse = jnp.log(jnp.sum(jnp.exp(logits - m), axis=1, keepdims=True)) + m
    o_ref[...] = logits - lse


def _row_spec(w):
    return pl.BlockSpec((BLK, w), lambda i: (i, 0))


def _full_spec(shape):
    return pl.BlockSpec(shape, lambda i: (0, 0))


_GRID = (NP // BLK,)


def _acc_spec(w):
    return pl.BlockSpec((NC, BLK, w), lambda i: (0, i, 0))


def _tc_head(x_p, w, degp):
    return pl.pallas_call(
        _head_body, grid=_GRID,
        in_specs=[_row_spec(F_IN), _full_spec((F_IN, HP)), _acc_spec(1)],
        out_specs=[_row_spec(HP), _row_spec(HP)],
        out_shape=[jax.ShapeDtypeStruct((NP, HP), jnp.float32),
                   jax.ShapeDtypeStruct((NP, HP), jnp.float32)])(x_p, w, degp)


def _tc_layer(acc, hs, dv, w, b, double_relu):
    body = functools.partial(_layer_body, double_relu=double_relu)
    return pl.pallas_call(
        body, grid=_GRID,
        in_specs=[_acc_spec(HP), _row_spec(HP), _row_spec(HP),
                  _full_spec((HP, HP)), _full_spec((1, HP))],
        out_specs=[_row_spec(HP), _row_spec(HP)],
        out_shape=[jax.ShapeDtypeStruct((NP, HP), jnp.float32),
                   jax.ShapeDtypeStruct((NP, HP), jnp.float32)])(
                       acc, hs, dv, w, b)


def _tc_final(acc, hs, dv, b, x1, x2, lw, lb):
    return pl.pallas_call(
        _final_body, grid=_GRID,
        in_specs=[_acc_spec(HP), _row_spec(HP), _row_spec(HP),
                  _full_spec((1, HP)), _row_spec(HP), _row_spec(HP),
                  _full_spec((64, C)), _full_spec((1, C))],
        out_specs=_row_spec(C),
        out_shape=jax.ShapeDtypeStruct((NP, C), jnp.float32))(
            acc, hs, dv, b, x1, x2, lw, lb)


def kernel(x, edge_index, edge_weights, W1, W2, W3, b1, b2, b3, lin_W, lin_b):
    f32 = jnp.float32
    src_r = edge_index[0].reshape(ER, CH)
    dst_r = edge_index[1].reshape(ER, CH)
    w_r = edge_weights.reshape(ER, CH)
    x_p = jnp.pad(x, ((0, NP - N), (0, 0)))
    w1t = jnp.pad(W1.T, ((0, 0), (0, HP - H)))
    w2t = jnp.pad(W2.T, ((0, HP - H), (0, HP - H)))
    w3t = jnp.pad(W3.T, ((0, HP - H), (0, HP - OUT)))
    b1r = jnp.pad(b1, (0, HP - H)).reshape(1, HP)
    b2r = jnp.pad(b2, (0, HP - H)).reshape(1, HP)
    b3r = jnp.pad(b3, (0, HP - OUT)).reshape(1, HP)
    lwt = jnp.pad(lin_W.T, ((0, 64 - (2 * H + OUT)), (0, 0)))
    lbr = lin_b.reshape(1, C)

    spmm, deg_kernel = _make_sc_kernels()

    degp = deg_kernel(dst_r, w_r)
    hs1, dv = _tc_head(x_p, w1t, degp.reshape(NC, NP, 1))
    acc1 = spmm(src_r, dst_r, w_r, hs1)
    x1, hs2 = _tc_layer(acc1, hs1, dv, w2t, b1r, False)
    acc2 = spmm(src_r, dst_r, w_r, hs2)
    x2, hs3 = _tc_layer(acc2, hs2, dv, w3t, b2r, True)
    acc3 = spmm(src_r, dst_r, w_r, hs3)
    outp = _tc_final(acc3, hs3, dv, b3r, x1, x2, lwt, lbr)
    return outp[:N]

# --- scband reference (transcript-rebuilt; emitter-appended) ---
"""Pipeline reference for scband-gcn-41403484733988 (READ-ONLY COPY).

The authoritative reference and input builder live on the scoring server;
editing this copy changes nothing except your own understanding.
"""

import jax, jax.numpy as jnp
import numpy as np

N = 10000
E = 320000
F_IN = 128
H = 20
OUT = 20
C = 40


def setup_inputs(seed: int = 0) -> dict:
    key = jax.random.key(seed)
    ks = jax.random.split(key, 12)
    x = jax.random.normal(ks[0], (N, F_IN), dtype=jnp.float32)
    edge_index = jax.random.randint(ks[1], (2, E), 0, N, dtype=jnp.int32)
    edge_weights = jax.random.uniform(ks[2], (E,), dtype=jnp.float32)
    W1 = jax.random.normal(ks[3], (H, F_IN), dtype=jnp.float32) * (1.0 / np.sqrt(F_IN))
    W2 = jax.random.normal(ks[4], (H, H), dtype=jnp.float32) * (1.0 / np.sqrt(H))
    W3 = jax.random.normal(ks[5], (OUT, H), dtype=jnp.float32) * (1.0 / np.sqrt(H))
    b1 = jnp.zeros((H,), dtype=jnp.float32)
    b2 = jnp.zeros((H,), dtype=jnp.float32)
    b3 = jnp.zeros((OUT,), dtype=jnp.float32)
    lin_W = jax.random.normal(ks[6], (C, 2 * H + OUT), dtype=jnp.float32) * (1.0 / np.sqrt(2 * H + OUT))
    lin_b = jnp.zeros((C,), dtype=jnp.float32)
    return {"x": x, "edge_index": edge_index, "edge_weights": edge_weights,
            "W1": W1, "W2": W2, "W3": W3, "b1": b1, "b2": b2, "b3": b3,
            "lin_W": lin_W, "lin_b": lin_b}


def gcn_conv(x, edge_index, ew, W):
    # torch_geometric GCNConv with add_self_loops=True, normalize=True, bias=False
    n = x.shape[0]
    src = edge_index[0]
    dst = edge_index[1]
    loop = jnp.arange(n, dtype=edge_index.dtype)
    s = jnp.concatenate([src, loop])
    d = jnp.concatenate([dst, loop])
    w = jnp.concatenate([ew, jnp.ones((n,), dtype=ew.dtype)])
    deg = jnp.zeros((n,), dtype=ew.dtype).at[d].add(w)
    dinv = jnp.where(deg > 0, jax.lax.rsqrt(jnp.maximum(deg, 1e-12)), 0.0)
    norm = dinv[s] * w * dinv[d]
    h = x @ W.T
    out = jnp.zeros((n, h.shape[1]), dtype=h.dtype).at[d].add(norm[:, None] * h[s])
    return out


def reference(x, edge_index, edge_weights, W1, W2, W3, b1, b2, b3, lin_W, lin_b):
    x1 = jax.nn.relu(gcn_conv(x, edge_index, edge_weights, W1) + b1)
    # dropout p=0.0 -> identity
    x2 = jax.nn.relu(jax.nn.relu(gcn_conv(x1, edge_index, edge_weights, W2)) + b2)
    x3 = jax.nn.relu(gcn_conv(x2, edge_index, edge_weights, W3) + b3)
    h = jnp.concatenate([x1, x2, x3], axis=1) @ lin_W.T + lin_b
    return jax.nn.log_softmax(h, axis=1)

if __name__ == "__main__":
    import jax
    _d = setup_inputs()
    print(jax.jit(kernel)(*tuple(_d.values())))

</pallas_src>

<mosaic_0001>
#map = affine_map<(d0, d1) -> (0, 0)>
module attributes {stable_mosaic.version = 14 : i64} {
  func.func @_deg_body(%arg0: i32, %arg1: i32, %arg2: memref<2500x128xi32, #tpu.memory_space<hbm>>, %arg3: memref<2500x128xf32, #tpu.memory_space<hbm>>, %arg4: memref<2x10240xf32, #tpu.memory_space<hbm>>, %arg5: memref<128xi32, #tpu.memory_space<vmem>>, %arg6: memref<128xi32, #tpu.memory_space<vmem>>, %arg7: memref<128xf32, #tpu.memory_space<vmem>>, %arg8: memref<128xf32, #tpu.memory_space<vmem>>, %arg9: memref<640xf32, #tpu.memory_space<vmem>>, %arg10: memref<10240xf32, #tpu.memory_space<vmem_shared>>, %arg11: memref<!tpu.dma_semaphore, #tpu.memory_space<semaphore_mem>>, %arg12: memref<!tpu.dma_semaphore, #tpu.memory_space<semaphore_mem>>, %arg13: memref<!tpu.dma_semaphore, #tpu.memory_space<semaphore_mem>>, %arg14: memref<!tpu.dma_semaphore, #tpu.memory_space<semaphore_mem>>) attributes {dimension_semantics = [#tpu.dimension_semantics<core_parallel>, #tpu.dimension_semantics<subcore_parallel>], iteration_bounds = array<i64: 2, 16>, scalar_prefetch = 0 : i64, scratch_operands = 10 : i64, tpu.core_type = #tpu.core_type<sc_vector_subcore>, window_params = [{transform_indices = #map}, {transform_indices = #map}, {transform_indices = #map}]} {
    %mul3A = arith.constant 16 : i32
    %mul3A_0 = arith.muli %arg0, %mul3A : i32
    %add3A = arith.addi %mul3A_0, %arg1 : i32
    %lt3A = arith.constant 2 : i32
    %lt3A_1 = arith.cmpi slt, %add3A, %lt3A : i32
    %mul3A_2 = arith.constant 80 : i32
    %mul3A_3 = arith.muli %add3A, %mul3A_2 : i32
    %sub3A = arith.constant 2 : i32
    %sub3A_4 = arith.subi %add3A, %sub3A : i32
    %mul3A_5 = arith.constant 78 : i32
    %mul3A_6 = arith.muli %sub3A_4, %mul3A_5 : i32
    %add3A_7 = arith.constant 160 : i32
    %add3A_8 = arith.addi %add3A_7, %mul3A_6 : i32
    %select_n3A = arith.select %lt3A_1, %mul3A_3, %add3A_8 : i32
    %lt3A_9 = arith.constant 2 : i32
    %lt3A_10 = arith.cmpi slt, %add3A, %lt3A_9 : i32
    %jit3A = arith.constant 80 : i32
    %jit3A_11 = arith.constant 78 : i32
    %select_n3A_12 = arith.select %lt3A_10, %jit3A, %jit3A_11 : i32
    %scan3A = arith.constant 0 : i32
    %scan3A_13 = arith.constant 40 : i32
    %scan3A_14 = arith.addi %scan3A, %scan3A_13 : i32
    %scan3A_15 = arith.constant 4 : i32
    scf.for %scan3A_91 = %scan3A to %scan3A_14 step %scan3A_15  : i32 {
      %mul3A_92 = arith.constant 16 : i32
      %mul3A_93 = arith.muli %scan3A_91, %mul3A_92 : i32
      %add3A_94 = arith.constant 0 : i32
      %add3A_95 = arith.addi %add3A_94, %mul3A_93 : i32
      %broadcast_in_dim3A = arith.constant 0.000000e+00 : f32
      %broadcast_in_dim3A_96 = vector.broadcast %broadcast_in_dim3A : f32 to vector<16xf32>
      %swap3A = arith.index_cast %add3A_95 : i32 to index
      %swap3A_97 = tpu.vector_load %arg9[%swap3A] {strides = array<i32>} : memref<640xf32, #tpu.memory_space<vmem>>, vector<16xf32>,
      tpu.vector_store %arg9[%swap3A], %broadcast_in_dim3A_96 {strides = array<i32>} : memref<640xf32, #tpu.memory_space<vmem>>, vector<16xf32>,
      %scan3A_98 = arith.constant 1 : i32
      %scan3A_99 = arith.addi %scan3A_91, %scan3A_98 : i32
      %mul3A_100 = arith.constant 16 : i32
      %mul3A_101 = arith.muli %scan3A_99, %mul3A_100 : i32
      %add3A_102 = arith.constant 0 : i32
      %add3A_103 = arith.addi %add3A_102, %mul3A_101 : i32
      %broadcast_in_dim3A_104 = arith.constant 0.000000e+00 : f32
      %broadcast_in_dim3A_105 = vector.broadcast %broadcast_in_dim3A_104 : f32 to vector<16xf32>
      %swap3A_106 = arith.index_cast %add3A_103 : i32 to index
      %swap3A_107 = tpu.vector_load %arg9[%swap3A_106] {strides = array<i32>} : memref<640xf32, #tpu.memory_space<vmem>>, vector<16xf32>,
      tpu.vector_store %arg9[%swap3A_106], %broadcast_in_dim3A_105 {strides = array<i32>} : memref<640xf32, #tpu.memory_space<vmem>>, vector<16xf32>,
      %scan3A_108 = arith.constant 2 : i32
      %scan3A_109 = arith.addi %scan3A_91, %scan3A_108 : i32
      %mul3A_110 = arith.constant 16 : i32
      %mul3A_111 = arith.muli %scan3A_109, %mul3A_110 : i32
      %add3A_112 = arith.constant 0 : i32
      %add3A_113 = arith.addi %add3A_112, %mul3A_111 : i32
      %broadcast_in_dim3A_114 = arith.constant 0.000000e+00 : f32
      %broadcast_in_dim3A_115 = vector.broadcast %broadcast_in_dim3A_114 : f32 to vector<16xf32>
      %swap3A_116 = arith.index_cast %add3A_113 : i32 to index
      %swap3A_117 = tpu.vector_load %arg9[%swap3A_116] {strides = array<i32>} : memref<640xf32, #tpu.memory_space<vmem>>, vector<16xf32>,
      tpu.vector_store %arg9[%swap3A_116], %broadcast_in_dim3A_115 {strides = array<i32>} : memref<640xf32, #tpu.memory_space<vmem>>, vector<16xf32>,
      %scan3A_118 = arith.constant 3 : i32
      %scan3A_119 = arith.addi %scan3A_91, %scan3A_118 : i32
      %mul3A_120 = arith.constant 16 : i32
      %mul3A_121 = arith.muli %scan3A_119, %mul3A_120 : i32
      %add3A_122 = arith.constant 0 : i32
      %add3A_123 = arith.addi %add3A_122, %mul3A_121 : i32
      %broadcast_in_dim3A_124 = arith.constant 0.000000e+00 : f32
      %broadcast_in_dim3A_125 = vector.broadcast %broadcast_in_dim3A_124 : f32 to vector<16xf32>
      %swap3A_126 = arith.index_cast %add3A_123 : i32 to index
      %swap3A_127 = tpu.vector_load %arg9[%swap3A_126] {strides = array<i32>} : memref<640xf32, #tpu.memory_space<vmem>>, vector<16xf32>,
      tpu.vector_store %arg9[%swap3A_126], %broadcast_in_dim3A_125 {strides = array<i32>} : memref<640xf32, #tpu.memory_space<vmem>>, vector<16xf32>,
    }
    %scan3A_16 = arith.constant 40 : i32
    %mul3A_17 = arith.constant 640 : i32
    %mul3A_18 = arith.muli %arg1, %mul3A_17 : i32
    "tpu.region"() ({
      %run_scoped3A = tpu.sem_alloc : memref<!tpu.dma_semaphore, #tpu.memory_space<semaphore_mem>>
      %dma_start3A_91 = tpu.memref_slice %arg10[%mul3A_18] : memref<10240xf32, #tpu.memory_space<vmem_shared>> -> memref<640xf32, #tpu.memory_space<vmem_shared>>
      %dma_start3A_92 = tpu.memref_slice %arg10[%mul3A_18] : memref<10240xf32, #tpu.memory_space<vmem_shared>> -> memref<640xf32, #tpu.memory_space<vmem_shared>>
      tpu.enqueue_dma source(%arg9 : memref<640xf32, #tpu.memory_space<vmem>>) target(%dma_start3A_92 : memref<640xf32, #tpu.memory_space<vmem_shared>>) target_semaphore(%run_scoped3A : memref<!tpu.dma_semaphore, #tpu.memory_space<semaphore_mem>>)
      %dma_wait3A_93 = tpu.memref_slice %arg10[%mul3A_18] : memref<10240xf32, #tpu.memory_space<vmem_shared>> -> memref<640xf32, #tpu.memory_space<vmem_shared>>
      %dma_wait3A_94 = tpu.memref_slice %arg10[%mul3A_18] : memref<10240xf32, #tpu.memory_space<vmem_shared>> -> memref<640xf32, #tpu.memory_space<vmem_shared>>
      tpu.wait_dma2 semaphore(%run_scoped3A : memref<!tpu.dma_semaphore, #tpu.memory_space<semaphore_mem>>) src(%arg9 : memref<640xf32, #tpu.memory_space<vmem>>) dst(%dma_wait3A_94 : memref<640xf32, #tpu.memory_space<vmem_shared>>)
      tpu.yield
    }) : () -> ()
    %barrier3A = arith.constant 0 : index
    tpu.barrier barrier_id(%barrier3A)
    %dma_start3A = arith.constant 0 : i32
    %dma_start3A_19 = tpu.memref_slice %arg2[%select_n3A, %dma_start3A] : memref<2500x128xi32, #tpu.memory_space<hbm>> -> memref<1x128xi32, #tpu.memory_space<hbm>>
    %dma_start3A_20 = tpu.memref_squeeze %dma_start3A_19 : memref<1x128xi32, #tpu.memory_space<hbm>> -> memref<128xi32, #tpu.memory_space<hbm>>
    %dma_start3A_21 = arith.constant 0 : i32
    %dma_start3A_22 = tpu.memref_slice %arg2[%select_n3A, %dma_start3A_21] : memref<2500x128xi32, #tpu.memory_space<hbm>> -> memref<1x128xi32, #tpu.memory_space<hbm>>
    %dma_start3A_23 = tpu.memref_squeeze %dma_start3A_22 : memref<1x128xi32, #tpu.memory_space<hbm>> -> memref<128xi32, #tpu.memory_space<hbm>>
    tpu.enqueue_dma source(%dma_start3A_23 : memref<128xi32, #tpu.memory_space<hbm>>) target(%arg5 : memref<128xi32, #tpu.memory_space<vmem>>) target_semaphore(%arg11 : memref<!tpu.dma_semaphore, #tpu.memory_space<semaphore_mem>>)
    %dma_start3A_24 = arith.constant 0 : i32
    %dma_start3A_25 = tpu.memref_slice %arg3[%select_n3A, %dma_start3A_24] : memref<2500x128xf32, #tpu.memory_space<hbm>> -> memref<1x128xf32, #tpu.memory_space<hbm>>
    %dma_start3A_26 = tpu.memref_squeeze %dma_start3A_25 : memref<1x128xf32, #tpu.memory_space<hbm>> -> memref<128xf32, #tpu.memory_space<hbm>>
    %dma_start3A_27 = arith.constant 0 : i32
    %dma_start3A_28 = tpu.memref_slice %arg3[%select_n3A, %dma_start3A_27] : memref<2500x128xf32, #tpu.memory_space<hbm>> -> memref<1x128xf32, #tpu.memory_space<hbm>>
    %dma_start3A_29 = tpu.memref_squeeze %dma_start3A_28 : memref<1x128xf32, #tpu.memory_space<hbm>> -> memref<128xf32, #tpu.memory_space<hbm>>
    tpu.enqueue_dma source(%dma_start3A_29 : memref<128xf32, #tpu.memory_space<hbm>>) target(%arg7 : memref<128xf32, #tpu.memory_space<vmem>>) target_semaphore(%arg11 : memref<!tpu.dma_semaphore, #tpu.memory_space<semaphore_mem>>)
    %add3A_30 = arith.constant 1 : i32
    %add3A_31 = arith.addi %select_n3A, %add3A_30 : i32
    %dma_start3A_32 = arith.constant 0 : i32
    %dma_start3A_33 = tpu.memref_slice %arg2[%add3A_31, %dma_start3A_32] : memref<2500x128xi32, #tpu.memory_space<hbm>> -> memref<1x128xi32, #tpu.memory_space<hbm>>
    %dma_start3A_34 = tpu.memref_squeeze %dma_start3A_33 : memref<1x128xi32, #tpu.memory_space<hbm>> -> memref<128xi32, #tpu.memory_space<hbm>>
    %dma_start3A_35 = arith.constant 0 : i32
    %dma_start3A_36 = tpu.memref_slice %arg2[%add3A_31, %dma_start3A_35] : memref<2500x128xi32, #tpu.memory_space<hbm>> -> memref<1x128xi32, #tpu.memory_space<hbm>>
    %dma_start3A_37 = tpu.memref_squeeze %dma_start3A_36 : memref<1x128xi32, #tpu.memory_space<hbm>> -> memref<128xi32, #tpu.memory_space<hbm>>
    tpu.enqueue_dma source(%dma_start3A_37 : memref<128xi32, #tpu.memory_space<hbm>>) target(%arg6 : memref<128xi32, #tpu.memory_space<vmem>>) target_semaphore(%arg12 : memref<!tpu.dma_semaphore, #tpu.memory_space<semaphore_mem>>)
    %add3A_38 = arith.constant 1 : i32
    %add3A_39 = arith.addi %select_n3A, %add3A_38 : i32
    %dma_start3A_40 = arith.constant 0 : i32
    %dma_start3A_41 = tpu.memref_slice %arg3[%add3A_39, %dma_start3A_40] : memref<2500x128xf32, #tpu.memory_space<hbm>> -> memref<1x128xf32, #tpu.memory_space<hbm>>
    %dma_start3A_42 = tpu.memref_squeeze %dma_start3A_41 : memref<1x128xf32, #tpu.memory_space<hbm>> -> memref<128xf32, #tpu.memory_space<hbm>>
    %dma_start3A_43 = arith.constant 0 : i32
    %dma_start3A_44 = tpu.memref_slice %arg3[%add3A_39, %dma_start3A_43] : memref<2500x128xf32, #tpu.memory_space<hbm>> -> memref<1x128xf32, #tpu.memory_space<hbm>>
    %dma_start3A_45 = tpu.memref_squeeze %dma_start3A_44 : memref<1x128xf32, #tpu.memory_space<hbm>> -> memref<128xf32, #tpu.memory_space<hbm>>
    tpu.enqueue_dma source(%dma_start3A_45 : memref<128xf32, #tpu.memory_space<hbm>>) target(%arg8 : memref<128xf32, #tpu.memory_space<vmem>>) target_semaphore(%arg12 : memref<!tpu.dma_semaphore, #tpu.memory_space<semaphore_mem>>)
    %jit3A_46 = arith.constant 2 : i32
    %div3A = arith.divsi %select_n3A_12, %jit3A_46 : i32
    %sign3A = arith.constant 0 : i32
    %sign3A_47 = arith.cmpi sgt, %select_n3A_12, %sign3A : i32
    %sign3A_48 = arith.extui %sign3A_47 : i1 to i32
    %sign3A_49 = arith.constant 0 : i32
    %sign3A_50 = arith.cmpi slt, %select_n3A_12, %sign3A_49 : i32
    %sign3A_51 = arith.extui %sign3A_50 : i1 to i32
    %sign3A_52 = arith.subi %sign3A_48, %sign3A_51 : i32
    %sign3A_53 = arith.constant 0 : i32
    %sign3A_54 = arith.cmpi sgt, %jit3A_46, %sign3A_53 : i32
    %sign3A_55 = arith.extui %sign3A_54 : i1 to i32
    %sign3A_56 = arith.constant 0 : i32
    %sign3A_57 = arith.cmpi slt, %jit3A_46, %sign3A_56 : i32
    %sign3A_58 = arith.extui %sign3A_57 : i1 to i32
    %sign3A_59 = arith.subi %sign3A_55, %sign3A_58 : i32
    %ne3A = arith.cmpi ne, %sign3A_52, %sign3A_59 : i32
    %rem3A = arith.remsi %select_n3A_12, %jit3A_46 : i32
    %ne3A_60 = arith.constant 0 : i32
    %ne3A_61 = arith.cmpi ne, %rem3A, %ne3A_60 : i32
    %and3A = arith.andi %ne3A, %ne3A_61 : i1
    %sub3A_62 = arith.constant 1 : i32
    %sub3A_63 = arith.subi %div3A, %sub3A_62 : i32
    %select_n3A_64 = arith.select %and3A, %sub3A_63, %div3A : i32
    %sub3A_65 = arith.constant 0 : i32
    %sub3A_66 = arith.subi %select_n3A_64, %sub3A_65 : i32
    %sub3A_67 = arith.constant 1 : i32
    %sub3A_68 = arith.constant 1 : i32
    %sub3A_69 = arith.subi %sub3A_67, %sub3A_68 : i32
    %add3A_70 = arith.addi %sub3A_66, %sub3A_69 : i32
    %div3A_71 = arith.constant 1 : i32
    %div3A_72 = arith.divsi %add3A_70, %div3A_71 : i32
    %while3A = arith.constant 1 : i32
    %while3A_73 = arith.constant 0 : i32
    %while3A_74 = arith.constant 0 : i32
    %while3A_75 = arith.subi %div3A_72, %while3A_74 : i32
    %while3A_76 = arith.addi %while3A_74, %while3A_75 : i32
    %while3A_77 = arith.constant 1 : i32
    %while3A_78 = arith.divsi %while3A_75, %while3A_77 : i32
    %while3A_79 = arith.muli %while3A_78, %while3A_77 : i32
    %while3A_80 = arith.addi %while3A_74, %while3A_79 : i32
    %while3A_81 = arith.constant 1 : i32
    scf.for %while3A_91 = %while3A_74 to %while3A_80 step %while3A_81  : i32 {
      %mul3A_92 = arith.muli %while3A_91, %while3A : i32
      %add3A_93 = arith.addi %while3A_73, %mul3A_92 : i32
      %mul3A_94 = arith.constant 2 : i32
      %mul3A_95 = arith.muli %mul3A_94, %add3A_93 : i32
      %dma_wait3A_96 = arith.constant 0 : i32
      %dma_wait3A_97 = tpu.memref_slice %arg2[%select_n3A, %dma_wait3A_96] : memref<2500x128xi32, #tpu.memory_space<hbm>> -> memref<1x128xi32, #tpu.memory_space<hbm>>
      %dma_wait3A_98 = tpu.memref_squeeze %dma_wait3A_97 : memref<1x128xi32, #tpu.memory_space<hbm>> -> memref<128xi32, #tpu.memory_space<hbm>>
      %dma_wait3A_99 = arith.constant 0 : i32
      %dma_wait3A_100 = tpu.memref_slice %arg2[%select_n3A, %dma_wait3A_99] : memref<2500x128xi32, #tpu.memory_space<hbm>> -> memref<1x128xi32, #tpu.memory_space<hbm>>
      %dma_wait3A_101 = tpu.memref_squeeze %dma_wait3A_100 : memref<1x128xi32, #tpu.memory_space<hbm>> -> memref<128xi32, #tpu.memory_space<hbm>>
      tpu.wait_dma2 semaphore(%arg11 : memref<!tpu.dma_semaphore, #tpu.memory_space<semaphore_mem>>) src(%dma_wait3A_101 : memref<128xi32, #tpu.memory_space<hbm>>) dst(%arg5 : memref<128xi32, #tpu.memory_space<vmem>>)
      %dma_wait3A_102 = arith.constant 0 : i32
      %dma_wait3A_103 = tpu.memref_slice %arg3[%select_n3A, %dma_wait3A_102] : memref<2500x128xf32, #tpu.memory_space<hbm>> -> memref<1x128xf32, #tpu.memory_space<hbm>>
      %dma_wait3A_104 = tpu.memref_squeeze %dma_wait3A_103 : memref<1x128xf32, #tpu.memory_space<hbm>> -> memref<128xf32, #tpu.memory_space<hbm>>
      %dma_wait3A_105 = arith.constant 0 : i32
      %dma_wait3A_106 = tpu.memref_slice %arg3[%select_n3A, %dma_wait3A_105] : memref<2500x128xf32, #tpu.memory_space<hbm>> -> memref<1x128xf32, #tpu.memory_space<hbm>>
      %dma_wait3A_107 = tpu.memref_squeeze %dma_wait3A_106 : memref<1x128xf32, #tpu.memory_space<hbm>> -> memref<128xf32, #tpu.memory_space<hbm>>
      tpu.wait_dma2 semaphore(%arg11 : memref<!tpu.dma_semaphore, #tpu.memory_space<semaphore_mem>>) src(%dma_wait3A_107 : memref<128xf32, #tpu.memory_space<hbm>>) dst(%arg7 : memref<128xf32, #tpu.memory_space<vmem>>)
      %dma_start3A_108 = arith.constant 0 : i32
      %dma_start3A_109 = tpu.memref_slice %arg10[%dma_start3A_108] : memref<10240xf32, #tpu.memory_space<vmem_shared>> -> memref<10240xf32, #tpu.memory_space<vmem_shared>>
      tpu.enqueue_indirect_dma source(%arg7 : memref<128xf32, #tpu.memory_space<vmem>>) target(%dma_start3A_109 : memref<10240xf32, #tpu.memory_space<vmem_shared>>) offsets(%arg5 : memref<128xi32, #tpu.memory_space<vmem>>) semaphore(%arg13 : memref<!tpu.dma_semaphore, #tpu.memory_space<semaphore_mem>>) {add = true}
      %add3A_110 = arith.constant 2 : i32
      %add3A_111 = arith.addi %mul3A_95, %add3A_110 : i32
      %lt3A_112 = arith.cmpi slt, %add3A_111, %select_n3A_12 : i32
      %convert_element_type3A = arith.extui %lt3A_112 : i1 to i32
      %cond3A = arith.constant 0 : i32
      %cond3A_113 = arith.cmpi ne, %convert_element_type3A, %cond3A : i32
      scf.if %cond3A_113 {
        %dma_wait3A_138 = arith.constant 0 : i32
        %dma_wait3A_139 = tpu.memref_slice %arg10[%dma_wait3A_138] : memref<10240xf32, #tpu.memory_space<vmem_shared>> -> memref<10240xf32, #tpu.memory_space<vmem_shared>>
        tpu.wait_indirect_dma semaphore(%arg13 : memref<!tpu.dma_semaphore, #tpu.memory_space<semaphore_mem>>) src(%arg7 : memref<128xf32, #tpu.memory_space<vmem>>) dst(%dma_wait3A_139 : memref<10240xf32, #tpu.memory_space<vmem_shared>>)
        %add3A_140 = arith.addi %select_n3A, %mul3A_95 : i32
        %add3A_141 = arith.constant 2 : i32
        %add3A_142 = arith.addi %add3A_140, %add3A_141 : i32
        %dma_start3A_143 = arith.constant 0 : i32
        %dma_start3A_144 = tpu.memref_slice %arg2[%add3A_142, %dma_start3A_143] : memref<2500x128xi32, #tpu.memory_space<hbm>> -> memref<1x128xi32, #tpu.memory_space<hbm>>
        %dma_start3A_145 = tpu.memref_squeeze %dma_start3A_144 : memref<1x128xi32, #tpu.memory_space<hbm>> -> memref<128xi32, #tpu.memory_space<hbm>>
        %dma_start3A_146 = arith.constant 0 : i32
        %dma_start3A_147 = tpu.memref_slice %arg2[%add3A_142, %dma_start3A_146] : memref<2500x128xi32, #tpu.memory_space<hbm>> -> memref<1x128xi32, #tpu.memory_space<hbm>>
        %dma_start3A_148 = tpu.memref_squeeze %dma_start3A_147 : memref<1x128xi32, #tpu.memory_space<hbm>> -> memref<128xi32, #tpu.memory_space<hbm>>
        tpu.enqueue_dma source(%dma_start3A_148 : memref<128xi32, #tpu.memory_space<hbm>>) target(%arg5 : memref<128xi32, #tpu.memory_space<vmem>>) target_semaphore(%arg11 : memref<!tpu.dma_semaphore, #tpu.memory_space<semaphore_mem>>)
        %add3A_149 = arith.addi %select_n3A, %mul3A_95 : i32
        %add3A_150 = arith.constant 2 : i32
        %add3A_151 = arith.addi %add3A_149, %add3A_150 : i32
        %dma_start3A_152 = arith.constant 0 : i32
        %dma_start3A_153 = tpu.memref_slice %arg3[%add3A_151, %dma_start3A_152] : memref<2500x128xf32, #tpu.memory_space<hbm>> -> memref<1x128xf32, #tpu.memory_space<hbm>>
        %dma_start3A_154 = tpu.memref_squeeze %dma_start3A_153 : memref<1x128xf32, #tpu.memory_space<hbm>> -> memref<128xf32, #tpu.memory_space<hbm>>
        %dma_start3A_155 = arith.constant 0 : i32
        %dma_start3A_156 = tpu.memref_slice %arg3[%add3A_151, %dma_start3A_155] : memref<2500x128xf32, #tpu.memory_space<hbm>> -> memref<1x128xf32, #tpu.memory_space<hbm>>
        %dma_start3A_157 = tpu.memref_squeeze %dma_start3A_156 : memref<1x128xf32, #tpu.memory_space<hbm>> -> memref<128xf32, #tpu.memory_space<hbm>>
        tpu.enqueue_dma source(%dma_start3A_157 : memref<128xf32, #tpu.memory_space<hbm>>) target(%arg7 : memref<128xf32, #tpu.memory_space<vmem>>) target_semaphore(%arg11 : memref<!tpu.dma_semaphore, #tpu.memory_space<semaphore_mem>>)
      } else {
      }
      %mul3A_114 = arith.constant 2 : i32
      %mul3A_115 = arith.muli %mul3A_114, %add3A_93 : i32
      %add3A_116 = arith.constant 1 : i32
      %add3A_117 = arith.addi %mul3A_115, %add3A_116 : i32
      %dma_wait3A_118 = arith.constant 0 : i32
      %dma_wait3A_119 = tpu.memref_slice %arg2[%select_n3A, %dma_wait3A_118] : memref<2500x128xi32, #tpu.memory_space<hbm>> -> memref<1x128xi32, #tpu.memory_space<hbm>>
      %dma_wait3A_120 = tpu.memref_squeeze %dma_wait3A_119 : memref<1x128xi32, #tpu.memory_space<hbm>> -> memref<128xi32, #tpu.memory_space<hbm>>
      %dma_wait3A_121 = arith.constant 0 : i32
      %dma_wait3A_122 = tpu.memref_slice %arg2[%select_n3A, %dma_wait3A_121] : memref<2500x128xi32, #tpu.memory_space<hbm>> -> memref<1x128xi32, #tpu.memory_space<hbm>>
      %dma_wait3A_123 = tpu.memref_squeeze %dma_wait3A_122 : memref<1x128xi32, #tpu.memory_space<hbm>> -> memref<128xi32, #tpu.memory_space<hbm>>
      tpu.wait_dma2 semaphore(%arg12 : memref<!tpu.dma_semaphore, #tpu.memory_space<semaphore_mem>>) src(%dma_wait3A_123 : memref<128xi32, #tpu.memory_space<hbm>>) dst(%arg6 : memref<128xi32, #tpu.memory_space<vmem>>)
      %dma_wait3A_124 = arith.constant 0 : i32
      %dma_wait3A_125 = tpu.memref_slice %arg3[%select_n3A, %dma_wait3A_124] : memref<2500x128xf32, #tpu.memory_space<hbm>> -> memref<1x128xf32, #tpu.memory_space<hbm>>
      %dma_wait3A_126 = tpu.memref_squeeze %dma_wait3A_125 : memref<1x128xf32, #tpu.memory_space<hbm>> -> memref<128xf32, #tpu.memory_space<hbm>>
      %dma_wait3A_127 = arith.constant 0 : i32
      %dma_wait3A_128 = tpu.memref_slice %arg3[%select_n3A, %dma_wait3A_127] : memref<2500x128xf32, #tpu.memory_space<hbm>> -> memref<1x128xf32, #tpu.memory_space<hbm>>
      %dma_wait3A_129 = tpu.memref_squeeze %dma_wait3A_128 : memref<1x128xf32, #tpu.memory_space<hbm>> -> memref<128xf32, #tpu.memory_space<hbm>>
      tpu.wait_dma2 semaphore(%arg12 : memref<!tpu.dma_semaphore, #tpu.memory_space<semaphore_mem>>) src(%dma_wait3A_129 : memref<128xf32, #tpu.memory_space<hbm>>) dst(%arg8 : memref<128xf32, #tpu.memory_space<vmem>>)
      %dma_start3A_130 = arith.constant 0 : i32
      %dma_start3A_131 = tpu.memref_slice %arg10[%dma_start3A_130] : memref<10240xf32, #tpu.memory_space<vmem_shared>> -> memref<10240xf32, #tpu.memory_space<vmem_shared>>
      tpu.enqueue_indirect_dma source(%arg8 : memref<128xf32, #tpu.memory_space<vmem>>) target(%dma_start3A_131 : memref<10240xf32, #tpu.memory_space<vmem_shared>>) offsets(%arg6 : memref<128xi32, #tpu.memory_space<vmem>>) semaphore(%arg14 : memref<!tpu.dma_semaphore, #tpu.memory_space<semaphore_mem>>) {add = true}
      %add3A_132 = arith.constant 2 : i32
      %add3A_133 = arith.addi %add3A_117, %add3A_132 : i32
      %lt3A_134 = arith.cmpi slt, %add3A_133, %select_n3A_12 : i32
      %convert_element_type3A_135 = arith.extui %lt3A_134 : i1 to i32
      %cond3A_136 = arith.constant 0 : i32
      %cond3A_137 = arith.cmpi ne, %convert_element_type3A_135, %cond3A_136 : i32
      scf.if %cond3A_137 {
        %dma_wait3A_138 = arith.constant 0 : i32
        %dma_wait3A_139 = tpu.memref_slice %arg10[%dma_wait3A_138] : memref<10240xf32, #tpu.memory_space<vmem_shared>> -> memref<10240xf32, #tpu.memory_space<vmem_shared>>
        tpu.wait_indirect_dma semaphore(%arg14 : memref<!tpu.dma_semaphore, #tpu.memory_space<semaphore_mem>>) src(%arg8 : memref<128xf32, #tpu.memory_space<vmem>>) dst(%dma_wait3A_139 : memref<10240xf32, #tpu.memory_space<vmem_shared>>)
        %add3A_140 = arith.addi %select_n3A, %add3A_117 : i32
        %add3A_141 = arith.constant 2 : i32
        %add3A_142 = arith.addi %add3A_140, %add3A_141 : i32
        %dma_start3A_143 = arith.constant 0 : i32
        %dma_start3A_144 = tpu.memref_slice %arg2[%add3A_142, %dma_start3A_143] : memref<2500x128xi32, #tpu.memory_space<hbm>> -> memref<1x128xi32, #tpu.memory_space<hbm>>
        %dma_start3A_145 = tpu.memref_squeeze %dma_start3A_144 : memref<1x128xi32, #tpu.memory_space<hbm>> -> memref<128xi32, #tpu.memory_space<hbm>>
        %dma_start3A_146 = arith.constant 0 : i32
        %dma_start3A_147 = tpu.memref_slice %arg2[%add3A_142, %dma_start3A_146] : memref<2500x128xi32, #tpu.memory_space<hbm>> -> memref<1x128xi32, #tpu.memory_space<hbm>>
        %dma_start3A_148 = tpu.memref_squeeze %dma_start3A_147 : memref<1x128xi32, #tpu.memory_space<hbm>> -> memref<128xi32, #tpu.memory_space<hbm>>
        tpu.enqueue_dma source(%dma_start3A_148 : memref<128xi32, #tpu.memory_space<hbm>>) target(%arg6 : memref<128xi32, #tpu.memory_space<vmem>>) target_semaphore(%arg12 : memref<!tpu.dma_semaphore, #tpu.memory_space<semaphore_mem>>)
        %add3A_149 = arith.addi %select_n3A, %add3A_117 : i32
        %add3A_150 = arith.constant 2 : i32
        %add3A_151 = arith.addi %add3A_149, %add3A_150 : i32
        %dma_start3A_152 = arith.constant 0 : i32
        %dma_start3A_153 = tpu.memref_slice %arg3[%add3A_151, %dma_start3A_152] : memref<2500x128xf32, #tpu.memory_space<hbm>> -> memref<1x128xf32, #tpu.memory_space<hbm>>
        %dma_start3A_154 = tpu.memref_squeeze %dma_start3A_153 : memref<1x128xf32, #tpu.memory_space<hbm>> -> memref<128xf32, #tpu.memory_space<hbm>>
        %dma_start3A_155 = arith.constant 0 : i32
        %dma_start3A_156 = tpu.memref_slice %arg3[%add3A_151, %dma_start3A_155] : memref<2500x128xf32, #tpu.memory_space<hbm>> -> memref<1x128xf32, #tpu.memory_space<hbm>>
        %dma_start3A_157 = tpu.memref_squeeze %dma_start3A_156 : memref<1x128xf32, #tpu.memory_space<hbm>> -> memref<128xf32, #tpu.memory_space<hbm>>
        tpu.enqueue_dma source(%dma_start3A_157 : memref<128xf32, #tpu.memory_space<hbm>>) target(%arg8 : memref<128xf32, #tpu.memory_space<vmem>>) target_semaphore(%arg12 : memref<!tpu.dma_semaphore, #tpu.memory_space<semaphore_mem>>)
      } else {
      }
    }
    %while3A_82 = arith.constant 1 : i32
    scf.for %while3A_91 = %while3A_80 to %while3A_76 step %while3A_82  : i32 {
      %mul3A_92 = arith.muli %while3A_91, %while3A : i32
      %add3A_93 = arith.addi %while3A_73, %mul3A_92 : i32
      %mul3A_94 = arith.constant 2 : i32
      %mul3A_95 = arith.muli %mul3A_94, %add3A_93 : i32
      %dma_wait3A_96 = arith.constant 0 : i32
      %dma_wait3A_97 = tpu.memref_slice %arg2[%select_n3A, %dma_wait3A_96] : memref<2500x128xi32, #tpu.memory_space<hbm>> -> memref<1x128xi32, #tpu.memory_space<hbm>>
      %dma_wait3A_98 = tpu.memref_squeeze %dma_wait3A_97 : memref<1x128xi32, #tpu.memory_space<hbm>> -> memref<128xi32, #tpu.memory_space<hbm>>
      %dma_wait3A_99 = arith.constant 0 : i32
      %dma_wait3A_100 = tpu.memref_slice %arg2[%select_n3A, %dma_wait3A_99] : memref<2500x128xi32, #tpu.memory_space<hbm>> -> memref<1x128xi32, #tpu.memory_space<hbm>>
      %dma_wait3A_101 = tpu.memref_squeeze %dma_wait3A_100 : memref<1x128xi32, #tpu.memory_space<hbm>> -> memref<128xi32, #tpu.memory_space<hbm>>
      tpu.wait_dma2 semaphore(%arg11 : memref<!tpu.dma_semaphore, #tpu.memory_space<semaphore_mem>>) src(%dma_wait3A_101 : memref<128xi32, #tpu.memory_space<hbm>>) dst(%arg5 : memref<128xi32, #tpu.memory_space<vmem>>)
      %dma_wait3A_102 = arith.constant 0 : i32
      %dma_wait3A_103 = tpu.memref_slice %arg3[%select_n3A, %dma_wait3A_102] : memref<2500x128xf32, #tpu.memory_space<hbm>> -> memref<1x128xf32, #tpu.memory_space<hbm>>
      %dma_wait3A_104 = tpu.memref_squeeze %dma_wait3A_103 : memref<1x128xf32, #tpu.memory_space<hbm>> -> memref<128xf32, #tpu.memory_space<hbm>>
      %dma_wait3A_105 = arith.constant 0 : i32
      %dma_wait3A_106 = tpu.memref_slice %arg3[%select_n3A, %dma_wait3A_105] : memref<2500x128xf32, #tpu.memory_space<hbm>> -> memref<1x128xf32, #tpu.memory_space<hbm>>
      %dma_wait3A_107 = tpu.memref_squeeze %dma_wait3A_106 : memref<1x128xf32, #tpu.memory_space<hbm>> -> memref<128xf32, #tpu.memory_space<hbm>>
      tpu.wait_dma2 semaphore(%arg11 : memref<!tpu.dma_semaphore, #tpu.memory_space<semaphore_mem>>) src(%dma_wait3A_107 : memref<128xf32, #tpu.memory_space<hbm>>) dst(%arg7 : memref<128xf32, #tpu.memory_space<vmem>>)
      %dma_start3A_108 = arith.constant 0 : i32
      %dma_start3A_109 = tpu.memref_slice %arg10[%dma_start3A_108] : memref<10240xf32, #tpu.memory_space<vmem_shared>> -> memref<10240xf32, #tpu.memory_space<vmem_shared>>
      tpu.enqueue_indirect_dma source(%arg7 : memref<128xf32, #tpu.memory_space<vmem>>) target(%dma_start3A_109 : memref<10240xf32, #tpu.memory_space<vmem_shared>>) offsets(%arg5 : memref<128xi32, #tpu.memory_space<vmem>>) semaphore(%arg13 : memref<!tpu.dma_semaphore, #tpu.memory_space<semaphore_mem>>) {add = true}
      %add3A_110 = arith.constant 2 : i32
      %add3A_111 = arith.addi %mul3A_95, %add3A_110 : i32
      %lt3A_112 = arith.cmpi slt, %add3A_111, %select_n3A_12 : i32
      %convert_element_type3A = arith.extui %lt3A_112 : i1 to i32
      %cond3A = arith.constant 0 : i32
      %cond3A_113 = arith.cmpi ne, %convert_element_type3A, %cond3A : i32
      scf.if %cond3A_113 {
        %dma_wait3A_138 = arith.constant 0 : i32
        %dma_wait3A_139 = tpu.memref_slice %arg10[%dma_wait3A_138] : memref<10240xf32, #tpu.memory_space<vmem_shared>> -> memref<10240xf32, #tpu.memory_space<vmem_shared>>
        tpu.wait_indirect_dma semaphore(%arg13 : memref<!tpu.dma_semaphore, #tpu.memory_space<semaphore_mem>>) src(%arg7 : memref<128xf32, #tpu.memory_space<vmem>>) dst(%dma_wait3A_139 : memref<10240xf32, #tpu.memory_space<vmem_shared>>)
        %add3A_140 = arith.addi %select_n3A, %mul3A_95 : i32
        %add3A_141 = arith.constant 2 : i32
        %add3A_142 = arith.addi %add3A_140, %add3A_141 : i32
        %dma_start3A_143 = arith.constant 0 : i32
        %dma_start3A_144 = tpu.memref_slice %arg2[%add3A_142, %dma_start3A_143] : memref<2500x128xi32, #tpu.memory_space<hbm>> -> memref<1x128xi32, #tpu.memory_space<hbm>>
        %dma_start3A_145 = tpu.memref_squeeze %dma_start3A_144 : memref<1x128xi32, #tpu.memory_space<hbm>> -> memref<128xi32, #tpu.memory_space<hbm>>
        %dma_start3A_146 = arith.constant 0 : i32
        %dma_start3A_147 = tpu.memref_slice %arg2[%add3A_142, %dma_start3A_146] : memref<2500x128xi32, #tpu.memory_space<hbm>> -> memref<1x128xi32, #tpu.memory_space<hbm>>
        %dma_start3A_148 = tpu.memref_squeeze %dma_start3A_147 : memref<1x128xi32, #tpu.memory_space<hbm>> -> memref<128xi32, #tpu.memory_space<hbm>>
        tpu.enqueue_dma source(%dma_start3A_148 : memref<128xi32, #tpu.memory_space<hbm>>) target(%arg5 : memref<128xi32, #tpu.memory_space<vmem>>) target_semaphore(%arg11 : memref<!tpu.dma_semaphore, #tpu.memory_space<semaphore_mem>>)
        %add3A_149 = arith.addi %select_n3A, %mul3A_95 : i32
        %add3A_150 = arith.constant 2 : i32
        %add3A_151 = arith.addi %add3A_149, %add3A_150 : i32
        %dma_start3A_152 = arith.constant 0 : i32
        %dma_start3A_153 = tpu.memref_slice %arg3[%add3A_151, %dma_start3A_152] : memref<2500x128xf32, #tpu.memory_space<hbm>> -> memref<1x128xf32, #tpu.memory_space<hbm>>
        %dma_start3A_154 = tpu.memref_squeeze %dma_start3A_153 : memref<1x128xf32, #tpu.memory_space<hbm>> -> memref<128xf32, #tpu.memory_space<hbm>>
        %dma_start3A_155 = arith.constant 0 : i32
        %dma_start3A_156 = tpu.memref_slice %arg3[%add3A_151, %dma_start3A_155] : memref<2500x128xf32, #tpu.memory_space<hbm>> -> memref<1x128xf32, #tpu.memory_space<hbm>>
        %dma_start3A_157 = tpu.memref_squeeze %dma_start3A_156 : memref<1x128xf32, #tpu.memory_space<hbm>> -> memref<128xf32, #tpu.memory_space<hbm>>
        tpu.enqueue_dma source(%dma_start3A_157 : memref<128xf32, #tpu.memory_space<hbm>>) target(%arg7 : memref<128xf32, #tpu.memory_space<vmem>>) target_semaphore(%arg11 : memref<!tpu.dma_semaphore, #tpu.memory_space<semaphore_mem>>)
      } else {
      }
      %mul3A_114 = arith.constant 2 : i32
      %mul3A_115 = arith.muli %mul3A_114, %add3A_93 : i32
      %add3A_116 = arith.constant 1 : i32
      %add3A_117 = arith.addi %mul3A_115, %add3A_116 : i32
      %dma_wait3A_118 = arith.constant 0 : i32
      %dma_wait3A_119 = tpu.memref_slice %arg2[%select_n3A, %dma_wait3A_118] : memref<2500x128xi32, #tpu.memory_space<hbm>> -> memref<1x128xi32, #tpu.memory_space<hbm>>
      %dma_wait3A_120 = tpu.memref_squeeze %dma_wait3A_119 : memref<1x128xi32, #tpu.memory_space<hbm>> -> memref<128xi32, #tpu.memory_space<hbm>>
      %dma_wait3A_121 = arith.constant 0 : i32
      %dma_wait3A_122 = tpu.memref_slice %arg2[%select_n3A, %dma_wait3A_121] : memref<2500x128xi32, #tpu.memory_space<hbm>> -> memref<1x128xi32, #tpu.memory_space<hbm>>
      %dma_wait3A_123 = tpu.memref_squeeze %dma_wait3A_122 : memref<1x128xi32, #tpu.memory_space<hbm>> -> memref<128xi32, #tpu.memory_space<hbm>>
      tpu.wait_dma2 semaphore(%arg12 : memref<!tpu.dma_semaphore, #tpu.memory_space<semaphore_mem>>) src(%dma_wait3A_123 : memref<128xi32, #tpu.memory_space<hbm>>) dst(%arg6 : memref<128xi32, #tpu.memory_space<vmem>>)
      %dma_wait3A_124 = arith.constant 0 : i32
      %dma_wait3A_125 = tpu.memref_slice %arg3[%select_n3A, %dma_wait3A_124] : memref<2500x128xf32, #tpu.memory_space<hbm>> -> memref<1x128xf32, #tpu.memory_space<hbm>>
      %dma_wait3A_126 = tpu.memref_squeeze %dma_wait3A_125 : memref<1x128xf32, #tpu.memory_space<hbm>> -> memref<128xf32, #tpu.memory_space<hbm>>
      %dma_wait3A_127 = arith.constant 0 : i32
      %dma_wait3A_128 = tpu.memref_slice %arg3[%select_n3A, %dma_wait3A_127] : memref<2500x128xf32, #tpu.memory_space<hbm>> -> memref<1x128xf32, #tpu.memory_space<hbm>>
      %dma_wait3A_129 = tpu.memref_squeeze %dma_wait3A_128 : memref<1x128xf32, #tpu.memory_space<hbm>> -> memref<128xf32, #tpu.memory_space<hbm>>
      tpu.wait_dma2 semaphore(%arg12 : memref<!tpu.dma_semaphore, #tpu.memory_space<semaphore_mem>>) src(%dma_wait3A_129 : memref<128xf32, #tpu.memory_space<hbm>>) dst(%arg8 : memref<128xf32, #tpu.memory_space<vmem>>)
      %dma_start3A_130 = arith.constant 0 : i32
      %dma_start3A_131 = tpu.memref_slice %arg10[%dma_start3A_130] : memref<10240xf32, #tpu.memory_space<vmem_shared>> -> memref<10240xf32, #tpu.memory_space<vmem_shared>>
      tpu.enqueue_indirect_dma source(%arg8 : memref<128xf32, #tpu.memory_space<vmem>>) target(%dma_start3A_131 : memref<10240xf32, #tpu.memory_space<vmem_shared>>) offsets(%arg6 : memref<128xi32, #tpu.memory_space<vmem>>) semaphore(%arg14 : memref<!tpu.dma_semaphore, #tpu.memory_space<semaphore_mem>>) {add = true}
      %add3A_132 = arith.constant 2 : i32
      %add3A_133 = arith.addi %add3A_117, %add3A_132 : i32
      %lt3A_134 = arith.cmpi slt, %add3A_133, %select_n3A_12 : i32
      %convert_element_type3A_135 = arith.extui %lt3A_134 : i1 to i32
      %cond3A_136 = arith.constant 0 : i32
      %cond3A_137 = arith.cmpi ne, %convert_element_type3A_135, %cond3A_136 : i32
      scf.if %cond3A_137 {
        %dma_wait3A_138 = arith.constant 0 : i32
        %dma_wait3A_139 = tpu.memref_slice %arg10[%dma_wait3A_138] : memref<10240xf32, #tpu.memory_space<vmem_shared>> -> memref<10240xf32, #tpu.memory_space<vmem_shared>>
        tpu.wait_indirect_dma semaphore(%arg14 : memref<!tpu.dma_semaphore, #tpu.memory_space<semaphore_mem>>) src(%arg8 : memref<128xf32, #tpu.memory_space<vmem>>) dst(%dma_wait3A_139 : memref<10240xf32, #tpu.memory_space<vmem_shared>>)
        %add3A_140 = arith.addi %select_n3A, %add3A_117 : i32
        %add3A_141 = arith.constant 2 : i32
        %add3A_142 = arith.addi %add3A_140, %add3A_141 : i32
        %dma_start3A_143 = arith.constant 0 : i32
        %dma_start3A_144 = tpu.memref_slice %arg2[%add3A_142, %dma_start3A_143] : memref<2500x128xi32, #tpu.memory_space<hbm>> -> memref<1x128xi32, #tpu.memory_space<hbm>>
        %dma_start3A_145 = tpu.memref_squeeze %dma_start3A_144 : memref<1x128xi32, #tpu.memory_space<hbm>> -> memref<128xi32, #tpu.memory_space<hbm>>
        %dma_start3A_146 = arith.constant 0 : i32
        %dma_start3A_147 = tpu.memref_slice %arg2[%add3A_142, %dma_start3A_146] : memref<2500x128xi32, #tpu.memory_space<hbm>> -> memref<1x128xi32, #tpu.memory_space<hbm>>
        %dma_start3A_148 = tpu.memref_squeeze %dma_start3A_147 : memref<1x128xi32, #tpu.memory_space<hbm>> -> memref<128xi32, #tpu.memory_space<hbm>>
        tpu.enqueue_dma source(%dma_start3A_148 : memref<128xi32, #tpu.memory_space<hbm>>) target(%arg6 : memref<128xi32, #tpu.memory_space<vmem>>) target_semaphore(%arg12 : memref<!tpu.dma_semaphore, #tpu.memory_space<semaphore_mem>>)
        %add3A_149 = arith.addi %select_n3A, %add3A_117 : i32
        %add3A_150 = arith.constant 2 : i32
        %add3A_151 = arith.addi %add3A_149, %add3A_150 : i32
        %dma_start3A_152 = arith.constant 0 : i32
        %dma_start3A_153 = tpu.memref_slice %arg3[%add3A_151, %dma_start3A_152] : memref<2500x128xf32, #tpu.memory_space<hbm>> -> memref<1x128xf32, #tpu.memory_space<hbm>>
        %dma_start3A_154 = tpu.memref_squeeze %dma_start3A_153 : memref<1x128xf32, #tpu.memory_space<hbm>> -> memref<128xf32, #tpu.memory_space<hbm>>
        %dma_start3A_155 = arith.constant 0 : i32
        %dma_start3A_156 = tpu.memref_slice %arg3[%add3A_151, %dma_start3A_155] : memref<2500x128xf32, #tpu.memory_space<hbm>> -> memref<1x128xf32, #tpu.memory_space<hbm>>
        %dma_start3A_157 = tpu.memref_squeeze %dma_start3A_156 : memref<1x128xf32, #tpu.memory_space<hbm>> -> memref<128xf32, #tpu.memory_space<hbm>>
        tpu.enqueue_dma source(%dma_start3A_157 : memref<128xf32, #tpu.memory_space<hbm>>) target(%arg8 : memref<128xf32, #tpu.memory_space<vmem>>) target_semaphore(%arg12 : memref<!tpu.dma_semaphore, #tpu.memory_space<semaphore_mem>>)
      } else {
      }
    }
    %dma_wait3A = arith.constant 0 : i32
    %dma_wait3A_83 = tpu.memref_slice %arg10[%dma_wait3A] : memref<10240xf32, #tpu.memory_space<vmem_shared>> -> memref<10240xf32, #tpu.memory_space<vmem_shared>>
    tpu.wait_indirect_dma semaphore(%arg13 : memref<!tpu.dma_semaphore, #tpu.memory_space<semaphore_mem>>) src(%arg7 : memref<128xf32, #tpu.memory_space<vmem>>) dst(%dma_wait3A_83 : memref<10240xf32, #tpu.memory_space<vmem_shared>>)
    %dma_wait3A_84 = arith.constant 0 : i32
    %dma_wait3A_85 = tpu.memref_slice %arg10[%dma_wait3A_84] : memref<10240xf32, #tpu.memory_space<vmem_shared>> -> memref<10240xf32, #tpu.memory_space<vmem_shared>>
    tpu.wait_indirect_dma semaphore(%arg14 : memref<!tpu.dma_semaphore, #tpu.memory_space<semaphore_mem>>) src(%arg8 : memref<128xf32, #tpu.memory_space<vmem>>) dst(%dma_wait3A_85 : memref<10240xf32, #tpu.memory_space<vmem_shared>>)
    %barrier3A_86 = arith.constant 0 : index
    tpu.barrier barrier_id(%barrier3A_86)
    %mul3A_87 = arith.constant 640 : i32
    %mul3A_88 = arith.muli %arg1, %mul3A_87 : i32
    %mul3A_89 = arith.constant 640 : i32
    %mul3A_90 = arith.muli %arg1, %mul3A_89 : i32
    "tpu.region"() ({
      %run_scoped3A = tpu.sem_alloc : memref<!tpu.dma_semaphore, #tpu.memory_space<semaphore_mem>>
      %dma_start3A_91 = arith.constant 0 : i32
      %dma_start3A_92 = tpu.memref_slice %arg4[%arg0, %dma_start3A_91] : memref<2x10240xf32, #tpu.memory_space<hbm>> -> memref<1x10240xf32, #tpu.memory_space<hbm>>
      %dma_start3A_93 = tpu.memref_squeeze %dma_start3A_92 : memref<1x10240xf32, #tpu.memory_space<hbm>> -> memref<10240xf32, #tpu.memory_space<hbm>>
      %dma_start3A_94 = tpu.memref_slice %dma_start3A_93[%mul3A_90] : memref<10240xf32, #tpu.memory_space<hbm>> -> memref<640xf32, #tpu.memory_space<hbm>>
      %dma_start3A_95 = tpu.memref_slice %arg10[%mul3A_88] : memref<10240xf32, #tpu.memory_space<vmem_shared>> -> memref<640xf32, #tpu.memory_space<vmem_shared>>
      tpu.enqueue_dma source(%dma_start3A_95 : memref<640xf32, #tpu.memory_space<vmem_shared>>) target(%dma_start3A_94 : memref<640xf32, #tpu.memory_space<hbm>>) target_semaphore(%run_scoped3A : memref<!tpu.dma_semaphore, #tpu.memory_space<semaphore_mem>>)
      %dma_wait3A_96 = arith.constant 0 : i32
      %dma_wait3A_97 = tpu.memref_slice %arg4[%arg0, %dma_wait3A_96] : memref<2x10240xf32, #tpu.memory_space<hbm>> -> memref<1x10240xf32, #tpu.memory_space<hbm>>
      %dma_wait3A_98 = tpu.memref_squeeze %dma_wait3A_97 : memref<1x10240xf32, #tpu.memory_space<hbm>> -> memref<10240xf32, #tpu.memory_space<hbm>>
      %dma_wait3A_99 = tpu.memref_slice %dma_wait3A_98[%mul3A_90] : memref<10240xf32, #tpu.memory_space<hbm>> -> memref<640xf32, #tpu.memory_space<hbm>>
      %dma_wait3A_100 = tpu.memref_slice %arg10[%mul3A_88] : memref<10240xf32, #tpu.memory_space<vmem_shared>> -> memref<640xf32, #tpu.memory_space<vmem_shared>>
      tpu.wait_dma2 semaphore(%run_scoped3A : memref<!tpu.dma_semaphore, #tpu.memory_space<semaphore_mem>>) src(%dma_wait3A_100 : memref<640xf32, #tpu.memory_space<vmem_shared>>) dst(%dma_wait3A_99 : memref<640xf32, #tpu.memory_space<hbm>>)
      tpu.yield
    }) : () -> ()
    return
  }
}

#map = affine_map<(d0, d1) -> (0, 0)>
#map1 = affine_map<(d0, d1) -> (0, 0, 0)>
module attributes {stable_mosaic.version = 14 : i64} {
  func.func @_spmm_body(%arg0: i32, %arg1: i32, %arg2: memref<2500x128xi32, #tpu.memory_space<hbm>>, %arg3: memref<2500x128xi32, #tpu.memory_space<hbm>>, %arg4: memref<2500x128xf32, #tpu.memory_space<hbm>>, %arg5: memref<10240x32xf32, #tpu.memory_space<hbm>>, %arg6: memref<2x10240x32xf32, #tpu.memory_space<hbm>>, %arg7: memref<128xi32, #tpu.memory_space<vmem>>, %arg8: memref<128xi32, #tpu.memory_space<vmem>>, %arg9: memref<128xi32, #tpu.memory_space<vmem>>, %arg10: memref<128xi32, #tpu.memory_space<vmem>>, %arg11: memref<128xf32, #tpu.memory_space<vmem>>, %arg12: memref<128xf32, #tpu.memory_space<vmem>>, %arg13: memref<128x32xf32, #tpu.memory_space<vmem>>, %arg14: memref<128x32xf32, #tpu.memory_space<vmem>>, %arg15: memref<640x32xf32, #tpu.memory_space<vmem>>, %arg16: memref<10240x32xf32, #tpu.memory_space<vmem_shared>>, %arg17: memref<!tpu.dma_semaphore, #tpu.memory_space<semaphore_mem>>, %arg18: memref<!tpu.dma_semaphore, #tpu.memory_space<semaphore_mem>>, %arg19: memref<!tpu.dma_semaphore, #tpu.memory_space<semaphore_mem>>, %arg20: memref<!tpu.dma_semaphore, #tpu.memory_space<semaphore_mem>>, %arg21: memref<!tpu.dma_semaphore, #tpu.memory_space<semaphore_mem>>, %arg22: memref<!tpu.dma_semaphore, #tpu.memory_space<semaphore_mem>>, %arg23: memref<!tpu.dma_semaphore, #tpu.memory_space<semaphore_mem>>, %arg24: memref<!tpu.dma_semaphore, #tpu.memory_space<semaphore_mem>>) attributes {dimension_semantics = [#tpu.dimension_semantics<core_parallel>, #tpu.dimension_semantics<subcore_parallel>], iteration_bounds = array<i64: 2, 16>, scalar_prefetch = 0 : i64, scratch_operands = 18 : i64, tpu.core_type = #tpu.core_type<sc_vector_subcore>, window_params = [{transform_indices = #map}, {transform_indices = #map}, {transform_indices = #map}, {transform_indices = #map}, {transform_indices = #map1}]} {
    %mul3A = arith.constant 16 : i32
    %mul3A_0 = arith.muli %arg0, %mul3A : i32
    %add3A = arith.addi %mul3A_0, %arg1 : i32
    %lt3A = arith.constant 2 : i32
    %lt3A_1 = arith.cmpi slt, %add3A, %lt3A : i32
    %mul3A_2 = arith.constant 80 : i32
    %mul3A_3 = arith.muli %add3A, %mul3A_2 : i32
    %sub3A = arith.constant 2 : i32
    %sub3A_4 = arith.subi %add3A, %sub3A : i32
    %mul3A_5 = arith.constant 78 : i32
    %mul3A_6 = arith.muli %sub3A_4, %mul3A_5 : i32
    %add3A_7 = arith.constant 160 : i32
    %add3A_8 = arith.addi %add3A_7, %mul3A_6 : i32
    %select_n3A = arith.select %lt3A_1, %mul3A_3, %add3A_8 : i32
    %lt3A_9 = arith.constant 2 : i32
    %lt3A_10 = arith.cmpi slt, %add3A, %lt3A_9 : i32
    %jit3A = arith.constant 80 : i32
    %jit3A_11 = arith.constant 78 : i32
    %select_n3A_12 = arith.select %lt3A_10, %jit3A, %jit3A_11 : i32
    %scan3A = arith.constant 0 : i32
    %scan3A_13 = arith.constant 640 : i32
    %scan3A_14 = arith.addi %scan3A, %scan3A_13 : i32
    %scan3A_15 = arith.constant 4 : i32
    scf.for %scan3A_114 = %scan3A to %scan3A_14 step %scan3A_15  : i32 {
      %mul3A_115 = arith.constant 1 : i32
      %mul3A_116 = arith.muli %scan3A_114, %mul3A_115 : i32
      %add3A_117 = arith.constant 0 : i32
      %add3A_118 = arith.addi %add3A_117, %mul3A_116 : i32
      %broadcast_in_dim3A = arith.constant 0.000000e+00 : f32
      %broadcast_in_dim3A_119 = vector.broadcast %broadcast_in_dim3A : f32 to vector<16xf32>
      %swap3A = arith.index_cast %add3A_118 : i32 to index
      %swap3A_120 = arith.constant 0 : index
      %swap3A_121 = tpu.vector_load %arg15[%swap3A, %swap3A_120] {strides = array<i32>} : memref<640x32xf32, #tpu.memory_space<vmem>>, vector<16xf32>,
      tpu.vector_store %arg15[%swap3A, %swap3A_120], %broadcast_in_dim3A_119 {strides = array<i32>} : memref<640x32xf32, #tpu.memory_space<vmem>>, vector<16xf32>,
      %broadcast_in_dim3A_122 = arith.constant 0.000000e+00 : f32
      %broadcast_in_dim3A_123 = vector.broadcast %broadcast_in_dim3A_122 : f32 to vector<16xf32>
      %swap3A_124 = arith.index_cast %add3A_118 : i32 to index
      %swap3A_125 = arith.constant 16 : index
      %swap3A_126 = tpu.vector_load %arg15[%swap3A_124, %swap3A_125] {strides = array<i32>} : memref<640x32xf32, #tpu.memory_space<vmem>>, vector<16xf32>,
      tpu.vector_store %arg15[%swap3A_124, %swap3A_125], %broadcast_in_dim3A_123 {strides = array<i32>} : memref<640x32xf32, #tpu.memory_space<vmem>>, vector<16xf32>,
      %scan3A_127 = arith.constant 1 : i32
      %scan3A_128 = arith.addi %scan3A_114, %scan3A_127 : i32
      %mul3A_129 = arith.constant 1 : i32
      %mul3A_130 = arith.muli %scan3A_128, %mul3A_129 : i32
      %add3A_131 = arith.constant 0 : i32
      %add3A_132 = arith.addi %add3A_131, %mul3A_130 : i32
      %broadcast_in_dim3A_133 = arith.constant 0.000000e+00 : f32
      %broadcast_in_dim3A_134 = vector.broadcast %broadcast_in_dim3A_133 : f32 to vector<16xf32>
      %swap3A_135 = arith.index_cast %add3A_132 : i32 to index
      %swap3A_136 = arith.constant 0 : index
      %swap3A_137 = tpu.vector_load %arg15[%swap3A_135, %swap3A_136] {strides = array<i32>} : memref<640x32xf32, #tpu.memory_space<vmem>>, vector<16xf32>,
      tpu.vector_store %arg15[%swap3A_135, %swap3A_136], %broadcast_in_dim3A_134 {strides = array<i32>} : memref<640x32xf32, #tpu.memory_space<vmem>>, vector<16xf32>,
      %broadcast_in_dim3A_138 = arith.constant 0.000000e+00 : f32
      %broadcast_in_dim3A_139 = vector.broadcast %broadcast_in_dim3A_138 : f32 to vector<16xf32>
      %swap3A_140 = arith.index_cast %add3A_132 : i32 to index
      %swap3A_141 = arith.constant 16 : index
      %swap3A_142 = tpu.vector_load %arg15[%swap3A_140, %swap3A_141] {strides = array<i32>} : memref<640x32xf32, #tpu.memory_space<vmem>>, vector<16xf32>,
      tpu.vector_store %arg15[%swap3A_140, %swap3A_141], %broadcast_in_dim3A_139 {strides = array<i32>} : memref<640x32xf32, #tpu.memory_space<vmem>>, vector<16xf32>,
      %scan3A_143 = arith.constant 2 : i32
      %scan3A_144 = arith.addi %scan3A_114, %scan3A_143 : i32
      %mul3A_145 = arith.constant 1 : i32
      %mul3A_146 = arith.muli %scan3A_144, %mul3A_145 : i32
      %add3A_147 = arith.constant 0 : i32
      %add3A_148 = arith.addi %add3A_147, %mul3A_146 : i32
      %broadcast_in_dim3A_149 = arith.constant 0.000000e+00 : f32
      %broadcast_in_dim3A_150 = vector.broadcast %broadcast_in_dim3A_149 : f32 to vector<16xf32>
      %swap3A_151 = arith.index_cast %add3A_148 : i32 to index
      %swap3A_152 = arith.constant 0 : index
      %swap3A_153 = tpu.vector_load %arg15[%swap3A_151, %swap3A_152] {strides = array<i32>} : memref<640x32xf32, #tpu.memory_space<vmem>>, vector<16xf32>,
      tpu.vector_store %arg15[%swap3A_151, %swap3A_152], %broadcast_in_dim3A_150 {strides = array<i32>} : memref<640x32xf32, #tpu.memory_space<vmem>>, vector<16xf32>,
      %broadcast_in_dim3A_154 = arith.constant 0.000000e+00 : f32
      %broadcast_in_dim3A_155 = vector.broadcast %broadcast_in_dim3A_154 : f32 to vector<16xf32>
      %swap3A_156 = arith.index_cast %add3A_148 : i32 to index
      %swap3A_157 = arith.constant 16 : index
      %swap3A_158 = tpu.vector_load %arg15[%swap3A_156, %swap3A_157] {strides = array<i32>} : memref<640x32xf32, #tpu.memory_space<vmem>>, vector<16xf32>,
      tpu.vector_store %arg15[%swap3A_156, %swap3A_157], %broadcast_in_dim3A_155 {strides = array<i32>} : memref<640x32xf32, #tpu.memory_space<vmem>>, vector<16xf32>,
      %scan3A_159 = arith.constant 3 : i32
      %scan3A_160 = arith.addi %scan3A_114, %scan3A_159 : i32
      %mul3A_161 = arith.constant 1 : i32
      %mul3A_162 = arith.muli %scan3A_160, %mul3A_161 : i32
      %add3A_163 = arith.constant 0 : i32
      %add3A_164 = arith.addi %add3A_163, %mul3A_162 : i32
      %broadcast_in_dim3A_165 = arith.constant 0.000000e+00 : f32
      %broadcast_in_dim3A_166 = vector.broadcast %broadcast_in_dim3A_165 : f32 to vector<16xf32>
      %swap3A_167 = arith.index_cast %add3A_164 : i32 to index
      %swap3A_168 = arith.constant 0 : index
      %swap3A_169 = tpu.vector_load %arg15[%swap3A_167, %swap3A_168] {strides = array<i32>} : memref<640x32xf32, #tpu.memory_space<vmem>>, vector<16xf32>,
      tpu.vector_store %arg15[%swap3A_167, %swap3A_168], %broadcast_in_dim3A_166 {strides = array<i32>} : memref<640x32xf32, #tpu.memory_space<vmem>>, vector<16xf32>,
      %broadcast_in_dim3A_170 = arith.constant 0.000000e+00 : f32
      %broadcast_in_dim3A_171 = vector.broadcast %broadcast_in_dim3A_170 : f32 to vector<16xf32>
      %swap3A_172 = arith.index_cast %add3A_164 : i32 to index
      %swap3A_173 = arith.constant 16 : index
      %swap3A_174 = tpu.vector_load %arg15[%swap3A_172, %swap3A_173] {strides = array<i32>} : memref<640x32xf32, #tpu.memory_space<vmem>>, vector<16xf32>,
      tpu.vector_store %arg15[%swap3A_172, %swap3A_173], %broadcast_in_dim3A_171 {strides = array<i32>} : memref<640x32xf32, #tpu.memory_space<vmem>>, vector<16xf32>,
    }
    %scan3A_16 = arith.constant 640 : i32
    %mul3A_17 = arith.constant 640 : i32
    %mul3A_18 = arith.muli %arg1, %mul3A_17 : i32
    "tpu.region"() ({
      %run_scoped3A = tpu.sem_alloc : memref<!tpu.dma_semaphore, #tpu.memory_space<semaphore_mem>>
      %dma_start3A_114 = arith.constant 0 : i32
      %dma_start3A_115 = tpu.memref_slice %arg16[%mul3A_18, %dma_start3A_114] : memref<10240x32xf32, #tpu.memory_space<vmem_shared>> -> memref<640x32xf32, #tpu.memory_space<vmem_shared>>
      %dma_start3A_116 = arith.constant 0 : i32
      %dma_start3A_117 = tpu.memref_slice %arg16[%mul3A_18, %dma_start3A_116] : memref<10240x32xf32, #tpu.memory_space<vmem_shared>> -> memref<640x32xf32, #tpu.memory_space<vmem_shared>>
      tpu.enqueue_dma source(%arg15 : memref<640x32xf32, #tpu.memory_space<vmem>>) target(%dma_start3A_117 : memref<640x32xf32, #tpu.memory_space<vmem_shared>>) target_semaphore(%run_scoped3A : memref<!tpu.dma_semaphore, #tpu.memory_space<semaphore_mem>>)
      %dma_wait3A_118 = arith.constant 0 : i32
      %dma_wait3A_119 = tpu.memref_slice %arg16[%mul3A_18, %dma_wait3A_118] : memref<10240x32xf32, #tpu.memory_space<vmem_shared>> -> memref<640x32xf32, #tpu.memory_space<vmem_shared>>
      %dma_wait3A_120 = arith.constant 0 : i32
      %dma_wait3A_121 = tpu.memref_slice %arg16[%mul3A_18, %dma_wait3A_120] : memref<10240x32xf32, #tpu.memory_space<vmem_shared>> -> memref<640x32xf32, #tpu.memory_space<vmem_shared>>
      tpu.wait_dma2 semaphore(%run_scoped3A : memref<!tpu.dma_semaphore, #tpu.memory_space<semaphore_mem>>) src(%arg15 : memref<640x32xf32, #tpu.memory_space<vmem>>) dst(%dma_wait3A_121 : memref<640x32xf32, #tpu.memory_space<vmem_shared>>)
      tpu.yield
    }) : () -> ()
    %barrier3A = arith.constant 0 : index
    tpu.barrier barrier_id(%barrier3A)
    %dma_start3A = arith.constant 0 : i32
    %dma_start3A_19 = tpu.memref_slice %arg2[%select_n3A, %dma_start3A] : memref<2500x128xi32, #tpu.memory_space<hbm>> -> memref<1x128xi32, #tpu.memory_space<hbm>>
    %dma_start3A_20 = tpu.memref_squeeze %dma_start3A_19 : memref<1x128xi32, #tpu.memory_space<hbm>> -> memref<128xi32, #tpu.memory_space<hbm>>
    %dma_start3A_21 = arith.constant 0 : i32
    %dma_start3A_22 = tpu.memref_slice %arg2[%select_n3A, %dma_start3A_21] : memref<2500x128xi32, #tpu.memory_space<hbm>> -> memref<1x128xi32, #tpu.memory_space<hbm>>
    %dma_start3A_23 = tpu.memref_squeeze %dma_start3A_22 : memref<1x128xi32, #tpu.memory_space<hbm>> -> memref<128xi32, #tpu.memory_space<hbm>>
    tpu.enqueue_dma source(%dma_start3A_23 : memref<128xi32, #tpu.memory_space<hbm>>) target(%arg7 : memref<128xi32, #tpu.memory_space<vmem>>) target_semaphore(%arg17 : memref<!tpu.dma_semaphore, #tpu.memory_space<semaphore_mem>>)
    %dma_start3A_24 = arith.constant 0 : i32
    %dma_start3A_25 = tpu.memref_slice %arg4[%select_n3A, %dma_start3A_24] : memref<2500x128xf32, #tpu.memory_space<hbm>> -> memref<1x128xf32, #tpu.memory_space<hbm>>
    %dma_start3A_26 = tpu.memref_squeeze %dma_start3A_25 : memref<1x128xf32, #tpu.memory_space<hbm>> -> memref<128xf32, #tpu.memory_space<hbm>>
    %dma_start3A_27 = arith.constant 0 : i32
    %dma_start3A_28 = tpu.memref_slice %arg4[%select_n3A, %dma_start3A_27] : memref<2500x128xf32, #tpu.memory_space<hbm>> -> memref<1x128xf32, #tpu.memory_space<hbm>>
    %dma_start3A_29 = tpu.memref_squeeze %dma_start3A_28 : memref<1x128xf32, #tpu.memory_space<hbm>> -> memref<128xf32, #tpu.memory_space<hbm>>
    tpu.enqueue_dma source(%dma_start3A_29 : memref<128xf32, #tpu.memory_space<hbm>>) target(%arg11 : memref<128xf32, #tpu.memory_space<vmem>>) target_semaphore(%arg17 : memref<!tpu.dma_semaphore, #tpu.memory_space<semaphore_mem>>)
    %add3A_30 = arith.constant 1 : i32
    %add3A_31 = arith.addi %select_n3A, %add3A_30 : i32
    %dma_start3A_32 = arith.constant 0 : i32
    %dma_start3A_33 = tpu.memref_slice %arg2[%add3A_31, %dma_start3A_32] : memref<2500x128xi32, #tpu.memory_space<hbm>> -> memref<1x128xi32, #tpu.memory_space<hbm>>
    %dma_start3A_34 = tpu.memref_squeeze %dma_start3A_33 : memref<1x128xi32, #tpu.memory_space<hbm>> -> memref<128xi32, #tpu.memory_space<hbm>>
    %dma_start3A_35 = arith.constant 0 : i32
    %dma_start3A_36 = tpu.memref_slice %arg2[%add3A_31, %dma_start3A_35] : memref<2500x128xi32, #tpu.memory_space<hbm>> -> memref<1x128xi32, #tpu.memory_space<hbm>>
    %dma_start3A_37 = tpu.memref_squeeze %dma_start3A_36 : memref<1x128xi32, #tpu.memory_space<hbm>> -> memref<128xi32, #tpu.memory_space<hbm>>
    tpu.enqueue_dma source(%dma_start3A_37 : memref<128xi32, #tpu.memory_space<hbm>>) target(%arg8 : memref<128xi32, #tpu.memory_space<vmem>>) target_semaphore(%arg18 : memref<!tpu.dma_semaphore, #tpu.memory_space<semaphore_mem>>)
    %add3A_38 = arith.constant 1 : i32
    %add3A_39 = arith.addi %select_n3A, %add3A_38 : i32
    %dma_start3A_40 = arith.constant 0 : i32
    %dma_start3A_41 = tpu.memref_slice %arg4[%add3A_39, %dma_start3A_40] : memref<2500x128xf32, #tpu.memory_space<hbm>> -> memref<1x128xf32, #tpu.memory_space<hbm>>
    %dma_start3A_42 = tpu.memref_squeeze %dma_start3A_41 : memref<1x128xf32, #tpu.memory_space<hbm>> -> memref<128xf32, #tpu.memory_space<hbm>>
    %dma_start3A_43 = arith.constant 0 : i32
    %dma_start3A_44 = tpu.memref_slice %arg4[%add3A_39, %dma_start3A_43] : memref<2500x128xf32, #tpu.memory_space<hbm>> -> memref<1x128xf32, #tpu.memory_space<hbm>>
    %dma_start3A_45 = tpu.memref_squeeze %dma_start3A_44 : memref<1x128xf32, #tpu.memory_space<hbm>> -> memref<128xf32, #tpu.memory_space<hbm>>
    tpu.enqueue_dma source(%dma_start3A_45 : memref<128xf32, #tpu.memory_space<hbm>>) target(%arg12 : memref<128xf32, #tpu.memory_space<vmem>>) target_semaphore(%arg18 : memref<!tpu.dma_semaphore, #tpu.memory_space<semaphore_mem>>)
    %dma_wait3A = arith.constant 0 : i32
    %dma_wait3A_46 = tpu.memref_slice %arg2[%select_n3A, %dma_wait3A] : memref<2500x128xi32, #tpu.memory_space<hbm>> -> memref<1x128xi32, #tpu.memory_space<hbm>>
    %dma_wait3A_47 = tpu.memref_squeeze %dma_wait3A_46 : memref<1x128xi32, #tpu.memory_space<hbm>> -> memref<128xi32, #tpu.memory_space<hbm>>
    %dma_wait3A_48 = arith.constant 0 : i32
    %dma_wait3A_49 = tpu.memref_slice %arg2[%select_n3A, %dma_wait3A_48] : memref<2500x128xi32, #tpu.memory_space<hbm>> -> memref<1x128xi32, #tpu.memory_space<hbm>>
    %dma_wait3A_50 = tpu.memref_squeeze %dma_wait3A_49 : memref<1x128xi32, #tpu.memory_space<hbm>> -> memref<128xi32, #tpu.memory_space<hbm>>
    tpu.wait_dma2 semaphore(%arg17 : memref<!tpu.dma_semaphore, #tpu.memory_space<semaphore_mem>>) src(%dma_wait3A_50 : memref<128xi32, #tpu.memory_space<hbm>>) dst(%arg7 : memref<128xi32, #tpu.memory_space<vmem>>)
    %dma_wait3A_51 = arith.constant 0 : i32
    %dma_wait3A_52 = tpu.memref_slice %arg4[%select_n3A, %dma_wait3A_51] : memref<2500x128xf32, #tpu.memory_space<hbm>> -> memref<1x128xf32, #tpu.memory_space<hbm>>
    %dma_wait3A_53 = tpu.memref_squeeze %dma_wait3A_52 : memref<1x128xf32, #tpu.memory_space<hbm>> -> memref<128xf32, #tpu.memory_space<hbm>>
    %dma_wait3A_54 = arith.constant 0 : i32
    %dma_wait3A_55 = tpu.memref_slice %arg4[%select_n3A, %dma_wait3A_54] : memref<2500x128xf32, #tpu.memory_space<hbm>> -> memref<1x128xf32, #tpu.memory_space<hbm>>
    %dma_wait3A_56 = tpu.memref_squeeze %dma_wait3A_55 : memref<1x128xf32, #tpu.memory_space<hbm>> -> memref<128xf32, #tpu.memory_space<hbm>>
    tpu.wait_dma2 semaphore(%arg17 : memref<!tpu.dma_semaphore, #tpu.memory_space<semaphore_mem>>) src(%dma_wait3A_56 : memref<128xf32, #tpu.memory_space<hbm>>) dst(%arg11 : memref<128xf32, #tpu.memory_space<vmem>>)
    %dma_start3A_57 = arith.constant 0 : i32
    %dma_start3A_58 = tpu.memref_slice %arg3[%select_n3A, %dma_start3A_57] : memref<2500x128xi32, #tpu.memory_space<hbm>> -> memref<1x128xi32, #tpu.memory_space<hbm>>
    %dma_start3A_59 = tpu.memref_squeeze %dma_start3A_58 : memref<1x128xi32, #tpu.memory_space<hbm>> -> memref<128xi32, #tpu.memory_space<hbm>>
    %dma_start3A_60 = arith.constant 0 : i32
    %dma_start3A_61 = tpu.memref_slice %arg3[%select_n3A, %dma_start3A_60] : memref<2500x128xi32, #tpu.memory_space<hbm>> -> memref<1x128xi32, #tpu.memory_space<hbm>>
    %dma_start3A_62 = tpu.memref_squeeze %dma_start3A_61 : memref<1x128xi32, #tpu.memory_space<hbm>> -> memref<128xi32, #tpu.memory_space<hbm>>
    tpu.enqueue_dma source(%dma_start3A_62 : memref<128xi32, #tpu.memory_space<hbm>>) target(%arg9 : memref<128xi32, #tpu.memory_space<vmem>>) target_semaphore(%arg19 : memref<!tpu.dma_semaphore, #tpu.memory_space<semaphore_mem>>)
    %dma_start3A_63 = arith.constant 0 : i32
    %dma_start3A_64 = arith.constant 0 : i32
    %dma_start3A_65 = tpu.memref_slice %arg5[%dma_start3A_63, %dma_start3A_64] : memref<10240x32xf32, #tpu.memory_space<hbm>> -> memref<10240x32xf32, #tpu.memory_space<hbm>>
    tpu.enqueue_indirect_dma source(%dma_start3A_65 : memref<10240x32xf32, #tpu.memory_space<hbm>>) target(%arg13 : memref<128x32xf32, #tpu.memory_space<vmem>>) offsets(%arg7 : memref<128xi32, #tpu.memory_space<vmem>>) semaphore(%arg21 : memref<!tpu.dma_semaphore, #tpu.memory_space<semaphore_mem>>)
    %jit3A_66 = arith.constant 2 : i32
    %div3A = arith.divsi %select_n3A_12, %jit3A_66 : i32
    %sign3A = arith.constant 0 : i32
    %sign3A_67 = arith.cmpi sgt, %select_n3A_12, %sign3A : i32
    %sign3A_68 = arith.extui %sign3A_67 : i1 to i32
    %sign3A_69 = arith.constant 0 : i32
    %sign3A_70 = arith.cmpi slt, %select_n3A_12, %sign3A_69 : i32
    %sign3A_71 = arith.extui %sign3A_70 : i1 to i32
    %sign3A_72 = arith.subi %sign3A_68, %sign3A_71 : i32
    %sign3A_73 = arith.constant 0 : i32
    %sign3A_74 = arith.cmpi sgt, %jit3A_66, %sign3A_73 : i32
    %sign3A_75 = arith.extui %sign3A_74 : i1 to i32
    %sign3A_76 = arith.constant 0 : i32
    %sign3A_77 = arith.cmpi slt, %jit3A_66, %sign3A_76 : i32
    %sign3A_78 = arith.extui %sign3A_77 : i1 to i32
    %sign3A_79 = arith.subi %sign3A_75, %sign3A_78 : i32
    %ne3A = arith.cmpi ne, %sign3A_72, %sign3A_79 : i32
    %rem3A = arith.remsi %select_n3A_12, %jit3A_66 : i32
    %ne3A_80 = arith.constant 0 : i32
    %ne3A_81 = arith.cmpi ne, %rem3A, %ne3A_80 : i32
    %and3A = arith.andi %ne3A, %ne3A_81 : i1
    %sub3A_82 = arith.constant 1 : i32
    %sub3A_83 = arith.subi %div3A, %sub3A_82 : i32
    %select_n3A_84 = arith.select %and3A, %sub3A_83, %div3A : i32
    %sub3A_85 = arith.constant 0 : i32
    %sub3A_86 = arith.subi %select_n3A_84, %sub3A_85 : i32
    %sub3A_87 = arith.constant 1 : i32
    %sub3A_88 = arith.constant 1 : i32
    %sub3A_89 = arith.subi %sub3A_87, %sub3A_88 : i32
    %add3A_90 = arith.addi %sub3A_86, %sub3A_89 : i32
    %div3A_91 = arith.constant 1 : i32
    %div3A_92 = arith.divsi %add3A_90, %div3A_91 : i32
    %while3A = arith.constant 1 : i32
    %while3A_93 = arith.constant 0 : i32
    %while3A_94 = arith.constant 0 : i32
    %while3A_95 = arith.subi %div3A_92, %while3A_94 : i32
    %while3A_96 = arith.addi %while3A_94, %while3A_95 : i32
    %while3A_97 = arith.constant 1 : i32
    %while3A_98 = arith.divsi %while3A_95, %while3A_97 : i32
    %while3A_99 = arith.muli %while3A_98, %while3A_97 : i32
    %while3A_100 = arith.addi %while3A_94, %while3A_99 : i32
    %while3A_101 = arith.constant 1 : i32
    scf.for %while3A_114 = %while3A_94 to %while3A_100 step %while3A_101  : i32 {
      %mul3A_115 = arith.muli %while3A_114, %while3A : i32
      %add3A_116 = arith.addi %while3A_93, %mul3A_115 : i32
      %mul3A_117 = arith.constant 2 : i32
      %mul3A_118 = arith.muli %mul3A_117, %add3A_116 : i32
      %dma_wait3A_119 = arith.constant 0 : i32
      %dma_wait3A_120 = arith.constant 0 : i32
      %dma_wait3A_121 = tpu.memref_slice %arg5[%dma_wait3A_119, %dma_wait3A_120] : memref<10240x32xf32, #tpu.memory_space<hbm>> -> memref<10240x32xf32, #tpu.memory_space<hbm>>
      tpu.wait_indirect_dma semaphore(%arg21 : memref<!tpu.dma_semaphore, #tpu.memory_space<semaphore_mem>>) src(%dma_wait3A_121 : memref<10240x32xf32, #tpu.memory_space<hbm>>) dst(%arg13 : memref<128x32xf32, #tpu.memory_space<vmem>>)
      %add3A_122 = arith.constant 1 : i32
      %add3A_123 = arith.addi %mul3A_118, %add3A_122 : i32
      %lt3A_124 = arith.cmpi slt, %add3A_123, %select_n3A_12 : i32
      %convert_element_type3A = arith.extui %lt3A_124 : i1 to i32
      %cond3A = arith.constant 0 : i32
      %cond3A_125 = arith.cmpi ne, %convert_element_type3A, %cond3A : i32
      scf.if %cond3A_125 {
        %dma_wait3A_179 = arith.constant 0 : i32
        %dma_wait3A_180 = tpu.memref_slice %arg2[%select_n3A, %dma_wait3A_179] : memref<2500x128xi32, #tpu.memory_space<hbm>> -> memref<1x128xi32, #tpu.memory_space<hbm>>
        %dma_wait3A_181 = tpu.memref_squeeze %dma_wait3A_180 : memref<1x128xi32, #tpu.memory_space<hbm>> -> memref<128xi32, #tpu.memory_space<hbm>>
        %dma_wait3A_182 = arith.constant 0 : i32
        %dma_wait3A_183 = tpu.memref_slice %arg2[%select_n3A, %dma_wait3A_182] : memref<2500x128xi32, #tpu.memory_space<hbm>> -> memref<1x128xi32, #tpu.memory_space<hbm>>
        %dma_wait3A_184 = tpu.memref_squeeze %dma_wait3A_183 : memref<1x128xi32, #tpu.memory_space<hbm>> -> memref<128xi32, #tpu.memory_space<hbm>>
        tpu.wait_dma2 semaphore(%arg18 : memref<!tpu.dma_semaphore, #tpu.memory_space<semaphore_mem>>) src(%dma_wait3A_184 : memref<128xi32, #tpu.memory_space<hbm>>) dst(%arg8 : memref<128xi32, #tpu.memory_space<vmem>>)
        %dma_wait3A_185 = arith.constant 0 : i32
        %dma_wait3A_186 = tpu.memref_slice %arg4[%select_n3A, %dma_wait3A_185] : memref<2500x128xf32, #tpu.memory_space<hbm>> -> memref<1x128xf32, #tpu.memory_space<hbm>>
        %dma_wait3A_187 = tpu.memref_squeeze %dma_wait3A_186 : memref<1x128xf32, #tpu.memory_space<hbm>> -> memref<128xf32, #tpu.memory_space<hbm>>
        %dma_wait3A_188 = arith.constant 0 : i32
        %dma_wait3A_189 = tpu.memref_slice %arg4[%select_n3A, %dma_wait3A_188] : memref<2500x128xf32, #tpu.memory_space<hbm>> -> memref<1x128xf32, #tpu.memory_space<hbm>>
        %dma_wait3A_190 = tpu.memref_squeeze %dma_wait3A_189 : memref<1x128xf32, #tpu.memory_space<hbm>> -> memref<128xf32, #tpu.memory_space<hbm>>
        tpu.wait_dma2 semaphore(%arg18 : memref<!tpu.dma_semaphore, #tpu.memory_space<semaphore_mem>>) src(%dma_wait3A_190 : memref<128xf32, #tpu.memory_space<hbm>>) dst(%arg12 : memref<128xf32, #tpu.memory_space<vmem>>)
        %ge3A = arith.constant 1 : i32
        %ge3A_191 = arith.cmpi sge, %mul3A_118, %ge3A : i32
        %convert_element_type3A_192 = arith.extui %ge3A_191 : i1 to i32
        %cond3A_193 = arith.constant 0 : i32
        %cond3A_194 = arith.cmpi ne, %convert_element_type3A_192, %cond3A_193 : i32
        scf.if %cond3A_194 {
          %dma_wait3A_207 = arith.constant 0 : i32
          %dma_wait3A_208 = arith.constant 0 : i32
          %dma_wait3A_209 = tpu.memref_slice %arg16[%dma_wait3A_207, %dma_wait3A_208] : memref<10240x32xf32, #tpu.memory_space<vmem_shared>> -> memref<10240x32xf32, #tpu.memory_space<vmem_shared>>
          tpu.wait_indirect_dma semaphore(%arg24 : memref<!tpu.dma_semaphore, #tpu.memory_space<semaphore_mem>>) src(%arg14 : memref<128x32xf32, #tpu.memory_space<vmem>>) dst(%dma_wait3A_209 : memref<10240x32xf32, #tpu.memory_space<vmem_shared>>)
        } else {
        }
        %dma_start3A_195 = arith.constant 0 : i32
        %dma_start3A_196 = arith.constant 0 : i32
        %dma_start3A_197 = tpu.memref_slice %arg5[%dma_start3A_195, %dma_start3A_196] : memref<10240x32xf32, #tpu.memory_space<hbm>> -> memref<10240x32xf32, #tpu.memory_space<hbm>>
        tpu.enqueue_indirect_dma source(%dma_start3A_197 : memref<10240x32xf32, #tpu.memory_space<hbm>>) target(%arg14 : memref<128x32xf32, #tpu.memory_space<vmem>>) offsets(%arg8 : memref<128xi32, #tpu.memory_space<vmem>>) semaphore(%arg22 : memref<!tpu.dma_semaphore, #tpu.memory_space<semaphore_mem>>)
        %add3A_198 = arith.addi %select_n3A, %mul3A_118 : i32
        %add3A_199 = arith.constant 1 : i32
        %add3A_200 = arith.addi %add3A_198, %add3A_199 : i32
        %dma_start3A_201 = arith.constant 0 : i32
        %dma_start3A_202 = tpu.memref_slice %arg3[%add3A_200, %dma_start3A_201] : memref<2500x128xi32, #tpu.memory_space<hbm>> -> memref<1x128xi32, #tpu.memory_space<hbm>>
        %dma_start3A_203 = tpu.memref_squeeze %dma_start3A_202 : memref<1x128xi32, #tpu.memory_space<hbm>> -> memref<128xi32, #tpu.memory_space<hbm>>
        %dma_start3A_204 = arith.constant 0 : i32
        %dma_start3A_205 = tpu.memref_slice %arg3[%add3A_200, %dma_start3A_204] : memref<2500x128xi32, #tpu.memory_space<hbm>> -> memref<1x128xi32, #tpu.memory_space<hbm>>
        %dma_start3A_206 = tpu.memref_squeeze %dma_start3A_205 : memref<1x128xi32, #tpu.memory_space<hbm>> -> memref<128xi32, #tpu.memory_space<hbm>>
        tpu.enqueue_dma source(%dma_start3A_206 : memref<128xi32, #tpu.memory_space<hbm>>) target(%arg10 : memref<128xi32, #tpu.memory_space<vmem>>) target_semaphore(%arg20 : memref<!tpu.dma_semaphore, #tpu.memory_space<semaphore_mem>>)
      } else {
      }
      %scan3A_126 = arith.constant 0 : i32
      %scan3A_127 = arith.constant 128 : i32
      %scan3A_128 = arith.addi %scan3A_126, %scan3A_127 : i32
      %scan3A_129 = arith.constant 4 : i32
      scf.for %scan3A_179 = %scan3A_126 to %scan3A_128 step %scan3A_129  : i32 {
        %mul3A_180 = arith.constant 1 : i32
        %mul3A_181 = arith.muli %scan3A_179, %mul3A_180 : i32
        %add3A_182 = arith.constant 0 : i32
        %add3A_183 = arith.addi %add3A_182, %mul3A_181 : i32
        %broadcast_in_dim3A = vector.broadcast %add3A_183 : i32 to vector<16xi32>
        %gather3A = tpu.vector_load_idx %arg11[%broadcast_in_dim3A] : memref<128xf32, #tpu.memory_space<vmem>>[vector<16xi32>], vector<16xf32>,
        %get3A = arith.index_cast %add3A_183 : i32 to index
        %get3A_184 = arith.constant 0 : index
        %get3A_185 = tpu.vector_load %arg13[%get3A, %get3A_184] {strides = array<i32>} : memref<128x32xf32, #tpu.memory_space<vmem>>, vector<16xf32>,
        %mul3A_186 = arith.mulf %get3A_185, %gather3A : vector<16xf32>
        %swap3A = arith.index_cast %add3A_183 : i32 to index
        %swap3A_187 = arith.constant 0 : index
        %swap3A_188 = tpu.vector_load %arg13[%swap3A, %swap3A_187] {strides = array<i32>} : memref<128x32xf32, #tpu.memory_space<vmem>>, vector<16xf32>,
        tpu.vector_store %arg13[%swap3A, %swap3A_187], %mul3A_186 {strides = array<i32>} : memref<128x32xf32, #tpu.memory_space<vmem>>, vector<16xf32>,
        %get3A_189 = arith.index_cast %add3A_183 : i32 to index
        %get3A_190 = arith.constant 16 : index
        %get3A_191 = tpu.vector_load %arg13[%get3A_189, %get3A_190] {strides = array<i32>} : memref<128x32xf32, #tpu.memory_space<vmem>>, vector<16xf32>,
        %mul3A_192 = arith.mulf %get3A_191, %gather3A : vector<16xf32>
        %swap3A_193 = arith.index_cast %add3A_183 : i32 to index
        %swap3A_194 = arith.constant 16 : index
        %swap3A_195 = tpu.vector_load %arg13[%swap3A_193, %swap3A_194] {strides = array<i32>} : memref<128x32xf32, #tpu.memory_space<vmem>>, vector<16xf32>,
        tpu.vector_store %arg13[%swap3A_193, %swap3A_194], %mul3A_192 {strides = array<i32>} : memref<128x32xf32, #tpu.memory_space<vmem>>, vector<16xf32>,
        %scan3A_196 = arith.constant 1 : i32
        %scan3A_197 = arith.addi %scan3A_179, %scan3A_196 : i32
        %mul3A_198 = arith.constant 1 : i32
        %mul3A_199 = arith.muli %scan3A_197, %mul3A_198 : i32
        %add3A_200 = arith.constant 0 : i32
        %add3A_201 = arith.addi %add3A_200, %mul3A_199 : i32
        %broadcast_in_dim3A_202 = vector.broadcast %add3A_201 : i32 to vector<16xi32>
        %gather3A_203 = tpu.vector_load_idx %arg11[%broadcast_in_dim3A_202] : memref<128xf32, #tpu.memory_space<vmem>>[vector<16xi32>], vector<16xf32>,
        %get3A_204 = arith.index_cast %add3A_201 : i32 to index
        %get3A_205 = arith.constant 0 : index
        %get3A_206 = tpu.vector_load %arg13[%get3A_204, %get3A_205] {strides = array<i32>} : memref<128x32xf32, #tpu.memory_space<vmem>>, vector<16xf32>,
        %mul3A_207 = arith.mulf %get3A_206, %gather3A_203 : vector<16xf32>
        %swap3A_208 = arith.index_cast %add3A_201 : i32 to index
        %swap3A_209 = arith.constant 0 : index
        %swap3A_210 = tpu.vector_load %arg13[%swap3A_208, %swap3A_209] {strides = array<i32>} : memref<128x32xf32, #tpu.memory_space<vmem>>, vector<16xf32>,
        tpu.vector_store %arg13[%swap3A_208, %swap3A_209], %mul3A_207 {strides = array<i32>} : memref<128x32xf32, #tpu.memory_space<vmem>>, vector<16xf32>,
        %get3A_211 = arith.index_cast %add3A_201 : i32 to index
        %get3A_212 = arith.constant 16 : index
        %get3A_213 = tpu.vector_load %arg13[%get3A_211, %get3A_212] {strides = array<i32>} : memref<128x32xf32, #tpu.memory_space<vmem>>, vector<16xf32>,
        %mul3A_214 = arith.mulf %get3A_213, %gather3A_203 : vector<16xf32>
        %swap3A_215 = arith.index_cast %add3A_201 : i32 to index
        %swap3A_216 = arith.constant 16 : index
        %swap3A_217 = tpu.vector_load %arg13[%swap3A_215, %swap3A_216] {strides = array<i32>} : memref<128x32xf32, #tpu.memory_space<vmem>>, vector<16xf32>,
        tpu.vector_store %arg13[%swap3A_215, %swap3A_216], %mul3A_214 {strides = array<i32>} : memref<128x32xf32, #tpu.memory_space<vmem>>, vector<16xf32>,
        %scan3A_218 = arith.constant 2 : i32
        %scan3A_219 = arith.addi %scan3A_179, %scan3A_218 : i32
        %mul3A_220 = arith.constant 1 : i32
        %mul3A_221 = arith.muli %scan3A_219, %mul3A_220 : i32
        %add3A_222 = arith.constant 0 : i32
        %add3A_223 = arith.addi %add3A_222, %mul3A_221 : i32
        %broadcast_in_dim3A_224 = vector.broadcast %add3A_223 : i32 to vector<16xi32>
        %gather3A_225 = tpu.vector_load_idx %arg11[%broadcast_in_dim3A_224] : memref<128xf32, #tpu.memory_space<vmem>>[vector<16xi32>], vector<16xf32>,
        %get3A_226 = arith.index_cast %add3A_223 : i32 to index
        %get3A_227 = arith.constant 0 : index
        %get3A_228 = tpu.vector_load %arg13[%get3A_226, %get3A_227] {strides = array<i32>} : memref<128x32xf32, #tpu.memory_space<vmem>>, vector<16xf32>,
        %mul3A_229 = arith.mulf %get3A_228, %gather3A_225 : vector<16xf32>
        %swap3A_230 = arith.index_cast %add3A_223 : i32 to index
        %swap3A_231 = arith.constant 0 : index
        %swap3A_232 = tpu.vector_load %arg13[%swap3A_230, %swap3A_231] {strides = array<i32>} : memref<128x32xf32, #tpu.memory_space<vmem>>, vector<16xf32>,
        tpu.vector_store %arg13[%swap3A_230, %swap3A_231], %mul3A_229 {strides = array<i32>} : memref<128x32xf32, #tpu.memory_space<vmem>>, vector<16xf32>,
        %get3A_233 = arith.index_cast %add3A_223 : i32 to index
        %get3A_234 = arith.constant 16 : index
        %get3A_235 = tpu.vector_load %arg13[%get3A_233, %get3A_234] {strides = array<i32>} : memref<128x32xf32, #tpu.memory_space<vmem>>, vector<16xf32>,
        %mul3A_236 = arith.mulf %get3A_235, %gather3A_225 : vector<16xf32>
        %swap3A_237 = arith.index_cast %add3A_223 : i32 to index
        %swap3A_238 = arith.constant 16 : index
        %swap3A_239 = tpu.vector_load %arg13[%swap3A_237, %swap3A_238] {strides = array<i32>} : memref<128x32xf32, #tpu.memory_space<vmem>>, vector<16xf32>,
        tpu.vector_store %arg13[%swap3A_237, %swap3A_238], %mul3A_236 {strides = array<i32>} : memref<128x32xf32, #tpu.memory_space<vmem>>, vector<16xf32>,
        %scan3A_240 = arith.constant 3 : i32
        %scan3A_241 = arith.addi %scan3A_179, %scan3A_240 : i32
        %mul3A_242 = arith.constant 1 : i32
        %mul3A_243 = arith.muli %scan3A_241, %mul3A_242 : i32
        %add3A_244 = arith.constant 0 : i32
        %add3A_245 = arith.addi %add3A_244, %mul3A_243 : i32
        %broadcast_in_dim3A_246 = vector.broadcast %add3A_245 : i32 to vector<16xi32>
        %gather3A_247 = tpu.vector_load_idx %arg11[%broadcast_in_dim3A_246] : memref<128xf32, #tpu.memory_space<vmem>>[vector<16xi32>], vector<16xf32>,
        %get3A_248 = arith.index_cast %add3A_245 : i32 to index
        %get3A_249 = arith.constant 0 : index
        %get3A_250 = tpu.vector_load %arg13[%get3A_248, %get3A_249] {strides = array<i32>} : memref<128x32xf32, #tpu.memory_space<vmem>>, vector<16xf32>,
        %mul3A_251 = arith.mulf %get3A_250, %gather3A_247 : vector<16xf32>
        %swap3A_252 = arith.index_cast %add3A_245 : i32 to index
        %swap3A_253 = arith.constant 0 : index
        %swap3A_254 = tpu.vector_load %arg13[%swap3A_252, %swap3A_253] {strides = array<i32>} : memref<128x32xf32, #tpu.memory_space<vmem>>, vector<16xf32>,
        tpu.vector_store %arg13[%swap3A_252, %swap3A_253], %mul3A_251 {strides = array<i32>} : memref<128x32xf32, #tpu.memory_space<vmem>>, vector<16xf32>,
        %get3A_255 = arith.index_cast %add3A_245 : i32 to index
        %get3A_256 = arith.constant 16 : index
        %get3A_257 = tpu.vector_load %arg13[%get3A_255, %get3A_256] {strides = array<i32>} : memref<128x32xf32, #tpu.memory_space<vmem>>, vector<16xf32>,
        %mul3A_258 = arith.mulf %get3A_257, %gather3A_247 : vector<16xf32>
        %swap3A_259 = arith.index_cast %add3A_245 : i32 to index
        %swap3A_260 = arith.constant 16 : index
        %swap3A_261 = tpu.vector_load %arg13[%swap3A_259, %swap3A_260] {strides = array<i32>} : memref<128x32xf32, #tpu.memory_space<vmem>>, vector<16xf32>,
        tpu.vector_store %arg13[%swap3A_259, %swap3A_260], %mul3A_258 {strides = array<i32>} : memref<128x32xf32, #tpu.memory_space<vmem>>, vector<16xf32>,
      }
      %scan3A_130 = arith.constant 128 : i32
      %dma_wait3A_131 = arith.constant 0 : i32
      %dma_wait3A_132 = tpu.memref_slice %arg3[%select_n3A, %dma_wait3A_131] : memref<2500x128xi32, #tpu.memory_space<hbm>> -> memref<1x128xi32, #tpu.memory_space<hbm>>
      %dma_wait3A_133 = tpu.memref_squeeze %dma_wait3A_132 : memref<1x128xi32, #tpu.memory_space<hbm>> -> memref<128xi32, #tpu.memory_space<hbm>>
      %dma_wait3A_134 = arith.constant 0 : i32
      %dma_wait3A_135 = tpu.memref_slice %arg3[%select_n3A, %dma_wait3A_134] : memref<2500x128xi32, #tpu.memory_space<hbm>> -> memref<1x128xi32, #tpu.memory_space<hbm>>
      %dma_wait3A_136 = tpu.memref_squeeze %dma_wait3A_135 : memref<1x128xi32, #tpu.memory_space<hbm>> -> memref<128xi32, #tpu.memory_space<hbm>>
      tpu.wait_dma2 semaphore(%arg19 : memref<!tpu.dma_semaphore, #tpu.memory_space<semaphore_mem>>) src(%dma_wait3A_136 : memref<128xi32, #tpu.memory_space<hbm>>) dst(%arg9 : memref<128xi32, #tpu.memory_space<vmem>>)
      %dma_start3A_137 = arith.constant 0 : i32
      %dma_start3A_138 = arith.constant 0 : i32
      %dma_start3A_139 = tpu.memref_slice %arg16[%dma_start3A_137, %dma_start3A_138] : memref<10240x32xf32, #tpu.memory_space<vmem_shared>> -> memref<10240x32xf32, #tpu.memory_space<vmem_shared>>
      tpu.enqueue_indirect_dma source(%arg13 : memref<128x32xf32, #tpu.memory_space<vmem>>) target(%dma_start3A_139 : memref<10240x32xf32, #tpu.memory_space<vmem_shared>>) offsets(%arg9 : memref<128xi32, #tpu.memory_space<vmem>>) semaphore(%arg23 : memref<!tpu.dma_semaphore, #tpu.memory_space<semaphore_mem>>) {add = true}
      %add3A_140 = arith.constant 2 : i32
      %add3A_141 = arith.addi %mul3A_118, %add3A_140 : i32
      %lt3A_142 = arith.cmpi slt, %add3A_141, %select_n3A_12 : i32
      %convert_element_type3A_143 = arith.extui %lt3A_142 : i1 to i32
      %cond3A_144 = arith.constant 0 : i32
      %cond3A_145 = arith.cmpi ne, %convert_element_type3A_143, %cond3A_144 : i32
      scf.if %cond3A_145 {
        %add3A_179 = arith.addi %select_n3A, %mul3A_118 : i32
        %add3A_180 = arith.constant 2 : i32
        %add3A_181 = arith.addi %add3A_179, %add3A_180 : i32
        %dma_start3A_182 = arith.constant 0 : i32
        %dma_start3A_183 = tpu.memref_slice %arg2[%add3A_181, %dma_start3A_182] : memref<2500x128xi32, #tpu.memory_space<hbm>> -> memref<1x128xi32, #tpu.memory_space<hbm>>
        %dma_start3A_184 = tpu.memref_squeeze %dma_start3A_183 : memref<1x128xi32, #tpu.memory_space<hbm>> -> memref<128xi32, #tpu.memory_space<hbm>>
        %dma_start3A_185 = arith.constant 0 : i32
        %dma_start3A_186 = tpu.memref_slice %arg2[%add3A_181, %dma_start3A_185] : memref<2500x128xi32, #tpu.memory_space<hbm>> -> memref<1x128xi32, #tpu.memory_space<hbm>>
        %dma_start3A_187 = tpu.memref_squeeze %dma_start3A_186 : memref<1x128xi32, #tpu.memory_space<hbm>> -> memref<128xi32, #tpu.memory_space<hbm>>
        tpu.enqueue_dma source(%dma_start3A_187 : memref<128xi32, #tpu.memory_space<hbm>>) target(%arg7 : memref<128xi32, #tpu.memory_space<vmem>>) target_semaphore(%arg17 : memref<!tpu.dma_semaphore, #tpu.memory_space<semaphore_mem>>)
        %add3A_188 = arith.addi %select_n3A, %mul3A_118 : i32
        %add3A_189 = arith.constant 2 : i32
        %add3A_190 = arith.addi %add3A_188, %add3A_189 : i32
        %dma_start3A_191 = arith.constant 0 : i32
        %dma_start3A_192 = tpu.memref_slice %arg4[%add3A_190, %dma_start3A_191] : memref<2500x128xf32, #tpu.memory_space<hbm>> -> memref<1x128xf32, #tpu.memory_space<hbm>>
        %dma_start3A_193 = tpu.memref_squeeze %dma_start3A_192 : memref<1x128xf32, #tpu.memory_space<hbm>> -> memref<128xf32, #tpu.memory_space<hbm>>
        %dma_start3A_194 = arith.constant 0 : i32
        %dma_start3A_195 = tpu.memref_slice %arg4[%add3A_190, %dma_start3A_194] : memref<2500x128xf32, #tpu.memory_space<hbm>> -> memref<1x128xf32, #tpu.memory_space<hbm>>
        %dma_start3A_196 = tpu.memref_squeeze %dma_start3A_195 : memref<1x128xf32, #tpu.memory_space<hbm>> -> memref<128xf32, #tpu.memory_space<hbm>>
        tpu.enqueue_dma source(%dma_start3A_196 : memref<128xf32, #tpu.memory_space<hbm>>) target(%arg11 : memref<128xf32, #tpu.memory_space<vmem>>) target_semaphore(%arg17 : memref<!tpu.dma_semaphore, #tpu.memory_space<semaphore_mem>>)
      } else {
      }
      %mul3A_146 = arith.constant 2 : i32
      %mul3A_147 = arith.muli %mul3A_146, %add3A_116 : i32
      %add3A_148 = arith.constant 1 : i32
      %add3A_149 = arith.addi %mul3A_147, %add3A_148 : i32
      %dma_wait3A_150 = arith.constant 0 : i32
      %dma_wait3A_151 = arith.constant 0 : i32
      %dma_wait3A_152 = tpu.memref_slice %arg5[%dma_wait3A_150, %dma_wait3A_151] : memref<10240x32xf32, #tpu.memory_space<hbm>> -> memref<10240x32xf32, #tpu.memory_space<hbm>>
      tpu.wait_indirect_dma semaphore(%arg22 : memref<!tpu.dma_semaphore, #tpu.memory_space<semaphore_mem>>) src(%dma_wait3A_152 : memref<10240x32xf32, #tpu.memory_space<hbm>>) dst(%arg14 : memref<128x32xf32, #tpu.memory_space<vmem>>)
      %add3A_153 = arith.constant 1 : i32
      %add3A_154 = arith.addi %add3A_149, %add3A_153 : i32
      %lt3A_155 = arith.cmpi slt, %add3A_154, %select_n3A_12 : i32
      %convert_element_type3A_156 = arith.extui %lt3A_155 : i1 to i32
      %cond3A_157 = arith.constant 0 : i32
      %cond3A_158 = arith.cmpi ne, %convert_element_type3A_156, %cond3A_157 : i32
      scf.if %cond3A_158 {
        %dma_wait3A_179 = arith.constant 0 : i32
        %dma_wait3A_180 = tpu.memref_slice %arg2[%select_n3A, %dma_wait3A_179] : memref<2500x128xi32, #tpu.memory_space<hbm>> -> memref<1x128xi32, #tpu.memory_space<hbm>>
        %dma_wait3A_181 = tpu.memref_squeeze %dma_wait3A_180 : memref<1x128xi32, #tpu.memory_space<hbm>> -> memref<128xi32, #tpu.memory_space<hbm>>
        %dma_wait3A_182 = arith.constant 0 : i32
        %dma_wait3A_183 = tpu.memref_slice %arg2[%select_n3A, %dma_wait3A_182] : memref<2500x128xi32, #tpu.memory_space<hbm>> -> memref<1x128xi32, #tpu.memory_space<hbm>>
        %dma_wait3A_184 = tpu.memref_squeeze %dma_wait3A_183 : memref<1x128xi32, #tpu.memory_space<hbm>> -> memref<128xi32, #tpu.memory_space<hbm>>
        tpu.wait_dma2 semaphore(%arg17 : memref<!tpu.dma_semaphore, #tpu.memory_space<semaphore_mem>>) src(%dma_wait3A_184 : memref<128xi32, #tpu.memory_space<hbm>>) dst(%arg7 : memref<128xi32, #tpu.memory_space<vmem>>)
        %dma_wait3A_185 = arith.constant 0 : i32
        %dma_wait3A_186 = tpu.memref_slice %arg4[%select_n3A, %dma_wait3A_185] : memref<2500x128xf32, #tpu.memory_space<hbm>> -> memref<1x128xf32, #tpu.memory_space<hbm>>
        %dma_wait3A_187 = tpu.memref_squeeze %dma_wait3A_186 : memref<1x128xf32, #tpu.memory_space<hbm>> -> memref<128xf32, #tpu.memory_space<hbm>>
        %dma_wait3A_188 = arith.constant 0 : i32
        %dma_wait3A_189 = tpu.memref_slice %arg4[%select_n3A, %dma_wait3A_188] : memref<2500x128xf32, #tpu.memory_space<hbm>> -> memref<1x128xf32, #tpu.memory_space<hbm>>
        %dma_wait3A_190 = tpu.memref_squeeze %dma_wait3A_189 : memref<1x128xf32, #tpu.memory_space<hbm>> -> memref<128xf32, #tpu.memory_space<hbm>>
        tpu.wait_dma2 semaphore(%arg17 : memref<!tpu.dma_semaphore, #tpu.memory_space<semaphore_mem>>) src(%dma_wait3A_190 : memref<128xf32, #tpu.memory_space<hbm>>) dst(%arg11 : memref<128xf32, #tpu.memory_space<vmem>>)
        %ge3A = arith.constant 1 : i32
        %ge3A_191 = arith.cmpi sge, %add3A_149, %ge3A : i32
        %convert_element_type3A_192 = arith.extui %ge3A_191 : i1 to i32
        %cond3A_193 = arith.constant 0 : i32
        %cond3A_194 = arith.cmpi ne, %convert_element_type3A_192, %cond3A_193 : i32
        scf.if %cond3A_194 {
          %dma_wait3A_207 = arith.constant 0 : i32
          %dma_wait3A_208 = arith.constant 0 : i32
          %dma_wait3A_209 = tpu.memref_slice %arg16[%dma_wait3A_207, %dma_wait3A_208] : memref<10240x32xf32, #tpu.memory_space<vmem_shared>> -> memref<10240x32xf32, #tpu.memory_space<vmem_shared>>
          tpu.wait_indirect_dma semaphore(%arg23 : memref<!tpu.dma_semaphore, #tpu.memory_space<semaphore_mem>>) src(%arg13 : memref<128x32xf32, #tpu.memory_space<vmem>>) dst(%dma_wait3A_209 : memref<10240x32xf32, #tpu.memory_space<vmem_shared>>)
        } else {
        }
        %dma_start3A_195 = arith.constant 0 : i32
        %dma_start3A_196 = arith.constant 0 : i32
        %dma_start3A_197 = tpu.memref_slice %arg5[%dma_start3A_195, %dma_start3A_196] : memref<10240x32xf32, #tpu.memory_space<hbm>> -> memref<10240x32xf32, #tpu.memory_space<hbm>>
        tpu.enqueue_indirect_dma source(%dma_start3A_197 : memref<10240x32xf32, #tpu.memory_space<hbm>>) target(%arg13 : memref<128x32xf32, #tpu.memory_space<vmem>>) offsets(%arg7 : memref<128xi32, #tpu.memory_space<vmem>>) semaphore(%arg21 : memref<!tpu.dma_semaphore, #tpu.memory_space<semaphore_mem>>)
        %add3A_198 = arith.addi %select_n3A, %add3A_149 : i32
        %add3A_199 = arith.constant 1 : i32
        %add3A_200 = arith.addi %add3A_198, %add3A_199 : i32
        %dma_start3A_201 = arith.constant 0 : i32
        %dma_start3A_202 = tpu.memref_slice %arg3[%add3A_200, %dma_start3A_201] : memref<2500x128xi32, #tpu.memory_space<hbm>> -> memref<1x128xi32, #tpu.memory_space<hbm>>
        %dma_start3A_203 = tpu.memref_squeeze %dma_start3A_202 : memref<1x128xi32, #tpu.memory_space<hbm>> -> memref<128xi32, #tpu.memory_space<hbm>>
        %dma_start3A_204 = arith.constant 0 : i32
        %dma_start3A_205 = tpu.memref_slice %arg3[%add3A_200, %dma_start3A_204] : memref<2500x128xi32, #tpu.memory_space<hbm>> -> memref<1x128xi32, #tpu.memory_space<hbm>>
        %dma_start3A_206 = tpu.memref_squeeze %dma_start3A_205 : memref<1x128xi32, #tpu.memory_space<hbm>> -> memref<128xi32, #tpu.memory_space<hbm>>
        tpu.enqueue_dma source(%dma_start3A_206 : memref<128xi32, #tpu.memory_space<hbm>>) target(%arg9 : memref<128xi32, #tpu.memory_space<vmem>>) target_semaphore(%arg19 : memref<!tpu.dma_semaphore, #tpu.memory_space<semaphore_mem>>)
      } else {
      }
      %scan3A_159 = arith.constant 0 : i32
      %scan3A_160 = arith.constant 128 : i32
      %scan3A_161 = arith.addi %scan3A_159, %scan3A_160 : i32
      %scan3A_162 = arith.constant 4 : i32
      scf.for %scan3A_179 = %scan3A_159 to %scan3A_161 step %scan3A_162  : i32 {
        %mul3A_180 = arith.constant 1 : i32
        %mul3A_181 = arith.muli %scan3A_179, %mul3A_180 : i32
        %add3A_182 = arith.constant 0 : i32
        %add3A_183 = arith.addi %add3A_182, %mul3A_181 : i32
        %broadcast_in_dim3A = vector.broadcast %add3A_183 : i32 to vector<16xi32>
        %gather3A = tpu.vector_load_idx %arg12[%broadcast_in_dim3A] : memref<128xf32, #tpu.memory_space<vmem>>[vector<16xi32>], vector<16xf32>,
        %get3A = arith.index_cast %add3A_183 : i32 to index
        %get3A_184 = arith.constant 0 : index
        %get3A_185 = tpu.vector_load %arg14[%get3A, %get3A_184] {strides = array<i32>} : memref<128x32xf32, #tpu.memory_space<vmem>>, vector<16xf32>,
        %mul3A_186 = arith.mulf %get3A_185, %gather3A : vector<16xf32>
        %swap3A = arith.index_cast %add3A_183 : i32 to index
        %swap3A_187 = arith.constant 0 : index
        %swap3A_188 = tpu.vector_load %arg14[%swap3A, %swap3A_187] {strides = array<i32>} : memref<128x32xf32, #tpu.memory_space<vmem>>, vector<16xf32>,
        tpu.vector_store %arg14[%swap3A, %swap3A_187], %mul3A_186 {strides = array<i32>} : memref<128x32xf32, #tpu.memory_space<vmem>>, vector<16xf32>,
        %get3A_189 = arith.index_cast %add3A_183 : i32 to index
        %get3A_190 = arith.constant 16 : index
        %get3A_191 = tpu.vector_load %arg14[%get3A_189, %get3A_190] {strides = array<i32>} : memref<128x32xf32, #tpu.memory_space<vmem>>, vector<16xf32>,
        %mul3A_192 = arith.mulf %get3A_191, %gather3A : vector<16xf32>
        %swap3A_193 = arith.index_cast %add3A_183 : i32 to index
        %swap3A_194 = arith.constant 16 : index
        %swap3A_195 = tpu.vector_load %arg14[%swap3A_193, %swap3A_194] {strides = array<i32>} : memref<128x32xf32, #tpu.memory_space<vmem>>, vector<16xf32>,
        tpu.vector_store %arg14[%swap3A_193, %swap3A_194], %mul3A_192 {strides = array<i32>} : memref<128x32xf32, #tpu.memory_space<vmem>>, vector<16xf32>,
        %scan3A_196 = arith.constant 1 : i32
        %scan3A_197 = arith.addi %scan3A_179, %scan3A_196 : i32
        %mul3A_198 = arith.constant 1 : i32
        %mul3A_199 = arith.muli %scan3A_197, %mul3A_198 : i32
        %add3A_200 = arith.constant 0 : i32
        %add3A_201 = arith.addi %add3A_200, %mul3A_199 : i32
        %broadcast_in_dim3A_202 = vector.broadcast %add3A_201 : i32 to vector<16xi32>
        %gather3A_203 = tpu.vector_load_idx %arg12[%broadcast_in_dim3A_202] : memref<128xf32, #tpu.memory_space<vmem>>[vector<16xi32>], vector<16xf32>,
        %get3A_204 = arith.index_cast %add3A_201 : i32 to index
        %get3A_205 = arith.constant 0 : index
        %get3A_206 = tpu.vector_load %arg14[%get3A_204, %get3A_205] {strides = array<i32>} : memref<128x32xf32, #tpu.memory_space<vmem>>, vector<16xf32>,
        %mul3A_207 = arith.mulf %get3A_206, %gather3A_203 : vector<16xf32>
        %swap3A_208 = arith.index_cast %add3A_201 : i32 to index
        %swap3A_209 = arith.constant 0 : index
        %swap3A_210 = tpu.vector_load %arg14[%swap3A_208, %swap3A_209] {strides = array<i32>} : memref<128x32xf32, #tpu.memory_space<vmem>>, vector<16xf32>,
        tpu.vector_store %arg14[%swap3A_208, %swap3A_209], %mul3A_207 {strides = array<i32>} : memref<128x32xf32, #tpu.memory_space<vmem>>, vector<16xf32>,
        %get3A_211 = arith.index_cast %add3A_201 : i32 to index
        %get3A_212 = arith.constant 16 : index
        %get3A_213 = tpu.vector_load %arg14[%get3A_211, %get3A_212] {strides = array<i32>} : memref<128x32xf32, #tpu.memory_space<vmem>>, vector<16xf32>,
        %mul3A_214 = arith.mulf %get3A_213, %gather3A_203 : vector<16xf32>
        %swap3A_215 = arith.index_cast %add3A_201 : i32 to index
        %swap3A_216 = arith.constant 16 : index
        %swap3A_217 = tpu.vector_load %arg14[%swap3A_215, %swap3A_216] {strides = array<i32>} : memref<128x32xf32, #tpu.memory_space<vmem>>, vector<16xf32>,
        tpu.vector_store %arg14[%swap3A_215, %swap3A_216], %mul3A_214 {strides = array<i32>} : memref<128x32xf32, #tpu.memory_space<vmem>>, vector<16xf32>,
        %scan3A_218 = arith.constant 2 : i32
        %scan3A_219 = arith.addi %scan3A_179, %scan3A_218 : i32
        %mul3A_220 = arith.constant 1 : i32
        %mul3A_221 = arith.muli %scan3A_219, %mul3A_220 : i32
        %add3A_222 = arith.constant 0 : i32
        %add3A_223 = arith.addi %add3A_222, %mul3A_221 : i32
        %broadcast_in_dim3A_224 = vector.broadcast %add3A_223 : i32 to vector<16xi32>
        %gather3A_225 = tpu.vector_load_idx %arg12[%broadcast_in_dim3A_224] : memref<128xf32, #tpu.memory_space<vmem>>[vector<16xi32>], vector<16xf32>,
        %get3A_226 = arith.index_cast %add3A_223 : i32 to index
        %get3A_227 = arith.constant 0 : index
        %get3A_228 = tpu.vector_load %arg14[%get3A_226, %get3A_227] {strides = array<i32>} : memref<128x32xf32, #tpu.memory_space<vmem>>, vector<16xf32>,
        %mul3A_229 = arith.mulf %get3A_228, %gather3A_225 : vector<16xf32>
        %swap3A_230 = arith.index_cast %add3A_223 : i32 to index
        %swap3A_231 = arith.constant 0 : index
        %swap3A_232 = tpu.vector_load %arg14[%swap3A_230, %swap3A_231] {strides = array<i32>} : memref<128x32xf32, #tpu.memory_space<vmem>>, vector<16xf32>,
        tpu.vector_store %arg14[%swap3A_230, %swap3A_231], %mul3A_229 {strides = array<i32>} : memref<128x32xf32, #tpu.memory_space<vmem>>, vector<16xf32>,
        %get3A_233 = arith.index_cast %add3A_223 : i32 to index
        %get3A_234 = arith.constant 16 : index
        %get3A_235 = tpu.vector_load %arg14[%get3A_233, %get3A_234] {strides = array<i32>} : memref<128x32xf32, #tpu.memory_space<vmem>>, vector<16xf32>,
        %mul3A_236 = arith.mulf %get3A_235, %gather3A_225 : vector<16xf32>
        %swap3A_237 = arith.index_cast %add3A_223 : i32 to index
        %swap3A_238 = arith.constant 16 : index
        %swap3A_239 = tpu.vector_load %arg14[%swap3A_237, %swap3A_238] {strides = array<i32>} : memref<128x32xf32, #tpu.memory_space<vmem>>, vector<16xf32>,
        tpu.vector_store %arg14[%swap3A_237, %swap3A_238], %mul3A_236 {strides = array<i32>} : memref<128x32xf32, #tpu.memory_space<vmem>>, vector<16xf32>,
        %scan3A_240 = arith.constant 3 : i32
        %scan3A_241 = arith.addi %scan3A_179, %scan3A_240 : i32
        %mul3A_242 = arith.constant 1 : i32
        %mul3A_243 = arith.muli %scan3A_241, %mul3A_242 : i32
        %add3A_244 = arith.constant 0 : i32
        %add3A_245 = arith.addi %add3A_244, %mul3A_243 : i32
        %broadcast_in_dim3A_246 = vector.broadcast %add3A_245 : i32 to vector<16xi32>
        %gather3A_247 = tpu.vector_load_idx %arg12[%broadcast_in_dim3A_246] : memref<128xf32, #tpu.memory_space<vmem>>[vector<16xi32>], vector<16xf32>,
        %get3A_248 = arith.index_cast %add3A_245 : i32 to index
        %get3A_249 = arith.constant 0 : index
        %get3A_250 = tpu.vector_load %arg14[%get3A_248, %get3A_249] {strides = array<i32>} : memref<128x32xf32, #tpu.memory_space<vmem>>, vector<16xf32>,
        %mul3A_251 = arith.mulf %get3A_250, %gather3A_247 : vector<16xf32>
        %swap3A_252 = arith.index_cast %add3A_245 : i32 to index
        %swap3A_253 = arith.constant 0 : index
        %swap3A_254 = tpu.vector_load %arg14[%swap3A_252, %swap3A_253] {strides = array<i32>} : memref<128x32xf32, #tpu.memory_space<vmem>>, vector<16xf32>,
        tpu.vector_store %arg14[%swap3A_252, %swap3A_253], %mul3A_251 {strides = array<i32>} : memref<128x32xf32, #tpu.memory_space<vmem>>, vector<16xf32>,
        %get3A_255 = arith.index_cast %add3A_245 : i32 to index
        %get3A_256 = arith.constant 16 : index
        %get3A_257 = tpu.vector_load %arg14[%get3A_255, %get3A_256] {strides = array<i32>} : memref<128x32xf32, #tpu.memory_space<vmem>>, vector<16xf32>,
        %mul3A_258 = arith.mulf %get3A_257, %gather3A_247 : vector<16xf32>
        %swap3A_259 = arith.index_cast %add3A_245 : i32 to index
        %swap3A_260 = arith.constant 16 : index
        %swap3A_261 = tpu.vector_load %arg14[%swap3A_259, %swap3A_260] {strides = array<i32>} : memref<128x32xf32, #tpu.memory_space<vmem>>, vector<16xf32>,
        tpu.vector_store %arg14[%swap3A_259, %swap3A_260], %mul3A_258 {strides = array<i32>} : memref<128x32xf32, #tpu.memory_space<vmem>>, vector<16xf32>,
      }
      %scan3A_163 = arith.constant 128 : i32
      %dma_wait3A_164 = arith.constant 0 : i32
      %dma_wait3A_165 = tpu.memref_slice %arg3[%select_n3A, %dma_wait3A_164] : memref<2500x128xi32, #tpu.memory_space<hbm>> -> memref<1x128xi32, #tpu.memory_space<hbm>>
      %dma_wait3A_166 = tpu.memref_squeeze %dma_wait3A_165 : memref<1x128xi32, #tpu.memory_space<hbm>> -> memref<128xi32, #tpu.memory_space<hbm>>
      %dma_wait3A_167 = arith.constant 0 : i32
      %dma_wait3A_168 = tpu.memref_slice %arg3[%select_n3A, %dma_wait3A_167] : memref<2500x128xi32, #tpu.memory_space<hbm>> -> memref<1x128xi32, #tpu.memory_space<hbm>>
      %dma_wait3A_169 = tpu.memref_squeeze %dma_wait3A_168 : memref<1x128xi32, #tpu.memory_space<hbm>> -> memref<128xi32, #tpu.memory_space<hbm>>
      tpu.wait_dma2 semaphore(%arg20 : memref<!tpu.dma_semaphore, #tpu.memory_space<semaphore_mem>>) src(%dma_wait3A_169 : memref<128xi32, #tpu.memory_space<hbm>>) dst(%arg10 : memref<128xi32, #tpu.memory_space<vmem>>)
      %dma_start3A_170 = arith.constant 0 : i32
      %dma_start3A_171 = arith.constant 0 : i32
      %dma_start3A_172 = tpu.memref_slice %arg16[%dma_start3A_170, %dma_start3A_171] : memref<10240x32xf32, #tpu.memory_space<vmem_shared>> -> memref<10240x32xf32, #tpu.memory_space<vmem_shared>>
      tpu.enqueue_indirect_dma source(%arg14 : memref<128x32xf32, #tpu.memory_space<vmem>>) target(%dma_start3A_172 : memref<10240x32xf32, #tpu.memory_space<vmem_shared>>) offsets(%arg10 : memref<128xi32, #tpu.memory_space<vmem>>) semaphore(%arg24 : memref<!tpu.dma_semaphore, #tpu.memory_space<semaphore_mem>>) {add = true}
      %add3A_173 = arith.constant 2 : i32
      %add3A_174 = arith.addi %add3A_149, %add3A_173 : i32
      %lt3A_175 = arith.cmpi slt, %add3A_174, %select_n3A_12 : i32
      %convert_element_type3A_176 = arith.extui %lt3A_175 : i1 to i32
      %cond3A_177 = arith.constant 0 : i32
      %cond3A_178 = arith.cmpi ne, %convert_element_type3A_176, %cond3A_177 : i32
      scf.if %cond3A_178 {
        %add3A_179 = arith.addi %select_n3A, %add3A_149 : i32
        %add3A_180 = arith.constant 2 : i32
        %add3A_181 = arith.addi %add3A_179, %add3A_180 : i32
        %dma_start3A_182 = arith.constant 0 : i32
        %dma_start3A_183 = tpu.memref_slice %arg2[%add3A_181, %dma_start3A_182] : memref<2500x128xi32, #tpu.memory_space<hbm>> -> memref<1x128xi32, #tpu.memory_space<hbm>>
        %dma_start3A_184 = tpu.memref_squeeze %dma_start3A_183 : memref<1x128xi32, #tpu.memory_space<hbm>> -> memref<128xi32, #tpu.memory_space<hbm>>
        %dma_start3A_185 = arith.constant 0 : i32
        %dma_start3A_186 = tpu.memref_slice %arg2[%add3A_181, %dma_start3A_185] : memref<2500x128xi32, #tpu.memory_space<hbm>> -> memref<1x128xi32, #tpu.memory_space<hbm>>
        %dma_start3A_187 = tpu.memref_squeeze %dma_start3A_186 : memref<1x128xi32, #tpu.memory_space<hbm>> -> memref<128xi32, #tpu.memory_space<hbm>>
        tpu.enqueue_dma source(%dma_start3A_187 : memref<128xi32, #tpu.memory_space<hbm>>) target(%arg8 : memref<128xi32, #tpu.memory_space<vmem>>) target_semaphore(%arg18 : memref<!tpu.dma_semaphore, #tpu.memory_space<semaphore_mem>>)
        %add3A_188 = arith.addi %select_n3A, %add3A_149 : i32
        %add3A_189 = arith.constant 2 : i32
        %add3A_190 = arith.addi %add3A_188, %add3A_189 : i32
        %dma_start3A_191 = arith.constant 0 : i32
        %dma_start3A_192 = tpu.memref_slice %arg4[%add3A_190, %dma_start3A_191] : memref<2500x128xf32, #tpu.memory_space<hbm>> -> memref<1x128xf32, #tpu.memory_space<hbm>>
        %dma_start3A_193 = tpu.memref_squeeze %dma_start3A_192 : memref<1x128xf32, #tpu.memory_space<hbm>> -> memref<128xf32, #tpu.memory_space<hbm>>
        %dma_start3A_194 = arith.constant 0 : i32
        %dma_start3A_195 = tpu.memref_slice %arg4[%add3A_190, %dma_start3A_194] : memref<2500x128xf32, #tpu.memory_space<hbm>> -> memref<1x128xf32, #tpu.memory_space<hbm>>
        %dma_start3A_196 = tpu.memref_squeeze %dma_start3A_195 : memref<1x128xf32, #tpu.memory_space<hbm>> -> memref<128xf32, #tpu.memory_space<hbm>>
        tpu.enqueue_dma source(%dma_start3A_196 : memref<128xf32, #tpu.memory_space<hbm>>) target(%arg12 : memref<128xf32, #tpu.memory_space<vmem>>) target_semaphore(%arg18 : memref<!tpu.dma_semaphore, #tpu.memory_space<semaphore_mem>>)
      } else {
      }
    }
    %while3A_102 = arith.constant 1 : i32
    scf.for %while3A_114 = %while3A_100 to %while3A_96 step %while3A_102  : i32 {
      %mul3A_115 = arith.muli %while3A_114, %while3A : i32
      %add3A_116 = arith.addi %while3A_93, %mul3A_115 : i32
      %mul3A_117 = arith.constant 2 : i32
      %mul3A_118 = arith.muli %mul3A_117, %add3A_116 : i32
      %dma_wait3A_119 = arith.constant 0 : i32
      %dma_wait3A_120 = arith.constant 0 : i32
      %dma_wait3A_121 = tpu.memref_slice %arg5[%dma_wait3A_119, %dma_wait3A_120] : memref<10240x32xf32, #tpu.memory_space<hbm>> -> memref<10240x32xf32, #tpu.memory_space<hbm>>
      tpu.wait_indirect_dma semaphore(%arg21 : memref<!tpu.dma_semaphore, #tpu.memory_space<semaphore_mem>>) src(%dma_wait3A_121 : memref<10240x32xf32, #tpu.memory_space<hbm>>) dst(%arg13 : memref<128x32xf32, #tpu.memory_space<vmem>>)
      %add3A_122 = arith.constant 1 : i32
      %add3A_123 = arith.addi %mul3A_118, %add3A_122 : i32
      %lt3A_124 = arith.cmpi slt, %add3A_123, %select_n3A_12 : i32
      %convert_element_type3A = arith.extui %lt3A_124 : i1 to i32
      %cond3A = arith.constant 0 : i32
      %cond3A_125 = arith.cmpi ne, %convert_element_type3A, %cond3A : i32
      scf.if %cond3A_125 {
        %dma_wait3A_179 = arith.constant 0 : i32
        %dma_wait3A_180 = tpu.memref_slice %arg2[%select_n3A, %dma_wait3A_179] : memref<2500x128xi32, #tpu.memory_space<hbm>> -> memref<1x128xi32, #tpu.memory_space<hbm>>
        %dma_wait3A_181 = tpu.memref_squeeze %dma_wait3A_180 : memref<1x128xi32, #tpu.memory_space<hbm>> -> memref<128xi32, #tpu.memory_space<hbm>>
        %dma_wait3A_182 = arith.constant 0 : i32
        %dma_wait3A_183 = tpu.memref_slice %arg2[%select_n3A, %dma_wait3A_182] : memref<2500x128xi32, #tpu.memory_space<hbm>> -> memref<1x128xi32, #tpu.memory_space<hbm>>
        %dma_wait3A_184 = tpu.memref_squeeze %dma_wait3A_183 : memref<1x128xi32, #tpu.memory_space<hbm>> -> memref<128xi32, #tpu.memory_space<hbm>>
        tpu.wait_dma2 semaphore(%arg18 : memref<!tpu.dma_semaphore, #tpu.memory_space<semaphore_mem>>) src(%dma_wait3A_184 : memref<128xi32, #tpu.memory_space<hbm>>) dst(%arg8 : memref<128xi32, #tpu.memory_space<vmem>>)
        %dma_wait3A_185 = arith.constant 0 : i32
        %dma_wait3A_186 = tpu.memref_slice %arg4[%select_n3A, %dma_wait3A_185] : memref<2500x128xf32, #tpu.memory_space<hbm>> -> memref<1x128xf32, #tpu.memory_space<hbm>>
        %dma_wait3A_187 = tpu.memref_squeeze %dma_wait3A_186 : memref<1x128xf32, #tpu.memory_space<hbm>> -> memref<128xf32, #tpu.memory_space<hbm>>
        %dma_wait3A_188 = arith.constant 0 : i32
        %dma_wait3A_189 = tpu.memref_slice %arg4[%select_n3A, %dma_wait3A_188] : memref<2500x128xf32, #tpu.memory_space<hbm>> -> memref<1x128xf32, #tpu.memory_space<hbm>>
        %dma_wait3A_190 = tpu.memref_squeeze %dma_wait3A_189 : memref<1x128xf32, #tpu.memory_space<hbm>> -> memref<128xf32, #tpu.memory_space<hbm>>
        tpu.wait_dma2 semaphore(%arg18 : memref<!tpu.dma_semaphore, #tpu.memory_space<semaphore_mem>>) src(%dma_wait3A_190 : memref<128xf32, #tpu.memory_space<hbm>>) dst(%arg12 : memref<128xf32, #tpu.memory_space<vmem>>)
        %ge3A = arith.constant 1 : i32
        %ge3A_191 = arith.cmpi sge, %mul3A_118, %ge3A : i32
        %convert_element_type3A_192 = arith.extui %ge3A_191 : i1 to i32
        %cond3A_193 = arith.constant 0 : i32
        %cond3A_194 = arith.cmpi ne, %convert_element_type3A_192, %cond3A_193 : i32
        scf.if %cond3A_194 {
          %dma_wait3A_207 = arith.constant 0 : i32
          %dma_wait3A_208 = arith.constant 0 : i32
          %dma_wait3A_209 = tpu.memref_slice %arg16[%dma_wait3A_207, %dma_wait3A_208] : memref<10240x32xf32, #tpu.memory_space<vmem_shared>> -> memref<10240x32xf32, #tpu.memory_space<vmem_shared>>
          tpu.wait_indirect_dma semaphore(%arg24 : memref<!tpu.dma_semaphore, #tpu.memory_space<semaphore_mem>>) src(%arg14 : memref<128x32xf32, #tpu.memory_space<vmem>>) dst(%dma_wait3A_209 : memref<10240x32xf32, #tpu.memory_space<vmem_shared>>)
        } else {
        }
        %dma_start3A_195 = arith.constant 0 : i32
        %dma_start3A_196 = arith.constant 0 : i32
        %dma_start3A_197 = tpu.memref_slice %arg5[%dma_start3A_195, %dma_start3A_196] : memref<10240x32xf32, #tpu.memory_space<hbm>> -> memref<10240x32xf32, #tpu.memory_space<hbm>>
        tpu.enqueue_indirect_dma source(%dma_start3A_197 : memref<10240x32xf32, #tpu.memory_space<hbm>>) target(%arg14 : memref<128x32xf32, #tpu.memory_space<vmem>>) offsets(%arg8 : memref<128xi32, #tpu.memory_space<vmem>>) semaphore(%arg22 : memref<!tpu.dma_semaphore, #tpu.memory_space<semaphore_mem>>)
        %add3A_198 = arith.addi %select_n3A, %mul3A_118 : i32
        %add3A_199 = arith.constant 1 : i32
        %add3A_200 = arith.addi %add3A_198, %add3A_199 : i32
        %dma_start3A_201 = arith.constant 0 : i32
        %dma_start3A_202 = tpu.memref_slice %arg3[%add3A_200, %dma_start3A_201] : memref<2500x128xi32, #tpu.memory_space<hbm>> -> memref<1x128xi32, #tpu.memory_space<hbm>>
        %dma_start3A_203 = tpu.memref_squeeze %dma_start3A_202 : memref<1x128xi32, #tpu.memory_space<hbm>> -> memref<128xi32, #tpu.memory_space<hbm>>
        %dma_start3A_204 = arith.constant 0 : i32
        %dma_start3A_205 = tpu.memref_slice %arg3[%add3A_200, %dma_start3A_204] : memref<2500x128xi32, #tpu.memory_space<hbm>> -> memref<1x128xi32, #tpu.memory_space<hbm>>
        %dma_start3A_206 = tpu.memref_squeeze %dma_start3A_205 : memref<1x128xi32, #tpu.memory_space<hbm>> -> memref<128xi32, #tpu.memory_space<hbm>>
        tpu.enqueue_dma source(%dma_start3A_206 : memref<128xi32, #tpu.memory_space<hbm>>) target(%arg10 : memref<128xi32, #tpu.memory_space<vmem>>) target_semaphore(%arg20 : memref<!tpu.dma_semaphore, #tpu.memory_space<semaphore_mem>>)
      } else {
      }
      %scan3A_126 = arith.constant 0 : i32
      %scan3A_127 = arith.constant 128 : i32
      %scan3A_128 = arith.addi %scan3A_126, %scan3A_127 : i32
      %scan3A_129 = arith.constant 4 : i32
      scf.for %scan3A_179 = %scan3A_126 to %scan3A_128 step %scan3A_129  : i32 {
        %mul3A_180 = arith.constant 1 : i32
        %mul3A_181 = arith.muli %scan3A_179, %mul3A_180 : i32
        %add3A_182 = arith.constant 0 : i32
        %add3A_183 = arith.addi %add3A_182, %mul3A_181 : i32
        %broadcast_in_dim3A = vector.broadcast %add3A_183 : i32 to vector<16xi32>
        %gather3A = tpu.vector_load_idx %arg11[%broadcast_in_dim3A] : memref<128xf32, #tpu.memory_space<vmem>>[vector<16xi32>], vector<16xf32>,
        %get3A = arith.index_cast %add3A_183 : i32 to index
        %get3A_184 = arith.constant 0 : index
        %get3A_185 = tpu.vector_load %arg13[%get3A, %get3A_184] {strides = array<i32>} : memref<128x32xf32, #tpu.memory_space<vmem>>, vector<16xf32>,
        %mul3A_186 = arith.mulf %get3A_185, %gather3A : vector<16xf32>
        %swap3A = arith.index_cast %add3A_183 : i32 to index
        %swap3A_187 = arith.constant 0 : index
        %swap3A_188 = tpu.vector_load %arg13[%swap3A, %swap3A_187] {strides = array<i32>} : memref<128x32xf32, #tpu.memory_space<vmem>>, vector<16xf32>,
        tpu.vector_store %arg13[%swap3A, %swap3A_187], %mul3A_186 {strides = array<i32>} : memref<128x32xf32, #tpu.memory_space<vmem>>, vector<16xf32>,
        %get3A_189 = arith.index_cast %add3A_183 : i32 to index
        %get3A_190 = arith.constant 16 : index
        %get3A_191 = tpu.vector_load %arg13[%get3A_189, %get3A_190] {strides = array<i32>} : memref<128x32xf32, #tpu.memory_space<vmem>>, vector<16xf32>,
        %mul3A_192 = arith.mulf %get3A_191, %gather3A : vector<16xf32>
        %swap3A_193 = arith.index_cast %add3A_183 : i32 to index
        %swap3A_194 = arith.constant 16 : index
        %swap3A_195 = tpu.vector_load %arg13[%swap3A_193, %swap3A_194] {strides = array<i32>} : memref<128x32xf32, #tpu.memory_space<vmem>>, vector<16xf32>,
        tpu.vector_store %arg13[%swap3A_193, %swap3A_194], %mul3A_192 {strides = array<i32>} : memref<128x32xf32, #tpu.memory_space<vmem>>, vector<16xf32>,
        %scan3A_196 = arith.constant 1 : i32
        %scan3A_197 = arith.addi %scan3A_179, %scan3A_196 : i32
        %mul3A_198 = arith.constant 1 : i32
        %mul3A_199 = arith.muli %scan3A_197, %mul3A_198 : i32
        %add3A_200 = arith.constant 0 : i32
        %add3A_201 = arith.addi %add3A_200, %mul3A_199 : i32
        %broadcast_in_dim3A_202 = vector.broadcast %add3A_201 : i32 to vector<16xi32>
        %gather3A_203 = tpu.vector_load_idx %arg11[%broadcast_in_dim3A_202] : memref<128xf32, #tpu.memory_space<vmem>>[vector<16xi32>], vector<16xf32>,
        %get3A_204 = arith.index_cast %add3A_201 : i32 to index
        %get3A_205 = arith.constant 0 : index
        %get3A_206 = tpu.vector_load %arg13[%get3A_204, %get3A_205] {strides = array<i32>} : memref<128x32xf32, #tpu.memory_space<vmem>>, vector<16xf32>,
        %mul3A_207 = arith.mulf %get3A_206, %gather3A_203 : vector<16xf32>
        %swap3A_208 = arith.index_cast %add3A_201 : i32 to index
        %swap3A_209 = arith.constant 0 : index
        %swap3A_210 = tpu.vector_load %arg13[%swap3A_208, %swap3A_209] {strides = array<i32>} : memref<128x32xf32, #tpu.memory_space<vmem>>, vector<16xf32>,
        tpu.vector_store %arg13[%swap3A_208, %swap3A_209], %mul3A_207 {strides = array<i32>} : memref<128x32xf32, #tpu.memory_space<vmem>>, vector<16xf32>,
        %get3A_211 = arith.index_cast %add3A_201 : i32 to index
        %get3A_212 = arith.constant 16 : index
        %get3A_213 = tpu.vector_load %arg13[%get3A_211, %get3A_212] {strides = array<i32>} : memref<128x32xf32, #tpu.memory_space<vmem>>, vector<16xf32>,
        %mul3A_214 = arith.mulf %get3A_213, %gather3A_203 : vector<16xf32>
        %swap3A_215 = arith.index_cast %add3A_201 : i32 to index
        %swap3A_216 = arith.constant 16 : index
        %swap3A_217 = tpu.vector_load %arg13[%swap3A_215, %swap3A_216] {strides = array<i32>} : memref<128x32xf32, #tpu.memory_space<vmem>>, vector<16xf32>,
        tpu.vector_store %arg13[%swap3A_215, %swap3A_216], %mul3A_214 {strides = array<i32>} : memref<128x32xf32, #tpu.memory_space<vmem>>, vector<16xf32>,
        %scan3A_218 = arith.constant 2 : i32
        %scan3A_219 = arith.addi %scan3A_179, %scan3A_218 : i32
        %mul3A_220 = arith.constant 1 : i32
        %mul3A_221 = arith.muli %scan3A_219, %mul3A_220 : i32
        %add3A_222 = arith.constant 0 : i32
        %add3A_223 = arith.addi %add3A_222, %mul3A_221 : i32
        %broadcast_in_dim3A_224 = vector.broadcast %add3A_223 : i32 to vector<16xi32>
        %gather3A_225 = tpu.vector_load_idx %arg11[%broadcast_in_dim3A_224] : memref<128xf32, #tpu.memory_space<vmem>>[vector<16xi32>], vector<16xf32>,
        %get3A_226 = arith.index_cast %add3A_223 : i32 to index
        %get3A_227 = arith.constant 0 : index
        %get3A_228 = tpu.vector_load %arg13[%get3A_226, %get3A_227] {strides = array<i32>} : memref<128x32xf32, #tpu.memory_space<vmem>>, vector<16xf32>,
        %mul3A_229 = arith.mulf %get3A_228, %gather3A_225 : vector<16xf32>
        %swap3A_230 = arith.index_cast %add3A_223 : i32 to index
        %swap3A_231 = arith.constant 0 : index
        %swap3A_232 = tpu.vector_load %arg13[%swap3A_230, %swap3A_231] {strides = array<i32>} : memref<128x32xf32, #tpu.memory_space<vmem>>, vector<16xf32>,
        tpu.vector_store %arg13[%swap3A_230, %swap3A_231], %mul3A_229 {strides = array<i32>} : memref<128x32xf32, #tpu.memory_space<vmem>>, vector<16xf32>,
        %get3A_233 = arith.index_cast %add3A_223 : i32 to index
        %get3A_234 = arith.constant 16 : index
        %get3A_235 = tpu.vector_load %arg13[%get3A_233, %get3A_234] {strides = array<i32>} : memref<128x32xf32, #tpu.memory_space<vmem>>, vector<16xf32>,
        %mul3A_236 = arith.mulf %get3A_235, %gather3A_225 : vector<16xf32>
        %swap3A_237 = arith.index_cast %add3A_223 : i32 to index
        %swap3A_238 = arith.constant 16 : index
        %swap3A_239 = tpu.vector_load %arg13[%swap3A_237, %swap3A_238] {strides = array<i32>} : memref<128x32xf32, #tpu.memory_space<vmem>>, vector<16xf32>,
        tpu.vector_store %arg13[%swap3A_237, %swap3A_238], %mul3A_236 {strides = array<i32>} : memref<128x32xf32, #tpu.memory_space<vmem>>, vector<16xf32>,
        %scan3A_240 = arith.constant 3 : i32
        %scan3A_241 = arith.addi %scan3A_179, %scan3A_240 : i32
        %mul3A_242 = arith.constant 1 : i32
        %mul3A_243 = arith.muli %scan3A_241, %mul3A_242 : i32
        %add3A_244 = arith.constant 0 : i32
        %add3A_245 = arith.addi %add3A_244, %mul3A_243 : i32
        %broadcast_in_dim3A_246 = vector.broadcast %add3A_245 : i32 to vector<16xi32>
        %gather3A_247 = tpu.vector_load_idx %arg11[%broadcast_in_dim3A_246] : memref<128xf32, #tpu.memory_space<vmem>>[vector<16xi32>], vector<16xf32>,
        %get3A_248 = arith.index_cast %add3A_245 : i32 to index
        %get3A_249 = arith.constant 0 : index
        %get3A_250 = tpu.vector_load %arg13[%get3A_248, %get3A_249] {strides = array<i32>} : memref<128x32xf32, #tpu.memory_space<vmem>>, vector<16xf32>,
        %mul3A_251 = arith.mulf %get3A_250, %gather3A_247 : vector<16xf32>
        %swap3A_252 = arith.index_cast %add3A_245 : i32 to index
        %swap3A_253 = arith.constant 0 : index
        %swap3A_254 = tpu.vector_load %arg13[%swap3A_252, %swap3A_253] {strides = array<i32>} : memref<128x32xf32, #tpu.memory_space<vmem>>, vector<16xf32>,
        tpu.vector_store %arg13[%swap3A_252, %swap3A_253], %mul3A_251 {strides = array<i32>} : memref<128x32xf32, #tpu.memory_space<vmem>>, vector<16xf32>,
        %get3A_255 = arith.index_cast %add3A_245 : i32 to index
        %get3A_256 = arith.constant 16 : index
        %get3A_257 = tpu.vector_load %arg13[%get3A_255, %get3A_256] {strides = array<i32>} : memref<128x32xf32, #tpu.memory_space<vmem>>, vector<16xf32>,
        %mul3A_258 = arith.mulf %get3A_257, %gather3A_247 : vector<16xf32>
        %swap3A_259 = arith.index_cast %add3A_245 : i32 to index
        %swap3A_260 = arith.constant 16 : index
        %swap3A_261 = tpu.vector_load %arg13[%swap3A_259, %swap3A_260] {strides = array<i32>} : memref<128x32xf32, #tpu.memory_space<vmem>>, vector<16xf32>,
        tpu.vector_store %arg13[%swap3A_259, %swap3A_260], %mul3A_258 {strides = array<i32>} : memref<128x32xf32, #tpu.memory_space<vmem>>, vector<16xf32>,
      }
      %scan3A_130 = arith.constant 128 : i32
      %dma_wait3A_131 = arith.constant 0 : i32
      %dma_wait3A_132 = tpu.memref_slice %arg3[%select_n3A, %dma_wait3A_131] : memref<2500x128xi32, #tpu.memory_space<hbm>> -> memref<1x128xi32, #tpu.memory_space<hbm>>
      %dma_wait3A_133 = tpu.memref_squeeze %dma_wait3A_132 : memref<1x128xi32, #tpu.memory_space<hbm>> -> memref<128xi32, #tpu.memory_space<hbm>>
      %dma_wait3A_134 = arith.constant 0 : i32
      %dma_wait3A_135 = tpu.memref_slice %arg3[%select_n3A, %dma_wait3A_134] : memref<2500x128xi32, #tpu.memory_space<hbm>> -> memref<1x128xi32, #tpu.memory_space<hbm>>
      %dma_wait3A_136 = tpu.memref_squeeze %dma_wait3A_135 : memref<1x128xi32, #tpu.memory_space<hbm>> -> memref<128xi32, #tpu.memory_space<hbm>>
      tpu.wait_dma2 semaphore(%arg19 : memref<!tpu.dma_semaphore, #tpu.memory_space<semaphore_mem>>) src(%dma_wait3A_136 : memref<128xi32, #tpu.memory_space<hbm>>) dst(%arg9 : memref<128xi32, #tpu.memory_space<vmem>>)
      %dma_start3A_137 = arith.constant 0 : i32
      %dma_start3A_138 = arith.constant 0 : i32
      %dma_start3A_139 = tpu.memref_slice %arg16[%dma_start3A_137, %dma_start3A_138] : memref<10240x32xf32, #tpu.memory_space<vmem_shared>> -> memref<10240x32xf32, #tpu.memory_space<vmem_shared>>
      tpu.enqueue_indirect_dma source(%arg13 : memref<128x32xf32, #tpu.memory_space<vmem>>) target(%dma_start3A_139 : memref<10240x32xf32, #tpu.memory_space<vmem_shared>>) offsets(%arg9 : memref<128xi32, #tpu.memory_space<vmem>>) semaphore(%arg23 : memref<!tpu.dma_semaphore, #tpu.memory_space<semaphore_mem>>) {add = true}
      %add3A_140 = arith.constant 2 : i32
      %add3A_141 = arith.addi %mul3A_118, %add3A_140 : i32
      %lt3A_142 = arith.cmpi slt, %add3A_141, %select_n3A_12 : i32
      %convert_element_type3A_143 = arith.extui %lt3A_142 : i1 to i32
      %cond3A_144 = arith.constant 0 : i32
      %cond3A_145 = arith.cmpi ne, %convert_element_type3A_143, %cond3A_144 : i32
      scf.if %cond3A_145 {
        %add3A_179 = arith.addi %select_n3A, %mul3A_118 : i32
        %add3A_180 = arith.constant 2 : i32
        %add3A_181 = arith.addi %add3A_179, %add3A_180 : i32
        %dma_start3A_182 = arith.constant 0 : i32
        %dma_start3A_183 = tpu.memref_slice %arg2[%add3A_181, %dma_start3A_182] : memref<2500x128xi32, #tpu.memory_space<hbm>> -> memref<1x128xi32, #tpu.memory_space<hbm>>
        %dma_start3A_184 = tpu.memref_squeeze %dma_start3A_183 : memref<1x128xi32, #tpu.memory_space<hbm>> -> memref<128xi32, #tpu.memory_space<hbm>>
        %dma_start3A_185 = arith.constant 0 : i32
        %dma_start3A_186 = tpu.memref_slice %arg2[%add3A_181, %dma_start3A_185] : memref<2500x128xi32, #tpu.memory_space<hbm>> -> memref<1x128xi32, #tpu.memory_space<hbm>>
        %dma_start3A_187 = tpu.memref_squeeze %dma_start3A_186 : memref<1x128xi32, #tpu.memory_space<hbm>> -> memref<128xi32, #tpu.memory_space<hbm>>
        tpu.enqueue_dma source(%dma_start3A_187 : memref<128xi32, #tpu.memory_space<hbm>>) target(%arg7 : memref<128xi32, #tpu.memory_space<vmem>>) target_semaphore(%arg17 : memref<!tpu.dma_semaphore, #tpu.memory_space<semaphore_mem>>)
        %add3A_188 = arith.addi %select_n3A, %mul3A_118 : i32
        %add3A_189 = arith.constant 2 : i32
        %add3A_190 = arith.addi %add3A_188, %add3A_189 : i32
        %dma_start3A_191 = arith.constant 0 : i32
        %dma_start3A_192 = tpu.memref_slice %arg4[%add3A_190, %dma_start3A_191] : memref<2500x128xf32, #tpu.memory_space<hbm>> -> memref<1x128xf32, #tpu.memory_space<hbm>>
        %dma_start3A_193 = tpu.memref_squeeze %dma_start3A_192 : memref<1x128xf32, #tpu.memory_space<hbm>> -> memref<128xf32, #tpu.memory_space<hbm>>
        %dma_start3A_194 = arith.constant 0 : i32
        %dma_start3A_195 = tpu.memref_slice %arg4[%add3A_190, %dma_start3A_194] : memref<2500x128xf32, #tpu.memory_space<hbm>> -> memref<1x128xf32, #tpu.memory_space<hbm>>
        %dma_start3A_196 = tpu.memref_squeeze %dma_start3A_195 : memref<1x128xf32, #tpu.memory_space<hbm>> -> memref<128xf32, #tpu.memory_space<hbm>>
        tpu.enqueue_dma source(%dma_start3A_196 : memref<128xf32, #tpu.memory_space<hbm>>) target(%arg11 : memref<128xf32, #tpu.memory_space<vmem>>) target_semaphore(%arg17 : memref<!tpu.dma_semaphore, #tpu.memory_space<semaphore_mem>>)
      } else {
      }
      %mul3A_146 = arith.constant 2 : i32
      %mul3A_147 = arith.muli %mul3A_146, %add3A_116 : i32
      %add3A_148 = arith.constant 1 : i32
      %add3A_149 = arith.addi %mul3A_147, %add3A_148 : i32
      %dma_wait3A_150 = arith.constant 0 : i32
      %dma_wait3A_151 = arith.constant 0 : i32
      %dma_wait3A_152 = tpu.memref_slice %arg5[%dma_wait3A_150, %dma_wait3A_151] : memref<10240x32xf32, #tpu.memory_space<hbm>> -> memref<10240x32xf32, #tpu.memory_space<hbm>>
      tpu.wait_indirect_dma semaphore(%arg22 : memref<!tpu.dma_semaphore, #tpu.memory_space<semaphore_mem>>) src(%dma_wait3A_152 : memref<10240x32xf32, #tpu.memory_space<hbm>>) dst(%arg14 : memref<128x32xf32, #tpu.memory_space<vmem>>)
      %add3A_153 = arith.constant 1 : i32
      %add3A_154 = arith.addi %add3A_149, %add3A_153 : i32
      %lt3A_155 = arith.cmpi slt, %add3A_154, %select_n3A_12 : i32
      %convert_element_type3A_156 = arith.extui %lt3A_155 : i1 to i32
      %cond3A_157 = arith.constant 0 : i32
      %cond3A_158 = arith.cmpi ne, %convert_element_type3A_156, %cond3A_157 : i32
      scf.if %cond3A_158 {
        %dma_wait3A_179 = arith.constant 0 : i32
        %dma_wait3A_180 = tpu.memref_slice %arg2[%select_n3A, %dma_wait3A_179] : memref<2500x128xi32, #tpu.memory_space<hbm>> -> memref<1x128xi32, #tpu.memory_space<hbm>>
        %dma_wait3A_181 = tpu.memref_squeeze %dma_wait3A_180 : memref<1x128xi32, #tpu.memory_space<hbm>> -> memref<128xi32, #tpu.memory_space<hbm>>
        %dma_wait3A_182 = arith.constant 0 : i32
        %dma_wait3A_183 = tpu.memref_slice %arg2[%select_n3A, %dma_wait3A_182] : memref<2500x128xi32, #tpu.memory_space<hbm>> -> memref<1x128xi32, #tpu.memory_space<hbm>>
        %dma_wait3A_184 = tpu.memref_squeeze %dma_wait3A_183 : memref<1x128xi32, #tpu.memory_space<hbm>> -> memref<128xi32, #tpu.memory_space<hbm>>
        tpu.wait_dma2 semaphore(%arg17 : memref<!tpu.dma_semaphore, #tpu.memory_space<semaphore_mem>>) src(%dma_wait3A_184 : memref<128xi32, #tpu.memory_space<hbm>>) dst(%arg7 : memref<128xi32, #tpu.memory_space<vmem>>)
        %dma_wait3A_185 = arith.constant 0 : i32
        %dma_wait3A_186 = tpu.memref_slice %arg4[%select_n3A, %dma_wait3A_185] : memref<2500x128xf32, #tpu.memory_space<hbm>> -> memref<1x128xf32, #tpu.memory_space<hbm>>
        %dma_wait3A_187 = tpu.memref_squeeze %dma_wait3A_186 : memref<1x128xf32, #tpu.memory_space<hbm>> -> memref<128xf32, #tpu.memory_space<hbm>>
        %dma_wait3A_188 = arith.constant 0 : i32
        %dma_wait3A_189 = tpu.memref_slice %arg4[%select_n3A, %dma_wait3A_188] : memref<2500x128xf32, #tpu.memory_space<hbm>> -> memref<1x128xf32, #tpu.memory_space<hbm>>
        %dma_wait3A_190 = tpu.memref_squeeze %dma_wait3A_189 : memref<1x128xf32, #tpu.memory_space<hbm>> -> memref<128xf32, #tpu.memory_space<hbm>>
        tpu.wait_dma2 semaphore(%arg17 : memref<!tpu.dma_semaphore, #tpu.memory_space<semaphore_mem>>) src(%dma_wait3A_190 : memref<128xf32, #tpu.memory_space<hbm>>) dst(%arg11 : memref<128xf32, #tpu.memory_space<vmem>>)
        %ge3A = arith.constant 1 : i32
        %ge3A_191 = arith.cmpi sge, %add3A_149, %ge3A : i32
        %convert_element_type3A_192 = arith.extui %ge3A_191 : i1 to i32
        %cond3A_193 = arith.constant 0 : i32
        %cond3A_194 = arith.cmpi ne, %convert_element_type3A_192, %cond3A_193 : i32
        scf.if %cond3A_194 {
          %dma_wait3A_207 = arith.constant 0 : i32
          %dma_wait3A_208 = arith.constant 0 : i32
          %dma_wait3A_209 = tpu.memref_slice %arg16[%dma_wait3A_207, %dma_wait3A_208] : memref<10240x32xf32, #tpu.memory_space<vmem_shared>> -> memref<10240x32xf32, #tpu.memory_space<vmem_shared>>
          tpu.wait_indirect_dma semaphore(%arg23 : memref<!tpu.dma_semaphore, #tpu.memory_space<semaphore_mem>>) src(%arg13 : memref<128x32xf32, #tpu.memory_space<vmem>>) dst(%dma_wait3A_209 : memref<10240x32xf32, #tpu.memory_space<vmem_shared>>)
        } else {
        }
        %dma_start3A_195 = arith.constant 0 : i32
        %dma_start3A_196 = arith.constant 0 : i32
        %dma_start3A_197 = tpu.memref_slice %arg5[%dma_start3A_195, %dma_start3A_196] : memref<10240x32xf32, #tpu.memory_space<hbm>> -> memref<10240x32xf32, #tpu.memory_space<hbm>>
        tpu.enqueue_indirect_dma source(%dma_start3A_197 : memref<10240x32xf32, #tpu.memory_space<hbm>>) target(%arg13 : memref<128x32xf32, #tpu.memory_space<vmem>>) offsets(%arg7 : memref<128xi32, #tpu.memory_space<vmem>>) semaphore(%arg21 : memref<!tpu.dma_semaphore, #tpu.memory_space<semaphore_mem>>)
        %add3A_198 = arith.addi %select_n3A, %add3A_149 : i32
        %add3A_199 = arith.constant 1 : i32
        %add3A_200 = arith.addi %add3A_198, %add3A_199 : i32
        %dma_start3A_201 = arith.constant 0 : i32
        %dma_start3A_202 = tpu.memref_slice %arg3[%add3A_200, %dma_start3A_201] : memref<2500x128xi32, #tpu.memory_space<hbm>> -> memref<1x128xi32, #tpu.memory_space<hbm>>
        %dma_start3A_203 = tpu.memref_squeeze %dma_start3A_202 : memref<1x128xi32, #tpu.memory_space<hbm>> -> memref<128xi32, #tpu.memory_space<hbm>>
        %dma_start3A_204 = arith.constant 0 : i32
        %dma_start3A_205 = tpu.memref_slice %arg3[%add3A_200, %dma_start3A_204] : memref<2500x128xi32, #tpu.memory_space<hbm>> -> memref<1x128xi32, #tpu.memory_space<hbm>>
        %dma_start3A_206 = tpu.memref_squeeze %dma_start3A_205 : memref<1x128xi32, #tpu.memory_space<hbm>> -> memref<128xi32, #tpu.memory_space<hbm>>
        tpu.enqueue_dma source(%dma_start3A_206 : memref<128xi32, #tpu.memory_space<hbm>>) target(%arg9 : memref<128xi32, #tpu.memory_space<vmem>>) target_semaphore(%arg19 : memref<!tpu.dma_semaphore, #tpu.memory_space<semaphore_mem>>)
      } else {
      }
      %scan3A_159 = arith.constant 0 : i32
      %scan3A_160 = arith.constant 128 : i32
      %scan3A_161 = arith.addi %scan3A_159, %scan3A_160 : i32
      %scan3A_162 = arith.constant 4 : i32
      scf.for %scan3A_179 = %scan3A_159 to %scan3A_161 step %scan3A_162  : i32 {
        %mul3A_180 = arith.constant 1 : i32
        %mul3A_181 = arith.muli %scan3A_179, %mul3A_180 : i32
        %add3A_182 = arith.constant 0 : i32
        %add3A_183 = arith.addi %add3A_182, %mul3A_181 : i32
        %broadcast_in_dim3A = vector.broadcast %add3A_183 : i32 to vector<16xi32>
        %gather3A = tpu.vector_load_idx %arg12[%broadcast_in_dim3A] : memref<128xf32, #tpu.memory_space<vmem>>[vector<16xi32>], vector<16xf32>,
        %get3A = arith.index_cast %add3A_183 : i32 to index
        %get3A_184 = arith.constant 0 : index
        %get3A_185 = tpu.vector_load %arg14[%get3A, %get3A_184] {strides = array<i32>} : memref<128x32xf32, #tpu.memory_space<vmem>>, vector<16xf32>,
        %mul3A_186 = arith.mulf %get3A_185, %gather3A : vector<16xf32>
        %swap3A = arith.index_cast %add3A_183 : i32 to index
        %swap3A_187 = arith.constant 0 : index
        %swap3A_188 = tpu.vector_load %arg14[%swap3A, %swap3A_187] {strides = array<i32>} : memref<128x32xf32, #tpu.memory_space<vmem>>, vector<16xf32>,
        tpu.vector_store %arg14[%swap3A, %swap3A_187], %mul3A_186 {strides = array<i32>} : memref<128x32xf32, #tpu.memory_space<vmem>>, vector<16xf32>,
        %get3A_189 = arith.index_cast %add3A_183 : i32 to index
        %get3A_190 = arith.constant 16 : index
        %get3A_191 = tpu.vector_load %arg14[%get3A_189, %get3A_190] {strides = array<i32>} : memref<128x32xf32, #tpu.memory_space<vmem>>, vector<16xf32>,
        %mul3A_192 = arith.mulf %get3A_191, %gather3A : vector<16xf32>
        %swap3A_193 = arith.index_cast %add3A_183 : i32 to index
        %swap3A_194 = arith.constant 16 : index
        %swap3A_195 = tpu.vector_load %arg14[%swap3A_193, %swap3A_194] {strides = array<i32>} : memref<128x32xf32, #tpu.memory_space<vmem>>, vector<16xf32>,
        tpu.vector_store %arg14[%swap3A_193, %swap3A_194], %mul3A_192 {strides = array<i32>} : memref<128x32xf32, #tpu.memory_space<vmem>>, vector<16xf32>,
        %scan3A_196 = arith.constant 1 : i32
        %scan3A_197 = arith.addi %scan3A_179, %scan3A_196 : i32
        %mul3A_198 = arith.constant 1 : i32
        %mul3A_199 = arith.muli %scan3A_197, %mul3A_198 : i32
        %add3A_200 = arith.constant 0 : i32
        %add3A_201 = arith.addi %add3A_200, %mul3A_199 : i32
        %broadcast_in_dim3A_202 = vector.broadcast %add3A_201 : i32 to vector<16xi32>
        %gather3A_203 = tpu.vector_load_idx %arg12[%broadcast_in_dim3A_202] : memref<128xf32, #tpu.memory_space<vmem>>[vector<16xi32>], vector<16xf32>,
        %get3A_204 = arith.index_cast %add3A_201 : i32 to index
        %get3A_205 = arith.constant 0 : index
        %get3A_206 = tpu.vector_load %arg14[%get3A_204, %get3A_205] {strides = array<i32>} : memref<128x32xf32, #tpu.memory_space<vmem>>, vector<16xf32>,
        %mul3A_207 = arith.mulf %get3A_206, %gather3A_203 : vector<16xf32>
        %swap3A_208 = arith.index_cast %add3A_201 : i32 to index
        %swap3A_209 = arith.constant 0 : index
        %swap3A_210 = tpu.vector_load %arg14[%swap3A_208, %swap3A_209] {strides = array<i32>} : memref<128x32xf32, #tpu.memory_space<vmem>>, vector<16xf32>,
        tpu.vector_store %arg14[%swap3A_208, %swap3A_209], %mul3A_207 {strides = array<i32>} : memref<128x32xf32, #tpu.memory_space<vmem>>, vector<16xf32>,
        %get3A_211 = arith.index_cast %add3A_201 : i32 to index
        %get3A_212 = arith.constant 16 : index
        %get3A_213 = tpu.vector_load %arg14[%get3A_211, %get3A_212] {strides = array<i32>} : memref<128x32xf32, #tpu.memory_space<vmem>>, vector<16xf32>,
        %mul3A_214 = arith.mulf %get3A_213, %gather3A_203 : vector<16xf32>
        %swap3A_215 = arith.index_cast %add3A_201 : i32 to index
        %swap3A_216 = arith.constant 16 : index
        %swap3A_217 = tpu.vector_load %arg14[%swap3A_215, %swap3A_216] {strides = array<i32>} : memref<128x32xf32, #tpu.memory_space<vmem>>, vector<16xf32>,
        tpu.vector_store %arg14[%swap3A_215, %swap3A_216], %mul3A_214 {strides = array<i32>} : memref<128x32xf32, #tpu.memory_space<vmem>>, vector<16xf32>,
        %scan3A_218 = arith.constant 2 : i32
        %scan3A_219 = arith.addi %scan3A_179, %scan3A_218 : i32
        %mul3A_220 = arith.constant 1 : i32
        %mul3A_221 = arith.muli %scan3A_219, %mul3A_220 : i32
        %add3A_222 = arith.constant 0 : i32
        %add3A_223 = arith.addi %add3A_222, %mul3A_221 : i32
        %broadcast_in_dim3A_224 = vector.broadcast %add3A_223 : i32 to vector<16xi32>
        %gather3A_225 = tpu.vector_load_idx %arg12[%broadcast_in_dim3A_224] : memref<128xf32, #tpu.memory_space<vmem>>[vector<16xi32>], vector<16xf32>,
        %get3A_226 = arith.index_cast %add3A_223 : i32 to index
        %get3A_227 = arith.constant 0 : index
        %get3A_228 = tpu.vector_load %arg14[%get3A_226, %get3A_227] {strides = array<i32>} : memref<128x32xf32, #tpu.memory_space<vmem>>, vector<16xf32>,
        %mul3A_229 = arith.mulf %get3A_228, %gather3A_225 : vector<16xf32>
        %swap3A_230 = arith.index_cast %add3A_223 : i32 to index
        %swap3A_231 = arith.constant 0 : index
        %swap3A_232 = tpu.vector_load %arg14[%swap3A_230, %swap3A_231] {strides = array<i32>} : memref<128x32xf32, #tpu.memory_space<vmem>>, vector<16xf32>,
        tpu.vector_store %arg14[%swap3A_230, %swap3A_231], %mul3A_229 {strides = array<i32>} : memref<128x32xf32, #tpu.memory_space<vmem>>, vector<16xf32>,
        %get3A_233 = arith.index_cast %add3A_223 : i32 to index
        %get3A_234 = arith.constant 16 : index
        %get3A_235 = tpu.vector_load %arg14[%get3A_233, %get3A_234] {strides = array<i32>} : memref<128x32xf32, #tpu.memory_space<vmem>>, vector<16xf32>,
        %mul3A_236 = arith.mulf %get3A_235, %gather3A_225 : vector<16xf32>
        %swap3A_237 = arith.index_cast %add3A_223 : i32 to index
        %swap3A_238 = arith.constant 16 : index
        %swap3A_239 = tpu.vector_load %arg14[%swap3A_237, %swap3A_238] {strides = array<i32>} : memref<128x32xf32, #tpu.memory_space<vmem>>, vector<16xf32>,
        tpu.vector_store %arg14[%swap3A_237, %swap3A_238], %mul3A_236 {strides = array<i32>} : memref<128x32xf32, #tpu.memory_space<vmem>>, vector<16xf32>,
        %scan3A_240 = arith.constant 3 : i32
        %scan3A_241 = arith.addi %scan3A_179, %scan3A_240 : i32
        %mul3A_242 = arith.constant 1 : i32
        %mul3A_243 = arith.muli %scan3A_241, %mul3A_242 : i32
        %add3A_244 = arith.constant 0 : i32
        %add3A_245 = arith.addi %add3A_244, %mul3A_243 : i32
        %broadcast_in_dim3A_246 = vector.broadcast %add3A_245 : i32 to vector<16xi32>
        %gather3A_247 = tpu.vector_load_idx %arg12[%broadcast_in_dim3A_246] : memref<128xf32, #tpu.memory_space<vmem>>[vector<16xi32>], vector<16xf32>,
        %get3A_248 = arith.index_cast %add3A_245 : i32 to index
        %get3A_249 = arith.constant 0 : index
        %get3A_250 = tpu.vector_load %arg14[%get3A_248, %get3A_249] {strides = array<i32>} : memref<128x32xf32, #tpu.memory_space<vmem>>, vector<16xf32>,
        %mul3A_251 = arith.mulf %get3A_250, %gather3A_247 : vector<16xf32>
        %swap3A_252 = arith.index_cast %add3A_245 : i32 to index
        %swap3A_253 = arith.constant 0 : index
        %swap3A_254 = tpu.vector_load %arg14[%swap3A_252, %swap3A_253] {strides = array<i32>} : memref<128x32xf32, #tpu.memory_space<vmem>>, vector<16xf32>,
        tpu.vector_store %arg14[%swap3A_252, %swap3A_253], %mul3A_251 {strides = array<i32>} : memref<128x32xf32, #tpu.memory_space<vmem>>, vector<16xf32>,
        %get3A_255 = arith.index_cast %add3A_245 : i32 to index
        %get3A_256 = arith.constant 16 : index
        %get3A_257 = tpu.vector_load %arg14[%get3A_255, %get3A_256] {strides = array<i32>} : memref<128x32xf32, #tpu.memory_space<vmem>>, vector<16xf32>,
        %mul3A_258 = arith.mulf %get3A_257, %gather3A_247 : vector<16xf32>
        %swap3A_259 = arith.index_cast %add3A_245 : i32 to index
        %swap3A_260 = arith.constant 16 : index
        %swap3A_261 = tpu.vector_load %arg14[%swap3A_259, %swap3A_260] {strides = array<i32>} : memref<128x32xf32, #tpu.memory_space<vmem>>, vector<16xf32>,
        tpu.vector_store %arg14[%swap3A_259, %swap3A_260], %mul3A_258 {strides = array<i32>} : memref<128x32xf32, #tpu.memory_space<vmem>>, vector<16xf32>,
      }
      %scan3A_163 = arith.constant 128 : i32
      %dma_wait3A_164 = arith.constant 0 : i32
      %dma_wait3A_165 = tpu.memref_slice %arg3[%select_n3A, %dma_wait3A_164] : memref<2500x128xi32, #tpu.memory_space<hbm>> -> memref<1x128xi32, #tpu.memory_space<hbm>>
      %dma_wait3A_166 = tpu.memref_squeeze %dma_wait3A_165 : memref<1x128xi32, #tpu.memory_space<hbm>> -> memref<128xi32, #tpu.memory_space<hbm>>
      %dma_wait3A_167 = arith.constant 0 : i32
      %dma_wait3A_168 = tpu.memref_slice %arg3[%select_n3A, %dma_wait3A_167] : memref<2500x128xi32, #tpu.memory_space<hbm>> -> memref<1x128xi32, #tpu.memory_space<hbm>>
      %dma_wait3A_169 = tpu.memref_squeeze %dma_wait3A_168 : memref<1x128xi32, #tpu.memory_space<hbm>> -> memref<128xi32, #tpu.memory_space<hbm>>
      tpu.wait_dma2 semaphore(%arg20 : memref<!tpu.dma_semaphore, #tpu.memory_space<semaphore_mem>>) src(%dma_wait3A_169 : memref<128xi32, #tpu.memory_space<hbm>>) dst(%arg10 : memref<128xi32, #tpu.memory_space<vmem>>)
      %dma_start3A_170 = arith.constant 0 : i32
      %dma_start3A_171 = arith.constant 0 : i32
      %dma_start3A_172 = tpu.memref_slice %arg16[%dma_start3A_170, %dma_start3A_171] : memref<10240x32xf32, #tpu.memory_space<vmem_shared>> -> memref<10240x32xf32, #tpu.memory_space<vmem_shared>>
      tpu.enqueue_indirect_dma source(%arg14 : memref<128x32xf32, #tpu.memory_space<vmem>>) target(%dma_start3A_172 : memref<10240x32xf32, #tpu.memory_space<vmem_shared>>) offsets(%arg10 : memref<128xi32, #tpu.memory_space<vmem>>) semaphore(%arg24 : memref<!tpu.dma_semaphore, #tpu.memory_space<semaphore_mem>>) {add = true}
      %add3A_173 = arith.constant 2 : i32
      %add3A_174 = arith.addi %add3A_149, %add3A_173 : i32
      %lt3A_175 = arith.cmpi slt, %add3A_174, %select_n3A_12 : i32
      %convert_element_type3A_176 = arith.extui %lt3A_175 : i1 to i32
      %cond3A_177 = arith.constant 0 : i32
      %cond3A_178 = arith.cmpi ne, %convert_element_type3A_176, %cond3A_177 : i32
      scf.if %cond3A_178 {
        %add3A_179 = arith.addi %select_n3A, %add3A_149 : i32
        %add3A_180 = arith.constant 2 : i32
        %add3A_181 = arith.addi %add3A_179, %add3A_180 : i32
        %dma_start3A_182 = arith.constant 0 : i32
        %dma_start3A_183 = tpu.memref_slice %arg2[%add3A_181, %dma_start3A_182] : memref<2500x128xi32, #tpu.memory_space<hbm>> -> memref<1x128xi32, #tpu.memory_space<hbm>>
        %dma_start3A_184 = tpu.memref_squeeze %dma_start3A_183 : memref<1x128xi32, #tpu.memory_space<hbm>> -> memref<128xi32, #tpu.memory_space<hbm>>
        %dma_start3A_185 = arith.constant 0 : i32
        %dma_start3A_186 = tpu.memref_slice %arg2[%add3A_181, %dma_start3A_185] : memref<2500x128xi32, #tpu.memory_space<hbm>> -> memref<1x128xi32, #tpu.memory_space<hbm>>
        %dma_start3A_187 = tpu.memref_squeeze %dma_start3A_186 : memref<1x128xi32, #tpu.memory_space<hbm>> -> memref<128xi32, #tpu.memory_space<hbm>>
        tpu.enqueue_dma source(%dma_start3A_187 : memref<128xi32, #tpu.memory_space<hbm>>) target(%arg8 : memref<128xi32, #tpu.memory_space<vmem>>) target_semaphore(%arg18 : memref<!tpu.dma_semaphore, #tpu.memory_space<semaphore_mem>>)
        %add3A_188 = arith.addi %select_n3A, %add3A_149 : i32
        %add3A_189 = arith.constant 2 : i32
        %add3A_190 = arith.addi %add3A_188, %add3A_189 : i32
        %dma_start3A_191 = arith.constant 0 : i32
        %dma_start3A_192 = tpu.memref_slice %arg4[%add3A_190, %dma_start3A_191] : memref<2500x128xf32, #tpu.memory_space<hbm>> -> memref<1x128xf32, #tpu.memory_space<hbm>>
        %dma_start3A_193 = tpu.memref_squeeze %dma_start3A_192 : memref<1x128xf32, #tpu.memory_space<hbm>> -> memref<128xf32, #tpu.memory_space<hbm>>
        %dma_start3A_194 = arith.constant 0 : i32
        %dma_start3A_195 = tpu.memref_slice %arg4[%add3A_190, %dma_start3A_194] : memref<2500x128xf32, #tpu.memory_space<hbm>> -> memref<1x128xf32, #tpu.memory_space<hbm>>
        %dma_start3A_196 = tpu.memref_squeeze %dma_start3A_195 : memref<1x128xf32, #tpu.memory_space<hbm>> -> memref<128xf32, #tpu.memory_space<hbm>>
        tpu.enqueue_dma source(%dma_start3A_196 : memref<128xf32, #tpu.memory_space<hbm>>) target(%arg12 : memref<128xf32, #tpu.memory_space<vmem>>) target_semaphore(%arg18 : memref<!tpu.dma_semaphore, #tpu.memory_space<semaphore_mem>>)
      } else {
      }
    }
    %dma_wait3A_103 = arith.constant 0 : i32
    %dma_wait3A_104 = arith.constant 0 : i32
    %dma_wait3A_105 = tpu.memref_slice %arg16[%dma_wait3A_103, %dma_wait3A_104] : memref<10240x32xf32, #tpu.memory_space<vmem_shared>> -> memref<10240x32xf32, #tpu.memory_space<vmem_shared>>
    tpu.wait_indirect_dma semaphore(%arg23 : memref<!tpu.dma_semaphore, #tpu.memory_space<semaphore_mem>>) src(%arg13 : memref<128x32xf32, #tpu.memory_space<vmem>>) dst(%dma_wait3A_105 : memref<10240x32xf32, #tpu.memory_space<vmem_shared>>)
    %dma_wait3A_106 = arith.constant 0 : i32
    %dma_wait3A_107 = arith.constant 0 : i32
    %dma_wait3A_108 = tpu.memref_slice %arg16[%dma_wait3A_106, %dma_wait3A_107] : memref<10240x32xf32, #tpu.memory_space<vmem_shared>> -> memref<10240x32xf32, #tpu.memory_space<vmem_shared>>
    tpu.wait_indirect_dma semaphore(%arg24 : memref<!tpu.dma_semaphore, #tpu.memory_space<semaphore_mem>>) src(%arg14 : memref<128x32xf32, #tpu.memory_space<vmem>>) dst(%dma_wait3A_108 : memref<10240x32xf32, #tpu.memory_space<vmem_shared>>)
    %barrier3A_109 = arith.constant 0 : index
    tpu.barrier barrier_id(%barrier3A_109)
    %mul3A_110 = arith.constant 640 : i32
    %mul3A_111 = arith.muli %arg1, %mul3A_110 : i32
    %mul3A_112 = arith.constant 640 : i32
    %mul3A_113 = arith.muli %arg1, %mul3A_112 : i32
    "tpu.region"() ({
      %run_scoped3A = tpu.sem_alloc : memref<!tpu.dma_semaphore, #tpu.memory_space<semaphore_mem>>
      %dma_start3A_114 = arith.constant 0 : i32
      %dma_start3A_115 = arith.constant 0 : i32
      %dma_start3A_116 = tpu.memref_slice %arg6[%arg0, %dma_start3A_114, %dma_start3A_115] : memref<2x10240x32xf32, #tpu.memory_space<hbm>> -> memref<1x10240x32xf32, #tpu.memory_space<hbm>>
      %dma_start3A_117 = tpu.memref_squeeze %dma_start3A_116 : memref<1x10240x32xf32, #tpu.memory_space<hbm>> -> memref<10240x32xf32, #tpu.memory_space<hbm>>
      %dma_start3A_118 = arith.constant 0 : i32
      %dma_start3A_119 = tpu.memref_slice %dma_start3A_117[%mul3A_113, %dma_start3A_118] : memref<10240x32xf32, #tpu.memory_space<hbm>> -> memref<640x32xf32, #tpu.memory_space<hbm>>
      %dma_start3A_120 = arith.constant 0 : i32
      %dma_start3A_121 = tpu.memref_slice %arg16[%mul3A_111, %dma_start3A_120] : memref<10240x32xf32, #tpu.memory_space<vmem_shared>> -> memref<640x32xf32, #tpu.memory_space<vmem_shared>>
      tpu.enqueue_dma source(%dma_start3A_121 : memref<640x32xf32, #tpu.memory_space<vmem_shared>>) target(%dma_start3A_119 : memref<640x32xf32, #tpu.memory_space<hbm>>) target_semaphore(%run_scoped3A : memref<!tpu.dma_semaphore, #tpu.memory_space<semaphore_mem>>)
      %dma_wait3A_122 = arith.constant 0 : i32
      %dma_wait3A_123 = arith.constant 0 : i32
      %dma_wait3A_124 = tpu.memref_slice %arg6[%arg0, %dma_wait3A_122, %dma_wait3A_123] : memref<2x10240x32xf32, #tpu.memory_space<hbm>> -> memref<1x10240x32xf32, #tpu.memory_space<hbm>>
      %dma_wait3A_125 = tpu.memref_squeeze %dma_wait3A_124 : memref<1x10240x32xf32, #tpu.memory_space<hbm>> -> memref<10240x32xf32, #tpu.memory_space<hbm>>
      %dma_wait3A_126 = arith.constant 0 : i32
      %dma_wait3A_127 = tpu.memref_slice %dma_wait3A_125[%mul3A_113, %dma_wait3A_126] : memref<10240x32xf32, #tpu.memory_space<hbm>> -> memref<640x32xf32, #tpu.memory_space<hbm>>
      %dma_wait3A_128 = arith.constant 0 : i32
      %dma_wait3A_129 = tpu.memref_slice %arg16[%mul3A_111, %dma_wait3A_128] : memref<10240x32xf32, #tpu.memory_space<vmem_shared>> -> memref<640x32xf32, #tpu.memory_space<vmem_shared>>
      tpu.wait_dma2 semaphore(%run_scoped3A : memref<!tpu.dma_semaphore, #tpu.memory_space<semaphore_mem>>) src(%dma_wait3A_129 : memref<640x32xf32, #tpu.memory_space<vmem_shared>>) dst(%dma_wait3A_127 : memref<640x32xf32, #tpu.memory_space<hbm>>)
      tpu.yield
    }) : () -> ()
    return
  }
}

#map = affine_map<(d0, d1) -> (0, 0)>
#map1 = affine_map<(d0, d1) -> (0, 0, 0)>
module attributes {stable_mosaic.version = 14 : i64} {
  func.func @_spmm_body(%arg0: i32, %arg1: i32, %arg2: memref<2500x128xi32, #tpu.memory_space<hbm>>, %arg3: memref<2500x128xi32, #tpu.memory_space<hbm>>, %arg4: memref<2500x128xf32, #tpu.memory_space<hbm>>, %arg5: memref<10240x32xf32, #tpu.memory_space<hbm>>, %arg6: memref<2x10240x32xf32, #tpu.memory_space<hbm>>, %arg7: memref<128xi32, #tpu.memory_space<vmem>>, %arg8: memref<128xi32, #tpu.memory_space<vmem>>, %arg9: memref<128xi32, #tpu.memory_space<vmem>>, %arg10: memref<128xi32, #tpu.memory_space<vmem>>, %arg11: memref<128xf32, #tpu.memory_space<vmem>>, %arg12: memref<128xf32, #tpu.memory_space<vmem>>, %arg13: memref<128x32xf32, #tpu.memory_space<vmem>>, %arg14: memref<128x32xf32, #tpu.memory_space<vmem>>, %arg15: memref<640x32xf32, #tpu.memory_space<vmem>>, %arg16: memref<10240x32xf32, #tpu.memory_space<vmem_shared>>, %arg17: memref<!tpu.dma_semaphore, #tpu.memory_space<semaphore_mem>>, %arg18: memref<!tpu.dma_semaphore, #tpu.memory_space<semaphore_mem>>, %arg19: memref<!tpu.dma_semaphore, #tpu.memory_space<semaphore_mem>>, %arg20: memref<!tpu.dma_semaphore, #tpu.memory_space<semaphore_mem>>, %arg21: memref<!tpu.dma_semaphore, #tpu.memory_space<semaphore_mem>>, %arg22: memref<!tpu.dma_semaphore, #tpu.memory_space<semaphore_mem>>, %arg23: memref<!tpu.dma_semaphore, #tpu.memory_space<semaphore_mem>>, %arg24: memref<!tpu.dma_semaphore, #tpu.memory_space<semaphore_mem>>) attributes {dimension_semantics = [#tpu.dimension_semantics<core_parallel>, #tpu.dimension_semantics<subcore_parallel>], iteration_bounds = array<i64: 2, 16>, scalar_prefetch = 0 : i64, scratch_operands = 18 : i64, tpu.core_type = #tpu.core_type<sc_vector_subcore>, window_params = [{transform_indices = #map}, {transform_indices = #map}, {transform_indices = #map}, {transform_indices = #map}, {transform_indices = #map1}]} {
    %mul3A = arith.constant 16 : i32
    %mul3A_0 = arith.muli %arg0, %mul3A : i32
    %add3A = arith.addi %mul3A_0, %arg1 : i32
    %lt3A = arith.constant 2 : i32
    %lt3A_1 = arith.cmpi slt, %add3A, %lt3A : i32
    %mul3A_2 = arith.constant 80 : i32
    %mul3A_3 = arith.muli %add3A, %mul3A_2 : i32
    %sub3A = arith.constant 2 : i32
    %sub3A_4 = arith.subi %add3A, %sub3A : i32
    %mul3A_5 = arith.constant 78 : i32
    %mul3A_6 = arith.muli %sub3A_4, %mul3A_5 : i32
    %add3A_7 = arith.constant 160 : i32
    %add3A_8 = arith.addi %add3A_7, %mul3A_6 : i32
    %select_n3A = arith.select %lt3A_1, %mul3A_3, %add3A_8 : i32
    %lt3A_9 = arith.constant 2 : i32
    %lt3A_10 = arith.cmpi slt, %add3A, %lt3A_9 : i32
    %jit3A = arith.constant 80 : i32
    %jit3A_11 = arith.constant 78 : i32
    %select_n3A_12 = arith.select %lt3A_10, %jit3A, %jit3A_11 : i32
    %scan3A = arith.constant 0 : i32
    %scan3A_13 = arith.constant 640 : i32
    %scan3A_14 = arith.addi %scan3A, %scan3A_13 : i32
    %scan3A_15 = arith.constant 4 : i32
    scf.for %scan3A_114 = %scan3A to %scan3A_14 step %scan3A_15  : i32 {
      %mul3A_115 = arith.constant 1 : i32
      %mul3A_116 = arith.muli %scan3A_114, %mul3A_115 : i32
      %add3A_117 = arith.constant 0 : i32
      %add3A_118 = arith.addi %add3A_117, %mul3A_116 : i32
      %broadcast_in_dim3A = arith.constant 0.000000e+00 : f32
      %broadcast_in_dim3A_119 = vector.broadcast %broadcast_in_dim3A : f32 to vector<16xf32>
      %swap3A = arith.index_cast %add3A_118 : i32 to index
      %swap3A_120 = arith.constant 0 : index
      %swap3A_121 = tpu.vector_load %arg15[%swap3A, %swap3A_120] {strides = array<i32>} : memref<640x32xf32, #tpu.memory_space<vmem>>, vector<16xf32>,
      tpu.vector_store %arg15[%swap3A, %swap3A_120], %broadcast_in_dim3A_119 {strides = array<i32>} : memref<640x32xf32, #tpu.memory_space<vmem>>, vector<16xf32>,
      %broadcast_in_dim3A_122 = arith.constant 0.000000e+00 : f32
      %broadcast_in_dim3A_123 = vector.broadcast %broadcast_in_dim3A_122 : f32 to vector<16xf32>
      %swap3A_124 = arith.index_cast %add3A_118 : i32 to index
      %swap3A_125 = arith.constant 16 : index
      %swap3A_126 = tpu.vector_load %arg15[%swap3A_124, %swap3A_125] {strides = array<i32>} : memref<640x32xf32, #tpu.memory_space<vmem>>, vector<16xf32>,
      tpu.vector_store %arg15[%swap3A_124, %swap3A_125], %broadcast_in_dim3A_123 {strides = array<i32>} : memref<640x32xf32, #tpu.memory_space<vmem>>, vector<16xf32>,
      %scan3A_127 = arith.constant 1 : i32
      %scan3A_128 = arith.addi %scan3A_114, %scan3A_127 : i32
      %mul3A_129 = arith.constant 1 : i32
      %mul3A_130 = arith.muli %scan3A_128, %mul3A_129 : i32
      %add3A_131 = arith.constant 0 : i32
      %add3A_132 = arith.addi %add3A_131, %mul3A_130 : i32
      %broadcast_in_dim3A_133 = arith.constant 0.000000e+00 : f32
      %broadcast_in_dim3A_134 = vector.broadcast %broadcast_in_dim3A_133 : f32 to vector<16xf32>
      %swap3A_135 = arith.index_cast %add3A_132 : i32 to index
      %swap3A_136 = arith.constant 0 : index
      %swap3A_137 = tpu.vector_load %arg15[%swap3A_135, %swap3A_136] {strides = array<i32>} : memref<640x32xf32, #tpu.memory_space<vmem>>, vector<16xf32>,
      tpu.vector_store %arg15[%swap3A_135, %swap3A_136], %broadcast_in_dim3A_134 {strides = array<i32>} : memref<640x32xf32, #tpu.memory_space<vmem>>, vector<16xf32>,
      %broadcast_in_dim3A_138 = arith.constant 0.000000e+00 : f32
      %broadcast_in_dim3A_139 = vector.broadcast %broadcast_in_dim3A_138 : f32 to vector<16xf32>
      %swap3A_140 = arith.index_cast %add3A_132 : i32 to index
      %swap3A_141 = arith.constant 16 : index
      %swap3A_142 = tpu.vector_load %arg15[%swap3A_140, %swap3A_141] {strides = array<i32>} : memref<640x32xf32, #tpu.memory_space<vmem>>, vector<16xf32>,
      tpu.vector_store %arg15[%swap3A_140, %swap3A_141], %broadcast_in_dim3A_139 {strides = array<i32>} : memref<640x32xf32, #tpu.memory_space<vmem>>, vector<16xf32>,
      %scan3A_143 = arith.constant 2 : i32
      %scan3A_144 = arith.addi %scan3A_114, %scan3A_143 : i32
      %mul3A_145 = arith.constant 1 : i32
      %mul3A_146 = arith.muli %scan3A_144, %mul3A_145 : i32
      %add3A_147 = arith.constant 0 : i32
      %add3A_148 = arith.addi %add3A_147, %mul3A_146 : i32
      %broadcast_in_dim3A_149 = arith.constant 0.000000e+00 : f32
      %broadcast_in_dim3A_150 = vector.broadcast %broadcast_in_dim3A_149 : f32 to vector<16xf32>
      %swap3A_151 = arith.index_cast %add3A_148 : i32 to index
      %swap3A_152 = arith.constant 0 : index
      %swap3A_153 = tpu.vector_load %arg15[%swap3A_151, %swap3A_152] {strides = array<i32>} : memref<640x32xf32, #tpu.memory_space<vmem>>, vector<16xf32>,
      tpu.vector_store %arg15[%swap3A_151, %swap3A_152], %broadcast_in_dim3A_150 {strides = array<i32>} : memref<640x32xf32, #tpu.memory_space<vmem>>, vector<16xf32>,
      %broadcast_in_dim3A_154 = arith.constant 0.000000e+00 : f32
      %broadcast_in_dim3A_155 = vector.broadcast %broadcast_in_dim3A_154 : f32 to vector<16xf32>
      %swap3A_156 = arith.index_cast %add3A_148 : i32 to index
      %swap3A_157 = arith.constant 16 : index
      %swap3A_158 = tpu.vector_load %arg15[%swap3A_156, %swap3A_157] {strides = array<i32>} : memref<640x32xf32, #tpu.memory_space<vmem>>, vector<16xf32>,
      tpu.vector_store %arg15[%swap3A_156, %swap3A_157], %broadcast_in_dim3A_155 {strides = array<i32>} : memref<640x32xf32, #tpu.memory_space<vmem>>, vector<16xf32>,
      %scan3A_159 = arith.constant 3 : i32
      %scan3A_160 = arith.addi %scan3A_114, %scan3A_159 : i32
      %mul3A_161 = arith.constant 1 : i32
      %mul3A_162 = arith.muli %scan3A_160, %mul3A_161 : i32
      %add3A_163 = arith.constant 0 : i32
      %add3A_164 = arith.addi %add3A_163, %mul3A_162 : i32
      %broadcast_in_dim3A_165 = arith.constant 0.000000e+00 : f32
      %broadcast_in_dim3A_166 = vector.broadcast %broadcast_in_dim3A_165 : f32 to vector<16xf32>
      %swap3A_167 = arith.index_cast %add3A_164 : i32 to index
      %swap3A_168 = arith.constant 0 : index
      %swap3A_169 = tpu.vector_load %arg15[%swap3A_167, %swap3A_168] {strides = array<i32>} : memref<640x32xf32, #tpu.memory_space<vmem>>, vector<16xf32>,
      tpu.vector_store %arg15[%swap3A_167, %swap3A_168], %broadcast_in_dim3A_166 {strides = array<i32>} : memref<640x32xf32, #tpu.memory_space<vmem>>, vector<16xf32>,
      %broadcast_in_dim3A_170 = arith.constant 0.000000e+00 : f32
      %broadcast_in_dim3A_171 = vector.broadcast %broadcast_in_dim3A_170 : f32 to vector<16xf32>
      %swap3A_172 = arith.index_cast %add3A_164 : i32 to index
      %swap3A_173 = arith.constant 16 : index
      %swap3A_174 = tpu.vector_load %arg15[%swap3A_172, %swap3A_173] {strides = array<i32>} : memref<640x32xf32, #tpu.memory_space<vmem>>, vector<16xf32>,
      tpu.vector_store %arg15[%swap3A_172, %swap3A_173], %broadcast_in_dim3A_171 {strides = array<i32>} : memref<640x32xf32, #tpu.memory_space<vmem>>, vector<16xf32>,
    }
    %scan3A_16 = arith.constant 640 : i32
    %mul3A_17 = arith.constant 640 : i32
    %mul3A_18 = arith.muli %arg1, %mul3A_17 : i32
    "tpu.region"() ({
      %run_scoped3A = tpu.sem_alloc : memref<!tpu.dma_semaphore, #tpu.memory_space<semaphore_mem>>
      %dma_start3A_114 = arith.constant 0 : i32
      %dma_start3A_115 = tpu.memref_slice %arg16[%mul3A_18, %dma_start3A_114] : memref<10240x32xf32, #tpu.memory_space<vmem_shared>> -> memref<640x32xf32, #tpu.memory_space<vmem_shared>>
      %dma_start3A_116 = arith.constant 0 : i32
      %dma_start3A_117 = tpu.memref_slice %arg16[%mul3A_18, %dma_start3A_116] : memref<10240x32xf32, #tpu.memory_space<vmem_shared>> -> memref<640x32xf32, #tpu.memory_space<vmem_shared>>
      tpu.enqueue_dma source(%arg15 : memref<640x32xf32, #tpu.memory_space<vmem>>) target(%dma_start3A_117 : memref<640x32xf32, #tpu.memory_space<vmem_shared>>) target_semaphore(%run_scoped3A : memref<!tpu.dma_semaphore, #tpu.memory_space<semaphore_mem>>)
      %dma_wait3A_118 = arith.constant 0 : i32
      %dma_wait3A_119 = tpu.memref_slice %arg16[%mul3A_18, %dma_wait3A_118] : memref<10240x32xf32, #tpu.memory_space<vmem_shared>> -> memref<640x32xf32, #tpu.memory_space<vmem_shared>>
      %dma_wait3A_120 = arith.constant 0 : i32
      %dma_wait3A_121 = tpu.memref_slice %arg16[%mul3A_18, %dma_wait3A_120] : memref<10240x32xf32, #tpu.memory_space<vmem_shared>> -> memref<640x32xf32, #tpu.memory_space<vmem_shared>>
      tpu.wait_dma2 semaphore(%run_scoped3A : memref<!tpu.dma_semaphore, #tpu.memory_space<semaphore_mem>>) src(%arg15 : memref<640x32xf32, #tpu.memory_space<vmem>>) dst(%dma_wait3A_121 : memref<640x32xf32, #tpu.memory_space<vmem_shared>>)
      tpu.yield
    }) : () -> ()
    %barrier3A = arith.constant 0 : index
    tpu.barrier barrier_id(%barrier3A)
    %dma_start3A = arith.constant 0 : i32
    %dma_start3A_19 = tpu.memref_slice %arg2[%select_n3A, %dma_start3A] : memref<2500x128xi32, #tpu.memory_space<hbm>> -> memref<1x128xi32, #tpu.memory_space<hbm>>
    %dma_start3A_20 = tpu.memref_squeeze %dma_start3A_19 : memref<1x128xi32, #tpu.memory_space<hbm>> -> memref<128xi32, #tpu.memory_space<hbm>>
    %dma_start3A_21 = arith.constant 0 : i32
    %dma_start3A_22 = tpu.memref_slice %arg2[%select_n3A, %dma_start3A_21] : memref<2500x128xi32, #tpu.memory_space<hbm>> -> memref<1x128xi32, #tpu.memory_space<hbm>>
    %dma_start3A_23 = tpu.memref_squeeze %dma_start3A_22 : memref<1x128xi32, #tpu.memory_space<hbm>> -> memref<128xi32, #tpu.memory_space<hbm>>
    tpu.enqueue_dma source(%dma_start3A_23 : memref<128xi32, #tpu.memory_space<hbm>>) target(%arg7 : memref<128xi32, #tpu.memory_space<vmem>>) target_semaphore(%arg17 : memref<!tpu.dma_semaphore, #tpu.memory_space<semaphore_mem>>)
    %dma_start3A_24 = arith.constant 0 : i32
    %dma_start3A_25 = tpu.memref_slice %arg4[%select_n3A, %dma_start3A_24] : memref<2500x128xf32, #tpu.memory_space<hbm>> -> memref<1x128xf32, #tpu.memory_space<hbm>>
    %dma_start3A_26 = tpu.memref_squeeze %dma_start3A_25 : memref<1x128xf32, #tpu.memory_space<hbm>> -> memref<128xf32, #tpu.memory_space<hbm>>
    %dma_start3A_27 = arith.constant 0 : i32
    %dma_start3A_28 = tpu.memref_slice %arg4[%select_n3A, %dma_start3A_27] : memref<2500x128xf32, #tpu.memory_space<hbm>> -> memref<1x128xf32, #tpu.memory_space<hbm>>
    %dma_start3A_29 = tpu.memref_squeeze %dma_start3A_28 : memref<1x128xf32, #tpu.memory_space<hbm>> -> memref<128xf32, #tpu.memory_space<hbm>>
    tpu.enqueue_dma source(%dma_start3A_29 : memref<128xf32, #tpu.memory_space<hbm>>) target(%arg11 : memref<128xf32, #tpu.memory_space<vmem>>) target_semaphore(%arg17 : memref<!tpu.dma_semaphore, #tpu.memory_space<semaphore_mem>>)
    %add3A_30 = arith.constant 1 : i32
    %add3A_31 = arith.addi %select_n3A, %add3A_30 : i32
    %dma_start3A_32 = arith.constant 0 : i32
    %dma_start3A_33 = tpu.memref_slice %arg2[%add3A_31, %dma_start3A_32] : memref<2500x128xi32, #tpu.memory_space<hbm>> -> memref<1x128xi32, #tpu.memory_space<hbm>>
    %dma_start3A_34 = tpu.memref_squeeze %dma_start3A_33 : memref<1x128xi32, #tpu.memory_space<hbm>> -> memref<128xi32, #tpu.memory_space<hbm>>
    %dma_start3A_35 = arith.constant 0 : i32
    %dma_start3A_36 = tpu.memref_slice %arg2[%add3A_31, %dma_start3A_35] : memref<2500x128xi32, #tpu.memory_space<hbm>> -> memref<1x128xi32, #tpu.memory_space<hbm>>
    %dma_start3A_37 = tpu.memref_squeeze %dma_start3A_36 : memref<1x128xi32, #tpu.memory_space<hbm>> -> memref<128xi32, #tpu.memory_space<hbm>>
    tpu.enqueue_dma source(%dma_start3A_37 : memref<128xi32, #tpu.memory_space<hbm>>) target(%arg8 : memref<128xi32, #tpu.memory_space<vmem>>) target_semaphore(%arg18 : memref<!tpu.dma_semaphore, #tpu.memory_space<semaphore_mem>>)
    %add3A_38 = arith.constant 1 : i32
    %add3A_39 = arith.addi %select_n3A, %add3A_38 : i32
    %dma_start3A_40 = arith.constant 0 : i32
    %dma_start3A_41 = tpu.memref_slice %arg4[%add3A_39, %dma_start3A_40] : memref<2500x128xf32, #tpu.memory_space<hbm>> -> memref<1x128xf32, #tpu.memory_space<hbm>>
    %dma_start3A_42 = tpu.memref_squeeze %dma_start3A_41 : memref<1x128xf32, #tpu.memory_space<hbm>> -> memref<128xf32, #tpu.memory_space<hbm>>
    %dma_start3A_43 = arith.constant 0 : i32
    %dma_start3A_44 = tpu.memref_slice %arg4[%add3A_39, %dma_start3A_43] : memref<2500x128xf32, #tpu.memory_space<hbm>> -> memref<1x128xf32, #tpu.memory_space<hbm>>
    %dma_start3A_45 = tpu.memref_squeeze %dma_start3A_44 : memref<1x128xf32, #tpu.memory_space<hbm>> -> memref<128xf32, #tpu.memory_space<hbm>>
    tpu.enqueue_dma source(%dma_start3A_45 : memref<128xf32, #tpu.memory_space<hbm>>) target(%arg12 : memref<128xf32, #tpu.memory_space<vmem>>) target_semaphore(%arg18 : memref<!tpu.dma_semaphore, #tpu.memory_space<semaphore_mem>>)
    %dma_wait3A = arith.constant 0 : i32
    %dma_wait3A_46 = tpu.memref_slice %arg2[%select_n3A, %dma_wait3A] : memref<2500x128xi32, #tpu.memory_space<hbm>> -> memref<1x128xi32, #tpu.memory_space<hbm>>
    %dma_wait3A_47 = tpu.memref_squeeze %dma_wait3A_46 : memref<1x128xi32, #tpu.memory_space<hbm>> -> memref<128xi32, #tpu.memory_space<hbm>>
    %dma_wait3A_48 = arith.constant 0 : i32
    %dma_wait3A_49 = tpu.memref_slice %arg2[%select_n3A, %dma_wait3A_48] : memref<2500x128xi32, #tpu.memory_space<hbm>> -> memref<1x128xi32, #tpu.memory_space<hbm>>
    %dma_wait3A_50 = tpu.memref_squeeze %dma_wait3A_49 : memref<1x128xi32, #tpu.memory_space<hbm>> -> memref<128xi32, #tpu.memory_space<hbm>>
    tpu.wait_dma2 semaphore(%arg17 : memref<!tpu.dma_semaphore, #tpu.memory_space<semaphore_mem>>) src(%dma_wait3A_50 : memref<128xi32, #tpu.memory_space<hbm>>) dst(%arg7 : memref<128xi32, #tpu.memory_space<vmem>>)
    %dma_wait3A_51 = arith.constant 0 : i32
    %dma_wait3A_52 = tpu.memref_slice %arg4[%select_n3A, %dma_wait3A_51] : memref<2500x128xf32, #tpu.memory_space<hbm>> -> memref<1x128xf32, #tpu.memory_space<hbm>>
    %dma_wait3A_53 = tpu.memref_squeeze %dma_wait3A_52 : memref<1x128xf32, #tpu.memory_space<hbm>> -> memref<128xf32, #tpu.memory_space<hbm>>
    %dma_wait3A_54 = arith.constant 0 : i32
    %dma_wait3A_55 = tpu.memref_slice %arg4[%select_n3A, %dma_wait3A_54] : memref<2500x128xf32, #tpu.memory_space<hbm>> -> memref<1x128xf32, #tpu.memory_space<hbm>>
    %dma_wait3A_56 = tpu.memref_squeeze %dma_wait3A_55 : memref<1x128xf32, #tpu.memory_space<hbm>> -> memref<128xf32, #tpu.memory_space<hbm>>
    tpu.wait_dma2 semaphore(%arg17 : memref<!tpu.dma_semaphore, #tpu.memory_space<semaphore_mem>>) src(%dma_wait3A_56 : memref<128xf32, #tpu.memory_space<hbm>>) dst(%arg11 : memref<128xf32, #tpu.memory_space<vmem>>)
    %dma_start3A_57 = arith.constant 0 : i32
    %dma_start3A_58 = tpu.memref_slice %arg3[%select_n3A, %dma_start3A_57] : memref<2500x128xi32, #tpu.memory_space<hbm>> -> memref<1x128xi32, #tpu.memory_space<hbm>>
    %dma_start3A_59 = tpu.memref_squeeze %dma_start3A_58 : memref<1x128xi32, #tpu.memory_space<hbm>> -> memref<128xi32, #tpu.memory_space<hbm>>
    %dma_start3A_60 = arith.constant 0 : i32
    %dma_start3A_61 = tpu.memref_slice %arg3[%select_n3A, %dma_start3A_60] : memref<2500x128xi32, #tpu.memory_space<hbm>> -> memref<1x128xi32, #tpu.memory_space<hbm>>
    %dma_start3A_62 = tpu.memref_squeeze %dma_start3A_61 : memref<1x128xi32, #tpu.memory_space<hbm>> -> memref<128xi32, #tpu.memory_space<hbm>>
    tpu.enqueue_dma source(%dma_start3A_62 : memref<128xi32, #tpu.memory_space<hbm>>) target(%arg9 : memref<128xi32, #tpu.memory_space<vmem>>) target_semaphore(%arg19 : memref<!tpu.dma_semaphore, #tpu.memory_space<semaphore_mem>>)
    %dma_start3A_63 = arith.constant 0 : i32
    %dma_start3A_64 = arith.constant 0 : i32
    %dma_start3A_65 = tpu.memref_slice %arg5[%dma_start3A_63, %dma_start3A_64] : memref<10240x32xf32, #tpu.memory_space<hbm>> -> memref<10240x32xf32, #tpu.memory_space<hbm>>
    tpu.enqueue_indirect_dma source(%dma_start3A_65 : memref<10240x32xf32, #tpu.memory_space<hbm>>) target(%arg13 : memref<128x32xf32, #tpu.memory_space<vmem>>) offsets(%arg7 : memref<128xi32, #tpu.memory_space<vmem>>) semaphore(%arg21 : memref<!tpu.dma_semaphore, #tpu.memory_space<semaphore_mem>>)
    %jit3A_66 = arith.constant 2 : i32
    %div3A = arith.divsi %select_n3A_12, %jit3A_66 : i32
    %sign3A = arith.constant 0 : i32
    %sign3A_67 = arith.cmpi sgt, %select_n3A_12, %sign3A : i32
    %sign3A_68 = arith.extui %sign3A_67 : i1 to i32
    %sign3A_69 = arith.constant 0 : i32
    %sign3A_70 = arith.cmpi slt, %select_n3A_12, %sign3A_69 : i32
    %sign3A_71 = arith.extui %sign3A_70 : i1 to i32
    %sign3A_72 = arith.subi %sign3A_68, %sign3A_71 : i32
    %sign3A_73 = arith.constant 0 : i32
    %sign3A_74 = arith.cmpi sgt, %jit3A_66, %sign3A_73 : i32
    %sign3A_75 = arith.extui %sign3A_74 : i1 to i32
    %sign3A_76 = arith.constant 0 : i32
    %sign3A_77 = arith.cmpi slt, %jit3A_66, %sign3A_76 : i32
    %sign3A_78 = arith.extui %sign3A_77 : i1 to i32
    %sign3A_79 = arith.subi %sign3A_75, %sign3A_78 : i32
    %ne3A = arith.cmpi ne, %sign3A_72, %sign3A_79 : i32
    %rem3A = arith.remsi %select_n3A_12, %jit3A_66 : i32
    %ne3A_80 = arith.constant 0 : i32
    %ne3A_81 = arith.cmpi ne, %rem3A, %ne3A_80 : i32
    %and3A = arith.andi %ne3A, %ne3A_81 : i1
    %sub3A_82 = arith.constant 1 : i32
    %sub3A_83 = arith.subi %div3A, %sub3A_82 : i32
    %select_n3A_84 = arith.select %and3A, %sub3A_83, %div3A : i32
    %sub3A_85 = arith.constant 0 : i32
    %sub3A_86 = arith.subi %select_n3A_84, %sub3A_85 : i32
    %sub3A_87 = arith.constant 1 : i32
    %sub3A_88 = arith.constant 1 : i32
    %sub3A_89 = arith.subi %sub3A_87, %sub3A_88 : i32
    %add3A_90 = arith.addi %sub3A_86, %sub3A_89 : i32
    %div3A_91 = arith.constant 1 : i32
    %div3A_92 = arith.divsi %add3A_90, %div3A_91 : i32
    %while3A = arith.constant 1 : i32
    %while3A_93 = arith.constant 0 : i32
    %while3A_94 = arith.constant 0 : i32
    %while3A_95 = arith.subi %div3A_92, %while3A_94 : i32
    %while3A_96 = arith.addi %while3A_94, %while3A_95 : i32
    %while3A_97 = arith.constant 1 : i32
    %while3A_98 = arith.divsi %while3A_95, %while3A_97 : i32
    %while3A_99 = arith.muli %while3A_98, %while3A_97 : i32
    %while3A_100 = arith.addi %while3A_94, %while3A_99 : i32
    %while3A_101 = arith.constant 1 : i32
    scf.for %while3A_114 = %while3A_94 to %while3A_100 step %while3A_101  : i32 {
      %mul3A_115 = arith.muli %while3A_114, %while3A : i32
      %add3A_116 = arith.addi %while3A_93, %mul3A_115 : i32
      %mul3A_117 = arith.constant 2 : i32
      %mul3A_118 = arith.muli %mul3A_117, %add3A_116 : i32
      %dma_wait3A_119 = arith.constant 0 : i32
      %dma_wait3A_120 = arith.constant 0 : i32
      %dma_wait3A_121 = tpu.memref_slice %arg5[%dma_wait3A_119, %dma_wait3A_120] : memref<10240x32xf32, #tpu.memory_space<hbm>> -> memref<10240x32xf32, #tpu.memory_space<hbm>>
      tpu.wait_indirect_dma semaphore(%arg21 : memref<!tpu.dma_semaphore, #tpu.memory_space<semaphore_mem>>) src(%dma_wait3A_121 : memref<10240x32xf32, #tpu.memory_space<hbm>>) dst(%arg13 : memref<128x32xf32, #tpu.memory_space<vmem>>)
      %add3A_122 = arith.constant 1 : i32
      %add3A_123 = arith.addi %mul3A_118, %add3A_122 : i32
      %lt3A_124 = arith.cmpi slt, %add3A_123, %select_n3A_12 : i32
      %convert_element_type3A = arith.extui %lt3A_124 : i1 to i32
      %cond3A = arith.constant 0 : i32
      %cond3A_125 = arith.cmpi ne, %convert_element_type3A, %cond3A : i32
      scf.if %cond3A_125 {
        %dma_wait3A_179 = arith.constant 0 : i32
        %dma_wait3A_180 = tpu.memref_slice %arg2[%select_n3A, %dma_wait3A_179] : memref<2500x128xi32, #tpu.memory_space<hbm>> -> memref<1x128xi32, #tpu.memory_space<hbm>>
        %dma_wait3A_181 = tpu.memref_squeeze %dma_wait3A_180 : memref<1x128xi32, #tpu.memory_space<hbm>> -> memref<128xi32, #tpu.memory_space<hbm>>
        %dma_wait3A_182 = arith.constant 0 : i32
        %dma_wait3A_183 = tpu.memref_slice %arg2[%select_n3A, %dma_wait3A_182] : memref<2500x128xi32, #tpu.memory_space<hbm>> -> memref<1x128xi32, #tpu.memory_space<hbm>>
        %dma_wait3A_184 = tpu.memref_squeeze %dma_wait3A_183 : memref<1x128xi32, #tpu.memory_space<hbm>> -> memref<128xi32, #tpu.memory_space<hbm>>
        tpu.wait_dma2 semaphore(%arg18 : memref<!tpu.dma_semaphore, #tpu.memory_space<semaphore_mem>>) src(%dma_wait3A_184 : memref<128xi32, #tpu.memory_space<hbm>>) dst(%arg8 : memref<128xi32, #tpu.memory_space<vmem>>)
        %dma_wait3A_185 = arith.constant 0 : i32
        %dma_wait3A_186 = tpu.memref_slice %arg4[%select_n3A, %dma_wait3A_185] : memref<2500x128xf32, #tpu.memory_space<hbm>> -> memref<1x128xf32, #tpu.memory_space<hbm>>
        %dma_wait3A_187 = tpu.memref_squeeze %dma_wait3A_186 : memref<1x128xf32, #tpu.memory_space<hbm>> -> memref<128xf32, #tpu.memory_space<hbm>>
        %dma_wait3A_188 = arith.constant 0 : i32
        %dma_wait3A_189 = tpu.memref_slice %arg4[%select_n3A, %dma_wait3A_188] : memref<2500x128xf32, #tpu.memory_space<hbm>> -> memref<1x128xf32, #tpu.memory_space<hbm>>
        %dma_wait3A_190 = tpu.memref_squeeze %dma_wait3A_189 : memref<1x128xf32, #tpu.memory_space<hbm>> -> memref<128xf32, #tpu.memory_space<hbm>>
        tpu.wait_dma2 semaphore(%arg18 : memref<!tpu.dma_semaphore, #tpu.memory_space<semaphore_mem>>) src(%dma_wait3A_190 : memref<128xf32, #tpu.memory_space<hbm>>) dst(%arg12 : memref<128xf32, #tpu.memory_space<vmem>>)
        %ge3A = arith.constant 1 : i32
        %ge3A_191 = arith.cmpi sge, %mul3A_118, %ge3A : i32
        %convert_element_type3A_192 = arith.extui %ge3A_191 : i1 to i32
        %cond3A_193 = arith.constant 0 : i32
        %cond3A_194 = arith.cmpi ne, %convert_element_type3A_192, %cond3A_193 : i32
        scf.if %cond3A_194 {
          %dma_wait3A_207 = arith.constant 0 : i32
          %dma_wait3A_208 = arith.constant 0 : i32
          %dma_wait3A_209 = tpu.memref_slice %arg16[%dma_wait3A_207, %dma_wait3A_208] : memref<10240x32xf32, #tpu.memory_space<vmem_shared>> -> memref<10240x32xf32, #tpu.memory_space<vmem_shared>>
          tpu.wait_indirect_dma semaphore(%arg24 : memref<!tpu.dma_semaphore, #tpu.memory_space<semaphore_mem>>) src(%arg14 : memref<128x32xf32, #tpu.memory_space<vmem>>) dst(%dma_wait3A_209 : memref<10240x32xf32, #tpu.memory_space<vmem_shared>>)
        } else {
        }
        %dma_start3A_195 = arith.constant 0 : i32
        %dma_start3A_196 = arith.constant 0 : i32
        %dma_start3A_197 = tpu.memref_slice %arg5[%dma_start3A_195, %dma_start3A_196] : memref<10240x32xf32, #tpu.memory_space<hbm>> -> memref<10240x32xf32, #tpu.memory_space<hbm>>
        tpu.enqueue_indirect_dma source(%dma_start3A_197 : memref<10240x32xf32, #tpu.memory_space<hbm>>) target(%arg14 : memref<128x32xf32, #tpu.memory_space<vmem>>) offsets(%arg8 : memref<128xi32, #tpu.memory_space<vmem>>) semaphore(%arg22 : memref<!tpu.dma_semaphore, #tpu.memory_space<semaphore_mem>>)
        %add3A_198 = arith.addi %select_n3A, %mul3A_118 : i32
        %add3A_199 = arith.constant 1 : i32
        %add3A_200 = arith.addi %add3A_198, %add3A_199 : i32
        %dma_start3A_201 = arith.constant 0 : i32
        %dma_start3A_202 = tpu.memref_slice %arg3[%add3A_200, %dma_start3A_201] : memref<2500x128xi32, #tpu.memory_space<hbm>> -> memref<1x128xi32, #tpu.memory_space<hbm>>
        %dma_start3A_203 = tpu.memref_squeeze %dma_start3A_202 : memref<1x128xi32, #tpu.memory_space<hbm>> -> memref<128xi32, #tpu.memory_space<hbm>>
        %dma_start3A_204 = arith.constant 0 : i32
        %dma_start3A_205 = tpu.memref_slice %arg3[%add3A_200, %dma_start3A_204] : memref<2500x128xi32, #tpu.memory_space<hbm>> -> memref<1x128xi32, #tpu.memory_space<hbm>>
        %dma_start3A_206 = tpu.memref_squeeze %dma_start3A_205 : memref<1x128xi32, #tpu.memory_space<hbm>> -> memref<128xi32, #tpu.memory_space<hbm>>
        tpu.enqueue_dma source(%dma_start3A_206 : memref<128xi32, #tpu.memory_space<hbm>>) target(%arg10 : memref<128xi32, #tpu.memory_space<vmem>>) target_semaphore(%arg20 : memref<!tpu.dma_semaphore, #tpu.memory_space<semaphore_mem>>)
      } else {
      }
      %scan3A_126 = arith.constant 0 : i32
      %scan3A_127 = arith.constant 128 : i32
      %scan3A_128 = arith.addi %scan3A_126, %scan3A_127 : i32
      %scan3A_129 = arith.constant 4 : i32
      scf.for %scan3A_179 = %scan3A_126 to %scan3A_128 step %scan3A_129  : i32 {
        %mul3A_180 = arith.constant 1 : i32
        %mul3A_181 = arith.muli %scan3A_179, %mul3A_180 : i32
        %add3A_182 = arith.constant 0 : i32
        %add3A_183 = arith.addi %add3A_182, %mul3A_181 : i32
        %broadcast_in_dim3A = vector.broadcast %add3A_183 : i32 to vector<16xi32>
        %gather3A = tpu.vector_load_idx %arg11[%broadcast_in_dim3A] : memref<128xf32, #tpu.memory_space<vmem>>[vector<16xi32>], vector<16xf32>,
        %get3A = arith.index_cast %add3A_183 : i32 to index
        %get3A_184 = arith.constant 0 : index
        %get3A_185 = tpu.vector_load %arg13[%get3A, %get3A_184] {strides = array<i32>} : memref<128x32xf32, #tpu.memory_space<vmem>>, vector<16xf32>,
        %mul3A_186 = arith.mulf %get3A_185, %gather3A : vector<16xf32>
        %swap3A = arith.index_cast %add3A_183 : i32 to index
        %swap3A_187 = arith.constant 0 : index
        %swap3A_188 = tpu.vector_load %arg13[%swap3A, %swap3A_187] {strides = array<i32>} : memref<128x32xf32, #tpu.memory_space<vmem>>, vector<16xf32>,
        tpu.vector_store %arg13[%swap3A, %swap3A_187], %mul3A_186 {strides = array<i32>} : memref<128x32xf32, #tpu.memory_space<vmem>>, vector<16xf32>,
        %get3A_189 = arith.index_cast %add3A_183 : i32 to index
        %get3A_190 = arith.constant 16 : index
        %get3A_191 = tpu.vector_load %arg13[%get3A_189, %get3A_190] {strides = array<i32>} : memref<128x32xf32, #tpu.memory_space<vmem>>, vector<16xf32>,
        %mul3A_192 = arith.mulf %get3A_191, %gather3A : vector<16xf32>
        %swap3A_193 = arith.index_cast %add3A_183 : i32 to index
        %swap3A_194 = arith.constant 16 : index
        %swap3A_195 = tpu.vector_load %arg13[%swap3A_193, %swap3A_194] {strides = array<i32>} : memref<128x32xf32, #tpu.memory_space<vmem>>, vector<16xf32>,
        tpu.vector_store %arg13[%swap3A_193, %swap3A_194], %mul3A_192 {strides = array<i32>} : memref<128x32xf32, #tpu.memory_space<vmem>>, vector<16xf32>,
        %scan3A_196 = arith.constant 1 : i32
        %scan3A_197 = arith.addi %scan3A_179, %scan3A_196 : i32
        %mul3A_198 = arith.constant 1 : i32
        %mul3A_199 = arith.muli %scan3A_197, %mul3A_198 : i32
        %add3A_200 = arith.constant 0 : i32
        %add3A_201 = arith.addi %add3A_200, %mul3A_199 : i32
        %broadcast_in_dim3A_202 = vector.broadcast %add3A_201 : i32 to vector<16xi32>
        %gather3A_203 = tpu.vector_load_idx %arg11[%broadcast_in_dim3A_202] : memref<128xf32, #tpu.memory_space<vmem>>[vector<16xi32>], vector<16xf32>,
        %get3A_204 = arith.index_cast %add3A_201 : i32 to index
        %get3A_205 = arith.constant 0 : index
        %get3A_206 = tpu.vector_load %arg13[%get3A_204, %get3A_205] {strides = array<i32>} : memref<128x32xf32, #tpu.memory_space<vmem>>, vector<16xf32>,
        %mul3A_207 = arith.mulf %get3A_206, %gather3A_203 : vector<16xf32>
        %swap3A_208 = arith.index_cast %add3A_201 : i32 to index
        %swap3A_209 = arith.constant 0 : index
        %swap3A_210 = tpu.vector_load %arg13[%swap3A_208, %swap3A_209] {strides = array<i32>} : memref<128x32xf32, #tpu.memory_space<vmem>>, vector<16xf32>,
        tpu.vector_store %arg13[%swap3A_208, %swap3A_209], %mul3A_207 {strides = array<i32>} : memref<128x32xf32, #tpu.memory_space<vmem>>, vector<16xf32>,
        %get3A_211 = arith.index_cast %add3A_201 : i32 to index
        %get3A_212 = arith.constant 16 : index
        %get3A_213 = tpu.vector_load %arg13[%get3A_211, %get3A_212] {strides = array<i32>} : memref<128x32xf32, #tpu.memory_space<vmem>>, vector<16xf32>,
        %mul3A_214 = arith.mulf %get3A_213, %gather3A_203 : vector<16xf32>
        %swap3A_215 = arith.index_cast %add3A_201 : i32 to index
        %swap3A_216 = arith.constant 16 : index
        %swap3A_217 = tpu.vector_load %arg13[%swap3A_215, %swap3A_216] {strides = array<i32>} : memref<128x32xf32, #tpu.memory_space<vmem>>, vector<16xf32>,
        tpu.vector_store %arg13[%swap3A_215, %swap3A_216], %mul3A_214 {strides = array<i32>} : memref<128x32xf32, #tpu.memory_space<vmem>>, vector<16xf32>,
        %scan3A_218 = arith.constant 2 : i32
        %scan3A_219 = arith.addi %scan3A_179, %scan3A_218 : i32
        %mul3A_220 = arith.constant 1 : i32
        %mul3A_221 = arith.muli %scan3A_219, %mul3A_220 : i32
        %add3A_222 = arith.constant 0 : i32
        %add3A_223 = arith.addi %add3A_222, %mul3A_221 : i32
        %broadcast_in_dim3A_224 = vector.broadcast %add3A_223 : i32 to vector<16xi32>
        %gather3A_225 = tpu.vector_load_idx %arg11[%broadcast_in_dim3A_224] : memref<128xf32, #tpu.memory_space<vmem>>[vector<16xi32>], vector<16xf32>,
        %get3A_226 = arith.index_cast %add3A_223 : i32 to index
        %get3A_227 = arith.constant 0 : index
        %get3A_228 = tpu.vector_load %arg13[%get3A_226, %get3A_227] {strides = array<i32>} : memref<128x32xf32, #tpu.memory_space<vmem>>, vector<16xf32>,
        %mul3A_229 = arith.mulf %get3A_228, %gather3A_225 : vector<16xf32>
        %swap3A_230 = arith.index_cast %add3A_223 : i32 to index
        %swap3A_231 = arith.constant 0 : index
        %swap3A_232 = tpu.vector_load %arg13[%swap3A_230, %swap3A_231] {strides = array<i32>} : memref<128x32xf32, #tpu.memory_space<vmem>>, vector<16xf32>,
        tpu.vector_store %arg13[%swap3A_230, %swap3A_231], %mul3A_229 {strides = array<i32>} : memref<128x32xf32, #tpu.memory_space<vmem>>, vector<16xf32>,
        %get3A_233 = arith.index_cast %add3A_223 : i32 to index
        %get3A_234 = arith.constant 16 : index
        %get3A_235 = tpu.vector_load %arg13[%get3A_233, %get3A_234] {strides = array<i32>} : memref<128x32xf32, #tpu.memory_space<vmem>>, vector<16xf32>,
        %mul3A_236 = arith.mulf %get3A_235, %gather3A_225 : vector<16xf32>
        %swap3A_237 = arith.index_cast %add3A_223 : i32 to index
        %swap3A_238 = arith.constant 16 : index
        %swap3A_239 = tpu.vector_load %arg13[%swap3A_237, %swap3A_238] {strides = array<i32>} : memref<128x32xf32, #tpu.memory_space<vmem>>, vector<16xf32>,
        tpu.vector_store %arg13[%swap3A_237, %swap3A_238], %mul3A_236 {strides = array<i32>} : memref<128x32xf32, #tpu.memory_space<vmem>>, vector<16xf32>,
        %scan3A_240 = arith.constant 3 : i32
        %scan3A_241 = arith.addi %scan3A_179, %scan3A_240 : i32
        %mul3A_242 = arith.constant 1 : i32
        %mul3A_243 = arith.muli %scan3A_241, %mul3A_242 : i32
        %add3A_244 = arith.constant 0 : i32
        %add3A_245 = arith.addi %add3A_244, %mul3A_243 : i32
        %broadcast_in_dim3A_246 = vector.broadcast %add3A_245 : i32 to vector<16xi32>
        %gather3A_247 = tpu.vector_load_idx %arg11[%broadcast_in_dim3A_246] : memref<128xf32, #tpu.memory_space<vmem>>[vector<16xi32>], vector<16xf32>,
        %get3A_248 = arith.index_cast %add3A_245 : i32 to index
        %get3A_249 = arith.constant 0 : index
        %get3A_250 = tpu.vector_load %arg13[%get3A_248, %get3A_249] {strides = array<i32>} : memref<128x32xf32, #tpu.memory_space<vmem>>, vector<16xf32>,
        %mul3A_251 = arith.mulf %get3A_250, %gather3A_247 : vector<16xf32>
        %swap3A_252 = arith.index_cast %add3A_245 : i32 to index
        %swap3A_253 = arith.constant 0 : index
        %swap3A_254 = tpu.vector_load %arg13[%swap3A_252, %swap3A_253] {strides = array<i32>} : memref<128x32xf32, #tpu.memory_space<vmem>>, vector<16xf32>,
        tpu.vector_store %arg13[%swap3A_252, %swap3A_253], %mul3A_251 {strides = array<i32>} : memref<128x32xf32, #tpu.memory_space<vmem>>, vector<16xf32>,
        %get3A_255 = arith.index_cast %add3A_245 : i32 to index
        %get3A_256 = arith.constant 16 : index
        %get3A_257 = tpu.vector_load %arg13[%get3A_255, %get3A_256] {strides = array<i32>} : memref<128x32xf32, #tpu.memory_space<vmem>>, vector<16xf32>,
        %mul3A_258 = arith.mulf %get3A_257, %gather3A_247 : vector<16xf32>
        %swap3A_259 = arith.index_cast %add3A_245 : i32 to index
        %swap3A_260 = arith.constant 16 : index
        %swap3A_261 = tpu.vector_load %arg13[%swap3A_259, %swap3A_260] {strides = array<i32>} : memref<128x32xf32, #tpu.memory_space<vmem>>, vector<16xf32>,
        tpu.vector_store %arg13[%swap3A_259, %swap3A_260], %mul3A_258 {strides = array<i32>} : memref<128x32xf32, #tpu.memory_space<vmem>>, vector<16xf32>,
      }
      %scan3A_130 = arith.constant 128 : i32
      %dma_wait3A_131 = arith.constant 0 : i32
      %dma_wait3A_132 = tpu.memref_slice %arg3[%select_n3A, %dma_wait3A_131] : memref<2500x128xi32, #tpu.memory_space<hbm>> -> memref<1x128xi32, #tpu.memory_space<hbm>>
      %dma_wait3A_133 = tpu.memref_squeeze %dma_wait3A_132 : memref<1x128xi32, #tpu.memory_space<hbm>> -> memref<128xi32, #tpu.memory_space<hbm>>
      %dma_wait3A_134 = arith.constant 0 : i32
      %dma_wait3A_135 = tpu.memref_slice %arg3[%select_n3A, %dma_wait3A_134] : memref<2500x128xi32, #tpu.memory_space<hbm>> -> memref<1x128xi32, #tpu.memory_space<hbm>>
      %dma_wait3A_136 = tpu.memref_squeeze %dma_wait3A_135 : memref<1x128xi32, #tpu.memory_space<hbm>> -> memref<128xi32, #tpu.memory_space<hbm>>
      tpu.wait_dma2 semaphore(%arg19 : memref<!tpu.dma_semaphore, #tpu.memory_space<semaphore_mem>>) src(%dma_wait3A_136 : memref<128xi32, #tpu.memory_space<hbm>>) dst(%arg9 : memref<128xi32, #tpu.memory_space<vmem>>)
      %dma_start3A_137 = arith.constant 0 : i32
      %dma_start3A_138 = arith.constant 0 : i32
      %dma_start3A_139 = tpu.memref_slice %arg16[%dma_start3A_137, %dma_start3A_138] : memref<10240x32xf32, #tpu.memory_space<vmem_shared>> -> memref<10240x32xf32, #tpu.memory_space<vmem_shared>>
      tpu.enqueue_indirect_dma source(%arg13 : memref<128x32xf32, #tpu.memory_space<vmem>>) target(%dma_start3A_139 : memref<10240x32xf32, #tpu.memory_space<vmem_shared>>) offsets(%arg9 : memref<128xi32, #tpu.memory_space<vmem>>) semaphore(%arg23 : memref<!tpu.dma_semaphore, #tpu.memory_space<semaphore_mem>>) {add = true}
      %add3A_140 = arith.constant 2 : i32
      %add3A_141 = arith.addi %mul3A_118, %add3A_140 : i32
      %lt3A_142 = arith.cmpi slt, %add3A_141, %select_n3A_12 : i32
      %convert_element_type3A_143 = arith.extui %lt3A_142 : i1 to i32
      %cond3A_144 = arith.constant 0 : i32
      %cond3A_145 = arith.cmpi ne, %convert_element_type3A_143, %cond3A_144 : i32
      scf.if %cond3A_145 {
        %add3A_179 = arith.addi %select_n3A, %mul3A_118 : i32
        %add3A_180 = arith.constant 2 : i32
        %add3A_181 = arith.addi %add3A_179, %add3A_180 : i32
        %dma_start3A_182 = arith.constant 0 : i32
        %dma_start3A_183 = tpu.memref_slice %arg2[%add3A_181, %dma_start3A_182] : memref<2500x128xi32, #tpu.memory_space<hbm>> -> memref<1x128xi32, #tpu.memory_space<hbm>>
        %dma_start3A_184 = tpu.memref_squeeze %dma_start3A_183 : memref<1x128xi32, #tpu.memory_space<hbm>> -> memref<128xi32, #tpu.memory_space<hbm>>
        %dma_start3A_185 = arith.constant 0 : i32
        %dma_start3A_186 = tpu.memref_slice %arg2[%add3A_181, %dma_start3A_185] : memref<2500x128xi32, #tpu.memory_space<hbm>> -> memref<1x128xi32, #tpu.memory_space<hbm>>
        %dma_start3A_187 = tpu.memref_squeeze %dma_start3A_186 : memref<1x128xi32, #tpu.memory_space<hbm>> -> memref<128xi32, #tpu.memory_space<hbm>>
        tpu.enqueue_dma source(%dma_start3A_187 : memref<128xi32, #tpu.memory_space<hbm>>) target(%arg7 : memref<128xi32, #tpu.memory_space<vmem>>) target_semaphore(%arg17 : memref<!tpu.dma_semaphore, #tpu.memory_space<semaphore_mem>>)
        %add3A_188 = arith.addi %select_n3A, %mul3A_118 : i32
        %add3A_189 = arith.constant 2 : i32
        %add3A_190 = arith.addi %add3A_188, %add3A_189 : i32
        %dma_start3A_191 = arith.constant 0 : i32
        %dma_start3A_192 = tpu.memref_slice %arg4[%add3A_190, %dma_start3A_191] : memref<2500x128xf32, #tpu.memory_space<hbm>> -> memref<1x128xf32, #tpu.memory_space<hbm>>
        %dma_start3A_193 = tpu.memref_squeeze %dma_start3A_192 : memref<1x128xf32, #tpu.memory_space<hbm>> -> memref<128xf32, #tpu.memory_space<hbm>>
        %dma_start3A_194 = arith.constant 0 : i32
        %dma_start3A_195 = tpu.memref_slice %arg4[%add3A_190, %dma_start3A_194] : memref<2500x128xf32, #tpu.memory_space<hbm>> -> memref<1x128xf32, #tpu.memory_space<hbm>>
        %dma_start3A_196 = tpu.memref_squeeze %dma_start3A_195 : memref<1x128xf32, #tpu.memory_space<hbm>> -> memref<128xf32, #tpu.memory_space<hbm>>
        tpu.enqueue_dma source(%dma_start3A_196 : memref<128xf32, #tpu.memory_space<hbm>>) target(%arg11 : memref<128xf32, #tpu.memory_space<vmem>>) target_semaphore(%arg17 : memref<!tpu.dma_semaphore, #tpu.memory_space<semaphore_mem>>)
      } else {
      }
      %mul3A_146 = arith.constant 2 : i32
      %mul3A_147 = arith.muli %mul3A_146, %add3A_116 : i32
      %add3A_148 = arith.constant 1 : i32
      %add3A_149 = arith.addi %mul3A_147, %add3A_148 : i32
      %dma_wait3A_150 = arith.constant 0 : i32
      %dma_wait3A_151 = arith.constant 0 : i32
      %dma_wait3A_152 = tpu.memref_slice %arg5[%dma_wait3A_150, %dma_wait3A_151] : memref<10240x32xf32, #tpu.memory_space<hbm>> -> memref<10240x32xf32, #tpu.memory_space<hbm>>
      tpu.wait_indirect_dma semaphore(%arg22 : memref<!tpu.dma_semaphore, #tpu.memory_space<semaphore_mem>>) src(%dma_wait3A_152 : memref<10240x32xf32, #tpu.memory_space<hbm>>) dst(%arg14 : memref<128x32xf32, #tpu.memory_space<vmem>>)
      %add3A_153 = arith.constant 1 : i32
      %add3A_154 = arith.addi %add3A_149, %add3A_153 : i32
      %lt3A_155 = arith.cmpi slt, %add3A_154, %select_n3A_12 : i32
      %convert_element_type3A_156 = arith.extui %lt3A_155 : i1 to i32
      %cond3A_157 = arith.constant 0 : i32
      %cond3A_158 = arith.cmpi ne, %convert_element_type3A_156, %cond3A_157 : i32
      scf.if %cond3A_158 {
        %dma_wait3A_179 = arith.constant 0 : i32
        %dma_wait3A_180 = tpu.memref_slice %arg2[%select_n3A, %dma_wait3A_179] : memref<2500x128xi32, #tpu.memory_space<hbm>> -> memref<1x128xi32, #tpu.memory_space<hbm>>
        %dma_wait3A_181 = tpu.memref_squeeze %dma_wait3A_180 : memref<1x128xi32, #tpu.memory_space<hbm>> -> memref<128xi32, #tpu.memory_space<hbm>>
        %dma_wait3A_182 = arith.constant 0 : i32
        %dma_wait3A_183 = tpu.memref_slice %arg2[%select_n3A, %dma_wait3A_182] : memref<2500x128xi32, #tpu.memory_space<hbm>> -> memref<1x128xi32, #tpu.memory_space<hbm>>
        %dma_wait3A_184 = tpu.memref_squeeze %dma_wait3A_183 : memref<1x128xi32, #tpu.memory_space<hbm>> -> memref<128xi32, #tpu.memory_space<hbm>>
        tpu.wait_dma2 semaphore(%arg17 : memref<!tpu.dma_semaphore, #tpu.memory_space<semaphore_mem>>) src(%dma_wait3A_184 : memref<128xi32, #tpu.memory_space<hbm>>) dst(%arg7 : memref<128xi32, #tpu.memory_space<vmem>>)
        %dma_wait3A_185 = arith.constant 0 : i32
        %dma_wait3A_186 = tpu.memref_slice %arg4[%select_n3A, %dma_wait3A_185] : memref<2500x128xf32, #tpu.memory_space<hbm>> -> memref<1x128xf32, #tpu.memory_space<hbm>>
        %dma_wait3A_187 = tpu.memref_squeeze %dma_wait3A_186 : memref<1x128xf32, #tpu.memory_space<hbm>> -> memref<128xf32, #tpu.memory_space<hbm>>
        %dma_wait3A_188 = arith.constant 0 : i32
        %dma_wait3A_189 = tpu.memref_slice %arg4[%select_n3A, %dma_wait3A_188] : memref<2500x128xf32, #tpu.memory_space<hbm>> -> memref<1x128xf32, #tpu.memory_space<hbm>>
        %dma_wait3A_190 = tpu.memref_squeeze %dma_wait3A_189 : memref<1x128xf32, #tpu.memory_space<hbm>> -> memref<128xf32, #tpu.memory_space<hbm>>
        tpu.wait_dma2 semaphore(%arg17 : memref<!tpu.dma_semaphore, #tpu.memory_space<semaphore_mem>>) src(%dma_wait3A_190 : memref<128xf32, #tpu.memory_space<hbm>>) dst(%arg11 : memref<128xf32, #tpu.memory_space<vmem>>)
        %ge3A = arith.constant 1 : i32
        %ge3A_191 = arith.cmpi sge, %add3A_149, %ge3A : i32
        %convert_element_type3A_192 = arith.extui %ge3A_191 : i1 to i32
        %cond3A_193 = arith.constant 0 : i32
        %cond3A_194 = arith.cmpi ne, %convert_element_type3A_192, %cond3A_193 : i32
        scf.if %cond3A_194 {
          %dma_wait3A_207 = arith.constant 0 : i32
          %dma_wait3A_208 = arith.constant 0 : i32
          %dma_wait3A_209 = tpu.memref_slice %arg16[%dma_wait3A_207, %dma_wait3A_208] : memref<10240x32xf32, #tpu.memory_space<vmem_shared>> -> memref<10240x32xf32, #tpu.memory_space<vmem_shared>>
          tpu.wait_indirect_dma semaphore(%arg23 : memref<!tpu.dma_semaphore, #tpu.memory_space<semaphore_mem>>) src(%arg13 : memref<128x32xf32, #tpu.memory_space<vmem>>) dst(%dma_wait3A_209 : memref<10240x32xf32, #tpu.memory_space<vmem_shared>>)
        } else {
        }
        %dma_start3A_195 = arith.constant 0 : i32
        %dma_start3A_196 = arith.constant 0 : i32
        %dma_start3A_197 = tpu.memref_slice %arg5[%dma_start3A_195, %dma_start3A_196] : memref<10240x32xf32, #tpu.memory_space<hbm>> -> memref<10240x32xf32, #tpu.memory_space<hbm>>
        tpu.enqueue_indirect_dma source(%dma_start3A_197 : memref<10240x32xf32, #tpu.memory_space<hbm>>) target(%arg13 : memref<128x32xf32, #tpu.memory_space<vmem>>) offsets(%arg7 : memref<128xi32, #tpu.memory_space<vmem>>) semaphore(%arg21 : memref<!tpu.dma_semaphore, #tpu.memory_space<semaphore_mem>>)
        %add3A_198 = arith.addi %select_n3A, %add3A_149 : i32
        %add3A_199 = arith.constant 1 : i32
        %add3A_200 = arith.addi %add3A_198, %add3A_199 : i32
        %dma_start3A_201 = arith.constant 0 : i32
        %dma_start3A_202 = tpu.memref_slice %arg3[%add3A_200, %dma_start3A_201] : memref<2500x128xi32, #tpu.memory_space<hbm>> -> memref<1x128xi32, #tpu.memory_space<hbm>>
        %dma_start3A_203 = tpu.memref_squeeze %dma_start3A_202 : memref<1x128xi32, #tpu.memory_space<hbm>> -> memref<128xi32, #tpu.memory_space<hbm>>
        %dma_start3A_204 = arith.constant 0 : i32
        %dma_start3A_205 = tpu.memref_slice %arg3[%add3A_200, %dma_start3A_204] : memref<2500x128xi32, #tpu.memory_space<hbm>> -> memref<1x128xi32, #tpu.memory_space<hbm>>
        %dma_start3A_206 = tpu.memref_squeeze %dma_start3A_205 : memref<1x128xi32, #tpu.memory_space<hbm>> -> memref<128xi32, #tpu.memory_space<hbm>>
        tpu.enqueue_dma source(%dma_start3A_206 : memref<128xi32, #tpu.memory_space<hbm>>) target(%arg9 : memref<128xi32, #tpu.memory_space<vmem>>) target_semaphore(%arg19 : memref<!tpu.dma_semaphore, #tpu.memory_space<semaphore_mem>>)
      } else {
      }
      %scan3A_159 = arith.constant 0 : i32
      %scan3A_160 = arith.constant 128 : i32
      %scan3A_161 = arith.addi %scan3A_159, %scan3A_160 : i32
      %scan3A_162 = arith.constant 4 : i32
      scf.for %scan3A_179 = %scan3A_159 to %scan3A_161 step %scan3A_162  : i32 {
        %mul3A_180 = arith.constant 1 : i32
        %mul3A_181 = arith.muli %scan3A_179, %mul3A_180 : i32
        %add3A_182 = arith.constant 0 : i32
        %add3A_183 = arith.addi %add3A_182, %mul3A_181 : i32
        %broadcast_in_dim3A = vector.broadcast %add3A_183 : i32 to vector<16xi32>
        %gather3A = tpu.vector_load_idx %arg12[%broadcast_in_dim3A] : memref<128xf32, #tpu.memory_space<vmem>>[vector<16xi32>], vector<16xf32>,
        %get3A = arith.index_cast %add3A_183 : i32 to index
        %get3A_184 = arith.constant 0 : index
        %get3A_185 = tpu.vector_load %arg14[%get3A, %get3A_184] {strides = array<i32>} : memref<128x32xf32, #tpu.memory_space<vmem>>, vector<16xf32>,
        %mul3A_186 = arith.mulf %get3A_185, %gather3A : vector<16xf32>
        %swap3A = arith.index_cast %add3A_183 : i32 to index
        %swap3A_187 = arith.constant 0 : index
        %swap3A_188 = tpu.vector_load %arg14[%swap3A, %swap3A_187] {strides = array<i32>} : memref<128x32xf32, #tpu.memory_space<vmem>>, vector<16xf32>,
        tpu.vector_store %arg14[%swap3A, %swap3A_187], %mul3A_186 {strides = array<i32>} : memref<128x32xf32, #tpu.memory_space<vmem>>, vector<16xf32>,
        %get3A_189 = arith.index_cast %add3A_183 : i32 to index
        %get3A_190 = arith.constant 16 : index
        %get3A_191 = tpu.vector_load %arg14[%get3A_189, %get3A_190] {strides = array<i32>} : memref<128x32xf32, #tpu.memory_space<vmem>>, vector<16xf32>,
        %mul3A_192 = arith.mulf %get3A_191, %gather3A : vector<16xf32>
        %swap3A_193 = arith.index_cast %add3A_183 : i32 to index
        %swap3A_194 = arith.constant 16 : index
        %swap3A_195 = tpu.vector_load %arg14[%swap3A_193, %swap3A_194] {strides = array<i32>} : memref<128x32xf32, #tpu.memory_space<vmem>>, vector<16xf32>,
        tpu.vector_store %arg14[%swap3A_193, %swap3A_194], %mul3A_192 {strides = array<i32>} : memref<128x32xf32, #tpu.memory_space<vmem>>, vector<16xf32>,
        %scan3A_196 = arith.constant 1 : i32
        %scan3A_197 = arith.addi %scan3A_179, %scan3A_196 : i32
        %mul3A_198 = arith.constant 1 : i32
        %mul3A_199 = arith.muli %scan3A_197, %mul3A_198 : i32
        %add3A_200 = arith.constant 0 : i32
        %add3A_201 = arith.addi %add3A_200, %mul3A_199 : i32
        %broadcast_in_dim3A_202 = vector.broadcast %add3A_201 : i32 to vector<16xi32>
        %gather3A_203 = tpu.vector_load_idx %arg12[%broadcast_in_dim3A_202] : memref<128xf32, #tpu.memory_space<vmem>>[vector<16xi32>], vector<16xf32>,
        %get3A_204 = arith.index_cast %add3A_201 : i32 to index
        %get3A_205 = arith.constant 0 : index
        %get3A_206 = tpu.vector_load %arg14[%get3A_204, %get3A_205] {strides = array<i32>} : memref<128x32xf32, #tpu.memory_space<vmem>>, vector<16xf32>,
        %mul3A_207 = arith.mulf %get3A_206, %gather3A_203 : vector<16xf32>
        %swap3A_208 = arith.index_cast %add3A_201 : i32 to index
        %swap3A_209 = arith.constant 0 : index
        %swap3A_210 = tpu.vector_load %arg14[%swap3A_208, %swap3A_209] {strides = array<i32>} : memref<128x32xf32, #tpu.memory_space<vmem>>, vector<16xf32>,
        tpu.vector_store %arg14[%swap3A_208, %swap3A_209], %mul3A_207 {strides = array<i32>} : memref<128x32xf32, #tpu.memory_space<vmem>>, vector<16xf32>,
        %get3A_211 = arith.index_cast %add3A_201 : i32 to index
        %get3A_212 = arith.constant 16 : index
        %get3A_213 = tpu.vector_load %arg14[%get3A_211, %get3A_212] {strides = array<i32>} : memref<128x32xf32, #tpu.memory_space<vmem>>, vector<16xf32>,
        %mul3A_214 = arith.mulf %get3A_213, %gather3A_203 : vector<16xf32>
        %swap3A_215 = arith.index_cast %add3A_201 : i32 to index
        %swap3A_216 = arith.constant 16 : index
        %swap3A_217 = tpu.vector_load %arg14[%swap3A_215, %swap3A_216] {strides = array<i32>} : memref<128x32xf32, #tpu.memory_space<vmem>>, vector<16xf32>,
        tpu.vector_store %arg14[%swap3A_215, %swap3A_216], %mul3A_214 {strides = array<i32>} : memref<128x32xf32, #tpu.memory_space<vmem>>, vector<16xf32>,
        %scan3A_218 = arith.constant 2 : i32
        %scan3A_219 = arith.addi %scan3A_179, %scan3A_218 : i32
        %mul3A_220 = arith.constant 1 : i32
        %mul3A_221 = arith.muli %scan3A_219, %mul3A_220 : i32
        %add3A_222 = arith.constant 0 : i32
        %add3A_223 = arith.addi %add3A_222, %mul3A_221 : i32
        %broadcast_in_dim3A_224 = vector.broadcast %add3A_223 : i32 to vector<16xi32>
        %gather3A_225 = tpu.vector_load_idx %arg12[%broadcast_in_dim3A_224] : memref<128xf32, #tpu.memory_space<vmem>>[vector<16xi32>], vector<16xf32>,
        %get3A_226 = arith.index_cast %add3A_223 : i32 to index
        %get3A_227 = arith.constant 0 : index
        %get3A_228 = tpu.vector_load %arg14[%get3A_226, %get3A_227] {strides = array<i32>} : memref<128x32xf32, #tpu.memory_space<vmem>>, vector<16xf32>,
        %mul3A_229 = arith.mulf %get3A_228, %gather3A_225 : vector<16xf32>
        %swap3A_230 = arith.index_cast %add3A_223 : i32 to index
        %swap3A_231 = arith.constant 0 : index
        %swap3A_232 = tpu.vector_load %arg14[%swap3A_230, %swap3A_231] {strides = array<i32>} : memref<128x32xf32, #tpu.memory_space<vmem>>, vector<16xf32>,
        tpu.vector_store %arg14[%swap3A_230, %swap3A_231], %mul3A_229 {strides = array<i32>} : memref<128x32xf32, #tpu.memory_space<vmem>>, vector<16xf32>,
        %get3A_233 = arith.index_cast %add3A_223 : i32 to index
        %get3A_234 = arith.constant 16 : index
        %get3A_235 = tpu.vector_load %arg14[%get3A_233, %get3A_234] {strides = array<i32>} : memref<128x32xf32, #tpu.memory_space<vmem>>, vector<16xf32>,
        %mul3A_236 = arith.mulf %get3A_235, %gather3A_225 : vector<16xf32>
        %swap3A_237 = arith.index_cast %add3A_223 : i32 to index
        %swap3A_238 = arith.constant 16 : index
        %swap3A_239 = tpu.vector_load %arg14[%swap3A_237, %swap3A_238] {strides = array<i32>} : memref<128x32xf32, #tpu.memory_space<vmem>>, vector<16xf32>,
        tpu.vector_store %arg14[%swap3A_237, %swap3A_238], %mul3A_236 {strides = array<i32>} : memref<128x32xf32, #tpu.memory_space<vmem>>, vector<16xf32>,
        %scan3A_240 = arith.constant 3 : i32
        %scan3A_241 = arith.addi %scan3A_179, %scan3A_240 : i32
        %mul3A_242 = arith.constant 1 : i32
        %mul3A_243 = arith.muli %scan3A_241, %mul3A_242 : i32
        %add3A_244 = arith.constant 0 : i32
        %add3A_245 = arith.addi %add3A_244, %mul3A_243 : i32
        %broadcast_in_dim3A_246 = vector.broadcast %add3A_245 : i32 to vector<16xi32>
        %gather3A_247 = tpu.vector_load_idx %arg12[%broadcast_in_dim3A_246] : memref<128xf32, #tpu.memory_space<vmem>>[vector<16xi32>], vector<16xf32>,
        %get3A_248 = arith.index_cast %add3A_245 : i32 to index
        %get3A_249 = arith.constant 0 : index
        %get3A_250 = tpu.vector_load %arg14[%get3A_248, %get3A_249] {strides = array<i32>} : memref<128x32xf32, #tpu.memory_space<vmem>>, vector<16xf32>,
        %mul3A_251 = arith.mulf %get3A_250, %gather3A_247 : vector<16xf32>
        %swap3A_252 = arith.index_cast %add3A_245 : i32 to index
        %swap3A_253 = arith.constant 0 : index
        %swap3A_254 = tpu.vector_load %arg14[%swap3A_252, %swap3A_253] {strides = array<i32>} : memref<128x32xf32, #tpu.memory_space<vmem>>, vector<16xf32>,
        tpu.vector_store %arg14[%swap3A_252, %swap3A_253], %mul3A_251 {strides = array<i32>} : memref<128x32xf32, #tpu.memory_space<vmem>>, vector<16xf32>,
        %get3A_255 = arith.index_cast %add3A_245 : i32 to index
        %get3A_256 = arith.constant 16 : index
        %get3A_257 = tpu.vector_load %arg14[%get3A_255, %get3A_256] {strides = array<i32>} : memref<128x32xf32, #tpu.memory_space<vmem>>, vector<16xf32>,
        %mul3A_258 = arith.mulf %get3A_257, %gather3A_247 : vector<16xf32>
        %swap3A_259 = arith.index_cast %add3A_245 : i32 to index
        %swap3A_260 = arith.constant 16 : index
        %swap3A_261 = tpu.vector_load %arg14[%swap3A_259, %swap3A_260] {strides = array<i32>} : memref<128x32xf32, #tpu.memory_space<vmem>>, vector<16xf32>,
        tpu.vector_store %arg14[%swap3A_259, %swap3A_260], %mul3A_258 {strides = array<i32>} : memref<128x32xf32, #tpu.memory_space<vmem>>, vector<16xf32>,
      }
      %scan3A_163 = arith.constant 128 : i32
      %dma_wait3A_164 = arith.constant 0 : i32
      %dma_wait3A_165 = tpu.memref_slice %arg3[%select_n3A, %dma_wait3A_164] : memref<2500x128xi32, #tpu.memory_space<hbm>> -> memref<1x128xi32, #tpu.memory_space<hbm>>
      %dma_wait3A_166 = tpu.memref_squeeze %dma_wait3A_165 : memref<1x128xi32, #tpu.memory_space<hbm>> -> memref<128xi32, #tpu.memory_space<hbm>>
      %dma_wait3A_167 = arith.constant 0 : i32
      %dma_wait3A_168 = tpu.memref_slice %arg3[%select_n3A, %dma_wait3A_167] : memref<2500x128xi32, #tpu.memory_space<hbm>> -> memref<1x128xi32, #tpu.memory_space<hbm>>
      %dma_wait3A_169 = tpu.memref_squeeze %dma_wait3A_168 : memref<1x128xi32, #tpu.memory_space<hbm>> -> memref<128xi32, #tpu.memory_space<hbm>>
      tpu.wait_dma2 semaphore(%arg20 : memref<!tpu.dma_semaphore, #tpu.memory_space<semaphore_mem>>) src(%dma_wait3A_169 : memref<128xi32, #tpu.memory_space<hbm>>) dst(%arg10 : memref<128xi32, #tpu.memory_space<vmem>>)
      %dma_start3A_170 = arith.constant 0 : i32
      %dma_start3A_171 = arith.constant 0 : i32
      %dma_start3A_172 = tpu.memref_slice %arg16[%dma_start3A_170, %dma_start3A_171] : memref<10240x32xf32, #tpu.memory_space<vmem_shared>> -> memref<10240x32xf32, #tpu.memory_space<vmem_shared>>
      tpu.enqueue_indirect_dma source(%arg14 : memref<128x32xf32, #tpu.memory_space<vmem>>) target(%dma_start3A_172 : memref<10240x32xf32, #tpu.memory_space<vmem_shared>>) offsets(%arg10 : memref<128xi32, #tpu.memory_space<vmem>>) semaphore(%arg24 : memref<!tpu.dma_semaphore, #tpu.memory_space<semaphore_mem>>) {add = true}
      %add3A_173 = arith.constant 2 : i32
      %add3A_174 = arith.addi %add3A_149, %add3A_173 : i32
      %lt3A_175 = arith.cmpi slt, %add3A_174, %select_n3A_12 : i32
      %convert_element_type3A_176 = arith.extui %lt3A_175 : i1 to i32
      %cond3A_177 = arith.constant 0 : i32
      %cond3A_178 = arith.cmpi ne, %convert_element_type3A_176, %cond3A_177 : i32
      scf.if %cond3A_178 {
        %add3A_179 = arith.addi %select_n3A, %add3A_149 : i32
        %add3A_180 = arith.constant 2 : i32
        %add3A_181 = arith.addi %add3A_179, %add3A_180 : i32
        %dma_start3A_182 = arith.constant 0 : i32
        %dma_start3A_183 = tpu.memref_slice %arg2[%add3A_181, %dma_start3A_182] : memref<2500x128xi32, #tpu.memory_space<hbm>> -> memref<1x128xi32, #tpu.memory_space<hbm>>
        %dma_start3A_184 = tpu.memref_squeeze %dma_start3A_183 : memref<1x128xi32, #tpu.memory_space<hbm>> -> memref<128xi32, #tpu.memory_space<hbm>>
        %dma_start3A_185 = arith.constant 0 : i32
        %dma_start3A_186 = tpu.memref_slice %arg2[%add3A_181, %dma_start3A_185] : memref<2500x128xi32, #tpu.memory_space<hbm>> -> memref<1x128xi32, #tpu.memory_space<hbm>>
        %dma_start3A_187 = tpu.memref_squeeze %dma_start3A_186 : memref<1x128xi32, #tpu.memory_space<hbm>> -> memref<128xi32, #tpu.memory_space<hbm>>
        tpu.enqueue_dma source(%dma_start3A_187 : memref<128xi32, #tpu.memory_space<hbm>>) target(%arg8 : memref<128xi32, #tpu.memory_space<vmem>>) target_semaphore(%arg18 : memref<!tpu.dma_semaphore, #tpu.memory_space<semaphore_mem>>)
        %add3A_188 = arith.addi %select_n3A, %add3A_149 : i32
        %add3A_189 = arith.constant 2 : i32
        %add3A_190 = arith.addi %add3A_188, %add3A_189 : i32
        %dma_start3A_191 = arith.constant 0 : i32
        %dma_start3A_192 = tpu.memref_slice %arg4[%add3A_190, %dma_start3A_191] : memref<2500x128xf32, #tpu.memory_space<hbm>> -> memref<1x128xf32, #tpu.memory_space<hbm>>
        %dma_start3A_193 = tpu.memref_squeeze %dma_start3A_192 : memref<1x128xf32, #tpu.memory_space<hbm>> -> memref<128xf32, #tpu.memory_space<hbm>>
        %dma_start3A_194 = arith.constant 0 : i32
        %dma_start3A_195 = tpu.memref_slice %arg4[%add3A_190, %dma_start3A_194] : memref<2500x128xf32, #tpu.memory_space<hbm>> -> memref<1x128xf32, #tpu.memory_space<hbm>>
        %dma_start3A_196 = tpu.memref_squeeze %dma_start3A_195 : memref<1x128xf32, #tpu.memory_space<hbm>> -> memref<128xf32, #tpu.memory_space<hbm>>
        tpu.enqueue_dma source(%dma_start3A_196 : memref<128xf32, #tpu.memory_space<hbm>>) target(%arg12 : memref<128xf32, #tpu.memory_space<vmem>>) target_semaphore(%arg18 : memref<!tpu.dma_semaphore, #tpu.memory_space<semaphore_mem>>)
      } else {
      }
    }
    %while3A_102 = arith.constant 1 : i32
    scf.for %while3A_114 = %while3A_100 to %while3A_96 step %while3A_102  : i32 {
      %mul3A_115 = arith.muli %while3A_114, %while3A : i32
      %add3A_116 = arith.addi %while3A_93, %mul3A_115 : i32
      %mul3A_117 = arith.constant 2 : i32
      %mul3A_118 = arith.muli %mul3A_117, %add3A_116 : i32
      %dma_wait3A_119 = arith.constant 0 : i32
      %dma_wait3A_120 = arith.constant 0 : i32
      %dma_wait3A_121 = tpu.memref_slice %arg5[%dma_wait3A_119, %dma_wait3A_120] : memref<10240x32xf32, #tpu.memory_space<hbm>> -> memref<10240x32xf32, #tpu.memory_space<hbm>>
      tpu.wait_indirect_dma semaphore(%arg21 : memref<!tpu.dma_semaphore, #tpu.memory_space<semaphore_mem>>) src(%dma_wait3A_121 : memref<10240x32xf32, #tpu.memory_space<hbm>>) dst(%arg13 : memref<128x32xf32, #tpu.memory_space<vmem>>)
      %add3A_122 = arith.constant 1 : i32
      %add3A_123 = arith.addi %mul3A_118, %add3A_122 : i32
      %lt3A_124 = arith.cmpi slt, %add3A_123, %select_n3A_12 : i32
      %convert_element_type3A = arith.extui %lt3A_124 : i1 to i32
      %cond3A = arith.constant 0 : i32
      %cond3A_125 = arith.cmpi ne, %convert_element_type3A, %cond3A : i32
      scf.if %cond3A_125 {
        %dma_wait3A_179 = arith.constant 0 : i32
        %dma_wait3A_180 = tpu.memref_slice %arg2[%select_n3A, %dma_wait3A_179] : memref<2500x128xi32, #tpu.memory_space<hbm>> -> memref<1x128xi32, #tpu.memory_space<hbm>>
        %dma_wait3A_181 = tpu.memref_squeeze %dma_wait3A_180 : memref<1x128xi32, #tpu.memory_space<hbm>> -> memref<128xi32, #tpu.memory_space<hbm>>
        %dma_wait3A_182 = arith.constant 0 : i32
        %dma_wait3A_183 = tpu.memref_slice %arg2[%select_n3A, %dma_wait3A_182] : memref<2500x128xi32, #tpu.memory_space<hbm>> -> memref<1x128xi32, #tpu.memory_space<hbm>>
        %dma_wait3A_184 = tpu.memref_squeeze %dma_wait3A_183 : memref<1x128xi32, #tpu.memory_space<hbm>> -> memref<128xi32, #tpu.memory_space<hbm>>
        tpu.wait_dma2 semaphore(%arg18 : memref<!tpu.dma_semaphore, #tpu.memory_space<semaphore_mem>>) src(%dma_wait3A_184 : memref<128xi32, #tpu.memory_space<hbm>>) dst(%arg8 : memref<128xi32, #tpu.memory_space<vmem>>)
        %dma_wait3A_185 = arith.constant 0 : i32
        %dma_wait3A_186 = tpu.memref_slice %arg4[%select_n3A, %dma_wait3A_185] : memref<2500x128xf32, #tpu.memory_space<hbm>> -> memref<1x128xf32, #tpu.memory_space<hbm>>
        %dma_wait3A_187 = tpu.memref_squeeze %dma_wait3A_186 : memref<1x128xf32, #tpu.memory_space<hbm>> -> memref<128xf32, #tpu.memory_space<hbm>>
        %dma_wait3A_188 = arith.constant 0 : i32
        %dma_wait3A_189 = tpu.memref_slice %arg4[%select_n3A, %dma_wait3A_188] : memref<2500x128xf32, #tpu.memory_space<hbm>> -> memref<1x128xf32, #tpu.memory_space<hbm>>
        %dma_wait3A_190 = tpu.memref_squeeze %dma_wait3A_189 : memref<1x128xf32, #tpu.memory_space<hbm>> -> memref<128xf32, #tpu.memory_space<hbm>>
        tpu.wait_dma2 semaphore(%arg18 : memref<!tpu.dma_semaphore, #tpu.memory_space<semaphore_mem>>) src(%dma_wait3A_190 : memref<128xf32, #tpu.memory_space<hbm>>) dst(%arg12 : memref<128xf32, #tpu.memory_space<vmem>>)
        %ge3A = arith.constant 1 : i32
        %ge3A_191 = arith.cmpi sge, %mul3A_118, %ge3A : i32
        %convert_element_type3A_192 = arith.extui %ge3A_191 : i1 to i32
        %cond3A_193 = arith.constant 0 : i32
        %cond3A_194 = arith.cmpi ne, %convert_element_type3A_192, %cond3A_193 : i32
        scf.if %cond3A_194 {
          %dma_wait3A_207 = arith.constant 0 : i32
          %dma_wait3A_208 = arith.constant 0 : i32
          %dma_wait3A_209 = tpu.memref_slice %arg16[%dma_wait3A_207, %dma_wait3A_208] : memref<10240x32xf32, #tpu.memory_space<vmem_shared>> -> memref<10240x32xf32, #tpu.memory_space<vmem_shared>>
          tpu.wait_indirect_dma semaphore(%arg24 : memref<!tpu.dma_semaphore, #tpu.memory_space<semaphore_mem>>) src(%arg14 : memref<128x32xf32, #tpu.memory_space<vmem>>) dst(%dma_wait3A_209 : memref<10240x32xf32, #tpu.memory_space<vmem_shared>>)
        } else {
        }
        %dma_start3A_195 = arith.constant 0 : i32
        %dma_start3A_196 = arith.constant 0 : i32
        %dma_start3A_197 = tpu.memref_slice %arg5[%dma_start3A_195, %dma_start3A_196] : memref<10240x32xf32, #tpu.memory_space<hbm>> -> memref<10240x32xf32, #tpu.memory_space<hbm>>
        tpu.enqueue_indirect_dma source(%dma_start3A_197 : memref<10240x32xf32, #tpu.memory_space<hbm>>) target(%arg14 : memref<128x32xf32, #tpu.memory_space<vmem>>) offsets(%arg8 : memref<128xi32, #tpu.memory_space<vmem>>) semaphore(%arg22 : memref<!tpu.dma_semaphore, #tpu.memory_space<semaphore_mem>>)
        %add3A_198 = arith.addi %select_n3A, %mul3A_118 : i32
        %add3A_199 = arith.constant 1 : i32
        %add3A_200 = arith.addi %add3A_198, %add3A_199 : i32
        %dma_start3A_201 = arith.constant 0 : i32
        %dma_start3A_202 = tpu.memref_slice %arg3[%add3A_200, %dma_start3A_201] : memref<2500x128xi32, #tpu.memory_space<hbm>> -> memref<1x128xi32, #tpu.memory_space<hbm>>
        %dma_start3A_203 = tpu.memref_squeeze %dma_start3A_202 : memref<1x128xi32, #tpu.memory_space<hbm>> -> memref<128xi32, #tpu.memory_space<hbm>>
        %dma_start3A_204 = arith.constant 0 : i32
        %dma_start3A_205 = tpu.memref_slice %arg3[%add3A_200, %dma_start3A_204] : memref<2500x128xi32, #tpu.memory_space<hbm>> -> memref<1x128xi32, #tpu.memory_space<hbm>>
        %dma_start3A_206 = tpu.memref_squeeze %dma_start3A_205 : memref<1x128xi32, #tpu.memory_space<hbm>> -> memref<128xi32, #tpu.memory_space<hbm>>
        tpu.enqueue_dma source(%dma_start3A_206 : memref<128xi32, #tpu.memory_space<hbm>>) target(%arg10 : memref<128xi32, #tpu.memory_space<vmem>>) target_semaphore(%arg20 : memref<!tpu.dma_semaphore, #tpu.memory_space<semaphore_mem>>)
      } else {
      }
      %scan3A_126 = arith.constant 0 : i32
      %scan3A_127 = arith.constant 128 : i32
      %scan3A_128 = arith.addi %scan3A_126, %scan3A_127 : i32
      %scan3A_129 = arith.constant 4 : i32
      scf.for %scan3A_179 = %scan3A_126 to %scan3A_128 step %scan3A_129  : i32 {
        %mul3A_180 = arith.constant 1 : i32
        %mul3A_181 = arith.muli %scan3A_179, %mul3A_180 : i32
        %add3A_182 = arith.constant 0 : i32
        %add3A_183 = arith.addi %add3A_182, %mul3A_181 : i32
        %broadcast_in_dim3A = vector.broadcast %add3A_183 : i32 to vector<16xi32>
        %gather3A = tpu.vector_load_idx %arg11[%broadcast_in_dim3A] : memref<128xf32, #tpu.memory_space<vmem>>[vector<16xi32>], vector<16xf32>,
        %get3A = arith.index_cast %add3A_183 : i32 to index
        %get3A_184 = arith.constant 0 : index
        %get3A_185 = tpu.vector_load %arg13[%get3A, %get3A_184] {strides = array<i32>} : memref<128x32xf32, #tpu.memory_space<vmem>>, vector<16xf32>,
        %mul3A_186 = arith.mulf %get3A_185, %gather3A : vector<16xf32>
        %swap3A = arith.index_cast %add3A_183 : i32 to index
        %swap3A_187 = arith.constant 0 : index
        %swap3A_188 = tpu.vector_load %arg13[%swap3A, %swap3A_187] {strides = array<i32>} : memref<128x32xf32, #tpu.memory_space<vmem>>, vector<16xf32>,
        tpu.vector_store %arg13[%swap3A, %swap3A_187], %mul3A_186 {strides = array<i32>} : memref<128x32xf32, #tpu.memory_space<vmem>>, vector<16xf32>,
        %get3A_189 = arith.index_cast %add3A_183 : i32 to index
        %get3A_190 = arith.constant 16 : index
        %get3A_191 = tpu.vector_load %arg13[%get3A_189, %get3A_190] {strides = array<i32>} : memref<128x32xf32, #tpu.memory_space<vmem>>, vector<16xf32>,
        %mul3A_192 = arith.mulf %get3A_191, %gather3A : vector<16xf32>
        %swap3A_193 = arith.index_cast %add3A_183 : i32 to index
        %swap3A_194 = arith.constant 16 : index
        %swap3A_195 = tpu.vector_load %arg13[%swap3A_193, %swap3A_194] {strides = array<i32>} : memref<128x32xf32, #tpu.memory_space<vmem>>, vector<16xf32>,
        tpu.vector_store %arg13[%swap3A_193, %swap3A_194], %mul3A_192 {strides = array<i32>} : memref<128x32xf32, #tpu.memory_space<vmem>>, vector<16xf32>,
        %scan3A_196 = arith.constant 1 : i32
        %scan3A_197 = arith.addi %scan3A_179, %scan3A_196 : i32
        %mul3A_198 = arith.constant 1 : i32
        %mul3A_199 = arith.muli %scan3A_197, %mul3A_198 : i32
        %add3A_200 = arith.constant 0 : i32
        %add3A_201 = arith.addi %add3A_200, %mul3A_199 : i32
        %broadcast_in_dim3A_202 = vector.broadcast %add3A_201 : i32 to vector<16xi32>
        %gather3A_203 = tpu.vector_load_idx %arg11[%broadcast_in_dim3A_202] : memref<128xf32, #tpu.memory_space<vmem>>[vector<16xi32>], vector<16xf32>,
        %get3A_204 = arith.index_cast %add3A_201 : i32 to index
        %get3A_205 = arith.constant 0 : index
        %get3A_206 = tpu.vector_load %arg13[%get3A_204, %get3A_205] {strides = array<i32>} : memref<128x32xf32, #tpu.memory_space<vmem>>, vector<16xf32>,
        %mul3A_207 = arith.mulf %get3A_206, %gather3A_203 : vector<16xf32>
        %swap3A_208 = arith.index_cast %add3A_201 : i32 to index
        %swap3A_209 = arith.constant 0 : index
        %swap3A_210 = tpu.vector_load %arg13[%swap3A_208, %swap3A_209] {strides = array<i32>} : memref<128x32xf32, #tpu.memory_space<vmem>>, vector<16xf32>,
        tpu.vector_store %arg13[%swap3A_208, %swap3A_209], %mul3A_207 {strides = array<i32>} : memref<128x32xf32, #tpu.memory_space<vmem>>, vector<16xf32>,
        %get3A_211 = arith.index_cast %add3A_201 : i32 to index
        %get3A_212 = arith.constant 16 : index
        %get3A_213 = tpu.vector_load %arg13[%get3A_211, %get3A_212] {strides = array<i32>} : memref<128x32xf32, #tpu.memory_space<vmem>>, vector<16xf32>,
        %mul3A_214 = arith.mulf %get3A_213, %gather3A_203 : vector<16xf32>
        %swap3A_215 = arith.index_cast %add3A_201 : i32 to index
        %swap3A_216 = arith.constant 16 : index
        %swap3A_217 = tpu.vector_load %arg13[%swap3A_215, %swap3A_216] {strides = array<i32>} : memref<128x32xf32, #tpu.memory_space<vmem>>, vector<16xf32>,
        tpu.vector_store %arg13[%swap3A_215, %swap3A_216], %mul3A_214 {strides = array<i32>} : memref<128x32xf32, #tpu.memory_space<vmem>>, vector<16xf32>,
        %scan3A_218 = arith.constant 2 : i32
        %scan3A_219 = arith.addi %scan3A_179, %scan3A_218 : i32
        %mul3A_220 = arith.constant 1 : i32
        %mul3A_221 = arith.muli %scan3A_219, %mul3A_220 : i32
        %add3A_222 = arith.constant 0 : i32
        %add3A_223 = arith.addi %add3A_222, %mul3A_221 : i32
        %broadcast_in_dim3A_224 = vector.broadcast %add3A_223 : i32 to vector<16xi32>
        %gather3A_225 = tpu.vector_load_idx %arg11[%broadcast_in_dim3A_224] : memref<128xf32, #tpu.memory_space<vmem>>[vector<16xi32>], vector<16xf32>,
        %get3A_226 = arith.index_cast %add3A_223 : i32 to index
        %get3A_227 = arith.constant 0 : index
        %get3A_228 = tpu.vector_load %arg13[%get3A_226, %get3A_227] {strides = array<i32>} : memref<128x32xf32, #tpu.memory_space<vmem>>, vector<16xf32>,
        %mul3A_229 = arith.mulf %get3A_228, %gather3A_225 : vector<16xf32>
        %swap3A_230 = arith.index_cast %add3A_223 : i32 to index
        %swap3A_231 = arith.constant 0 : index
        %swap3A_232 = tpu.vector_load %arg13[%swap3A_230, %swap3A_231] {strides = array<i32>} : memref<128x32xf32, #tpu.memory_space<vmem>>, vector<16xf32>,
        tpu.vector_store %arg13[%swap3A_230, %swap3A_231], %mul3A_229 {strides = array<i32>} : memref<128x32xf32, #tpu.memory_space<vmem>>, vector<16xf32>,
        %get3A_233 = arith.index_cast %add3A_223 : i32 to index
        %get3A_234 = arith.constant 16 : index
        %get3A_235 = tpu.vector_load %arg13[%get3A_233, %get3A_234] {strides = array<i32>} : memref<128x32xf32, #tpu.memory_space<vmem>>, vector<16xf32>,
        %mul3A_236 = arith.mulf %get3A_235, %gather3A_225 : vector<16xf32>
        %swap3A_237 = arith.index_cast %add3A_223 : i32 to index
        %swap3A_238 = arith.constant 16 : index
        %swap3A_239 = tpu.vector_load %arg13[%swap3A_237, %swap3A_238] {strides = array<i32>} : memref<128x32xf32, #tpu.memory_space<vmem>>, vector<16xf32>,
        tpu.vector_store %arg13[%swap3A_237, %swap3A_238], %mul3A_236 {strides = array<i32>} : memref<128x32xf32, #tpu.memory_space<vmem>>, vector<16xf32>,
        %scan3A_240 = arith.constant 3 : i32
        %scan3A_241 = arith.addi %scan3A_179, %scan3A_240 : i32
        %mul3A_242 = arith.constant 1 : i32
        %mul3A_243 = arith.muli %scan3A_241, %mul3A_242 : i32
        %add3A_244 = arith.constant 0 : i32
        %add3A_245 = arith.addi %add3A_244, %mul3A_243 : i32
        %broadcast_in_dim3A_246 = vector.broadcast %add3A_245 : i32 to vector<16xi32>
        %gather3A_247 = tpu.vector_load_idx %arg11[%broadcast_in_dim3A_246] : memref<128xf32, #tpu.memory_space<vmem>>[vector<16xi32>], vector<16xf32>,
        %get3A_248 = arith.index_cast %add3A_245 : i32 to index
        %get3A_249 = arith.constant 0 : index
        %get3A_250 = tpu.vector_load %arg13[%get3A_248, %get3A_249] {strides = array<i32>} : memref<128x32xf32, #tpu.memory_space<vmem>>, vector<16xf32>,
        %mul3A_251 = arith.mulf %get3A_250, %gather3A_247 : vector<16xf32>
        %swap3A_252 = arith.index_cast %add3A_245 : i32 to index
        %swap3A_253 = arith.constant 0 : index
        %swap3A_254 = tpu.vector_load %arg13[%swap3A_252, %swap3A_253] {strides = array<i32>} : memref<128x32xf32, #tpu.memory_space<vmem>>, vector<16xf32>,
        tpu.vector_store %arg13[%swap3A_252, %swap3A_253], %mul3A_251 {strides = array<i32>} : memref<128x32xf32, #tpu.memory_space<vmem>>, vector<16xf32>,
        %get3A_255 = arith.index_cast %add3A_245 : i32 to index
        %get3A_256 = arith.constant 16 : index
        %get3A_257 = tpu.vector_load %arg13[%get3A_255, %get3A_256] {strides = array<i32>} : memref<128x32xf32, #tpu.memory_space<vmem>>, vector<16xf32>,
        %mul3A_258 = arith.mulf %get3A_257, %gather3A_247 : vector<16xf32>
        %swap3A_259 = arith.index_cast %add3A_245 : i32 to index
        %swap3A_260 = arith.constant 16 : index
        %swap3A_261 = tpu.vector_load %arg13[%swap3A_259, %swap3A_260] {strides = array<i32>} : memref<128x32xf32, #tpu.memory_space<vmem>>, vector<16xf32>,
        tpu.vector_store %arg13[%swap3A_259, %swap3A_260], %mul3A_258 {strides = array<i32>} : memref<128x32xf32, #tpu.memory_space<vmem>>, vector<16xf32>,
      }
      %scan3A_130 = arith.constant 128 : i32
      %dma_wait3A_131 = arith.constant 0 : i32
      %dma_wait3A_132 = tpu.memref_slice %arg3[%select_n3A, %dma_wait3A_131] : memref<2500x128xi32, #tpu.memory_space<hbm>> -> memref<1x128xi32, #tpu.memory_space<hbm>>
      %dma_wait3A_133 = tpu.memref_squeeze %dma_wait3A_132 : memref<1x128xi32, #tpu.memory_space<hbm>> -> memref<128xi32, #tpu.memory_space<hbm>>
      %dma_wait3A_134 = arith.constant 0 : i32
      %dma_wait3A_135 = tpu.memref_slice %arg3[%select_n3A, %dma_wait3A_134] : memref<2500x128xi32, #tpu.memory_space<hbm>> -> memref<1x128xi32, #tpu.memory_space<hbm>>
      %dma_wait3A_136 = tpu.memref_squeeze %dma_wait3A_135 : memref<1x128xi32, #tpu.memory_space<hbm>> -> memref<128xi32, #tpu.memory_space<hbm>>
      tpu.wait_dma2 semaphore(%arg19 : memref<!tpu.dma_semaphore, #tpu.memory_space<semaphore_mem>>) src(%dma_wait3A_136 : memref<128xi32, #tpu.memory_space<hbm>>) dst(%arg9 : memref<128xi32, #tpu.memory_space<vmem>>)
      %dma_start3A_137 = arith.constant 0 : i32
      %dma_start3A_138 = arith.constant 0 : i32
      %dma_start3A_139 = tpu.memref_slice %arg16[%dma_start3A_137, %dma_start3A_138] : memref<10240x32xf32, #tpu.memory_space<vmem_shared>> -> memref<10240x32xf32, #tpu.memory_space<vmem_shared>>
      tpu.enqueue_indirect_dma source(%arg13 : memref<128x32xf32, #tpu.memory_space<vmem>>) target(%dma_start3A_139 : memref<10240x32xf32, #tpu.memory_space<vmem_shared>>) offsets(%arg9 : memref<128xi32, #tpu.memory_space<vmem>>) semaphore(%arg23 : memref<!tpu.dma_semaphore, #tpu.memory_space<semaphore_mem>>) {add = true}
      %add3A_140 = arith.constant 2 : i32
      %add3A_141 = arith.addi %mul3A_118, %add3A_140 : i32
      %lt3A_142 = arith.cmpi slt, %add3A_141, %select_n3A_12 : i32
      %convert_element_type3A_143 = arith.extui %lt3A_142 : i1 to i32
      %cond3A_144 = arith.constant 0 : i32
      %cond3A_145 = arith.cmpi ne, %convert_element_type3A_143, %cond3A_144 : i32
      scf.if %cond3A_145 {
        %add3A_179 = arith.addi %select_n3A, %mul3A_118 : i32
        %add3A_180 = arith.constant 2 : i32
        %add3A_181 = arith.addi %add3A_179, %add3A_180 : i32
        %dma_start3A_182 = arith.constant 0 : i32
        %dma_start3A_183 = tpu.memref_slice %arg2[%add3A_181, %dma_start3A_182] : memref<2500x128xi32, #tpu.memory_space<hbm>> -> memref<1x128xi32, #tpu.memory_space<hbm>>
        %dma_start3A_184 = tpu.memref_squeeze %dma_start3A_183 : memref<1x128xi32, #tpu.memory_space<hbm>> -> memref<128xi32, #tpu.memory_space<hbm>>
        %dma_start3A_185 = arith.constant 0 : i32
        %dma_start3A_186 = tpu.memref_slice %arg2[%add3A_181, %dma_start3A_185] : memref<2500x128xi32, #tpu.memory_space<hbm>> -> memref<1x128xi32, #tpu.memory_space<hbm>>
        %dma_start3A_187 = tpu.memref_squeeze %dma_start3A_186 : memref<1x128xi32, #tpu.memory_space<hbm>> -> memref<128xi32, #tpu.memory_space<hbm>>
        tpu.enqueue_dma source(%dma_start3A_187 : memref<128xi32, #tpu.memory_space<hbm>>) target(%arg7 : memref<128xi32, #tpu.memory_space<vmem>>) target_semaphore(%arg17 : memref<!tpu.dma_semaphore, #tpu.memory_space<semaphore_mem>>)
        %add3A_188 = arith.addi %select_n3A, %mul3A_118 : i32
        %add3A_189 = arith.constant 2 : i32
        %add3A_190 = arith.addi %add3A_188, %add3A_189 : i32
        %dma_start3A_191 = arith.constant 0 : i32
        %dma_start3A_192 = tpu.memref_slice %arg4[%add3A_190, %dma_start3A_191] : memref<2500x128xf32, #tpu.memory_space<hbm>> -> memref<1x128xf32, #tpu.memory_space<hbm>>
        %dma_start3A_193 = tpu.memref_squeeze %dma_start3A_192 : memref<1x128xf32, #tpu.memory_space<hbm>> -> memref<128xf32, #tpu.memory_space<hbm>>
        %dma_start3A_194 = arith.constant 0 : i32
        %dma_start3A_195 = tpu.memref_slice %arg4[%add3A_190, %dma_start3A_194] : memref<2500x128xf32, #tpu.memory_space<hbm>> -> memref<1x128xf32, #tpu.memory_space<hbm>>
        %dma_start3A_196 = tpu.memref_squeeze %dma_start3A_195 : memref<1x128xf32, #tpu.memory_space<hbm>> -> memref<128xf32, #tpu.memory_space<hbm>>
        tpu.enqueue_dma source(%dma_start3A_196 : memref<128xf32, #tpu.memory_space<hbm>>) target(%arg11 : memref<128xf32, #tpu.memory_space<vmem>>) target_semaphore(%arg17 : memref<!tpu.dma_semaphore, #tpu.memory_space<semaphore_mem>>)
      } else {
      }
      %mul3A_146 = arith.constant 2 : i32
      %mul3A_147 = arith.muli %mul3A_146, %add3A_116 : i32
      %add3A_148 = arith.constant 1 : i32
      %add3A_149 = arith.addi %mul3A_147, %add3A_148 : i32
      %dma_wait3A_150 = arith.constant 0 : i32
      %dma_wait3A_151 = arith.constant 0 : i32
      %dma_wait3A_152 = tpu.memref_slice %arg5[%dma_wait3A_150, %dma_wait3A_151] : memref<10240x32xf32, #tpu.memory_space<hbm>> -> memref<10240x32xf32, #tpu.memory_space<hbm>>
      tpu.wait_indirect_dma semaphore(%arg22 : memref<!tpu.dma_semaphore, #tpu.memory_space<semaphore_mem>>) src(%dma_wait3A_152 : memref<10240x32xf32, #tpu.memory_space<hbm>>) dst(%arg14 : memref<128x32xf32, #tpu.memory_space<vmem>>)
      %add3A_153 = arith.constant 1 : i32
      %add3A_154 = arith.addi %add3A_149, %add3A_153 : i32
      %lt3A_155 = arith.cmpi slt, %add3A_154, %select_n3A_12 : i32
      %convert_element_type3A_156 = arith.extui %lt3A_155 : i1 to i32
      %cond3A_157 = arith.constant 0 : i32
      %cond3A_158 = arith.cmpi ne, %convert_element_type3A_156, %cond3A_157 : i32
      scf.if %cond3A_158 {
        %dma_wait3A_179 = arith.constant 0 : i32
        %dma_wait3A_180 = tpu.memref_slice %arg2[%select_n3A, %dma_wait3A_179] : memref<2500x128xi32, #tpu.memory_space<hbm>> -> memref<1x128xi32, #tpu.memory_space<hbm>>
        %dma_wait3A_181 = tpu.memref_squeeze %dma_wait3A_180 : memref<1x128xi32, #tpu.memory_space<hbm>> -> memref<128xi32, #tpu.memory_space<hbm>>
        %dma_wait3A_182 = arith.constant 0 : i32
        %dma_wait3A_183 = tpu.memref_slice %arg2[%select_n3A, %dma_wait3A_182] : memref<2500x128xi32, #tpu.memory_space<hbm>> -> memref<1x128xi32, #tpu.memory_space<hbm>>
        %dma_wait3A_184 = tpu.memref_squeeze %dma_wait3A_183 : memref<1x128xi32, #tpu.memory_space<hbm>> -> memref<128xi32, #tpu.memory_space<hbm>>
        tpu.wait_dma2 semaphore(%arg17 : memref<!tpu.dma_semaphore, #tpu.memory_space<semaphore_mem>>) src(%dma_wait3A_184 : memref<128xi32, #tpu.memory_space<hbm>>) dst(%arg7 : memref<128xi32, #tpu.memory_space<vmem>>)
        %dma_wait3A_185 = arith.constant 0 : i32
        %dma_wait3A_186 = tpu.memref_slice %arg4[%select_n3A, %dma_wait3A_185] : memref<2500x128xf32, #tpu.memory_space<hbm>> -> memref<1x128xf32, #tpu.memory_space<hbm>>
        %dma_wait3A_187 = tpu.memref_squeeze %dma_wait3A_186 : memref<1x128xf32, #tpu.memory_space<hbm>> -> memref<128xf32, #tpu.memory_space<hbm>>
        %dma_wait3A_188 = arith.constant 0 : i32
        %dma_wait3A_189 = tpu.memref_slice %arg4[%select_n3A, %dma_wait3A_188] : memref<2500x128xf32, #tpu.memory_space<hbm>> -> memref<1x128xf32, #tpu.memory_space<hbm>>
        %dma_wait3A_190 = tpu.memref_squeeze %dma_wait3A_189 : memref<1x128xf32, #tpu.memory_space<hbm>> -> memref<128xf32, #tpu.memory_space<hbm>>
        tpu.wait_dma2 semaphore(%arg17 : memref<!tpu.dma_semaphore, #tpu.memory_space<semaphore_mem>>) src(%dma_wait3A_190 : memref<128xf32, #tpu.memory_space<hbm>>) dst(%arg11 : memref<128xf32, #tpu.memory_space<vmem>>)
        %ge3A = arith.constant 1 : i32
        %ge3A_191 = arith.cmpi sge, %add3A_149, %ge3A : i32
        %convert_element_type3A_192 = arith.extui %ge3A_191 : i1 to i32
        %cond3A_193 = arith.constant 0 : i32
        %cond3A_194 = arith.cmpi ne, %convert_element_type3A_192, %cond3A_193 : i32
        scf.if %cond3A_194 {
          %dma_wait3A_207 = arith.constant 0 : i32
          %dma_wait3A_208 = arith.constant 0 : i32
          %dma_wait3A_209 = tpu.memref_slice %arg16[%dma_wait3A_207, %dma_wait3A_208] : memref<10240x32xf32, #tpu.memory_space<vmem_shared>> -> memref<10240x32xf32, #tpu.memory_space<vmem_shared>>
          tpu.wait_indirect_dma semaphore(%arg23 : memref<!tpu.dma_semaphore, #tpu.memory_space<semaphore_mem>>) src(%arg13 : memref<128x32xf32, #tpu.memory_space<vmem>>) dst(%dma_wait3A_209 : memref<10240x32xf32, #tpu.memory_space<vmem_shared>>)
        } else {
        }
        %dma_start3A_195 = arith.constant 0 : i32
        %dma_start3A_196 = arith.constant 0 : i32
        %dma_start3A_197 = tpu.memref_slice %arg5[%dma_start3A_195, %dma_start3A_196] : memref<10240x32xf32, #tpu.memory_space<hbm>> -> memref<10240x32xf32, #tpu.memory_space<hbm>>
        tpu.enqueue_indirect_dma source(%dma_start3A_197 : memref<10240x32xf32, #tpu.memory_space<hbm>>) target(%arg13 : memref<128x32xf32, #tpu.memory_space<vmem>>) offsets(%arg7 : memref<128xi32, #tpu.memory_space<vmem>>) semaphore(%arg21 : memref<!tpu.dma_semaphore, #tpu.memory_space<semaphore_mem>>)
        %add3A_198 = arith.addi %select_n3A, %add3A_149 : i32
        %add3A_199 = arith.constant 1 : i32
        %add3A_200 = arith.addi %add3A_198, %add3A_199 : i32
        %dma_start3A_201 = arith.constant 0 : i32
        %dma_start3A_202 = tpu.memref_slice %arg3[%add3A_200, %dma_start3A_201] : memref<2500x128xi32, #tpu.memory_space<hbm>> -> memref<1x128xi32, #tpu.memory_space<hbm>>
        %dma_start3A_203 = tpu.memref_squeeze %dma_start3A_202 : memref<1x128xi32, #tpu.memory_space<hbm>> -> memref<128xi32, #tpu.memory_space<hbm>>
        %dma_start3A_204 = arith.constant 0 : i32
        %dma_start3A_205 = tpu.memref_slice %arg3[%add3A_200, %dma_start3A_204] : memref<2500x128xi32, #tpu.memory_space<hbm>> -> memref<1x128xi32, #tpu.memory_space<hbm>>
        %dma_start3A_206 = tpu.memref_squeeze %dma_start3A_205 : memref<1x128xi32, #tpu.memory_space<hbm>> -> memref<128xi32, #tpu.memory_space<hbm>>
        tpu.enqueue_dma source(%dma_start3A_206 : memref<128xi32, #tpu.memory_space<hbm>>) target(%arg9 : memref<128xi32, #tpu.memory_space<vmem>>) target_semaphore(%arg19 : memref<!tpu.dma_semaphore, #tpu.memory_space<semaphore_mem>>)
      } else {
      }
      %scan3A_159 = arith.constant 0 : i32
      %scan3A_160 = arith.constant 128 : i32
      %scan3A_161 = arith.addi %scan3A_159, %scan3A_160 : i32
      %scan3A_162 = arith.constant 4 : i32
      scf.for %scan3A_179 = %scan3A_159 to %scan3A_161 step %scan3A_162  : i32 {
        %mul3A_180 = arith.constant 1 : i32
        %mul3A_181 = arith.muli %scan3A_179, %mul3A_180 : i32
        %add3A_182 = arith.constant 0 : i32
        %add3A_183 = arith.addi %add3A_182, %mul3A_181 : i32
        %broadcast_in_dim3A = vector.broadcast %add3A_183 : i32 to vector<16xi32>
        %gather3A = tpu.vector_load_idx %arg12[%broadcast_in_dim3A] : memref<128xf32, #tpu.memory_space<vmem>>[vector<16xi32>], vector<16xf32>,
        %get3A = arith.index_cast %add3A_183 : i32 to index
        %get3A_184 = arith.constant 0 : index
        %get3A_185 = tpu.vector_load %arg14[%get3A, %get3A_184] {strides = array<i32>} : memref<128x32xf32, #tpu.memory_space<vmem>>, vector<16xf32>,
        %mul3A_186 = arith.mulf %get3A_185, %gather3A : vector<16xf32>
        %swap3A = arith.index_cast %add3A_183 : i32 to index
        %swap3A_187 = arith.constant 0 : index
        %swap3A_188 = tpu.vector_load %arg14[%swap3A, %swap3A_187] {strides = array<i32>} : memref<128x32xf32, #tpu.memory_space<vmem>>, vector<16xf32>,
        tpu.vector_store %arg14[%swap3A, %swap3A_187], %mul3A_186 {strides = array<i32>} : memref<128x32xf32, #tpu.memory_space<vmem>>, vector<16xf32>,
        %get3A_189 = arith.index_cast %add3A_183 : i32 to index
        %get3A_190 = arith.constant 16 : index
        %get3A_191 = tpu.vector_load %arg14[%get3A_189, %get3A_190] {strides = array<i32>} : memref<128x32xf32, #tpu.memory_space<vmem>>, vector<16xf32>,
        %mul3A_192 = arith.mulf %get3A_191, %gather3A : vector<16xf32>
        %swap3A_193 = arith.index_cast %add3A_183 : i32 to index
        %swap3A_194 = arith.constant 16 : index
        %swap3A_195 = tpu.vector_load %arg14[%swap3A_193, %swap3A_194] {strides = array<i32>} : memref<128x32xf32, #tpu.memory_space<vmem>>, vector<16xf32>,
        tpu.vector_store %arg14[%swap3A_193, %swap3A_194], %mul3A_192 {strides = array<i32>} : memref<128x32xf32, #tpu.memory_space<vmem>>, vector<16xf32>,
        %scan3A_196 = arith.constant 1 : i32
        %scan3A_197 = arith.addi %scan3A_179, %scan3A_196 : i32
        %mul3A_198 = arith.constant 1 : i32
        %mul3A_199 = arith.muli %scan3A_197, %mul3A_198 : i32
        %add3A_200 = arith.constant 0 : i32
        %add3A_201 = arith.addi %add3A_200, %mul3A_199 : i32
        %broadcast_in_dim3A_202 = vector.broadcast %add3A_201 : i32 to vector<16xi32>
        %gather3A_203 = tpu.vector_load_idx %arg12[%broadcast_in_dim3A_202] : memref<128xf32, #tpu.memory_space<vmem>>[vector<16xi32>], vector<16xf32>,
        %get3A_204 = arith.index_cast %add3A_201 : i32 to index
        %get3A_205 = arith.constant 0 : index
        %get3A_206 = tpu.vector_load %arg14[%get3A_204, %get3A_205] {strides = array<i32>} : memref<128x32xf32, #tpu.memory_space<vmem>>, vector<16xf32>,
        %mul3A_207 = arith.mulf %get3A_206, %gather3A_203 : vector<16xf32>
        %swap3A_208 = arith.index_cast %add3A_201 : i32 to index
        %swap3A_209 = arith.constant 0 : index
        %swap3A_210 = tpu.vector_load %arg14[%swap3A_208, %swap3A_209] {strides = array<i32>} : memref<128x32xf32, #tpu.memory_space<vmem>>, vector<16xf32>,
        tpu.vector_store %arg14[%swap3A_208, %swap3A_209], %mul3A_207 {strides = array<i32>} : memref<128x32xf32, #tpu.memory_space<vmem>>, vector<16xf32>,
        %get3A_211 = arith.index_cast %add3A_201 : i32 to index
        %get3A_212 = arith.constant 16 : index
        %get3A_213 = tpu.vector_load %arg14[%get3A_211, %get3A_212] {strides = array<i32>} : memref<128x32xf32, #tpu.memory_space<vmem>>, vector<16xf32>,
        %mul3A_214 = arith.mulf %get3A_213, %gather3A_203 : vector<16xf32>
        %swap3A_215 = arith.index_cast %add3A_201 : i32 to index
        %swap3A_216 = arith.constant 16 : index
        %swap3A_217 = tpu.vector_load %arg14[%swap3A_215, %swap3A_216] {strides = array<i32>} : memref<128x32xf32, #tpu.memory_space<vmem>>, vector<16xf32>,
        tpu.vector_store %arg14[%swap3A_215, %swap3A_216], %mul3A_214 {strides = array<i32>} : memref<128x32xf32, #tpu.memory_space<vmem>>, vector<16xf32>,
        %scan3A_218 = arith.constant 2 : i32
        %scan3A_219 = arith.addi %scan3A_179, %scan3A_218 : i32
        %mul3A_220 = arith.constant 1 : i32
        %mul3A_221 = arith.muli %scan3A_219, %mul3A_220 : i32
        %add3A_222 = arith.constant 0 : i32
        %add3A_223 = arith.addi %add3A_222, %mul3A_221 : i32
        %broadcast_in_dim3A_224 = vector.broadcast %add3A_223 : i32 to vector<16xi32>
        %gather3A_225 = tpu.vector_load_idx %arg12[%broadcast_in_dim3A_224] : memref<128xf32, #tpu.memory_space<vmem>>[vector<16xi32>], vector<16xf32>,
        %get3A_226 = arith.index_cast %add3A_223 : i32 to index
        %get3A_227 = arith.constant 0 : index
        %get3A_228 = tpu.vector_load %arg14[%get3A_226, %get3A_227] {strides = array<i32>} : memref<128x32xf32, #tpu.memory_space<vmem>>, vector<16xf32>,
        %mul3A_229 = arith.mulf %get3A_228, %gather3A_225 : vector<16xf32>
        %swap3A_230 = arith.index_cast %add3A_223 : i32 to index
        %swap3A_231 = arith.constant 0 : index
        %swap3A_232 = tpu.vector_load %arg14[%swap3A_230, %swap3A_231] {strides = array<i32>} : memref<128x32xf32, #tpu.memory_space<vmem>>, vector<16xf32>,
        tpu.vector_store %arg14[%swap3A_230, %swap3A_231], %mul3A_229 {strides = array<i32>} : memref<128x32xf32, #tpu.memory_space<vmem>>, vector<16xf32>,
        %get3A_233 = arith.index_cast %add3A_223 : i32 to index
        %get3A_234 = arith.constant 16 : index
        %get3A_235 = tpu.vector_load %arg14[%get3A_233, %get3A_234] {strides = array<i32>} : memref<128x32xf32, #tpu.memory_space<vmem>>, vector<16xf32>,
        %mul3A_236 = arith.mulf %get3A_235, %gather3A_225 : vector<16xf32>
        %swap3A_237 = arith.index_cast %add3A_223 : i32 to index
        %swap3A_238 = arith.constant 16 : index
        %swap3A_239 = tpu.vector_load %arg14[%swap3A_237, %swap3A_238] {strides = array<i32>} : memref<128x32xf32, #tpu.memory_space<vmem>>, vector<16xf32>,
        tpu.vector_store %arg14[%swap3A_237, %swap3A_238], %mul3A_236 {strides = array<i32>} : memref<128x32xf32, #tpu.memory_space<vmem>>, vector<16xf32>,
        %scan3A_240 = arith.constant 3 : i32
        %scan3A_241 = arith.addi %scan3A_179, %scan3A_240 : i32
        %mul3A_242 = arith.constant 1 : i32
        %mul3A_243 = arith.muli %scan3A_241, %mul3A_242 : i32
        %add3A_244 = arith.constant 0 : i32
        %add3A_245 = arith.addi %add3A_244, %mul3A_243 : i32
        %broadcast_in_dim3A_246 = vector.broadcast %add3A_245 : i32 to vector<16xi32>
        %gather3A_247 = tpu.vector_load_idx %arg12[%broadcast_in_dim3A_246] : memref<128xf32, #tpu.memory_space<vmem>>[vector<16xi32>], vector<16xf32>,
        %get3A_248 = arith.index_cast %add3A_245 : i32 to index
        %get3A_249 = arith.constant 0 : index
        %get3A_250 = tpu.vector_load %arg14[%get3A_248, %get3A_249] {strides = array<i32>} : memref<128x32xf32, #tpu.memory_space<vmem>>, vector<16xf32>,
        %mul3A_251 = arith.mulf %get3A_250, %gather3A_247 : vector<16xf32>
        %swap3A_252 = arith.index_cast %add3A_245 : i32 to index
        %swap3A_253 = arith.constant 0 : index
        %swap3A_254 = tpu.vector_load %arg14[%swap3A_252, %swap3A_253] {strides = array<i32>} : memref<128x32xf32, #tpu.memory_space<vmem>>, vector<16xf32>,
        tpu.vector_store %arg14[%swap3A_252, %swap3A_253], %mul3A_251 {strides = array<i32>} : memref<128x32xf32, #tpu.memory_space<vmem>>, vector<16xf32>,
        %get3A_255 = arith.index_cast %add3A_245 : i32 to index
        %get3A_256 = arith.constant 16 : index
        %get3A_257 = tpu.vector_load %arg14[%get3A_255, %get3A_256] {strides = array<i32>} : memref<128x32xf32, #tpu.memory_space<vmem>>, vector<16xf32>,
        %mul3A_258 = arith.mulf %get3A_257, %gather3A_247 : vector<16xf32>
        %swap3A_259 = arith.index_cast %add3A_245 : i32 to index
        %swap3A_260 = arith.constant 16 : index
        %swap3A_261 = tpu.vector_load %arg14[%swap3A_259, %swap3A_260] {strides = array<i32>} : memref<128x32xf32, #tpu.memory_space<vmem>>, vector<16xf32>,
        tpu.vector_store %arg14[%swap3A_259, %swap3A_260], %mul3A_258 {strides = array<i32>} : memref<128x32xf32, #tpu.memory_space<vmem>>, vector<16xf32>,
      }
      %scan3A_163 = arith.constant 128 : i32
      %dma_wait3A_164 = arith.constant 0 : i32
      %dma_wait3A_165 = tpu.memref_slice %arg3[%select_n3A, %dma_wait3A_164] : memref<2500x128xi32, #tpu.memory_space<hbm>> -> memref<1x128xi32, #tpu.memory_space<hbm>>
      %dma_wait3A_166 = tpu.memref_squeeze %dma_wait3A_165 : memref<1x128xi32, #tpu.memory_space<hbm>> -> memref<128xi32, #tpu.memory_space<hbm>>
      %dma_wait3A_167 = arith.constant 0 : i32
      %dma_wait3A_168 = tpu.memref_slice %arg3[%select_n3A, %dma_wait3A_167] : memref<2500x128xi32, #tpu.memory_space<hbm>> -> memref<1x128xi32, #tpu.memory_space<hbm>>
      %dma_wait3A_169 = tpu.memref_squeeze %dma_wait3A_168 : memref<1x128xi32, #tpu.memory_space<hbm>> -> memref<128xi32, #tpu.memory_space<hbm>>
      tpu.wait_dma2 semaphore(%arg20 : memref<!tpu.dma_semaphore, #tpu.memory_space<semaphore_mem>>) src(%dma_wait3A_169 : memref<128xi32, #tpu.memory_space<hbm>>) dst(%arg10 : memref<128xi32, #tpu.memory_space<vmem>>)
      %dma_start3A_170 = arith.constant 0 : i32
      %dma_start3A_171 = arith.constant 0 : i32
      %dma_start3A_172 = tpu.memref_slice %arg16[%dma_start3A_170, %dma_start3A_171] : memref<10240x32xf32, #tpu.memory_space<vmem_shared>> -> memref<10240x32xf32, #tpu.memory_space<vmem_shared>>
      tpu.enqueue_indirect_dma source(%arg14 : memref<128x32xf32, #tpu.memory_space<vmem>>) target(%dma_start3A_172 : memref<10240x32xf32, #tpu.memory_space<vmem_shared>>) offsets(%arg10 : memref<128xi32, #tpu.memory_space<vmem>>) semaphore(%arg24 : memref<!tpu.dma_semaphore, #tpu.memory_space<semaphore_mem>>) {add = true}
      %add3A_173 = arith.constant 2 : i32
      %add3A_174 = arith.addi %add3A_149, %add3A_173 : i32
      %lt3A_175 = arith.cmpi slt, %add3A_174, %select_n3A_12 : i32
      %convert_element_type3A_176 = arith.extui %lt3A_175 : i1 to i32
      %cond3A_177 = arith.constant 0 : i32
      %cond3A_178 = arith.cmpi ne, %convert_element_type3A_176, %cond3A_177 : i32
      scf.if %cond3A_178 {
        %add3A_179 = arith.addi %select_n3A, %add3A_149 : i32
        %add3A_180 = arith.constant 2 : i32
        %add3A_181 = arith.addi %add3A_179, %add3A_180 : i32
        %dma_start3A_182 = arith.constant 0 : i32
        %dma_start3A_183 = tpu.memref_slice %arg2[%add3A_181, %dma_start3A_182] : memref<2500x128xi32, #tpu.memory_space<hbm>> -> memref<1x128xi32, #tpu.memory_space<hbm>>
        %dma_start3A_184 = tpu.memref_squeeze %dma_start3A_183 : memref<1x128xi32, #tpu.memory_space<hbm>> -> memref<128xi32, #tpu.memory_space<hbm>>
        %dma_start3A_185 = arith.constant 0 : i32
        %dma_start3A_186 = tpu.memref_slice %arg2[%add3A_181, %dma_start3A_185] : memref<2500x128xi32, #tpu.memory_space<hbm>> -> memref<1x128xi32, #tpu.memory_space<hbm>>
        %dma_start3A_187 = tpu.memref_squeeze %dma_start3A_186 : memref<1x128xi32, #tpu.memory_space<hbm>> -> memref<128xi32, #tpu.memory_space<hbm>>
        tpu.enqueue_dma source(%dma_start3A_187 : memref<128xi32, #tpu.memory_space<hbm>>) target(%arg8 : memref<128xi32, #tpu.memory_space<vmem>>) target_semaphore(%arg18 : memref<!tpu.dma_semaphore, #tpu.memory_space<semaphore_mem>>)
        %add3A_188 = arith.addi %select_n3A, %add3A_149 : i32
        %add3A_189 = arith.constant 2 : i32
        %add3A_190 = arith.addi %add3A_188, %add3A_189 : i32
        %dma_start3A_191 = arith.constant 0 : i32
        %dma_start3A_192 = tpu.memref_slice %arg4[%add3A_190, %dma_start3A_191] : memref<2500x128xf32, #tpu.memory_space<hbm>> -> memref<1x128xf32, #tpu.memory_space<hbm>>
        %dma_start3A_193 = tpu.memref_squeeze %dma_start3A_192 : memref<1x128xf32, #tpu.memory_space<hbm>> -> memref<128xf32, #tpu.memory_space<hbm>>
        %dma_start3A_194 = arith.constant 0 : i32
        %dma_start3A_195 = tpu.memref_slice %arg4[%add3A_190, %dma_start3A_194] : memref<2500x128xf32, #tpu.memory_space<hbm>> -> memref<1x128xf32, #tpu.memory_space<hbm>>
        %dma_start3A_196 = tpu.memref_squeeze %dma_start3A_195 : memref<1x128xf32, #tpu.memory_space<hbm>> -> memref<128xf32, #tpu.memory_space<hbm>>
        tpu.enqueue_dma source(%dma_start3A_196 : memref<128xf32, #tpu.memory_space<hbm>>) target(%arg12 : memref<128xf32, #tpu.memory_space<vmem>>) target_semaphore(%arg18 : memref<!tpu.dma_semaphore, #tpu.memory_space<semaphore_mem>>)
      } else {
      }
    }
    %dma_wait3A_103 = arith.constant 0 : i32
    %dma_wait3A_104 = arith.constant 0 : i32
    %dma_wait3A_105 = tpu.memref_slice %arg16[%dma_wait3A_103, %dma_wait3A_104] : memref<10240x32xf32, #tpu.memory_space<vmem_shared>> -> memref<10240x32xf32, #tpu.memory_space<vmem_shared>>
    tpu.wait_indirect_dma semaphore(%arg23 : memref<!tpu.dma_semaphore, #tpu.memory_space<semaphore_mem>>) src(%arg13 : memref<128x32xf32, #tpu.memory_space<vmem>>) dst(%dma_wait3A_105 : memref<10240x32xf32, #tpu.memory_space<vmem_shared>>)
    %dma_wait3A_106 = arith.constant 0 : i32
    %dma_wait3A_107 = arith.constant 0 : i32
    %dma_wait3A_108 = tpu.memref_slice %arg16[%dma_wait3A_106, %dma_wait3A_107] : memref<10240x32xf32, #tpu.memory_space<vmem_shared>> -> memref<10240x32xf32, #tpu.memory_space<vmem_shared>>
    tpu.wait_indirect_dma semaphore(%arg24 : memref<!tpu.dma_semaphore, #tpu.memory_space<semaphore_mem>>) src(%arg14 : memref<128x32xf32, #tpu.memory_space<vmem>>) dst(%dma_wait3A_108 : memref<10240x32xf32, #tpu.memory_space<vmem_shared>>)
    %barrier3A_109 = arith.constant 0 : index
    tpu.barrier barrier_id(%barrier3A_109)
    %mul3A_110 = arith.constant 640 : i32
    %mul3A_111 = arith.muli %arg1, %mul3A_110 : i32
    %mul3A_112 = arith.constant 640 : i32
    %mul3A_113 = arith.muli %arg1, %mul3A_112 : i32
    "tpu.region"() ({
      %run_scoped3A = tpu.sem_alloc : memref<!tpu.dma_semaphore, #tpu.memory_space<semaphore_mem>>
      %dma_start3A_114 = arith.constant 0 : i32
      %dma_start3A_115 = arith.constant 0 : i32
      %dma_start3A_116 = tpu.memref_slice %arg6[%arg0, %dma_start3A_114, %dma_start3A_115] : memref<2x10240x32xf32, #tpu.memory_space<hbm>> -> memref<1x10240x32xf32, #tpu.memory_space<hbm>>
      %dma_start3A_117 = tpu.memref_squeeze %dma_start3A_116 : memref<1x10240x32xf32, #tpu.memory_space<hbm>> -> memref<10240x32xf32, #tpu.memory_space<hbm>>
      %dma_start3A_118 = arith.constant 0 : i32
      %dma_start3A_119 = tpu.memref_slice %dma_start3A_117[%mul3A_113, %dma_start3A_118] : memref<10240x32xf32, #tpu.memory_space<hbm>> -> memref<640x32xf32, #tpu.memory_space<hbm>>
      %dma_start3A_120 = arith.constant 0 : i32
      %dma_start3A_121 = tpu.memref_slice %arg16[%mul3A_111, %dma_start3A_120] : memref<10240x32xf32, #tpu.memory_space<vmem_shared>> -> memref<640x32xf32, #tpu.memory_space<vmem_shared>>
      tpu.enqueue_dma source(%dma_start3A_121 : memref<640x32xf32, #tpu.memory_space<vmem_shared>>) target(%dma_start3A_119 : memref<640x32xf32, #tpu.memory_space<hbm>>) target_semaphore(%run_scoped3A : memref<!tpu.dma_semaphore, #tpu.memory_space<semaphore_mem>>)
      %dma_wait3A_122 = arith.constant 0 : i32
      %dma_wait3A_123 = arith.constant 0 : i32
      %dma_wait3A_124 = tpu.memref_slice %arg6[%arg0, %dma_wait3A_122, %dma_wait3A_123] : memref<2x10240x32xf32, #tpu.memory_space<hbm>> -> memref<1x10240x32xf32, #tpu.memory_space<hbm>>
      %dma_wait3A_125 = tpu.memref_squeeze %dma_wait3A_124 : memref<1x10240x32xf32, #tpu.memory_space<hbm>> -> memref<10240x32xf32, #tpu.memory_space<hbm>>
      %dma_wait3A_126 = arith.constant 0 : i32
      %dma_wait3A_127 = tpu.memref_slice %dma_wait3A_125[%mul3A_113, %dma_wait3A_126] : memref<10240x32xf32, #tpu.memory_space<hbm>> -> memref<640x32xf32, #tpu.memory_space<hbm>>
      %dma_wait3A_128 = arith.constant 0 : i32
      %dma_wait3A_129 = tpu.memref_slice %arg16[%mul3A_111, %dma_wait3A_128] : memref<10240x32xf32, #tpu.memory_space<vmem_shared>> -> memref<640x32xf32, #tpu.memory_space<vmem_shared>>
      tpu.wait_dma2 semaphore(%run_scoped3A : memref<!tpu.dma_semaphore, #tpu.memory_space<semaphore_mem>>) src(%dma_wait3A_129 : memref<640x32xf32, #tpu.memory_space<vmem_shared>>) dst(%dma_wait3A_127 : memref<640x32xf32, #tpu.memory_space<hbm>>)
      tpu.yield
    }) : () -> ()
    return
  }
}

#map = affine_map<(d0, d1) -> (0, 0)>
#map1 = affine_map<(d0, d1) -> (0, 0, 0)>
module attributes {stable_mosaic.version = 14 : i64} {
  func.func @_spmm_body(%arg0: i32, %arg1: i32, %arg2: memref<2500x128xi32, #tpu.memory_space<hbm>>, %arg3: memref<2500x128xi32, #tpu.memory_space<hbm>>, %arg4: memref<2500x128xf32, #tpu.memory_space<hbm>>, %arg5: memref<10240x32xf32, #tpu.memory_space<hbm>>, %arg6: memref<2x10240x32xf32, #tpu.memory_space<hbm>>, %arg7: memref<128xi32, #tpu.memory_space<vmem>>, %arg8: memref<128xi32, #tpu.memory_space<vmem>>, %arg9: memref<128xi32, #tpu.memory_space<vmem>>, %arg10: memref<128xi32, #tpu.memory_space<vmem>>, %arg11: memref<128xf32, #tpu.memory_space<vmem>>, %arg12: memref<128xf32, #tpu.memory_space<vmem>>, %arg13: memref<128x32xf32, #tpu.memory_space<vmem>>, %arg14: memref<128x32xf32, #tpu.memory_space<vmem>>, %arg15: memref<640x32xf32, #tpu.memory_space<vmem>>, %arg16: memref<10240x32xf32, #tpu.memory_space<vmem_shared>>, %arg17: memref<!tpu.dma_semaphore, #tpu.memory_space<semaphore_mem>>, %arg18: memref<!tpu.dma_semaphore, #tpu.memory_space<semaphore_mem>>, %arg19: memref<!tpu.dma_semaphore, #tpu.memory_space<semaphore_mem>>, %arg20: memref<!tpu.dma_semaphore, #tpu.memory_space<semaphore_mem>>, %arg21: memref<!tpu.dma_semaphore, #tpu.memory_space<semaphore_mem>>, %arg22: memref<!tpu.dma_semaphore, #tpu.memory_space<semaphore_mem>>, %arg23: memref<!tpu.dma_semaphore, #tpu.memory_space<semaphore_mem>>, %arg24: memref<!tpu.dma_semaphore, #tpu.memory_space<semaphore_mem>>) attributes {dimension_semantics = [#tpu.dimension_semantics<core_parallel>, #tpu.dimension_semantics<subcore_parallel>], iteration_bounds = array<i64: 2, 16>, scalar_prefetch = 0 : i64, scratch_operands = 18 : i64, tpu.core_type = #tpu.core_type<sc_vector_subcore>, window_params = [{transform_indices = #map}, {transform_indices = #map}, {transform_indices = #map}, {transform_indices = #map}, {transform_indices = #map1}]} {
    %mul3A = arith.constant 16 : i32
    %mul3A_0 = arith.muli %arg0, %mul3A : i32
    %add3A = arith.addi %mul3A_0, %arg1 : i32
    %lt3A = arith.constant 2 : i32
    %lt3A_1 = arith.cmpi slt, %add3A, %lt3A : i32
    %mul3A_2 = arith.constant 80 : i32
    %mul3A_3 = arith.muli %add3A, %mul3A_2 : i32
    %sub3A = arith.constant 2 : i32
    %sub3A_4 = arith.subi %add3A, %sub3A : i32
    %mul3A_5 = arith.constant 78 : i32
    %mul3A_6 = arith.muli %sub3A_4, %mul3A_5 : i32
    %add3A_7 = arith.constant 160 : i32
    %add3A_8 = arith.addi %add3A_7, %mul3A_6 : i32
    %select_n3A = arith.select %lt3A_1, %mul3A_3, %add3A_8 : i32
    %lt3A_9 = arith.constant 2 : i32
    %lt3A_10 = arith.cmpi slt, %add3A, %lt3A_9 : i32
    %jit3A = arith.constant 80 : i32
    %jit3A_11 = arith.constant 78 : i32
    %select_n3A_12 = arith.select %lt3A_10, %jit3A, %jit3A_11 : i32
    %scan3A = arith.constant 0 : i32
    %scan3A_13 = arith.constant 640 : i32
    %scan3A_14 = arith.addi %scan3A, %scan3A_13 : i32
    %scan3A_15 = arith.constant 4 : i32
    scf.for %scan3A_114 = %scan3A to %scan3A_14 step %scan3A_15  : i32 {
      %mul3A_115 = arith.constant 1 : i32
      %mul3A_116 = arith.muli %scan3A_114, %mul3A_115 : i32
      %add3A_117 = arith.constant 0 : i32
      %add3A_118 = arith.addi %add3A_117, %mul3A_116 : i32
      %broadcast_in_dim3A = arith.constant 0.000000e+00 : f32
      %broadcast_in_dim3A_119 = vector.broadcast %broadcast_in_dim3A : f32 to vector<16xf32>
      %swap3A = arith.index_cast %add3A_118 : i32 to index
      %swap3A_120 = arith.constant 0 : index
      %swap3A_121 = tpu.vector_load %arg15[%swap3A, %swap3A_120] {strides = array<i32>} : memref<640x32xf32, #tpu.memory_space<vmem>>, vector<16xf32>,
      tpu.vector_store %arg15[%swap3A, %swap3A_120], %broadcast_in_dim3A_119 {strides = array<i32>} : memref<640x32xf32, #tpu.memory_space<vmem>>, vector<16xf32>,
      %broadcast_in_dim3A_122 = arith.constant 0.000000e+00 : f32
      %broadcast_in_dim3A_123 = vector.broadcast %broadcast_in_dim3A_122 : f32 to vector<16xf32>
      %swap3A_124 = arith.index_cast %add3A_118 : i32 to index
      %swap3A_125 = arith.constant 16 : index
      %swap3A_126 = tpu.vector_load %arg15[%swap3A_124, %swap3A_125] {strides = array<i32>} : memref<640x32xf32, #tpu.memory_space<vmem>>, vector<16xf32>,
      tpu.vector_store %arg15[%swap3A_124, %swap3A_125], %broadcast_in_dim3A_123 {strides = array<i32>} : memref<640x32xf32, #tpu.memory_space<vmem>>, vector<16xf32>,
      %scan3A_127 = arith.constant 1 : i32
      %scan3A_128 = arith.addi %scan3A_114, %scan3A_127 : i32
      %mul3A_129 = arith.constant 1 : i32
      %mul3A_130 = arith.muli %scan3A_128, %mul3A_129 : i32
      %add3A_131 = arith.constant 0 : i32
      %add3A_132 = arith.addi %add3A_131, %mul3A_130 : i32
      %broadcast_in_dim3A_133 = arith.constant 0.000000e+00 : f32
      %broadcast_in_dim3A_134 = vector.broadcast %broadcast_in_dim3A_133 : f32 to vector<16xf32>
      %swap3A_135 = arith.index_cast %add3A_132 : i32 to index
      %swap3A_136 = arith.constant 0 : index
      %swap3A_137 = tpu.vector_load %arg15[%swap3A_135, %swap3A_136] {strides = array<i32>} : memref<640x32xf32, #tpu.memory_space<vmem>>, vector<16xf32>,
      tpu.vector_store %arg15[%swap3A_135, %swap3A_136], %broadcast_in_dim3A_134 {strides = array<i32>} : memref<640x32xf32, #tpu.memory_space<vmem>>, vector<16xf32>,
      %broadcast_in_dim3A_138 = arith.constant 0.000000e+00 : f32
      %broadcast_in_dim3A_139 = vector.broadcast %broadcast_in_dim3A_138 : f32 to vector<16xf32>
      %swap3A_140 = arith.index_cast %add3A_132 : i32 to index
      %swap3A_141 = arith.constant 16 : index
      %swap3A_142 = tpu.vector_load %arg15[%swap3A_140, %swap3A_141] {strides = array<i32>} : memref<640x32xf32, #tpu.memory_space<vmem>>, vector<16xf32>,
      tpu.vector_store %arg15[%swap3A_140, %swap3A_141], %broadcast_in_dim3A_139 {strides = array<i32>} : memref<640x32xf32, #tpu.memory_space<vmem>>, vector<16xf32>,
      %scan3A_143 = arith.constant 2 : i32
      %scan3A_144 = arith.addi %scan3A_114, %scan3A_143 : i32
      %mul3A_145 = arith.constant 1 : i32
      %mul3A_146 = arith.muli %scan3A_144, %mul3A_145 : i32
      %add3A_147 = arith.constant 0 : i32
      %add3A_148 = arith.addi %add3A_147, %mul3A_146 : i32
      %broadcast_in_dim3A_149 = arith.constant 0.000000e+00 : f32
      %broadcast_in_dim3A_150 = vector.broadcast %broadcast_in_dim3A_149 : f32 to vector<16xf32>
      %swap3A_151 = arith.index_cast %add3A_148 : i32 to index
      %swap3A_152 = arith.constant 0 : index
      %swap3A_153 = tpu.vector_load %arg15[%swap3A_151, %swap3A_152] {strides = array<i32>} : memref<640x32xf32, #tpu.memory_space<vmem>>, vector<16xf32>,
      tpu.vector_store %arg15[%swap3A_151, %swap3A_152], %broadcast_in_dim3A_150 {strides = array<i32>} : memref<640x32xf32, #tpu.memory_space<vmem>>, vector<16xf32>,
      %broadcast_in_dim3A_154 = arith.constant 0.000000e+00 : f32
      %broadcast_in_dim3A_155 = vector.broadcast %broadcast_in_dim3A_154 : f32 to vector<16xf32>
      %swap3A_156 = arith.index_cast %add3A_148 : i32 to index
      %swap3A_157 = arith.constant 16 : index
      %swap3A_158 = tpu.vector_load %arg15[%swap3A_156, %swap3A_157] {strides = array<i32>} : memref<640x32xf32, #tpu.memory_space<vmem>>, vector<16xf32>,
      tpu.vector_store %arg15[%swap3A_156, %swap3A_157], %broadcast_in_dim3A_155 {strides = array<i32>} : memref<640x32xf32, #tpu.memory_space<vmem>>, vector<16xf32>,
      %scan3A_159 = arith.constant 3 : i32
      %scan3A_160 = arith.addi %scan3A_114, %scan3A_159 : i32
      %mul3A_161 = arith.constant 1 : i32
      %mul3A_162 = arith.muli %scan3A_160, %mul3A_161 : i32
      %add3A_163 = arith.constant 0 : i32
      %add3A_164 = arith.addi %add3A_163, %mul3A_162 : i32
      %broadcast_in_dim3A_165 = arith.constant 0.000000e+00 : f32
      %broadcast_in_dim3A_166 = vector.broadcast %broadcast_in_dim3A_165 : f32 to vector<16xf32>
      %swap3A_167 = arith.index_cast %add3A_164 : i32 to index
      %swap3A_168 = arith.constant 0 : index
      %swap3A_169 = tpu.vector_load %arg15[%swap3A_167, %swap3A_168] {strides = array<i32>} : memref<640x32xf32, #tpu.memory_space<vmem>>, vector<16xf32>,
      tpu.vector_store %arg15[%swap3A_167, %swap3A_168], %broadcast_in_dim3A_166 {strides = array<i32>} : memref<640x32xf32, #tpu.memory_space<vmem>>, vector<16xf32>,
      %broadcast_in_dim3A_170 = arith.constant 0.000000e+00 : f32
      %broadcast_in_dim3A_171 = vector.broadcast %broadcast_in_dim3A_170 : f32 to vector<16xf32>
      %swap3A_172 = arith.index_cast %add3A_164 : i32 to index
      %swap3A_173 = arith.constant 16 : index
      %swap3A_174 = tpu.vector_load %arg15[%swap3A_172, %swap3A_173] {strides = array<i32>} : memref<640x32xf32, #tpu.memory_space<vmem>>, vector<16xf32>,
      tpu.vector_store %arg15[%swap3A_172, %swap3A_173], %broadcast_in_dim3A_171 {strides = array<i32>} : memref<640x32xf32, #tpu.memory_space<vmem>>, vector<16xf32>,
    }
    %scan3A_16 = arith.constant 640 : i32
    %mul3A_17 = arith.constant 640 : i32
    %mul3A_18 = arith.muli %arg1, %mul3A_17 : i32
    "tpu.region"() ({
      %run_scoped3A = tpu.sem_alloc : memref<!tpu.dma_semaphore, #tpu.memory_space<semaphore_mem>>
      %dma_start3A_114 = arith.constant 0 : i32
      %dma_start3A_115 = tpu.memref_slice %arg16[%mul3A_18, %dma_start3A_114] : memref<10240x32xf32, #tpu.memory_space<vmem_shared>> -> memref<640x32xf32, #tpu.memory_space<vmem_shared>>
      %dma_start3A_116 = arith.constant 0 : i32
      %dma_start3A_117 = tpu.memref_slice %arg16[%mul3A_18, %dma_start3A_116] : memref<10240x32xf32, #tpu.memory_space<vmem_shared>> -> memref<640x32xf32, #tpu.memory_space<vmem_shared>>
      tpu.enqueue_dma source(%arg15 : memref<640x32xf32, #tpu.memory_space<vmem>>) target(%dma_start3A_117 : memref<640x32xf32, #tpu.memory_space<vmem_shared>>) target_semaphore(%run_scoped3A : memref<!tpu.dma_semaphore, #tpu.memory_space<semaphore_mem>>)
      %dma_wait3A_118 = arith.constant 0 : i32
      %dma_wait3A_119 = tpu.memref_slice %arg16[%mul3A_18, %dma_wait3A_118] : memref<10240x32xf32, #tpu.memory_space<vmem_shared>> -> memref<640x32xf32, #tpu.memory_space<vmem_shared>>
      %dma_wait3A_120 = arith.constant 0 : i32
      %dma_wait3A_121 = tpu.memref_slice %arg16[%mul3A_18, %dma_wait3A_120] : memref<10240x32xf32, #tpu.memory_space<vmem_shared>> -> memref<640x32xf32, #tpu.memory_space<vmem_shared>>
      tpu.wait_dma2 semaphore(%run_scoped3A : memref<!tpu.dma_semaphore, #tpu.memory_space<semaphore_mem>>) src(%arg15 : memref<640x32xf32, #tpu.memory_space<vmem>>) dst(%dma_wait3A_121 : memref<640x32xf32, #tpu.memory_space<vmem_shared>>)
      tpu.yield
    }) : () -> ()
    %barrier3A = arith.constant 0 : index
    tpu.barrier barrier_id(%barrier3A)
    %dma_start3A = arith.constant 0 : i32
    %dma_start3A_19 = tpu.memref_slice %arg2[%select_n3A, %dma_start3A] : memref<2500x128xi32, #tpu.memory_space<hbm>> -> memref<1x128xi32, #tpu.memory_space<hbm>>
    %dma_start3A_20 = tpu.memref_squeeze %dma_start3A_19 : memref<1x128xi32, #tpu.memory_space<hbm>> -> memref<128xi32, #tpu.memory_space<hbm>>
    %dma_start3A_21 = arith.constant 0 : i32
    %dma_start3A_22 = tpu.memref_slice %arg2[%select_n3A, %dma_start3A_21] : memref<2500x128xi32, #tpu.memory_space<hbm>> -> memref<1x128xi32, #tpu.memory_space<hbm>>
    %dma_start3A_23 = tpu.memref_squeeze %dma_start3A_22 : memref<1x128xi32, #tpu.memory_space<hbm>> -> memref<128xi32, #tpu.memory_space<hbm>>
    tpu.enqueue_dma source(%dma_start3A_23 : memref<128xi32, #tpu.memory_space<hbm>>) target(%arg7 : memref<128xi32, #tpu.memory_space<vmem>>) target_semaphore(%arg17 : memref<!tpu.dma_semaphore, #tpu.memory_space<semaphore_mem>>)
    %dma_start3A_24 = arith.constant 0 : i32
    %dma_start3A_25 = tpu.memref_slice %arg4[%select_n3A, %dma_start3A_24] : memref<2500x128xf32, #tpu.memory_space<hbm>> -> memref<1x128xf32, #tpu.memory_space<hbm>>
    %dma_start3A_26 = tpu.memref_squeeze %dma_start3A_25 : memref<1x128xf32, #tpu.memory_space<hbm>> -> memref<128xf32, #tpu.memory_space<hbm>>
    %dma_start3A_27 = arith.constant 0 : i32
    %dma_start3A_28 = tpu.memref_slice %arg4[%select_n3A, %dma_start3A_27] : memref<2500x128xf32, #tpu.memory_space<hbm>> -> memref<1x128xf32, #tpu.memory_space<hbm>>
    %dma_start3A_29 = tpu.memref_squeeze %dma_start3A_28 : memref<1x128xf32, #tpu.memory_space<hbm>> -> memref<128xf32, #tpu.memory_space<hbm>>
    tpu.enqueue_dma source(%dma_start3A_29 : memref<128xf32, #tpu.memory_space<hbm>>) target(%arg11 : memref<128xf32, #tpu.memory_space<vmem>>) target_semaphore(%arg17 : memref<!tpu.dma_semaphore, #tpu.memory_space<semaphore_mem>>)
    %add3A_30 = arith.constant 1 : i32
    %add3A_31 = arith.addi %select_n3A, %add3A_30 : i32
    %dma_start3A_32 = arith.constant 0 : i32
    %dma_start3A_33 = tpu.memref_slice %arg2[%add3A_31, %dma_start3A_32] : memref<2500x128xi32, #tpu.memory_space<hbm>> -> memref<1x128xi32, #tpu.memory_space<hbm>>
    %dma_start3A_34 = tpu.memref_squeeze %dma_start3A_33 : memref<1x128xi32, #tpu.memory_space<hbm>> -> memref<128xi32, #tpu.memory_space<hbm>>
    %dma_start3A_35 = arith.constant 0 : i32
    %dma_start3A_36 = tpu.memref_slice %arg2[%add3A_31, %dma_start3A_35] : memref<2500x128xi32, #tpu.memory_space<hbm>> -> memref<1x128xi32, #tpu.memory_space<hbm>>
    %dma_start3A_37 = tpu.memref_squeeze %dma_start3A_36 : memref<1x128xi32, #tpu.memory_space<hbm>> -> memref<128xi32, #tpu.memory_space<hbm>>
    tpu.enqueue_dma source(%dma_start3A_37 : memref<128xi32, #tpu.memory_space<hbm>>) target(%arg8 : memref<128xi32, #tpu.memory_space<vmem>>) target_semaphore(%arg18 : memref<!tpu.dma_semaphore, #tpu.memory_space<semaphore_mem>>)
    %add3A_38 = arith.constant 1 : i32
    %add3A_39 = arith.addi %select_n3A, %add3A_38 : i32
    %dma_start3A_40 = arith.constant 0 : i32
    %dma_start3A_41 = tpu.memref_slice %arg4[%add3A_39, %dma_start3A_40] : memref<2500x128xf32, #tpu.memory_space<hbm>> -> memref<1x128xf32, #tpu.memory_space<hbm>>
    %dma_start3A_42 = tpu.memref_squeeze %dma_start3A_41 : memref<1x128xf32, #tpu.memory_space<hbm>> -> memref<128xf32, #tpu.memory_space<hbm>>
    %dma_start3A_43 = arith.constant 0 : i32
    %dma_start3A_44 = tpu.memref_slice %arg4[%add3A_39, %dma_start3A_43] : memref<2500x128xf32, #tpu.memory_space<hbm>> -> memref<1x128xf32, #tpu.memory_space<hbm>>
    %dma_start3A_45 = tpu.memref_squeeze %dma_start3A_44 : memref<1x128xf32, #tpu.memory_space<hbm>> -> memref<128xf32, #tpu.memory_space<hbm>>
    tpu.enqueue_dma source(%dma_start3A_45 : memref<128xf32, #tpu.memory_space<hbm>>) target(%arg12 : memref<128xf32, #tpu.memory_space<vmem>>) target_semaphore(%arg18 : memref<!tpu.dma_semaphore, #tpu.memory_space<semaphore_mem>>)
    %dma_wait3A = arith.constant 0 : i32
    %dma_wait3A_46 = tpu.memref_slice %arg2[%select_n3A, %dma_wait3A] : memref<2500x128xi32, #tpu.memory_space<hbm>> -> memref<1x128xi32, #tpu.memory_space<hbm>>
    %dma_wait3A_47 = tpu.memref_squeeze %dma_wait3A_46 : memref<1x128xi32, #tpu.memory_space<hbm>> -> memref<128xi32, #tpu.memory_space<hbm>>
    %dma_wait3A_48 = arith.constant 0 : i32
    %dma_wait3A_49 = tpu.memref_slice %arg2[%select_n3A, %dma_wait3A_48] : memref<2500x128xi32, #tpu.memory_space<hbm>> -> memref<1x128xi32, #tpu.memory_space<hbm>>
    %dma_wait3A_50 = tpu.memref_squeeze %dma_wait3A_49 : memref<1x128xi32, #tpu.memory_space<hbm>> -> memref<128xi32, #tpu.memory_space<hbm>>
    tpu.wait_dma2 semaphore(%arg17 : memref<!tpu.dma_semaphore, #tpu.memory_space<semaphore_mem>>) src(%dma_wait3A_50 : memref<128xi32, #tpu.memory_space<hbm>>) dst(%arg7 : memref<128xi32, #tpu.memory_space<vmem>>)
    %dma_wait3A_51 = arith.constant 0 : i32
    %dma_wait3A_52 = tpu.memref_slice %arg4[%select_n3A, %dma_wait3A_51] : memref<2500x128xf32, #tpu.memory_space<hbm>> -> memref<1x128xf32, #tpu.memory_space<hbm>>
    %dma_wait3A_53 = tpu.memref_squeeze %dma_wait3A_52 : memref<1x128xf32, #tpu.memory_space<hbm>> -> memref<128xf32, #tpu.memory_space<hbm>>
    %dma_wait3A_54 = arith.constant 0 : i32
    %dma_wait3A_55 = tpu.memref_slice %arg4[%select_n3A, %dma_wait3A_54] : memref<2500x128xf32, #tpu.memory_space<hbm>> -> memref<1x128xf32, #tpu.memory_space<hbm>>
    %dma_wait3A_56 = tpu.memref_squeeze %dma_wait3A_55 : memref<1x128xf32, #tpu.memory_space<hbm>> -> memref<128xf32, #tpu.memory_space<hbm>>
    tpu.wait_dma2 semaphore(%arg17 : memref<!tpu.dma_semaphore, #tpu.memory_space<semaphore_mem>>) src(%dma_wait3A_56 : memref<128xf32, #tpu.memory_space<hbm>>) dst(%arg11 : memref<128xf32, #tpu.memory_space<vmem>>)
    %dma_start3A_57 = arith.constant 0 : i32
    %dma_start3A_58 = tpu.memref_slice %arg3[%select_n3A, %dma_start3A_57] : memref<2500x128xi32, #tpu.memory_space<hbm>> -> memref<1x128xi32, #tpu.memory_space<hbm>>
    %dma_start3A_59 = tpu.memref_squeeze %dma_start3A_58 : memref<1x128xi32, #tpu.memory_space<hbm>> -> memref<128xi32, #tpu.memory_space<hbm>>
    %dma_start3A_60 = arith.constant 0 : i32
    %dma_start3A_61 = tpu.memref_slice %arg3[%select_n3A, %dma_start3A_60] : memref<2500x128xi32, #tpu.memory_space<hbm>> -> memref<1x128xi32, #tpu.memory_space<hbm>>
    %dma_start3A_62 = tpu.memref_squeeze %dma_start3A_61 : memref<1x128xi32, #tpu.memory_space<hbm>> -> memref<128xi32, #tpu.memory_space<hbm>>
    tpu.enqueue_dma source(%dma_start3A_62 : memref<128xi32, #tpu.memory_space<hbm>>) target(%arg9 : memref<128xi32, #tpu.memory_space<vmem>>) target_semaphore(%arg19 : memref<!tpu.dma_semaphore, #tpu.memory_space<semaphore_mem>>)
    %dma_start3A_63 = arith.constant 0 : i32
    %dma_start3A_64 = arith.constant 0 : i32
    %dma_start3A_65 = tpu.memref_slice %arg5[%dma_start3A_63, %dma_start3A_64] : memref<10240x32xf32, #tpu.memory_space<hbm>> -> memref<10240x32xf32, #tpu.memory_space<hbm>>
    tpu.enqueue_indirect_dma source(%dma_start3A_65 : memref<10240x32xf32, #tpu.memory_space<hbm>>) target(%arg13 : memref<128x32xf32, #tpu.memory_space<vmem>>) offsets(%arg7 : memref<128xi32, #tpu.memory_space<vmem>>) semaphore(%arg21 : memref<!tpu.dma_semaphore, #tpu.memory_space<semaphore_mem>>)
    %jit3A_66 = arith.constant 2 : i32
    %div3A = arith.divsi %select_n3A_12, %jit3A_66 : i32
    %sign3A = arith.constant 0 : i32
    %sign3A_67 = arith.cmpi sgt, %select_n3A_12, %sign3A : i32
    %sign3A_68 = arith.extui %sign3A_67 : i1 to i32
    %sign3A_69 = arith.constant 0 : i32
    %sign3A_70 = arith.cmpi slt, %select_n3A_12, %sign3A_69 : i32
    %sign3A_71 = arith.extui %sign3A_70 : i1 to i32
    %sign3A_72 = arith.subi %sign3A_68, %sign3A_71 : i32
    %sign3A_73 = arith.constant 0 : i32
    %sign3A_74 = arith.cmpi sgt, %jit3A_66, %sign3A_73 : i32
    %sign3A_75 = arith.extui %sign3A_74 : i1 to i32
    %sign3A_76 = arith.constant 0 : i32
    %sign3A_77 = arith.cmpi slt, %jit3A_66, %sign3A_76 : i32
    %sign3A_78 = arith.extui %sign3A_77 : i1 to i32
    %sign3A_79 = arith.subi %sign3A_75, %sign3A_78 : i32
    %ne3A = arith.cmpi ne, %sign3A_72, %sign3A_79 : i32
    %rem3A = arith.remsi %select_n3A_12, %jit3A_66 : i32
    %ne3A_80 = arith.constant 0 : i32
    %ne3A_81 = arith.cmpi ne, %rem3A, %ne3A_80 : i32
    %and3A = arith.andi %ne3A, %ne3A_81 : i1
    %sub3A_82 = arith.constant 1 : i32
    %sub3A_83 = arith.subi %div3A, %sub3A_82 : i32
    %select_n3A_84 = arith.select %and3A, %sub3A_83, %div3A : i32
    %sub3A_85 = arith.constant 0 : i32
    %sub3A_86 = arith.subi %select_n3A_84, %sub3A_85 : i32
    %sub3A_87 = arith.constant 1 : i32
    %sub3A_88 = arith.constant 1 : i32
    %sub3A_89 = arith.subi %sub3A_87, %sub3A_88 : i32
    %add3A_90 = arith.addi %sub3A_86, %sub3A_89 : i32
    %div3A_91 = arith.constant 1 : i32
    %div3A_92 = arith.divsi %add3A_90, %div3A_91 : i32
    %while3A = arith.constant 1 : i32
    %while3A_93 = arith.constant 0 : i32
    %while3A_94 = arith.constant 0 : i32
    %while3A_95 = arith.subi %div3A_92, %while3A_94 : i32
    %while3A_96 = arith.addi %while3A_94, %while3A_95 : i32
    %while3A_97 = arith.constant 1 : i32
    %while3A_98 = arith.divsi %while3A_95, %while3A_97 : i32
    %while3A_99 = arith.muli %while3A_98, %while3A_97 : i32
    %while3A_100 = arith.addi %while3A_94, %while3A_99 : i32
    %while3A_101 = arith.constant 1 : i32
    scf.for %while3A_114 = %while3A_94 to %while3A_100 step %while3A_101  : i32 {
      %mul3A_115 = arith.muli %while3A_114, %while3A : i32
      %add3A_116 = arith.addi %while3A_93, %mul3A_115 : i32
      %mul3A_117 = arith.constant 2 : i32
      %mul3A_118 = arith.muli %mul3A_117, %add3A_116 : i32
      %dma_wait3A_119 = arith.constant 0 : i32
      %dma_wait3A_120 = arith.constant 0 : i32
      %dma_wait3A_121 = tpu.memref_slice %arg5[%dma_wait3A_119, %dma_wait3A_120] : memref<10240x32xf32, #tpu.memory_space<hbm>> -> memref<10240x32xf32, #tpu.memory_space<hbm>>
      tpu.wait_indirect_dma semaphore(%arg21 : memref<!tpu.dma_semaphore, #tpu.memory_space<semaphore_mem>>) src(%dma_wait3A_121 : memref<10240x32xf32, #tpu.memory_space<hbm>>) dst(%arg13 : memref<128x32xf32, #tpu.memory_space<vmem>>)
      %add3A_122 = arith.constant 1 : i32
      %add3A_123 = arith.addi %mul3A_118, %add3A_122 : i32
      %lt3A_124 = arith.cmpi slt, %add3A_123, %select_n3A_12 : i32
      %convert_element_type3A = arith.extui %lt3A_124 : i1 to i32
      %cond3A = arith.constant 0 : i32
      %cond3A_125 = arith.cmpi ne, %convert_element_type3A, %cond3A : i32
      scf.if %cond3A_125 {
        %dma_wait3A_179 = arith.constant 0 : i32
        %dma_wait3A_180 = tpu.memref_slice %arg2[%select_n3A, %dma_wait3A_179] : memref<2500x128xi32, #tpu.memory_space<hbm>> -> memref<1x128xi32, #tpu.memory_space<hbm>>
        %dma_wait3A_181 = tpu.memref_squeeze %dma_wait3A_180 : memref<1x128xi32, #tpu.memory_space<hbm>> -> memref<128xi32, #tpu.memory_space<hbm>>
        %dma_wait3A_182 = arith.constant 0 : i32
        %dma_wait3A_183 = tpu.memref_slice %arg2[%select_n3A, %dma_wait3A_182] : memref<2500x128xi32, #tpu.memory_space<hbm>> -> memref<1x128xi32, #tpu.memory_space<hbm>>
        %dma_wait3A_184 = tpu.memref_squeeze %dma_wait3A_183 : memref<1x128xi32, #tpu.memory_space<hbm>> -> memref<128xi32, #tpu.memory_space<hbm>>
        tpu.wait_dma2 semaphore(%arg18 : memref<!tpu.dma_semaphore, #tpu.memory_space<semaphore_mem>>) src(%dma_wait3A_184 : memref<128xi32, #tpu.memory_space<hbm>>) dst(%arg8 : memref<128xi32, #tpu.memory_space<vmem>>)
        %dma_wait3A_185 = arith.constant 0 : i32
        %dma_wait3A_186 = tpu.memref_slice %arg4[%select_n3A, %dma_wait3A_185] : memref<2500x128xf32, #tpu.memory_space<hbm>> -> memref<1x128xf32, #tpu.memory_space<hbm>>
        %dma_wait3A_187 = tpu.memref_squeeze %dma_wait3A_186 : memref<1x128xf32, #tpu.memory_space<hbm>> -> memref<128xf32, #tpu.memory_space<hbm>>
        %dma_wait3A_188 = arith.constant 0 : i32
        %dma_wait3A_189 = tpu.memref_slice %arg4[%select_n3A, %dma_wait3A_188] : memref<2500x128xf32, #tpu.memory_space<hbm>> -> memref<1x128xf32, #tpu.memory_space<hbm>>
        %dma_wait3A_190 = tpu.memref_squeeze %dma_wait3A_189 : memref<1x128xf32, #tpu.memory_space<hbm>> -> memref<128xf32, #tpu.memory_space<hbm>>
        tpu.wait_dma2 semaphore(%arg18 : memref<!tpu.dma_semaphore, #tpu.memory_space<semaphore_mem>>) src(%dma_wait3A_190 : memref<128xf32, #tpu.memory_space<hbm>>) dst(%arg12 : memref<128xf32, #tpu.memory_space<vmem>>)
        %ge3A = arith.constant 1 : i32
        %ge3A_191 = arith.cmpi sge, %mul3A_118, %ge3A : i32
        %convert_element_type3A_192 = arith.extui %ge3A_191 : i1 to i32
        %cond3A_193 = arith.constant 0 : i32
        %cond3A_194 = arith.cmpi ne, %convert_element_type3A_192, %cond3A_193 : i32
        scf.if %cond3A_194 {
          %dma_wait3A_207 = arith.constant 0 : i32
          %dma_wait3A_208 = arith.constant 0 : i32
          %dma_wait3A_209 = tpu.memref_slice %arg16[%dma_wait3A_207, %dma_wait3A_208] : memref<10240x32xf32, #tpu.memory_space<vmem_shared>> -> memref<10240x32xf32, #tpu.memory_space<vmem_shared>>
          tpu.wait_indirect_dma semaphore(%arg24 : memref<!tpu.dma_semaphore, #tpu.memory_space<semaphore_mem>>) src(%arg14 : memref<128x32xf32, #tpu.memory_space<vmem>>) dst(%dma_wait3A_209 : memref<10240x32xf32, #tpu.memory_space<vmem_shared>>)
        } else {
        }
        %dma_start3A_195 = arith.constant 0 : i32
        %dma_start3A_196 = arith.constant 0 : i32
        %dma_start3A_197 = tpu.memref_slice %arg5[%dma_start3A_195, %dma_start3A_196] : memref<10240x32xf32, #tpu.memory_space<hbm>> -> memref<10240x32xf32, #tpu.memory_space<hbm>>
        tpu.enqueue_indirect_dma source(%dma_start3A_197 : memref<10240x32xf32, #tpu.memory_space<hbm>>) target(%arg14 : memref<128x32xf32, #tpu.memory_space<vmem>>) offsets(%arg8 : memref<128xi32, #tpu.memory_space<vmem>>) semaphore(%arg22 : memref<!tpu.dma_semaphore, #tpu.memory_space<semaphore_mem>>)
        %add3A_198 = arith.addi %select_n3A, %mul3A_118 : i32
        %add3A_199 = arith.constant 1 : i32
        %add3A_200 = arith.addi %add3A_198, %add3A_199 : i32
        %dma_start3A_201 = arith.constant 0 : i32
        %dma_start3A_202 = tpu.memref_slice %arg3[%add3A_200, %dma_start3A_201] : memref<2500x128xi32, #tpu.memory_space<hbm>> -> memref<1x128xi32, #tpu.memory_space<hbm>>
        %dma_start3A_203 = tpu.memref_squeeze %dma_start3A_202 : memref<1x128xi32, #tpu.memory_space<hbm>> -> memref<128xi32, #tpu.memory_space<hbm>>
        %dma_start3A_204 = arith.constant 0 : i32
        %dma_start3A_205 = tpu.memref_slice %arg3[%add3A_200, %dma_start3A_204] : memref<2500x128xi32, #tpu.memory_space<hbm>> -> memref<1x128xi32, #tpu.memory_space<hbm>>
        %dma_start3A_206 = tpu.memref_squeeze %dma_start3A_205 : memref<1x128xi32, #tpu.memory_space<hbm>> -> memref<128xi32, #tpu.memory_space<hbm>>
        tpu.enqueue_dma source(%dma_start3A_206 : memref<128xi32, #tpu.memory_space<hbm>>) target(%arg10 : memref<128xi32, #tpu.memory_space<vmem>>) target_semaphore(%arg20 : memref<!tpu.dma_semaphore, #tpu.memory_space<semaphore_mem>>)
      } else {
      }
      %scan3A_126 = arith.constant 0 : i32
      %scan3A_127 = arith.constant 128 : i32
      %scan3A_128 = arith.addi %scan3A_126, %scan3A_127 : i32
      %scan3A_129 = arith.constant 4 : i32
      scf.for %scan3A_179 = %scan3A_126 to %scan3A_128 step %scan3A_129  : i32 {
        %mul3A_180 = arith.constant 1 : i32
        %mul3A_181 = arith.muli %scan3A_179, %mul3A_180 : i32
        %add3A_182 = arith.constant 0 : i32
        %add3A_183 = arith.addi %add3A_182, %mul3A_181 : i32
        %broadcast_in_dim3A = vector.broadcast %add3A_183 : i32 to vector<16xi32>
        %gather3A = tpu.vector_load_idx %arg11[%broadcast_in_dim3A] : memref<128xf32, #tpu.memory_space<vmem>>[vector<16xi32>], vector<16xf32>,
        %get3A = arith.index_cast %add3A_183 : i32 to index
        %get3A_184 = arith.constant 0 : index
        %get3A_185 = tpu.vector_load %arg13[%get3A, %get3A_184] {strides = array<i32>} : memref<128x32xf32, #tpu.memory_space<vmem>>, vector<16xf32>,
        %mul3A_186 = arith.mulf %get3A_185, %gather3A : vector<16xf32>
        %swap3A = arith.index_cast %add3A_183 : i32 to index
        %swap3A_187 = arith.constant 0 : index
        %swap3A_188 = tpu.vector_load %arg13[%swap3A, %swap3A_187] {strides = array<i32>} : memref<128x32xf32, #tpu.memory_space<vmem>>, vector<16xf32>,
        tpu.vector_store %arg13[%swap3A, %swap3A_187], %mul3A_186 {strides = array<i32>} : memref<128x32xf32, #tpu.memory_space<vmem>>, vector<16xf32>,
        %get3A_189 = arith.index_cast %add3A_183 : i32 to index
        %get3A_190 = arith.constant 16 : index
        %get3A_191 = tpu.vector_load %arg13[%get3A_189, %get3A_190] {strides = array<i32>} : memref<128x32xf32, #tpu.memory_space<vmem>>, vector<16xf32>,
        %mul3A_192 = arith.mulf %get3A_191, %gather3A : vector<16xf32>
        %swap3A_193 = arith.index_cast %add3A_183 : i32 to index
        %swap3A_194 = arith.constant 16 : index
        %swap3A_195 = tpu.vector_load %arg13[%swap3A_193, %swap3A_194] {strides = array<i32>} : memref<128x32xf32, #tpu.memory_space<vmem>>, vector<16xf32>,
        tpu.vector_store %arg13[%swap3A_193, %swap3A_194], %mul3A_192 {strides = array<i32>} : memref<128x32xf32, #tpu.memory_space<vmem>>, vector<16xf32>,
        %scan3A_196 = arith.constant 1 : i32
        %scan3A_197 = arith.addi %scan3A_179, %scan3A_196 : i32
        %mul3A_198 = arith.constant 1 : i32
        %mul3A_199 = arith.muli %scan3A_197, %mul3A_198 : i32
        %add3A_200 = arith.constant 0 : i32
        %add3A_201 = arith.addi %add3A_200, %mul3A_199 : i32
        %broadcast_in_dim3A_202 = vector.broadcast %add3A_201 : i32 to vector<16xi32>
        %gather3A_203 = tpu.vector_load_idx %arg11[%broadcast_in_dim3A_202] : memref<128xf32, #tpu.memory_space<vmem>>[vector<16xi32>], vector<16xf32>,
        %get3A_204 = arith.index_cast %add3A_201 : i32 to index
        %get3A_205 = arith.constant 0 : index
        %get3A_206 = tpu.vector_load %arg13[%get3A_204, %get3A_205] {strides = array<i32>} : memref<128x32xf32, #tpu.memory_space<vmem>>, vector<16xf32>,
        %mul3A_207 = arith.mulf %get3A_206, %gather3A_203 : vector<16xf32>
        %swap3A_208 = arith.index_cast %add3A_201 : i32 to index
        %swap3A_209 = arith.constant 0 : index
        %swap3A_210 = tpu.vector_load %arg13[%swap3A_208, %swap3A_209] {strides = array<i32>} : memref<128x32xf32, #tpu.memory_space<vmem>>, vector<16xf32>,
        tpu.vector_store %arg13[%swap3A_208, %swap3A_209], %mul3A_207 {strides = array<i32>} : memref<128x32xf32, #tpu.memory_space<vmem>>, vector<16xf32>,
        %get3A_211 = arith.index_cast %add3A_201 : i32 to index
        %get3A_212 = arith.constant 16 : index
        %get3A_213 = tpu.vector_load %arg13[%get3A_211, %get3A_212] {strides = array<i32>} : memref<128x32xf32, #tpu.memory_space<vmem>>, vector<16xf32>,
        %mul3A_214 = arith.mulf %get3A_213, %gather3A_203 : vector<16xf32>
        %swap3A_215 = arith.index_cast %add3A_201 : i32 to index
        %swap3A_216 = arith.constant 16 : index
        %swap3A_217 = tpu.vector_load %arg13[%swap3A_215, %swap3A_216] {strides = array<i32>} : memref<128x32xf32, #tpu.memory_space<vmem>>, vector<16xf32>,
        tpu.vector_store %arg13[%swap3A_215, %swap3A_216], %mul3A_214 {strides = array<i32>} : memref<128x32xf32, #tpu.memory_space<vmem>>, vector<16xf32>,
        %scan3A_218 = arith.constant 2 : i32
        %scan3A_219 = arith.addi %scan3A_179, %scan3A_218 : i32
        %mul3A_220 = arith.constant 1 : i32
        %mul3A_221 = arith.muli %scan3A_219, %mul3A_220 : i32
        %add3A_222 = arith.constant 0 : i32
        %add3A_223 = arith.addi %add3A_222, %mul3A_221 : i32
        %broadcast_in_dim3A_224 = vector.broadcast %add3A_223 : i32 to vector<16xi32>
        %gather3A_225 = tpu.vector_load_idx %arg11[%broadcast_in_dim3A_224] : memref<128xf32, #tpu.memory_space<vmem>>[vector<16xi32>], vector<16xf32>,
        %get3A_226 = arith.index_cast %add3A_223 : i32 to index
        %get3A_227 = arith.constant 0 : index
        %get3A_228 = tpu.vector_load %arg13[%get3A_226, %get3A_227] {strides = array<i32>} : memref<128x32xf32, #tpu.memory_space<vmem>>, vector<16xf32>,
        %mul3A_229 = arith.mulf %get3A_228, %gather3A_225 : vector<16xf32>
        %swap3A_230 = arith.index_cast %add3A_223 : i32 to index
        %swap3A_231 = arith.constant 0 : index
        %swap3A_232 = tpu.vector_load %arg13[%swap3A_230, %swap3A_231] {strides = array<i32>} : memref<128x32xf32, #tpu.memory_space<vmem>>, vector<16xf32>,
        tpu.vector_store %arg13[%swap3A_230, %swap3A_231], %mul3A_229 {strides = array<i32>} : memref<128x32xf32, #tpu.memory_space<vmem>>, vector<16xf32>,
        %get3A_233 = arith.index_cast %add3A_223 : i32 to index
        %get3A_234 = arith.constant 16 : index
        %get3A_235 = tpu.vector_load %arg13[%get3A_233, %get3A_234] {strides = array<i32>} : memref<128x32xf32, #tpu.memory_space<vmem>>, vector<16xf32>,
        %mul3A_236 = arith.mulf %get3A_235, %gather3A_225 : vector<16xf32>
        %swap3A_237 = arith.index_cast %add3A_223 : i32 to index
        %swap3A_238 = arith.constant 16 : index
        %swap3A_239 = tpu.vector_load %arg13[%swap3A_237, %swap3A_238] {strides = array<i32>} : memref<128x32xf32, #tpu.memory_space<vmem>>, vector<16xf32>,
        tpu.vector_store %arg13[%swap3A_237, %swap3A_238], %mul3A_236 {strides = array<i32>} : memref<128x32xf32, #tpu.memory_space<vmem>>, vector<16xf32>,
        %scan3A_240 = arith.constant 3 : i32
        %scan3A_241 = arith.addi %scan3A_179, %scan3A_240 : i32
        %mul3A_242 = arith.constant 1 : i32
        %mul3A_243 = arith.muli %scan3A_241, %mul3A_242 : i32
        %add3A_244 = arith.constant 0 : i32
        %add3A_245 = arith.addi %add3A_244, %mul3A_243 : i32
        %broadcast_in_dim3A_246 = vector.broadcast %add3A_245 : i32 to vector<16xi32>
        %gather3A_247 = tpu.vector_load_idx %arg11[%broadcast_in_dim3A_246] : memref<128xf32, #tpu.memory_space<vmem>>[vector<16xi32>], vector<16xf32>,
        %get3A_248 = arith.index_cast %add3A_245 : i32 to index
        %get3A_249 = arith.constant 0 : index
        %get3A_250 = tpu.vector_load %arg13[%get3A_248, %get3A_249] {strides = array<i32>} : memref<128x32xf32, #tpu.memory_space<vmem>>, vector<16xf32>,
        %mul3A_251 = arith.mulf %get3A_250, %gather3A_247 : vector<16xf32>
        %swap3A_252 = arith.index_cast %add3A_245 : i32 to index
        %swap3A_253 = arith.constant 0 : index
        %swap3A_254 = tpu.vector_load %arg13[%swap3A_252, %swap3A_253] {strides = array<i32>} : memref<128x32xf32, #tpu.memory_space<vmem>>, vector<16xf32>,
        tpu.vector_store %arg13[%swap3A_252, %swap3A_253], %mul3A_251 {strides = array<i32>} : memref<128x32xf32, #tpu.memory_space<vmem>>, vector<16xf32>,
        %get3A_255 = arith.index_cast %add3A_245 : i32 to index
        %get3A_256 = arith.constant 16 : index
        %get3A_257 = tpu.vector_load %arg13[%get3A_255, %get3A_256] {strides = array<i32>} : memref<128x32xf32, #tpu.memory_space<vmem>>, vector<16xf32>,
        %mul3A_258 = arith.mulf %get3A_257, %gather3A_247 : vector<16xf32>
        %swap3A_259 = arith.index_cast %add3A_245 : i32 to index
        %swap3A_260 = arith.constant 16 : index
        %swap3A_261 = tpu.vector_load %arg13[%swap3A_259, %swap3A_260] {strides = array<i32>} : memref<128x32xf32, #tpu.memory_space<vmem>>, vector<16xf32>,
        tpu.vector_store %arg13[%swap3A_259, %swap3A_260], %mul3A_258 {strides = array<i32>} : memref<128x32xf32, #tpu.memory_space<vmem>>, vector<16xf32>,
      }
      %scan3A_130 = arith.constant 128 : i32
      %dma_wait3A_131 = arith.constant 0 : i32
      %dma_wait3A_132 = tpu.memref_slice %arg3[%select_n3A, %dma_wait3A_131] : memref<2500x128xi32, #tpu.memory_space<hbm>> -> memref<1x128xi32, #tpu.memory_space<hbm>>
      %dma_wait3A_133 = tpu.memref_squeeze %dma_wait3A_132 : memref<1x128xi32, #tpu.memory_space<hbm>> -> memref<128xi32, #tpu.memory_space<hbm>>
      %dma_wait3A_134 = arith.constant 0 : i32
      %dma_wait3A_135 = tpu.memref_slice %arg3[%select_n3A, %dma_wait3A_134] : memref<2500x128xi32, #tpu.memory_space<hbm>> -> memref<1x128xi32, #tpu.memory_space<hbm>>
      %dma_wait3A_136 = tpu.memref_squeeze %dma_wait3A_135 : memref<1x128xi32, #tpu.memory_space<hbm>> -> memref<128xi32, #tpu.memory_space<hbm>>
      tpu.wait_dma2 semaphore(%arg19 : memref<!tpu.dma_semaphore, #tpu.memory_space<semaphore_mem>>) src(%dma_wait3A_136 : memref<128xi32, #tpu.memory_space<hbm>>) dst(%arg9 : memref<128xi32, #tpu.memory_space<vmem>>)
      %dma_start3A_137 = arith.constant 0 : i32
      %dma_start3A_138 = arith.constant 0 : i32
      %dma_start3A_139 = tpu.memref_slice %arg16[%dma_start3A_137, %dma_start3A_138] : memref<10240x32xf32, #tpu.memory_space<vmem_shared>> -> memref<10240x32xf32, #tpu.memory_space<vmem_shared>>
      tpu.enqueue_indirect_dma source(%arg13 : memref<128x32xf32, #tpu.memory_space<vmem>>) target(%dma_start3A_139 : memref<10240x32xf32, #tpu.memory_space<vmem_shared>>) offsets(%arg9 : memref<128xi32, #tpu.memory_space<vmem>>) semaphore(%arg23 : memref<!tpu.dma_semaphore, #tpu.memory_space<semaphore_mem>>) {add = true}
      %add3A_140 = arith.constant 2 : i32
      %add3A_141 = arith.addi %mul3A_118, %add3A_140 : i32
      %lt3A_142 = arith.cmpi slt, %add3A_141, %select_n3A_12 : i32
      %convert_element_type3A_143 = arith.extui %lt3A_142 : i1 to i32
      %cond3A_144 = arith.constant 0 : i32
      %cond3A_145 = arith.cmpi ne, %convert_element_type3A_143, %cond3A_144 : i32
      scf.if %cond3A_145 {
        %add3A_179 = arith.addi %select_n3A, %mul3A_118 : i32
        %add3A_180 = arith.constant 2 : i32
        %add3A_181 = arith.addi %add3A_179, %add3A_180 : i32
        %dma_start3A_182 = arith.constant 0 : i32
        %dma_start3A_183 = tpu.memref_slice %arg2[%add3A_181, %dma_start3A_182] : memref<2500x128xi32, #tpu.memory_space<hbm>> -> memref<1x128xi32, #tpu.memory_space<hbm>>
        %dma_start3A_184 = tpu.memref_squeeze %dma_start3A_183 : memref<1x128xi32, #tpu.memory_space<hbm>> -> memref<128xi32, #tpu.memory_space<hbm>>
        %dma_start3A_185 = arith.constant 0 : i32
        %dma_start3A_186 = tpu.memref_slice %arg2[%add3A_181, %dma_start3A_185] : memref<2500x128xi32, #tpu.memory_space<hbm>> -> memref<1x128xi32, #tpu.memory_space<hbm>>
        %dma_start3A_187 = tpu.memref_squeeze %dma_start3A_186 : memref<1x128xi32, #tpu.memory_space<hbm>> -> memref<128xi32, #tpu.memory_space<hbm>>
        tpu.enqueue_dma source(%dma_start3A_187 : memref<128xi32, #tpu.memory_space<hbm>>) target(%arg7 : memref<128xi32, #tpu.memory_space<vmem>>) target_semaphore(%arg17 : memref<!tpu.dma_semaphore, #tpu.memory_space<semaphore_mem>>)
        %add3A_188 = arith.addi %select_n3A, %mul3A_118 : i32
        %add3A_189 = arith.constant 2 : i32
        %add3A_190 = arith.addi %add3A_188, %add3A_189 : i32
        %dma_start3A_191 = arith.constant 0 : i32
        %dma_start3A_192 = tpu.memref_slice %arg4[%add3A_190, %dma_start3A_191] : memref<2500x128xf32, #tpu.memory_space<hbm>> -> memref<1x128xf32, #tpu.memory_space<hbm>>
        %dma_start3A_193 = tpu.memref_squeeze %dma_start3A_192 : memref<1x128xf32, #tpu.memory_space<hbm>> -> memref<128xf32, #tpu.memory_space<hbm>>
        %dma_start3A_194 = arith.constant 0 : i32
        %dma_start3A_195 = tpu.memref_slice %arg4[%add3A_190, %dma_start3A_194] : memref<2500x128xf32, #tpu.memory_space<hbm>> -> memref<1x128xf32, #tpu.memory_space<hbm>>
        %dma_start3A_196 = tpu.memref_squeeze %dma_start3A_195 : memref<1x128xf32, #tpu.memory_space<hbm>> -> memref<128xf32, #tpu.memory_space<hbm>>
        tpu.enqueue_dma source(%dma_start3A_196 : memref<128xf32, #tpu.memory_space<hbm>>) target(%arg11 : memref<128xf32, #tpu.memory_space<vmem>>) target_semaphore(%arg17 : memref<!tpu.dma_semaphore, #tpu.memory_space<semaphore_mem>>)
      } else {
      }
      %mul3A_146 = arith.constant 2 : i32
      %mul3A_147 = arith.muli %mul3A_146, %add3A_116 : i32
      %add3A_148 = arith.constant 1 : i32
      %add3A_149 = arith.addi %mul3A_147, %add3A_148 : i32
      %dma_wait3A_150 = arith.constant 0 : i32
      %dma_wait3A_151 = arith.constant 0 : i32
      %dma_wait3A_152 = tpu.memref_slice %arg5[%dma_wait3A_150, %dma_wait3A_151] : memref<10240x32xf32, #tpu.memory_space<hbm>> -> memref<10240x32xf32, #tpu.memory_space<hbm>>
      tpu.wait_indirect_dma semaphore(%arg22 : memref<!tpu.dma_semaphore, #tpu.memory_space<semaphore_mem>>) src(%dma_wait3A_152 : memref<10240x32xf32, #tpu.memory_space<hbm>>) dst(%arg14 : memref<128x32xf32, #tpu.memory_space<vmem>>)
      %add3A_153 = arith.constant 1 : i32
      %add3A_154 = arith.addi %add3A_149, %add3A_153 : i32
      %lt3A_155 = arith.cmpi slt, %add3A_154, %select_n3A_12 : i32
      %convert_element_type3A_156 = arith.extui %lt3A_155 : i1 to i32
      %cond3A_157 = arith.constant 0 : i32
      %cond3A_158 = arith.cmpi ne, %convert_element_type3A_156, %cond3A_157 : i32
      scf.if %cond3A_158 {
        %dma_wait3A_179 = arith.constant 0 : i32
        %dma_wait3A_180 = tpu.memref_slice %arg2[%select_n3A, %dma_wait3A_179] : memref<2500x128xi32, #tpu.memory_space<hbm>> -> memref<1x128xi32, #tpu.memory_space<hbm>>
        %dma_wait3A_181 = tpu.memref_squeeze %dma_wait3A_180 : memref<1x128xi32, #tpu.memory_space<hbm>> -> memref<128xi32, #tpu.memory_space<hbm>>
        %dma_wait3A_182 = arith.constant 0 : i32
        %dma_wait3A_183 = tpu.memref_slice %arg2[%select_n3A, %dma_wait3A_182] : memref<2500x128xi32, #tpu.memory_space<hbm>> -> memref<1x128xi32, #tpu.memory_space<hbm>>
        %dma_wait3A_184 = tpu.memref_squeeze %dma_wait3A_183 : memref<1x128xi32, #tpu.memory_space<hbm>> -> memref<128xi32, #tpu.memory_space<hbm>>
        tpu.wait_dma2 semaphore(%arg17 : memref<!tpu.dma_semaphore, #tpu.memory_space<semaphore_mem>>) src(%dma_wait3A_184 : memref<128xi32, #tpu.memory_space<hbm>>) dst(%arg7 : memref<128xi32, #tpu.memory_space<vmem>>)
        %dma_wait3A_185 = arith.constant 0 : i32
        %dma_wait3A_186 = tpu.memref_slice %arg4[%select_n3A, %dma_wait3A_185] : memref<2500x128xf32, #tpu.memory_space<hbm>> -> memref<1x128xf32, #tpu.memory_space<hbm>>
        %dma_wait3A_187 = tpu.memref_squeeze %dma_wait3A_186 : memref<1x128xf32, #tpu.memory_space<hbm>> -> memref<128xf32, #tpu.memory_space<hbm>>
        %dma_wait3A_188 = arith.constant 0 : i32
        %dma_wait3A_189 = tpu.memref_slice %arg4[%select_n3A, %dma_wait3A_188] : memref<2500x128xf32, #tpu.memory_space<hbm>> -> memref<1x128xf32, #tpu.memory_space<hbm>>
        %dma_wait3A_190 = tpu.memref_squeeze %dma_wait3A_189 : memref<1x128xf32, #tpu.memory_space<hbm>> -> memref<128xf32, #tpu.memory_space<hbm>>
        tpu.wait_dma2 semaphore(%arg17 : memref<!tpu.dma_semaphore, #tpu.memory_space<semaphore_mem>>) src(%dma_wait3A_190 : memref<128xf32, #tpu.memory_space<hbm>>) dst(%arg11 : memref<128xf32, #tpu.memory_space<vmem>>)
        %ge3A = arith.constant 1 : i32
        %ge3A_191 = arith.cmpi sge, %add3A_149, %ge3A : i32
        %convert_element_type3A_192 = arith.extui %ge3A_191 : i1 to i32
        %cond3A_193 = arith.constant 0 : i32
        %cond3A_194 = arith.cmpi ne, %convert_element_type3A_192, %cond3A_193 : i32
        scf.if %cond3A_194 {
          %dma_wait3A_207 = arith.constant 0 : i32
          %dma_wait3A_208 = arith.constant 0 : i32
          %dma_wait3A_209 = tpu.memref_slice %arg16[%dma_wait3A_207, %dma_wait3A_208] : memref<10240x32xf32, #tpu.memory_space<vmem_shared>> -> memref<10240x32xf32, #tpu.memory_space<vmem_shared>>
          tpu.wait_indirect_dma semaphore(%arg23 : memref<!tpu.dma_semaphore, #tpu.memory_space<semaphore_mem>>) src(%arg13 : memref<128x32xf32, #tpu.memory_space<vmem>>) dst(%dma_wait3A_209 : memref<10240x32xf32, #tpu.memory_space<vmem_shared>>)
        } else {
        }
        %dma_start3A_195 = arith.constant 0 : i32
        %dma_start3A_196 = arith.constant 0 : i32
        %dma_start3A_197 = tpu.memref_slice %arg5[%dma_start3A_195, %dma_start3A_196] : memref<10240x32xf32, #tpu.memory_space<hbm>> -> memref<10240x32xf32, #tpu.memory_space<hbm>>
        tpu.enqueue_indirect_dma source(%dma_start3A_197 : memref<10240x32xf32, #tpu.memory_space<hbm>>) target(%arg13 : memref<128x32xf32, #tpu.memory_space<vmem>>) offsets(%arg7 : memref<128xi32, #tpu.memory_space<vmem>>) semaphore(%arg21 : memref<!tpu.dma_semaphore, #tpu.memory_space<semaphore_mem>>)
        %add3A_198 = arith.addi %select_n3A, %add3A_149 : i32
        %add3A_199 = arith.constant 1 : i32
        %add3A_200 = arith.addi %add3A_198, %add3A_199 : i32
        %dma_start3A_201 = arith.constant 0 : i32
        %dma_start3A_202 = tpu.memref_slice %arg3[%add3A_200, %dma_start3A_201] : memref<2500x128xi32, #tpu.memory_space<hbm>> -> memref<1x128xi32, #tpu.memory_space<hbm>>
        %dma_start3A_203 = tpu.memref_squeeze %dma_start3A_202 : memref<1x128xi32, #tpu.memory_space<hbm>> -> memref<128xi32, #tpu.memory_space<hbm>>
        %dma_start3A_204 = arith.constant 0 : i32
        %dma_start3A_205 = tpu.memref_slice %arg3[%add3A_200, %dma_start3A_204] : memref<2500x128xi32, #tpu.memory_space<hbm>> -> memref<1x128xi32, #tpu.memory_space<hbm>>
        %dma_start3A_206 = tpu.memref_squeeze %dma_start3A_205 : memref<1x128xi32, #tpu.memory_space<hbm>> -> memref<128xi32, #tpu.memory_space<hbm>>
        tpu.enqueue_dma source(%dma_start3A_206 : memref<128xi32, #tpu.memory_space<hbm>>) target(%arg9 : memref<128xi32, #tpu.memory_space<vmem>>) target_semaphore(%arg19 : memref<!tpu.dma_semaphore, #tpu.memory_space<semaphore_mem>>)
      } else {
      }
      %scan3A_159 = arith.constant 0 : i32
      %scan3A_160 = arith.constant 128 : i32
      %scan3A_161 = arith.addi %scan3A_159, %scan3A_160 : i32
      %scan3A_162 = arith.constant 4 : i32
      scf.for %scan3A_179 = %scan3A_159 to %scan3A_161 step %scan3A_162  : i32 {
        %mul3A_180 = arith.constant 1 : i32
        %mul3A_181 = arith.muli %scan3A_179, %mul3A_180 : i32
        %add3A_182 = arith.constant 0 : i32
        %add3A_183 = arith.addi %add3A_182, %mul3A_181 : i32
        %broadcast_in_dim3A = vector.broadcast %add3A_183 : i32 to vector<16xi32>
        %gather3A = tpu.vector_load_idx %arg12[%broadcast_in_dim3A] : memref<128xf32, #tpu.memory_space<vmem>>[vector<16xi32>], vector<16xf32>,
        %get3A = arith.index_cast %add3A_183 : i32 to index
        %get3A_184 = arith.constant 0 : index
        %get3A_185 = tpu.vector_load %arg14[%get3A, %get3A_184] {strides = array<i32>} : memref<128x32xf32, #tpu.memory_space<vmem>>, vector<16xf32>,
        %mul3A_186 = arith.mulf %get3A_185, %gather3A : vector<16xf32>
        %swap3A = arith.index_cast %add3A_183 : i32 to index
        %swap3A_187 = arith.constant 0 : index
        %swap3A_188 = tpu.vector_load %arg14[%swap3A, %swap3A_187] {strides = array<i32>} : memref<128x32xf32, #tpu.memory_space<vmem>>, vector<16xf32>,
        tpu.vector_store %arg14[%swap3A, %swap3A_187], %mul3A_186 {strides = array<i32>} : memref<128x32xf32, #tpu.memory_space<vmem>>, vector<16xf32>,
        %get3A_189 = arith.index_cast %add3A_183 : i32 to index
        %get3A_190 = arith.constant 16 : index
        %get3A_191 = tpu.vector_load %arg14[%get3A_189, %get3A_190] {strides = array<i32>} : memref<128x32xf32, #tpu.memory_space<vmem>>, vector<16xf32>,
        %mul3A_192 = arith.mulf %get3A_191, %gather3A : vector<16xf32>
        %swap3A_193 = arith.index_cast %add3A_183 : i32 to index
        %swap3A_194 = arith.constant 16 : index
        %swap3A_195 = tpu.vector_load %arg14[%swap3A_193, %swap3A_194] {strides = array<i32>} : memref<128x32xf32, #tpu.memory_space<vmem>>, vector<16xf32>,
        tpu.vector_store %arg14[%swap3A_193, %swap3A_194], %mul3A_192 {strides = array<i32>} : memref<128x32xf32, #tpu.memory_space<vmem>>, vector<16xf32>,
        %scan3A_196 = arith.constant 1 : i32
        %scan3A_197 = arith.addi %scan3A_179, %scan3A_196 : i32
        %mul3A_198 = arith.constant 1 : i32
        %mul3A_199 = arith.muli %scan3A_197, %mul3A_198 : i32
        %add3A_200 = arith.constant 0 : i32
        %add3A_201 = arith.addi %add3A_200, %mul3A_199 : i32
        %broadcast_in_dim3A_202 = vector.broadcast %add3A_201 : i32 to vector<16xi32>
        %gather3A_203 = tpu.vector_load_idx %arg12[%broadcast_in_dim3A_202] : memref<128xf32, #tpu.memory_space<vmem>>[vector<16xi32>], vector<16xf32>,
        %get3A_204 = arith.index_cast %add3A_201 : i32 to index
        %get3A_205 = arith.constant 0 : index
        %get3A_206 = tpu.vector_load %arg14[%get3A_204, %get3A_205] {strides = array<i32>} : memref<128x32xf32, #tpu.memory_space<vmem>>, vector<16xf32>,
        %mul3A_207 = arith.mulf %get3A_206, %gather3A_203 : vector<16xf32>
        %swap3A_208 = arith.index_cast %add3A_201 : i32 to index
        %swap3A_209 = arith.constant 0 : index
        %swap3A_210 = tpu.vector_load %arg14[%swap3A_208, %swap3A_209] {strides = array<i32>} : memref<128x32xf32, #tpu.memory_space<vmem>>, vector<16xf32>,
        tpu.vector_store %arg14[%swap3A_208, %swap3A_209], %mul3A_207 {strides = array<i32>} : memref<128x32xf32, #tpu.memory_space<vmem>>, vector<16xf32>,
        %get3A_211 = arith.index_cast %add3A_201 : i32 to index
        %get3A_212 = arith.constant 16 : index
        %get3A_213 = tpu.vector_load %arg14[%get3A_211, %get3A_212] {strides = array<i32>} : memref<128x32xf32, #tpu.memory_space<vmem>>, vector<16xf32>,
        %mul3A_214 = arith.mulf %get3A_213, %gather3A_203 : vector<16xf32>
        %swap3A_215 = arith.index_cast %add3A_201 : i32 to index
        %swap3A_216 = arith.constant 16 : index
        %swap3A_217 = tpu.vector_load %arg14[%swap3A_215, %swap3A_216] {strides = array<i32>} : memref<128x32xf32, #tpu.memory_space<vmem>>, vector<16xf32>,
        tpu.vector_store %arg14[%swap3A_215, %swap3A_216], %mul3A_214 {strides = array<i32>} : memref<128x32xf32, #tpu.memory_space<vmem>>, vector<16xf32>,
        %scan3A_218 = arith.constant 2 : i32
        %scan3A_219 = arith.addi %scan3A_179, %scan3A_218 : i32
        %mul3A_220 = arith.constant 1 : i32
        %mul3A_221 = arith.muli %scan3A_219, %mul3A_220 : i32
        %add3A_222 = arith.constant 0 : i32
        %add3A_223 = arith.addi %add3A_222, %mul3A_221 : i32
        %broadcast_in_dim3A_224 = vector.broadcast %add3A_223 : i32 to vector<16xi32>
        %gather3A_225 = tpu.vector_load_idx %arg12[%broadcast_in_dim3A_224] : memref<128xf32, #tpu.memory_space<vmem>>[vector<16xi32>], vector<16xf32>,
        %get3A_226 = arith.index_cast %add3A_223 : i32 to index
        %get3A_227 = arith.constant 0 : index
        %get3A_228 = tpu.vector_load %arg14[%get3A_226, %get3A_227] {strides = array<i32>} : memref<128x32xf32, #tpu.memory_space<vmem>>, vector<16xf32>,
        %mul3A_229 = arith.mulf %get3A_228, %gather3A_225 : vector<16xf32>
        %swap3A_230 = arith.index_cast %add3A_223 : i32 to index
        %swap3A_231 = arith.constant 0 : index
        %swap3A_232 = tpu.vector_load %arg14[%swap3A_230, %swap3A_231] {strides = array<i32>} : memref<128x32xf32, #tpu.memory_space<vmem>>, vector<16xf32>,
        tpu.vector_store %arg14[%swap3A_230, %swap3A_231], %mul3A_229 {strides = array<i32>} : memref<128x32xf32, #tpu.memory_space<vmem>>, vector<16xf32>,
        %get3A_233 = arith.index_cast %add3A_223 : i32 to index
        %get3A_234 = arith.constant 16 : index
        %get3A_235 = tpu.vector_load %arg14[%get3A_233, %get3A_234] {strides = array<i32>} : memref<128x32xf32, #tpu.memory_space<vmem>>, vector<16xf32>,
        %mul3A_236 = arith.mulf %get3A_235, %gather3A_225 : vector<16xf32>
        %swap3A_237 = arith.index_cast %add3A_223 : i32 to index
        %swap3A_238 = arith.constant 16 : index
        %swap3A_239 = tpu.vector_load %arg14[%swap3A_237, %swap3A_238] {strides = array<i32>} : memref<128x32xf32, #tpu.memory_space<vmem>>, vector<16xf32>,
        tpu.vector_store %arg14[%swap3A_237, %swap3A_238], %mul3A_236 {strides = array<i32>} : memref<128x32xf32, #tpu.memory_space<vmem>>, vector<16xf32>,
        %scan3A_240 = arith.constant 3 : i32
        %scan3A_241 = arith.addi %scan3A_179, %scan3A_240 : i32
        %mul3A_242 = arith.constant 1 : i32
        %mul3A_243 = arith.muli %scan3A_241, %mul3A_242 : i32
        %add3A_244 = arith.constant 0 : i32
        %add3A_245 = arith.addi %add3A_244, %mul3A_243 : i32
        %broadcast_in_dim3A_246 = vector.broadcast %add3A_245 : i32 to vector<16xi32>
        %gather3A_247 = tpu.vector_load_idx %arg12[%broadcast_in_dim3A_246] : memref<128xf32, #tpu.memory_space<vmem>>[vector<16xi32>], vector<16xf32>,
        %get3A_248 = arith.index_cast %add3A_245 : i32 to index
        %get3A_249 = arith.constant 0 : index
        %get3A_250 = tpu.vector_load %arg14[%get3A_248, %get3A_249] {strides = array<i32>} : memref<128x32xf32, #tpu.memory_space<vmem>>, vector<16xf32>,
        %mul3A_251 = arith.mulf %get3A_250, %gather3A_247 : vector<16xf32>
        %swap3A_252 = arith.index_cast %add3A_245 : i32 to index
        %swap3A_253 = arith.constant 0 : index
        %swap3A_254 = tpu.vector_load %arg14[%swap3A_252, %swap3A_253] {strides = array<i32>} : memref<128x32xf32, #tpu.memory_space<vmem>>, vector<16xf32>,
        tpu.vector_store %arg14[%swap3A_252, %swap3A_253], %mul3A_251 {strides = array<i32>} : memref<128x32xf32, #tpu.memory_space<vmem>>, vector<16xf32>,
        %get3A_255 = arith.index_cast %add3A_245 : i32 to index
        %get3A_256 = arith.constant 16 : index
        %get3A_257 = tpu.vector_load %arg14[%get3A_255, %get3A_256] {strides = array<i32>} : memref<128x32xf32, #tpu.memory_space<vmem>>, vector<16xf32>,
        %mul3A_258 = arith.mulf %get3A_257, %gather3A_247 : vector<16xf32>
        %swap3A_259 = arith.index_cast %add3A_245 : i32 to index
        %swap3A_260 = arith.constant 16 : index
        %swap3A_261 = tpu.vector_load %arg14[%swap3A_259, %swap3A_260] {strides = array<i32>} : memref<128x32xf32, #tpu.memory_space<vmem>>, vector<16xf32>,
        tpu.vector_store %arg14[%swap3A_259, %swap3A_260], %mul3A_258 {strides = array<i32>} : memref<128x32xf32, #tpu.memory_space<vmem>>, vector<16xf32>,
      }
      %scan3A_163 = arith.constant 128 : i32
      %dma_wait3A_164 = arith.constant 0 : i32
      %dma_wait3A_165 = tpu.memref_slice %arg3[%select_n3A, %dma_wait3A_164] : memref<2500x128xi32, #tpu.memory_space<hbm>> -> memref<1x128xi32, #tpu.memory_space<hbm>>
      %dma_wait3A_166 = tpu.memref_squeeze %dma_wait3A_165 : memref<1x128xi32, #tpu.memory_space<hbm>> -> memref<128xi32, #tpu.memory_space<hbm>>
      %dma_wait3A_167 = arith.constant 0 : i32
      %dma_wait3A_168 = tpu.memref_slice %arg3[%select_n3A, %dma_wait3A_167] : memref<2500x128xi32, #tpu.memory_space<hbm>> -> memref<1x128xi32, #tpu.memory_space<hbm>>
      %dma_wait3A_169 = tpu.memref_squeeze %dma_wait3A_168 : memref<1x128xi32, #tpu.memory_space<hbm>> -> memref<128xi32, #tpu.memory_space<hbm>>
      tpu.wait_dma2 semaphore(%arg20 : memref<!tpu.dma_semaphore, #tpu.memory_space<semaphore_mem>>) src(%dma_wait3A_169 : memref<128xi32, #tpu.memory_space<hbm>>) dst(%arg10 : memref<128xi32, #tpu.memory_space<vmem>>)
      %dma_start3A_170 = arith.constant 0 : i32
      %dma_start3A_171 = arith.constant 0 : i32
      %dma_start3A_172 = tpu.memref_slice %arg16[%dma_start3A_170, %dma_start3A_171] : memref<10240x32xf32, #tpu.memory_space<vmem_shared>> -> memref<10240x32xf32, #tpu.memory_space<vmem_shared>>
      tpu.enqueue_indirect_dma source(%arg14 : memref<128x32xf32, #tpu.memory_space<vmem>>) target(%dma_start3A_172 : memref<10240x32xf32, #tpu.memory_space<vmem_shared>>) offsets(%arg10 : memref<128xi32, #tpu.memory_space<vmem>>) semaphore(%arg24 : memref<!tpu.dma_semaphore, #tpu.memory_space<semaphore_mem>>) {add = true}
      %add3A_173 = arith.constant 2 : i32
      %add3A_174 = arith.addi %add3A_149, %add3A_173 : i32
      %lt3A_175 = arith.cmpi slt, %add3A_174, %select_n3A_12 : i32
      %convert_element_type3A_176 = arith.extui %lt3A_175 : i1 to i32
      %cond3A_177 = arith.constant 0 : i32
      %cond3A_178 = arith.cmpi ne, %convert_element_type3A_176, %cond3A_177 : i32
      scf.if %cond3A_178 {
        %add3A_179 = arith.addi %select_n3A, %add3A_149 : i32
        %add3A_180 = arith.constant 2 : i32
        %add3A_181 = arith.addi %add3A_179, %add3A_180 : i32
        %dma_start3A_182 = arith.constant 0 : i32
        %dma_start3A_183 = tpu.memref_slice %arg2[%add3A_181, %dma_start3A_182] : memref<2500x128xi32, #tpu.memory_space<hbm>> -> memref<1x128xi32, #tpu.memory_space<hbm>>
        %dma_start3A_184 = tpu.memref_squeeze %dma_start3A_183 : memref<1x128xi32, #tpu.memory_space<hbm>> -> memref<128xi32, #tpu.memory_space<hbm>>
        %dma_start3A_185 = arith.constant 0 : i32
        %dma_start3A_186 = tpu.memref_slice %arg2[%add3A_181, %dma_start3A_185] : memref<2500x128xi32, #tpu.memory_space<hbm>> -> memref<1x128xi32, #tpu.memory_space<hbm>>
        %dma_start3A_187 = tpu.memref_squeeze %dma_start3A_186 : memref<1x128xi32, #tpu.memory_space<hbm>> -> memref<128xi32, #tpu.memory_space<hbm>>
        tpu.enqueue_dma source(%dma_start3A_187 : memref<128xi32, #tpu.memory_space<hbm>>) target(%arg8 : memref<128xi32, #tpu.memory_space<vmem>>) target_semaphore(%arg18 : memref<!tpu.dma_semaphore, #tpu.memory_space<semaphore_mem>>)
        %add3A_188 = arith.addi %select_n3A, %add3A_149 : i32
        %add3A_189 = arith.constant 2 : i32
        %add3A_190 = arith.addi %add3A_188, %add3A_189 : i32
        %dma_start3A_191 = arith.constant 0 : i32
        %dma_start3A_192 = tpu.memref_slice %arg4[%add3A_190, %dma_start3A_191] : memref<2500x128xf32, #tpu.memory_space<hbm>> -> memref<1x128xf32, #tpu.memory_space<hbm>>
        %dma_start3A_193 = tpu.memref_squeeze %dma_start3A_192 : memref<1x128xf32, #tpu.memory_space<hbm>> -> memref<128xf32, #tpu.memory_space<hbm>>
        %dma_start3A_194 = arith.constant 0 : i32
        %dma_start3A_195 = tpu.memref_slice %arg4[%add3A_190, %dma_start3A_194] : memref<2500x128xf32, #tpu.memory_space<hbm>> -> memref<1x128xf32, #tpu.memory_space<hbm>>
        %dma_start3A_196 = tpu.memref_squeeze %dma_start3A_195 : memref<1x128xf32, #tpu.memory_space<hbm>> -> memref<128xf32, #tpu.memory_space<hbm>>
        tpu.enqueue_dma source(%dma_start3A_196 : memref<128xf32, #tpu.memory_space<hbm>>) target(%arg12 : memref<128xf32, #tpu.memory_space<vmem>>) target_semaphore(%arg18 : memref<!tpu.dma_semaphore, #tpu.memory_space<semaphore_mem>>)
      } else {
      }
    }
    %while3A_102 = arith.constant 1 : i32
    scf.for %while3A_114 = %while3A_100 to %while3A_96 step %while3A_102  : i32 {
      %mul3A_115 = arith.muli %while3A_114, %while3A : i32
      %add3A_116 = arith.addi %while3A_93, %mul3A_115 : i32
      %mul3A_117 = arith.constant 2 : i32
      %mul3A_118 = arith.muli %mul3A_117, %add3A_116 : i32
      %dma_wait3A_119 = arith.constant 0 : i32
      %dma_wait3A_120 = arith.constant 0 : i32
      %dma_wait3A_121 = tpu.memref_slice %arg5[%dma_wait3A_119, %dma_wait3A_120] : memref<10240x32xf32, #tpu.memory_space<hbm>> -> memref<10240x32xf32, #tpu.memory_space<hbm>>
      tpu.wait_indirect_dma semaphore(%arg21 : memref<!tpu.dma_semaphore, #tpu.memory_space<semaphore_mem>>) src(%dma_wait3A_121 : memref<10240x32xf32, #tpu.memory_space<hbm>>) dst(%arg13 : memref<128x32xf32, #tpu.memory_space<vmem>>)
      %add3A_122 = arith.constant 1 : i32
      %add3A_123 = arith.addi %mul3A_118, %add3A_122 : i32
      %lt3A_124 = arith.cmpi slt, %add3A_123, %select_n3A_12 : i32
      %convert_element_type3A = arith.extui %lt3A_124 : i1 to i32
      %cond3A = arith.constant 0 : i32
      %cond3A_125 = arith.cmpi ne, %convert_element_type3A, %cond3A : i32
      scf.if %cond3A_125 {
        %dma_wait3A_179 = arith.constant 0 : i32
        %dma_wait3A_180 = tpu.memref_slice %arg2[%select_n3A, %dma_wait3A_179] : memref<2500x128xi32, #tpu.memory_space<hbm>> -> memref<1x128xi32, #tpu.memory_space<hbm>>
        %dma_wait3A_181 = tpu.memref_squeeze %dma_wait3A_180 : memref<1x128xi32, #tpu.memory_space<hbm>> -> memref<128xi32, #tpu.memory_space<hbm>>
        %dma_wait3A_182 = arith.constant 0 : i32
        %dma_wait3A_183 = tpu.memref_slice %arg2[%select_n3A, %dma_wait3A_182] : memref<2500x128xi32, #tpu.memory_space<hbm>> -> memref<1x128xi32, #tpu.memory_space<hbm>>
        %dma_wait3A_184 = tpu.memref_squeeze %dma_wait3A_183 : memref<1x128xi32, #tpu.memory_space<hbm>> -> memref<128xi32, #tpu.memory_space<hbm>>
        tpu.wait_dma2 semaphore(%arg18 : memref<!tpu.dma_semaphore, #tpu.memory_space<semaphore_mem>>) src(%dma_wait3A_184 : memref<128xi32, #tpu.memory_space<hbm>>) dst(%arg8 : memref<128xi32, #tpu.memory_space<vmem>>)
        %dma_wait3A_185 = arith.constant 0 : i32
        %dma_wait3A_186 = tpu.memref_slice %arg4[%select_n3A, %dma_wait3A_185] : memref<2500x128xf32, #tpu.memory_space<hbm>> -> memref<1x128xf32, #tpu.memory_space<hbm>>
        %dma_wait3A_187 = tpu.memref_squeeze %dma_wait3A_186 : memref<1x128xf32, #tpu.memory_space<hbm>> -> memref<128xf32, #tpu.memory_space<hbm>>
        %dma_wait3A_188 = arith.constant 0 : i32
        %dma_wait3A_189 = tpu.memref_slice %arg4[%select_n3A, %dma_wait3A_188] : memref<2500x128xf32, #tpu.memory_space<hbm>> -> memref<1x128xf32, #tpu.memory_space<hbm>>
        %dma_wait3A_190 = tpu.memref_squeeze %dma_wait3A_189 : memref<1x128xf32, #tpu.memory_space<hbm>> -> memref<128xf32, #tpu.memory_space<hbm>>
        tpu.wait_dma2 semaphore(%arg18 : memref<!tpu.dma_semaphore, #tpu.memory_space<semaphore_mem>>) src(%dma_wait3A_190 : memref<128xf32, #tpu.memory_space<hbm>>) dst(%arg12 : memref<128xf32, #tpu.memory_space<vmem>>)
        %ge3A = arith.constant 1 : i32
        %ge3A_191 = arith.cmpi sge, %mul3A_118, %ge3A : i32
        %convert_element_type3A_192 = arith.extui %ge3A_191 : i1 to i32
        %cond3A_193 = arith.constant 0 : i32
        %cond3A_194 = arith.cmpi ne, %convert_element_type3A_192, %cond3A_193 : i32
        scf.if %cond3A_194 {
          %dma_wait3A_207 = arith.constant 0 : i32
          %dma_wait3A_208 = arith.constant 0 : i32
          %dma_wait3A_209 = tpu.memref_slice %arg16[%dma_wait3A_207, %dma_wait3A_208] : memref<10240x32xf32, #tpu.memory_space<vmem_shared>> -> memref<10240x32xf32, #tpu.memory_space<vmem_shared>>
          tpu.wait_indirect_dma semaphore(%arg24 : memref<!tpu.dma_semaphore, #tpu.memory_space<semaphore_mem>>) src(%arg14 : memref<128x32xf32, #tpu.memory_space<vmem>>) dst(%dma_wait3A_209 : memref<10240x32xf32, #tpu.memory_space<vmem_shared>>)
        } else {
        }
        %dma_start3A_195 = arith.constant 0 : i32
        %dma_start3A_196 = arith.constant 0 : i32
        %dma_start3A_197 = tpu.memref_slice %arg5[%dma_start3A_195, %dma_start3A_196] : memref<10240x32xf32, #tpu.memory_space<hbm>> -> memref<10240x32xf32, #tpu.memory_space<hbm>>
        tpu.enqueue_indirect_dma source(%dma_start3A_197 : memref<10240x32xf32, #tpu.memory_space<hbm>>) target(%arg14 : memref<128x32xf32, #tpu.memory_space<vmem>>) offsets(%arg8 : memref<128xi32, #tpu.memory_space<vmem>>) semaphore(%arg22 : memref<!tpu.dma_semaphore, #tpu.memory_space<semaphore_mem>>)
        %add3A_198 = arith.addi %select_n3A, %mul3A_118 : i32
        %add3A_199 = arith.constant 1 : i32
        %add3A_200 = arith.addi %add3A_198, %add3A_199 : i32
        %dma_start3A_201 = arith.constant 0 : i32
        %dma_start3A_202 = tpu.memref_slice %arg3[%add3A_200, %dma_start3A_201] : memref<2500x128xi32, #tpu.memory_space<hbm>> -> memref<1x128xi32, #tpu.memory_space<hbm>>
        %dma_start3A_203 = tpu.memref_squeeze %dma_start3A_202 : memref<1x128xi32, #tpu.memory_space<hbm>> -> memref<128xi32, #tpu.memory_space<hbm>>
        %dma_start3A_204 = arith.constant 0 : i32
        %dma_start3A_205 = tpu.memref_slice %arg3[%add3A_200, %dma_start3A_204] : memref<2500x128xi32, #tpu.memory_space<hbm>> -> memref<1x128xi32, #tpu.memory_space<hbm>>
        %dma_start3A_206 = tpu.memref_squeeze %dma_start3A_205 : memref<1x128xi32, #tpu.memory_space<hbm>> -> memref<128xi32, #tpu.memory_space<hbm>>
        tpu.enqueue_dma source(%dma_start3A_206 : memref<128xi32, #tpu.memory_space<hbm>>) target(%arg10 : memref<128xi32, #tpu.memory_space<vmem>>) target_semaphore(%arg20 : memref<!tpu.dma_semaphore, #tpu.memory_space<semaphore_mem>>)
      } else {
      }
      %scan3A_126 = arith.constant 0 : i32
      %scan3A_127 = arith.constant 128 : i32
      %scan3A_128 = arith.addi %scan3A_126, %scan3A_127 : i32
      %scan3A_129 = arith.constant 4 : i32
      scf.for %scan3A_179 = %scan3A_126 to %scan3A_128 step %scan3A_129  : i32 {
        %mul3A_180 = arith.constant 1 : i32
        %mul3A_181 = arith.muli %scan3A_179, %mul3A_180 : i32
        %add3A_182 = arith.constant 0 : i32
        %add3A_183 = arith.addi %add3A_182, %mul3A_181 : i32
        %broadcast_in_dim3A = vector.broadcast %add3A_183 : i32 to vector<16xi32>
        %gather3A = tpu.vector_load_idx %arg11[%broadcast_in_dim3A] : memref<128xf32, #tpu.memory_space<vmem>>[vector<16xi32>], vector<16xf32>,
        %get3A = arith.index_cast %add3A_183 : i32 to index
        %get3A_184 = arith.constant 0 : index
        %get3A_185 = tpu.vector_load %arg13[%get3A, %get3A_184] {strides = array<i32>} : memref<128x32xf32, #tpu.memory_space<vmem>>, vector<16xf32>,
        %mul3A_186 = arith.mulf %get3A_185, %gather3A : vector<16xf32>
        %swap3A = arith.index_cast %add3A_183 : i32 to index
        %swap3A_187 = arith.constant 0 : index
        %swap3A_188 = tpu.vector_load %arg13[%swap3A, %swap3A_187] {strides = array<i32>} : memref<128x32xf32, #tpu.memory_space<vmem>>, vector<16xf32>,
        tpu.vector_store %arg13[%swap3A, %swap3A_187], %mul3A_186 {strides = array<i32>} : memref<128x32xf32, #tpu.memory_space<vmem>>, vector<16xf32>,
        %get3A_189 = arith.index_cast %add3A_183 : i32 to index
        %get3A_190 = arith.constant 16 : index
        %get3A_191 = tpu.vector_load %arg13[%get3A_189, %get3A_190] {strides = array<i32>} : memref<128x32xf32, #tpu.memory_space<vmem>>, vector<16xf32>,
        %mul3A_192 = arith.mulf %get3A_191, %gather3A : vector<16xf32>
        %swap3A_193 = arith.index_cast %add3A_183 : i32 to index
        %swap3A_194 = arith.constant 16 : index
        %swap3A_195 = tpu.vector_load %arg13[%swap3A_193, %swap3A_194] {strides = array<i32>} : memref<128x32xf32, #tpu.memory_space<vmem>>, vector<16xf32>,
        tpu.vector_store %arg13[%swap3A_193, %swap3A_194], %mul3A_192 {strides = array<i32>} : memref<128x32xf32, #tpu.memory_space<vmem>>, vector<16xf32>,
        %scan3A_196 = arith.constant 1 : i32
        %scan3A_197 = arith.addi %scan3A_179, %scan3A_196 : i32
        %mul3A_198 = arith.constant 1 : i32
        %mul3A_199 = arith.muli %scan3A_197, %mul3A_198 : i32
        %add3A_200 = arith.constant 0 : i32
        %add3A_201 = arith.addi %add3A_200, %mul3A_199 : i32
        %broadcast_in_dim3A_202 = vector.broadcast %add3A_201 : i32 to vector<16xi32>
        %gather3A_203 = tpu.vector_load_idx %arg11[%broadcast_in_dim3A_202] : memref<128xf32, #tpu.memory_space<vmem>>[vector<16xi32>], vector<16xf32>,
        %get3A_204 = arith.index_cast %add3A_201 : i32 to index
        %get3A_205 = arith.constant 0 : index
        %get3A_206 = tpu.vector_load %arg13[%get3A_204, %get3A_205] {strides = array<i32>} : memref<128x32xf32, #tpu.memory_space<vmem>>, vector<16xf32>,
        %mul3A_207 = arith.mulf %get3A_206, %gather3A_203 : vector<16xf32>
        %swap3A_208 = arith.index_cast %add3A_201 : i32 to index
        %swap3A_209 = arith.constant 0 : index
        %swap3A_210 = tpu.vector_load %arg13[%swap3A_208, %swap3A_209] {strides = array<i32>} : memref<128x32xf32, #tpu.memory_space<vmem>>, vector<16xf32>,
        tpu.vector_store %arg13[%swap3A_208, %swap3A_209], %mul3A_207 {strides = array<i32>} : memref<128x32xf32, #tpu.memory_space<vmem>>, vector<16xf32>,
        %get3A_211 = arith.index_cast %add3A_201 : i32 to index
        %get3A_212 = arith.constant 16 : index
        %get3A_213 = tpu.vector_load %arg13[%get3A_211, %get3A_212] {strides = array<i32>} : memref<128x32xf32, #tpu.memory_space<vmem>>, vector<16xf32>,
        %mul3A_214 = arith.mulf %get3A_213, %gather3A_203 : vector<16xf32>
        %swap3A_215 = arith.index_cast %add3A_201 : i32 to index
        %swap3A_216 = arith.constant 16 : index
        %swap3A_217 = tpu.vector_load %arg13[%swap3A_215, %swap3A_216] {strides = array<i32>} : memref<128x32xf32, #tpu.memory_space<vmem>>, vector<16xf32>,
        tpu.vector_store %arg13[%swap3A_215, %swap3A_216], %mul3A_214 {strides = array<i32>} : memref<128x32xf32, #tpu.memory_space<vmem>>, vector<16xf32>,
        %scan3A_218 = arith.constant 2 : i32
        %scan3A_219 = arith.addi %scan3A_179, %scan3A_218 : i32
        %mul3A_220 = arith.constant 1 : i32
        %mul3A_221 = arith.muli %scan3A_219, %mul3A_220 : i32
        %add3A_222 = arith.constant 0 : i32
        %add3A_223 = arith.addi %add3A_222, %mul3A_221 : i32
        %broadcast_in_dim3A_224 = vector.broadcast %add3A_223 : i32 to vector<16xi32>
        %gather3A_225 = tpu.vector_load_idx %arg11[%broadcast_in_dim3A_224] : memref<128xf32, #tpu.memory_space<vmem>>[vector<16xi32>], vector<16xf32>,
        %get3A_226 = arith.index_cast %add3A_223 : i32 to index
        %get3A_227 = arith.constant 0 : index
        %get3A_228 = tpu.vector_load %arg13[%get3A_226, %get3A_227] {strides = array<i32>} : memref<128x32xf32, #tpu.memory_space<vmem>>, vector<16xf32>,
        %mul3A_229 = arith.mulf %get3A_228, %gather3A_225 : vector<16xf32>
        %swap3A_230 = arith.index_cast %add3A_223 : i32 to index
        %swap3A_231 = arith.constant 0 : index
        %swap3A_232 = tpu.vector_load %arg13[%swap3A_230, %swap3A_231] {strides = array<i32>} : memref<128x32xf32, #tpu.memory_space<vmem>>, vector<16xf32>,
        tpu.vector_store %arg13[%swap3A_230, %swap3A_231], %mul3A_229 {strides = array<i32>} : memref<128x32xf32, #tpu.memory_space<vmem>>, vector<16xf32>,
        %get3A_233 = arith.index_cast %add3A_223 : i32 to index
        %get3A_234 = arith.constant 16 : index
        %get3A_235 = tpu.vector_load %arg13[%get3A_233, %get3A_234] {strides = array<i32>} : memref<128x32xf32, #tpu.memory_space<vmem>>, vector<16xf32>,
        %mul3A_236 = arith.mulf %get3A_235, %gather3A_225 : vector<16xf32>
        %swap3A_237 = arith.index_cast %add3A_223 : i32 to index
        %swap3A_238 = arith.constant 16 : index
        %swap3A_239 = tpu.vector_load %arg13[%swap3A_237, %swap3A_238] {strides = array<i32>} : memref<128x32xf32, #tpu.memory_space<vmem>>, vector<16xf32>,
        tpu.vector_store %arg13[%swap3A_237, %swap3A_238], %mul3A_236 {strides = array<i32>} : memref<128x32xf32, #tpu.memory_space<vmem>>, vector<16xf32>,
        %scan3A_240 = arith.constant 3 : i32
        %scan3A_241 = arith.addi %scan3A_179, %scan3A_240 : i32
        %mul3A_242 = arith.constant 1 : i32
        %mul3A_243 = arith.muli %scan3A_241, %mul3A_242 : i32
        %add3A_244 = arith.constant 0 : i32
        %add3A_245 = arith.addi %add3A_244, %mul3A_243 : i32
        %broadcast_in_dim3A_246 = vector.broadcast %add3A_245 : i32 to vector<16xi32>
        %gather3A_247 = tpu.vector_load_idx %arg11[%broadcast_in_dim3A_246] : memref<128xf32, #tpu.memory_space<vmem>>[vector<16xi32>], vector<16xf32>,
        %get3A_248 = arith.index_cast %add3A_245 : i32 to index
        %get3A_249 = arith.constant 0 : index
        %get3A_250 = tpu.vector_load %arg13[%get3A_248, %get3A_249] {strides = array<i32>} : memref<128x32xf32, #tpu.memory_space<vmem>>, vector<16xf32>,
        %mul3A_251 = arith.mulf %get3A_250, %gather3A_247 : vector<16xf32>
        %swap3A_252 = arith.index_cast %add3A_245 : i32 to index
        %swap3A_253 = arith.constant 0 : index
        %swap3A_254 = tpu.vector_load %arg13[%swap3A_252, %swap3A_253] {strides = array<i32>} : memref<128x32xf32, #tpu.memory_space<vmem>>, vector<16xf32>,
        tpu.vector_store %arg13[%swap3A_252, %swap3A_253], %mul3A_251 {strides = array<i32>} : memref<128x32xf32, #tpu.memory_space<vmem>>, vector<16xf32>,
        %get3A_255 = arith.index_cast %add3A_245 : i32 to index
        %get3A_256 = arith.constant 16 : index
        %get3A_257 = tpu.vector_load %arg13[%get3A_255, %get3A_256] {strides = array<i32>} : memref<128x32xf32, #tpu.memory_space<vmem>>, vector<16xf32>,
        %mul3A_258 = arith.mulf %get3A_257, %gather3A_247 : vector<16xf32>
        %swap3A_259 = arith.index_cast %add3A_245 : i32 to index
        %swap3A_260 = arith.constant 16 : index
        %swap3A_261 = tpu.vector_load %arg13[%swap3A_259, %swap3A_260] {strides = array<i32>} : memref<128x32xf32, #tpu.memory_space<vmem>>, vector<16xf32>,
        tpu.vector_store %arg13[%swap3A_259, %swap3A_260], %mul3A_258 {strides = array<i32>} : memref<128x32xf32, #tpu.memory_space<vmem>>, vector<16xf32>,
      }
      %scan3A_130 = arith.constant 128 : i32
      %dma_wait3A_131 = arith.constant 0 : i32
      %dma_wait3A_132 = tpu.memref_slice %arg3[%select_n3A, %dma_wait3A_131] : memref<2500x128xi32, #tpu.memory_space<hbm>> -> memref<1x128xi32, #tpu.memory_space<hbm>>
      %dma_wait3A_133 = tpu.memref_squeeze %dma_wait3A_132 : memref<1x128xi32, #tpu.memory_space<hbm>> -> memref<128xi32, #tpu.memory_space<hbm>>
      %dma_wait3A_134 = arith.constant 0 : i32
      %dma_wait3A_135 = tpu.memref_slice %arg3[%select_n3A, %dma_wait3A_134] : memref<2500x128xi32, #tpu.memory_space<hbm>> -> memref<1x128xi32, #tpu.memory_space<hbm>>
      %dma_wait3A_136 = tpu.memref_squeeze %dma_wait3A_135 : memref<1x128xi32, #tpu.memory_space<hbm>> -> memref<128xi32, #tpu.memory_space<hbm>>
      tpu.wait_dma2 semaphore(%arg19 : memref<!tpu.dma_semaphore, #tpu.memory_space<semaphore_mem>>) src(%dma_wait3A_136 : memref<128xi32, #tpu.memory_space<hbm>>) dst(%arg9 : memref<128xi32, #tpu.memory_space<vmem>>)
      %dma_start3A_137 = arith.constant 0 : i32
      %dma_start3A_138 = arith.constant 0 : i32
      %dma_start3A_139 = tpu.memref_slice %arg16[%dma_start3A_137, %dma_start3A_138] : memref<10240x32xf32, #tpu.memory_space<vmem_shared>> -> memref<10240x32xf32, #tpu.memory_space<vmem_shared>>
      tpu.enqueue_indirect_dma source(%arg13 : memref<128x32xf32, #tpu.memory_space<vmem>>) target(%dma_start3A_139 : memref<10240x32xf32, #tpu.memory_space<vmem_shared>>) offsets(%arg9 : memref<128xi32, #tpu.memory_space<vmem>>) semaphore(%arg23 : memref<!tpu.dma_semaphore, #tpu.memory_space<semaphore_mem>>) {add = true}
      %add3A_140 = arith.constant 2 : i32
      %add3A_141 = arith.addi %mul3A_118, %add3A_140 : i32
      %lt3A_142 = arith.cmpi slt, %add3A_141, %select_n3A_12 : i32
      %convert_element_type3A_143 = arith.extui %lt3A_142 : i1 to i32
      %cond3A_144 = arith.constant 0 : i32
      %cond3A_145 = arith.cmpi ne, %convert_element_type3A_143, %cond3A_144 : i32
      scf.if %cond3A_145 {
        %add3A_179 = arith.addi %select_n3A, %mul3A_118 : i32
        %add3A_180 = arith.constant 2 : i32
        %add3A_181 = arith.addi %add3A_179, %add3A_180 : i32
        %dma_start3A_182 = arith.constant 0 : i32
        %dma_start3A_183 = tpu.memref_slice %arg2[%add3A_181, %dma_start3A_182] : memref<2500x128xi32, #tpu.memory_space<hbm>> -> memref<1x128xi32, #tpu.memory_space<hbm>>
        %dma_start3A_184 = tpu.memref_squeeze %dma_start3A_183 : memref<1x128xi32, #tpu.memory_space<hbm>> -> memref<128xi32, #tpu.memory_space<hbm>>
        %dma_start3A_185 = arith.constant 0 : i32
        %dma_start3A_186 = tpu.memref_slice %arg2[%add3A_181, %dma_start3A_185] : memref<2500x128xi32, #tpu.memory_space<hbm>> -> memref<1x128xi32, #tpu.memory_space<hbm>>
        %dma_start3A_187 = tpu.memref_squeeze %dma_start3A_186 : memref<1x128xi32, #tpu.memory_space<hbm>> -> memref<128xi32, #tpu.memory_space<hbm>>
        tpu.enqueue_dma source(%dma_start3A_187 : memref<128xi32, #tpu.memory_space<hbm>>) target(%arg7 : memref<128xi32, #tpu.memory_space<vmem>>) target_semaphore(%arg17 : memref<!tpu.dma_semaphore, #tpu.memory_space<semaphore_mem>>)
        %add3A_188 = arith.addi %select_n3A, %mul3A_118 : i32
        %add3A_189 = arith.constant 2 : i32
        %add3A_190 = arith.addi %add3A_188, %add3A_189 : i32
        %dma_start3A_191 = arith.constant 0 : i32
        %dma_start3A_192 = tpu.memref_slice %arg4[%add3A_190, %dma_start3A_191] : memref<2500x128xf32, #tpu.memory_space<hbm>> -> memref<1x128xf32, #tpu.memory_space<hbm>>
        %dma_start3A_193 = tpu.memref_squeeze %dma_start3A_192 : memref<1x128xf32, #tpu.memory_space<hbm>> -> memref<128xf32, #tpu.memory_space<hbm>>
        %dma_start3A_194 = arith.constant 0 : i32
        %dma_start3A_195 = tpu.memref_slice %arg4[%add3A_190, %dma_start3A_194] : memref<2500x128xf32, #tpu.memory_space<hbm>> -> memref<1x128xf32, #tpu.memory_space<hbm>>
        %dma_start3A_196 = tpu.memref_squeeze %dma_start3A_195 : memref<1x128xf32, #tpu.memory_space<hbm>> -> memref<128xf32, #tpu.memory_space<hbm>>
        tpu.enqueue_dma source(%dma_start3A_196 : memref<128xf32, #tpu.memory_space<hbm>>) target(%arg11 : memref<128xf32, #tpu.memory_space<vmem>>) target_semaphore(%arg17 : memref<!tpu.dma_semaphore, #tpu.memory_space<semaphore_mem>>)
      } else {
      }
      %mul3A_146 = arith.constant 2 : i32
      %mul3A_147 = arith.muli %mul3A_146, %add3A_116 : i32
      %add3A_148 = arith.constant 1 : i32
      %add3A_149 = arith.addi %mul3A_147, %add3A_148 : i32
      %dma_wait3A_150 = arith.constant 0 : i32
      %dma_wait3A_151 = arith.constant 0 : i32
      %dma_wait3A_152 = tpu.memref_slice %arg5[%dma_wait3A_150, %dma_wait3A_151] : memref<10240x32xf32, #tpu.memory_space<hbm>> -> memref<10240x32xf32, #tpu.memory_space<hbm>>
      tpu.wait_indirect_dma semaphore(%arg22 : memref<!tpu.dma_semaphore, #tpu.memory_space<semaphore_mem>>) src(%dma_wait3A_152 : memref<10240x32xf32, #tpu.memory_space<hbm>>) dst(%arg14 : memref<128x32xf32, #tpu.memory_space<vmem>>)
      %add3A_153 = arith.constant 1 : i32
      %add3A_154 = arith.addi %add3A_149, %add3A_153 : i32
      %lt3A_155 = arith.cmpi slt, %add3A_154, %select_n3A_12 : i32
      %convert_element_type3A_156 = arith.extui %lt3A_155 : i1 to i32
      %cond3A_157 = arith.constant 0 : i32
      %cond3A_158 = arith.cmpi ne, %convert_element_type3A_156, %cond3A_157 : i32
      scf.if %cond3A_158 {
        %dma_wait3A_179 = arith.constant 0 : i32
        %dma_wait3A_180 = tpu.memref_slice %arg2[%select_n3A, %dma_wait3A_179] : memref<2500x128xi32, #tpu.memory_space<hbm>> -> memref<1x128xi32, #tpu.memory_space<hbm>>
        %dma_wait3A_181 = tpu.memref_squeeze %dma_wait3A_180 : memref<1x128xi32, #tpu.memory_space<hbm>> -> memref<128xi32, #tpu.memory_space<hbm>>
        %dma_wait3A_182 = arith.constant 0 : i32
        %dma_wait3A_183 = tpu.memref_slice %arg2[%select_n3A, %dma_wait3A_182] : memref<2500x128xi32, #tpu.memory_space<hbm>> -> memref<1x128xi32, #tpu.memory_space<hbm>>
        %dma_wait3A_184 = tpu.memref_squeeze %dma_wait3A_183 : memref<1x128xi32, #tpu.memory_space<hbm>> -> memref<128xi32, #tpu.memory_space<hbm>>
        tpu.wait_dma2 semaphore(%arg17 : memref<!tpu.dma_semaphore, #tpu.memory_space<semaphore_mem>>) src(%dma_wait3A_184 : memref<128xi32, #tpu.memory_space<hbm>>) dst(%arg7 : memref<128xi32, #tpu.memory_space<vmem>>)
        %dma_wait3A_185 = arith.constant 0 : i32
        %dma_wait3A_186 = tpu.memref_slice %arg4[%select_n3A, %dma_wait3A_185] : memref<2500x128xf32, #tpu.memory_space<hbm>> -> memref<1x128xf32, #tpu.memory_space<hbm>>
        %dma_wait3A_187 = tpu.memref_squeeze %dma_wait3A_186 : memref<1x128xf32, #tpu.memory_space<hbm>> -> memref<128xf32, #tpu.memory_space<hbm>>
        %dma_wait3A_188 = arith.constant 0 : i32
        %dma_wait3A_189 = tpu.memref_slice %arg4[%select_n3A, %dma_wait3A_188] : memref<2500x128xf32, #tpu.memory_space<hbm>> -> memref<1x128xf32, #tpu.memory_space<hbm>>
        %dma_wait3A_190 = tpu.memref_squeeze %dma_wait3A_189 : memref<1x128xf32, #tpu.memory_space<hbm>> -> memref<128xf32, #tpu.memory_space<hbm>>
        tpu.wait_dma2 semaphore(%arg17 : memref<!tpu.dma_semaphore, #tpu.memory_space<semaphore_mem>>) src(%dma_wait3A_190 : memref<128xf32, #tpu.memory_space<hbm>>) dst(%arg11 : memref<128xf32, #tpu.memory_space<vmem>>)
        %ge3A = arith.constant 1 : i32
        %ge3A_191 = arith.cmpi sge, %add3A_149, %ge3A : i32
        %convert_element_type3A_192 = arith.extui %ge3A_191 : i1 to i32
        %cond3A_193 = arith.constant 0 : i32
        %cond3A_194 = arith.cmpi ne, %convert_element_type3A_192, %cond3A_193 : i32
        scf.if %cond3A_194 {
          %dma_wait3A_207 = arith.constant 0 : i32
          %dma_wait3A_208 = arith.constant 0 : i32
          %dma_wait3A_209 = tpu.memref_slice %arg16[%dma_wait3A_207, %dma_wait3A_208] : memref<10240x32xf32, #tpu.memory_space<vmem_shared>> -> memref<10240x32xf32, #tpu.memory_space<vmem_shared>>
          tpu.wait_indirect_dma semaphore(%arg23 : memref<!tpu.dma_semaphore, #tpu.memory_space<semaphore_mem>>) src(%arg13 : memref<128x32xf32, #tpu.memory_space<vmem>>) dst(%dma_wait3A_209 : memref<10240x32xf32, #tpu.memory_space<vmem_shared>>)
        } else {
        }
        %dma_start3A_195 = arith.constant 0 : i32
        %dma_start3A_196 = arith.constant 0 : i32
        %dma_start3A_197 = tpu.memref_slice %arg5[%dma_start3A_195, %dma_start3A_196] : memref<10240x32xf32, #tpu.memory_space<hbm>> -> memref<10240x32xf32, #tpu.memory_space<hbm>>
        tpu.enqueue_indirect_dma source(%dma_start3A_197 : memref<10240x32xf32, #tpu.memory_space<hbm>>) target(%arg13 : memref<128x32xf32, #tpu.memory_space<vmem>>) offsets(%arg7 : memref<128xi32, #tpu.memory_space<vmem>>) semaphore(%arg21 : memref<!tpu.dma_semaphore, #tpu.memory_space<semaphore_mem>>)
        %add3A_198 = arith.addi %select_n3A, %add3A_149 : i32
        %add3A_199 = arith.constant 1 : i32
        %add3A_200 = arith.addi %add3A_198, %add3A_199 : i32
        %dma_start3A_201 = arith.constant 0 : i32
        %dma_start3A_202 = tpu.memref_slice %arg3[%add3A_200, %dma_start3A_201] : memref<2500x128xi32, #tpu.memory_space<hbm>> -> memref<1x128xi32, #tpu.memory_space<hbm>>
        %dma_start3A_203 = tpu.memref_squeeze %dma_start3A_202 : memref<1x128xi32, #tpu.memory_space<hbm>> -> memref<128xi32, #tpu.memory_space<hbm>>
        %dma_start3A_204 = arith.constant 0 : i32
        %dma_start3A_205 = tpu.memref_slice %arg3[%add3A_200, %dma_start3A_204] : memref<2500x128xi32, #tpu.memory_space<hbm>> -> memref<1x128xi32, #tpu.memory_space<hbm>>
        %dma_start3A_206 = tpu.memref_squeeze %dma_start3A_205 : memref<1x128xi32, #tpu.memory_space<hbm>> -> memref<128xi32, #tpu.memory_space<hbm>>
        tpu.enqueue_dma source(%dma_start3A_206 : memref<128xi32, #tpu.memory_space<hbm>>) target(%arg9 : memref<128xi32, #tpu.memory_space<vmem>>) target_semaphore(%arg19 : memref<!tpu.dma_semaphore, #tpu.memory_space<semaphore_mem>>)
      } else {
      }
      %scan3A_159 = arith.constant 0 : i32
      %scan3A_160 = arith.constant 128 : i32
      %scan3A_161 = arith.addi %scan3A_159, %scan3A_160 : i32
      %scan3A_162 = arith.constant 4 : i32
      scf.for %scan3A_179 = %scan3A_159 to %scan3A_161 step %scan3A_162  : i32 {
        %mul3A_180 = arith.constant 1 : i32
        %mul3A_181 = arith.muli %scan3A_179, %mul3A_180 : i32
        %add3A_182 = arith.constant 0 : i32
        %add3A_183 = arith.addi %add3A_182, %mul3A_181 : i32
        %broadcast_in_dim3A = vector.broadcast %add3A_183 : i32 to vector<16xi32>
        %gather3A = tpu.vector_load_idx %arg12[%broadcast_in_dim3A] : memref<128xf32, #tpu.memory_space<vmem>>[vector<16xi32>], vector<16xf32>,
        %get3A = arith.index_cast %add3A_183 : i32 to index
        %get3A_184 = arith.constant 0 : index
        %get3A_185 = tpu.vector_load %arg14[%get3A, %get3A_184] {strides = array<i32>} : memref<128x32xf32, #tpu.memory_space<vmem>>, vector<16xf32>,
        %mul3A_186 = arith.mulf %get3A_185, %gather3A : vector<16xf32>
        %swap3A = arith.index_cast %add3A_183 : i32 to index
        %swap3A_187 = arith.constant 0 : index
        %swap3A_188 = tpu.vector_load %arg14[%swap3A, %swap3A_187] {strides = array<i32>} : memref<128x32xf32, #tpu.memory_space<vmem>>, vector<16xf32>,
        tpu.vector_store %arg14[%swap3A, %swap3A_187], %mul3A_186 {strides = array<i32>} : memref<128x32xf32, #tpu.memory_space<vmem>>, vector<16xf32>,
        %get3A_189 = arith.index_cast %add3A_183 : i32 to index
        %get3A_190 = arith.constant 16 : index
        %get3A_191 = tpu.vector_load %arg14[%get3A_189, %get3A_190] {strides = array<i32>} : memref<128x32xf32, #tpu.memory_space<vmem>>, vector<16xf32>,
        %mul3A_192 = arith.mulf %get3A_191, %gather3A : vector<16xf32>
        %swap3A_193 = arith.index_cast %add3A_183 : i32 to index
        %swap3A_194 = arith.constant 16 : index
        %swap3A_195 = tpu.vector_load %arg14[%swap3A_193, %swap3A_194] {strides = array<i32>} : memref<128x32xf32, #tpu.memory_space<vmem>>, vector<16xf32>,
        tpu.vector_store %arg14[%swap3A_193, %swap3A_194], %mul3A_192 {strides = array<i32>} : memref<128x32xf32, #tpu.memory_space<vmem>>, vector<16xf32>,
        %scan3A_196 = arith.constant 1 : i32
        %scan3A_197 = arith.addi %scan3A_179, %scan3A_196 : i32
        %mul3A_198 = arith.constant 1 : i32
        %mul3A_199 = arith.muli %scan3A_197, %mul3A_198 : i32
        %add3A_200 = arith.constant 0 : i32
        %add3A_201 = arith.addi %add3A_200, %mul3A_199 : i32
        %broadcast_in_dim3A_202 = vector.broadcast %add3A_201 : i32 to vector<16xi32>
        %gather3A_203 = tpu.vector_load_idx %arg12[%broadcast_in_dim3A_202] : memref<128xf32, #tpu.memory_space<vmem>>[vector<16xi32>], vector<16xf32>,
        %get3A_204 = arith.index_cast %add3A_201 : i32 to index
        %get3A_205 = arith.constant 0 : index
        %get3A_206 = tpu.vector_load %arg14[%get3A_204, %get3A_205] {strides = array<i32>} : memref<128x32xf32, #tpu.memory_space<vmem>>, vector<16xf32>,
        %mul3A_207 = arith.mulf %get3A_206, %gather3A_203 : vector<16xf32>
        %swap3A_208 = arith.index_cast %add3A_201 : i32 to index
        %swap3A_209 = arith.constant 0 : index
        %swap3A_210 = tpu.vector_load %arg14[%swap3A_208, %swap3A_209] {strides = array<i32>} : memref<128x32xf32, #tpu.memory_space<vmem>>, vector<16xf32>,
        tpu.vector_store %arg14[%swap3A_208, %swap3A_209], %mul3A_207 {strides = array<i32>} : memref<128x32xf32, #tpu.memory_space<vmem>>, vector<16xf32>,
        %get3A_211 = arith.index_cast %add3A_201 : i32 to index
        %get3A_212 = arith.constant 16 : index
        %get3A_213 = tpu.vector_load %arg14[%get3A_211, %get3A_212] {strides = array<i32>} : memref<128x32xf32, #tpu.memory_space<vmem>>, vector<16xf32>,
        %mul3A_214 = arith.mulf %get3A_213, %gather3A_203 : vector<16xf32>
        %swap3A_215 = arith.index_cast %add3A_201 : i32 to index
        %swap3A_216 = arith.constant 16 : index
        %swap3A_217 = tpu.vector_load %arg14[%swap3A_215, %swap3A_216] {strides = array<i32>} : memref<128x32xf32, #tpu.memory_space<vmem>>, vector<16xf32>,
        tpu.vector_store %arg14[%swap3A_215, %swap3A_216], %mul3A_214 {strides = array<i32>} : memref<128x32xf32, #tpu.memory_space<vmem>>, vector<16xf32>,
        %scan3A_218 = arith.constant 2 : i32
        %scan3A_219 = arith.addi %scan3A_179, %scan3A_218 : i32
        %mul3A_220 = arith.constant 1 : i32
        %mul3A_221 = arith.muli %scan3A_219, %mul3A_220 : i32
        %add3A_222 = arith.constant 0 : i32
        %add3A_223 = arith.addi %add3A_222, %mul3A_221 : i32
        %broadcast_in_dim3A_224 = vector.broadcast %add3A_223 : i32 to vector<16xi32>
        %gather3A_225 = tpu.vector_load_idx %arg12[%broadcast_in_dim3A_224] : memref<128xf32, #tpu.memory_space<vmem>>[vector<16xi32>], vector<16xf32>,
        %get3A_226 = arith.index_cast %add3A_223 : i32 to index
        %get3A_227 = arith.constant 0 : index
        %get3A_228 = tpu.vector_load %arg14[%get3A_226, %get3A_227] {strides = array<i32>} : memref<128x32xf32, #tpu.memory_space<vmem>>, vector<16xf32>,
        %mul3A_229 = arith.mulf %get3A_228, %gather3A_225 : vector<16xf32>
        %swap3A_230 = arith.index_cast %add3A_223 : i32 to index
        %swap3A_231 = arith.constant 0 : index
        %swap3A_232 = tpu.vector_load %arg14[%swap3A_230, %swap3A_231] {strides = array<i32>} : memref<128x32xf32, #tpu.memory_space<vmem>>, vector<16xf32>,
        tpu.vector_store %arg14[%swap3A_230, %swap3A_231], %mul3A_229 {strides = array<i32>} : memref<128x32xf32, #tpu.memory_space<vmem>>, vector<16xf32>,
        %get3A_233 = arith.index_cast %add3A_223 : i32 to index
        %get3A_234 = arith.constant 16 : index
        %get3A_235 = tpu.vector_load %arg14[%get3A_233, %get3A_234] {strides = array<i32>} : memref<128x32xf32, #tpu.memory_space<vmem>>, vector<16xf32>,
        %mul3A_236 = arith.mulf %get3A_235, %gather3A_225 : vector<16xf32>
        %swap3A_237 = arith.index_cast %add3A_223 : i32 to index
        %swap3A_238 = arith.constant 16 : index
        %swap3A_239 = tpu.vector_load %arg14[%swap3A_237, %swap3A_238] {strides = array<i32>} : memref<128x32xf32, #tpu.memory_space<vmem>>, vector<16xf32>,
        tpu.vector_store %arg14[%swap3A_237, %swap3A_238], %mul3A_236 {strides = array<i32>} : memref<128x32xf32, #tpu.memory_space<vmem>>, vector<16xf32>,
        %scan3A_240 = arith.constant 3 : i32
        %scan3A_241 = arith.addi %scan3A_179, %scan3A_240 : i32
        %mul3A_242 = arith.constant 1 : i32
        %mul3A_243 = arith.muli %scan3A_241, %mul3A_242 : i32
        %add3A_244 = arith.constant 0 : i32
        %add3A_245 = arith.addi %add3A_244, %mul3A_243 : i32
        %broadcast_in_dim3A_246 = vector.broadcast %add3A_245 : i32 to vector<16xi32>
        %gather3A_247 = tpu.vector_load_idx %arg12[%broadcast_in_dim3A_246] : memref<128xf32, #tpu.memory_space<vmem>>[vector<16xi32>], vector<16xf32>,
        %get3A_248 = arith.index_cast %add3A_245 : i32 to index
        %get3A_249 = arith.constant 0 : index
        %get3A_250 = tpu.vector_load %arg14[%get3A_248, %get3A_249] {strides = array<i32>} : memref<128x32xf32, #tpu.memory_space<vmem>>, vector<16xf32>,
        %mul3A_251 = arith.mulf %get3A_250, %gather3A_247 : vector<16xf32>
        %swap3A_252 = arith.index_cast %add3A_245 : i32 to index
        %swap3A_253 = arith.constant 0 : index
        %swap3A_254 = tpu.vector_load %arg14[%swap3A_252, %swap3A_253] {strides = array<i32>} : memref<128x32xf32, #tpu.memory_space<vmem>>, vector<16xf32>,
        tpu.vector_store %arg14[%swap3A_252, %swap3A_253], %mul3A_251 {strides = array<i32>} : memref<128x32xf32, #tpu.memory_space<vmem>>, vector<16xf32>,
        %get3A_255 = arith.index_cast %add3A_245 : i32 to index
        %get3A_256 = arith.constant 16 : index
        %get3A_257 = tpu.vector_load %arg14[%get3A_255, %get3A_256] {strides = array<i32>} : memref<128x32xf32, #tpu.memory_space<vmem>>, vector<16xf32>,
        %mul3A_258 = arith.mulf %get3A_257, %gather3A_247 : vector<16xf32>
        %swap3A_259 = arith.index_cast %add3A_245 : i32 to index
        %swap3A_260 = arith.constant 16 : index
        %swap3A_261 = tpu.vector_load %arg14[%swap3A_259, %swap3A_260] {strides = array<i32>} : memref<128x32xf32, #tpu.memory_space<vmem>>, vector<16xf32>,
        tpu.vector_store %arg14[%swap3A_259, %swap3A_260], %mul3A_258 {strides = array<i32>} : memref<128x32xf32, #tpu.memory_space<vmem>>, vector<16xf32>,
      }
      %scan3A_163 = arith.constant 128 : i32
      %dma_wait3A_164 = arith.constant 0 : i32
      %dma_wait3A_165 = tpu.memref_slice %arg3[%select_n3A, %dma_wait3A_164] : memref<2500x128xi32, #tpu.memory_space<hbm>> -> memref<1x128xi32, #tpu.memory_space<hbm>>
      %dma_wait3A_166 = tpu.memref_squeeze %dma_wait3A_165 : memref<1x128xi32, #tpu.memory_space<hbm>> -> memref<128xi32, #tpu.memory_space<hbm>>
      %dma_wait3A_167 = arith.constant 0 : i32
      %dma_wait3A_168 = tpu.memref_slice %arg3[%select_n3A, %dma_wait3A_167] : memref<2500x128xi32, #tpu.memory_space<hbm>> -> memref<1x128xi32, #tpu.memory_space<hbm>>
      %dma_wait3A_169 = tpu.memref_squeeze %dma_wait3A_168 : memref<1x128xi32, #tpu.memory_space<hbm>> -> memref<128xi32, #tpu.memory_space<hbm>>
      tpu.wait_dma2 semaphore(%arg20 : memref<!tpu.dma_semaphore, #tpu.memory_space<semaphore_mem>>) src(%dma_wait3A_169 : memref<128xi32, #tpu.memory_space<hbm>>) dst(%arg10 : memref<128xi32, #tpu.memory_space<vmem>>)
      %dma_start3A_170 = arith.constant 0 : i32
      %dma_start3A_171 = arith.constant 0 : i32
      %dma_start3A_172 = tpu.memref_slice %arg16[%dma_start3A_170, %dma_start3A_171] : memref<10240x32xf32, #tpu.memory_space<vmem_shared>> -> memref<10240x32xf32, #tpu.memory_space<vmem_shared>>
      tpu.enqueue_indirect_dma source(%arg14 : memref<128x32xf32, #tpu.memory_space<vmem>>) target(%dma_start3A_172 : memref<10240x32xf32, #tpu.memory_space<vmem_shared>>) offsets(%arg10 : memref<128xi32, #tpu.memory_space<vmem>>) semaphore(%arg24 : memref<!tpu.dma_semaphore, #tpu.memory_space<semaphore_mem>>) {add = true}
      %add3A_173 = arith.constant 2 : i32
      %add3A_174 = arith.addi %add3A_149, %add3A_173 : i32
      %lt3A_175 = arith.cmpi slt, %add3A_174, %select_n3A_12 : i32
      %convert_element_type3A_176 = arith.extui %lt3A_175 : i1 to i32
      %cond3A_177 = arith.constant 0 : i32
      %cond3A_178 = arith.cmpi ne, %convert_element_type3A_176, %cond3A_177 : i32
      scf.if %cond3A_178 {
        %add3A_179 = arith.addi %select_n3A, %add3A_149 : i32
        %add3A_180 = arith.constant 2 : i32
        %add3A_181 = arith.addi %add3A_179, %add3A_180 : i32
        %dma_start3A_182 = arith.constant 0 : i32
        %dma_start3A_183 = tpu.memref_slice %arg2[%add3A_181, %dma_start3A_182] : memref<2500x128xi32, #tpu.memory_space<hbm>> -> memref<1x128xi32, #tpu.memory_space<hbm>>
        %dma_start3A_184 = tpu.memref_squeeze %dma_start3A_183 : memref<1x128xi32, #tpu.memory_space<hbm>> -> memref<128xi32, #tpu.memory_space<hbm>>
        %dma_start3A_185 = arith.constant 0 : i32
        %dma_start3A_186 = tpu.memref_slice %arg2[%add3A_181, %dma_start3A_185] : memref<2500x128xi32, #tpu.memory_space<hbm>> -> memref<1x128xi32, #tpu.memory_space<hbm>>
        %dma_start3A_187 = tpu.memref_squeeze %dma_start3A_186 : memref<1x128xi32, #tpu.memory_space<hbm>> -> memref<128xi32, #tpu.memory_space<hbm>>
        tpu.enqueue_dma source(%dma_start3A_187 : memref<128xi32, #tpu.memory_space<hbm>>) target(%arg8 : memref<128xi32, #tpu.memory_space<vmem>>) target_semaphore(%arg18 : memref<!tpu.dma_semaphore, #tpu.memory_space<semaphore_mem>>)
        %add3A_188 = arith.addi %select_n3A, %add3A_149 : i32
        %add3A_189 = arith.constant 2 : i32
        %add3A_190 = arith.addi %add3A_188, %add3A_189 : i32
        %dma_start3A_191 = arith.constant 0 : i32
        %dma_start3A_192 = tpu.memref_slice %arg4[%add3A_190, %dma_start3A_191] : memref<2500x128xf32, #tpu.memory_space<hbm>> -> memref<1x128xf32, #tpu.memory_space<hbm>>
        %dma_start3A_193 = tpu.memref_squeeze %dma_start3A_192 : memref<1x128xf32, #tpu.memory_space<hbm>> -> memref<128xf32, #tpu.memory_space<hbm>>
        %dma_start3A_194 = arith.constant 0 : i32
        %dma_start3A_195 = tpu.memref_slice %arg4[%add3A_190, %dma_start3A_194] : memref<2500x128xf32, #tpu.memory_space<hbm>> -> memref<1x128xf32, #tpu.memory_space<hbm>>
        %dma_start3A_196 = tpu.memref_squeeze %dma_start3A_195 : memref<1x128xf32, #tpu.memory_space<hbm>> -> memref<128xf32, #tpu.memory_space<hbm>>
        tpu.enqueue_dma source(%dma_start3A_196 : memref<128xf32, #tpu.memory_space<hbm>>) target(%arg12 : memref<128xf32, #tpu.memory_space<vmem>>) target_semaphore(%arg18 : memref<!tpu.dma_semaphore, #tpu.memory_space<semaphore_mem>>)
      } else {
      }
    }
    %dma_wait3A_103 = arith.constant 0 : i32
    %dma_wait3A_104 = arith.constant 0 : i32
    %dma_wait3A_105 = tpu.memref_slice %arg16[%dma_wait3A_103, %dma_wait3A_104] : memref<10240x32xf32, #tpu.memory_space<vmem_shared>> -> memref<10240x32xf32, #tpu.memory_space<vmem_shared>>
    tpu.wait_indirect_dma semaphore(%arg23 : memref<!tpu.dma_semaphore, #tpu.memory_space<semaphore_mem>>) src(%arg13 : memref<128x32xf32, #tpu.memory_space<vmem>>) dst(%dma_wait3A_105 : memref<10240x32xf32, #tpu.memory_space<vmem_shared>>)
    %dma_wait3A_106 = arith.constant 0 : i32
    %dma_wait3A_107 = arith.constant 0 : i32
    %dma_wait3A_108 = tpu.memref_slice %arg16[%dma_wait3A_106, %dma_wait3A_107] : memref<10240x32xf32, #tpu.memory_space<vmem_shared>> -> memref<10240x32xf32, #tpu.memory_space<vmem_shared>>
    tpu.wait_indirect_dma semaphore(%arg24 : memref<!tpu.dma_semaphore, #tpu.memory_space<semaphore_mem>>) src(%arg14 : memref<128x32xf32, #tpu.memory_space<vmem>>) dst(%dma_wait3A_108 : memref<10240x32xf32, #tpu.memory_space<vmem_shared>>)
    %barrier3A_109 = arith.constant 0 : index
    tpu.barrier barrier_id(%barrier3A_109)
    %mul3A_110 = arith.constant 640 : i32
    %mul3A_111 = arith.muli %arg1, %mul3A_110 : i32
    %mul3A_112 = arith.constant 640 : i32
    %mul3A_113 = arith.muli %arg1, %mul3A_112 : i32
    "tpu.region"() ({
      %run_scoped3A = tpu.sem_alloc : memref<!tpu.dma_semaphore, #tpu.memory_space<semaphore_mem>>
      %dma_start3A_114 = arith.constant 0 : i32
      %dma_start3A_115 = arith.constant 0 : i32
      %dma_start3A_116 = tpu.memref_slice %arg6[%arg0, %dma_start3A_114, %dma_start3A_115] : memref<2x10240x32xf32, #tpu.memory_space<hbm>> -> memref<1x10240x32xf32, #tpu.memory_space<hbm>>
      %dma_start3A_117 = tpu.memref_squeeze %dma_start3A_116 : memref<1x10240x32xf32, #tpu.memory_space<hbm>> -> memref<10240x32xf32, #tpu.memory_space<hbm>>
      %dma_start3A_118 = arith.constant 0 : i32
      %dma_start3A_119 = tpu.memref_slice %dma_start3A_117[%mul3A_113, %dma_start3A_118] : memref<10240x32xf32, #tpu.memory_space<hbm>> -> memref<640x32xf32, #tpu.memory_space<hbm>>
      %dma_start3A_120 = arith.constant 0 : i32
      %dma_start3A_121 = tpu.memref_slice %arg16[%mul3A_111, %dma_start3A_120] : memref<10240x32xf32, #tpu.memory_space<vmem_shared>> -> memref<640x32xf32, #tpu.memory_space<vmem_shared>>
      tpu.enqueue_dma source(%dma_start3A_121 : memref<640x32xf32, #tpu.memory_space<vmem_shared>>) target(%dma_start3A_119 : memref<640x32xf32, #tpu.memory_space<hbm>>) target_semaphore(%run_scoped3A : memref<!tpu.dma_semaphore, #tpu.memory_space<semaphore_mem>>)
      %dma_wait3A_122 = arith.constant 0 : i32
      %dma_wait3A_123 = arith.constant 0 : i32
      %dma_wait3A_124 = tpu.memref_slice %arg6[%arg0, %dma_wait3A_122, %dma_wait3A_123] : memref<2x10240x32xf32, #tpu.memory_space<hbm>> -> memref<1x10240x32xf32, #tpu.memory_space<hbm>>
      %dma_wait3A_125 = tpu.memref_squeeze %dma_wait3A_124 : memref<1x10240x32xf32, #tpu.memory_space<hbm>> -> memref<10240x32xf32, #tpu.memory_space<hbm>>
      %dma_wait3A_126 = arith.constant 0 : i32
      %dma_wait3A_127 = tpu.memref_slice %dma_wait3A_125[%mul3A_113, %dma_wait3A_126] : memref<10240x32xf32, #tpu.memory_space<hbm>> -> memref<640x32xf32, #tpu.memory_space<hbm>>
      %dma_wait3A_128 = arith.constant 0 : i32
      %dma_wait3A_129 = tpu.memref_slice %arg16[%mul3A_111, %dma_wait3A_128] : memref<10240x32xf32, #tpu.memory_space<vmem_shared>> -> memref<640x32xf32, #tpu.memory_space<vmem_shared>>
      tpu.wait_dma2 semaphore(%run_scoped3A : memref<!tpu.dma_semaphore, #tpu.memory_space<semaphore_mem>>) src(%dma_wait3A_129 : memref<640x32xf32, #tpu.memory_space<vmem_shared>>) dst(%dma_wait3A_127 : memref<640x32xf32, #tpu.memory_space<hbm>>)
      tpu.yield
    }) : () -> ()
    return
  }
}

module attributes {stable_mosaic.version = 14 : i64} {
  func.func @_head_body(%arg0: i32, %arg1: memref<1024x128xf32, #tpu.memory_space<vmem>>, %arg2: memref<128x32xf32, #tpu.memory_space<vmem>>, %arg3: memref<2x1024x1xf32, #tpu.memory_space<vmem>>, %arg4: memref<1024x32xf32, #tpu.memory_space<vmem>>, %arg5: memref<1024x32xf32, #tpu.memory_space<vmem>>) attributes {dimension_semantics = [#tpu.dimension_semantics<arbitrary>], iteration_bounds = array<i64: 10>, scalar_prefetch = 0 : i64, scratch_operands = 0 : i64, tpu.core_type = #tpu.core_type<tc>, window_params = [{transform_indices = @transform_0, window_bounds = array<i64: 1024, 128>}, {pipeline_mode = #tpu.pipeline_mode<synchronous>, transform_indices = @transform_1, window_bounds = array<i64: 128, 32>}, {transform_indices = @transform_2, window_bounds = array<i64: 2, 1024, 1>}, {transform_indices = @transform_3, window_bounds = array<i64: 1024, 32>}, {transform_indices = @transform_4, window_bounds = array<i64: 1024, 32>}]} {
    %get3A = arith.constant 0 : index
    %get3A_0 = arith.constant 0 : index
    %get3A_1 = vector.load %arg1[%get3A, %get3A_0] : memref<1024x128xf32, #tpu.memory_space<vmem>>, vector<1024x128xf32>
    %get3A_2 = arith.constant 0 : index
    %get3A_3 = arith.constant 0 : index
    %get3A_4 = vector.load %arg2[%get3A_2, %get3A_3] : memref<128x32xf32, #tpu.memory_space<vmem>>, vector<128x32xf32>
    %dot_general3A = arith.constant dense<0.000000e+00> : vector<1024x32xf32>
    %dot_general3A_5 = tpu.matmul %get3A_1, %get3A_4, %dot_general3A {dimension_numbers = #tpu.dot_dimension_numbers<[1], [0], [0], [1], [0, 0, 1, 1], [], []>, transpose_lhs_hint = false} : vector<1024x128xf32>, vector<128x32xf32>, vector<1024x32xf32> -> vector<1024x32xf32>
    %get3A_6 = arith.constant 0 : index
    %get3A_7 = arith.constant 0 : index
    %get3A_8 = arith.constant 0 : index
    %get3A_9 = vector.load %arg3[%get3A_6, %get3A_7, %get3A_8] : memref<2x1024x1xf32, #tpu.memory_space<vmem>>, vector<1x1024x1xf32>
    %get3A_10 = vector.shape_cast %get3A_9 : vector<1x1024x1xf32> to vector<1024x1xf32>
    %get3A_11 = arith.constant 1 : index
    %get3A_12 = arith.constant 0 : index
    %get3A_13 = arith.constant 0 : index
    %get3A_14 = vector.load %arg3[%get3A_11, %get3A_12, %get3A_13] : memref<2x1024x1xf32, #tpu.memory_space<vmem>>, vector<1x1024x1xf32>
    %get3A_15 = vector.shape_cast %get3A_14 : vector<1x1024x1xf32> to vector<1024x1xf32>
    %add3A = arith.addf %get3A_10, %get3A_15 : vector<1024x1xf32>
    %add3A_16 = arith.constant 1.000000e+00 : f32
    %add3A_17 = vector.broadcast %add3A_16 : f32 to vector<1024x1xf32>
    %add3A_18 = arith.addf %add3A, %add3A_17 : vector<1024x1xf32>
    %gt3A = arith.constant 0.000000e+00 : f32
    %gt3A_19 = vector.broadcast %gt3A : f32 to vector<1024x1xf32>
    %gt3A_20 = arith.cmpf ogt, %add3A_18, %gt3A_19 : vector<1024x1xf32>
    %max3A = arith.constant 9.99999996E-13 : f32
    %max3A_21 = vector.broadcast %max3A : f32 to vector<1024x1xf32>
    %max3A_22 = arith.maximumf %add3A_18, %max3A_21 : vector<1024x1xf32>
    %rsqrt3A = math.rsqrt %max3A_22 : vector<1024x1xf32>
    %jit3A = arith.constant 0.000000e+00 : f32
    %broadcast_in_dim3A = vector.broadcast %jit3A : f32 to vector<1024x1xf32>
    %select_n3A = arith.select %gt3A_20, %rsqrt3A, %broadcast_in_dim3A : vector<1024x1xi1>, vector<1024x1xf32>
    %broadcast_in_dim3A_23 = vector.shape_cast %select_n3A : vector<1024x1xf32> to vector<1024x1xf32>
    %broadcast_in_dim3A_24 = vector.broadcast %broadcast_in_dim3A_23 : vector<1024x1xf32> to vector<1024x32xf32>
    %swap3A = arith.constant 0 : index
    %swap3A_25 = arith.constant 0 : index
    %swap3A_26 = vector.load %arg5[%swap3A, %swap3A_25] : memref<1024x32xf32, #tpu.memory_space<vmem>>, vector<1024x32xf32>
    tpu.vector_store %arg5[%swap3A, %swap3A_25], %broadcast_in_dim3A_24 {strides = array<i32>} : memref<1024x32xf32, #tpu.memory_space<vmem>>, vector<1024x32xf32>,
    %mul3A = arith.mulf %dot_general3A_5, %broadcast_in_dim3A_24 : vector<1024x32xf32>
    %swap3A_27 = arith.constant 0 : index
    %swap3A_28 = arith.constant 0 : index
    %swap3A_29 = vector.load %arg4[%swap3A_27, %swap3A_28] : memref<1024x32xf32, #tpu.memory_space<vmem>>, vector<1024x32xf32>
    tpu.vector_store %arg4[%swap3A_27, %swap3A_28], %mul3A {strides = array<i32>} : memref<1024x32xf32, #tpu.memory_space<vmem>>, vector<1024x32xf32>,
    return
  }
  func.func @transform_0(%arg0: i32) -> (i32, i32) {
    %c0_i32 = arith.constant 0 : i32
    %c0_i32_0 = arith.constant 0 : i32
    return %arg0, %c0_i32 : i32, i32
  }
  func.func @transform_1(%arg0: i32) -> (i32, i32) {
    %c0_i32 = arith.constant 0 : i32
    %c0_i32_0 = arith.constant 0 : i32
    %c0_i32_1 = arith.constant 0 : i32
    return %c0_i32, %c0_i32_0 : i32, i32
  }
  func.func @transform_2(%arg0: i32) -> (i32, i32, i32) {
    %c0_i32 = arith.constant 0 : i32
    %c0_i32_0 = arith.constant 0 : i32
    %c0_i32_1 = arith.constant 0 : i32
    return %c0_i32, %arg0, %c0_i32_0 : i32, i32, i32
  }
  func.func @transform_3(%arg0: i32) -> (i32, i32) {
    %c0_i32 = arith.constant 0 : i32
    %c0_i32_0 = arith.constant 0 : i32
    return %arg0, %c0_i32 : i32, i32
  }
  func.func @transform_4(%arg0: i32) -> (i32, i32) {
    %c0_i32 = arith.constant 0 : i32
    %c0_i32_0 = arith.constant 0 : i32
    return %arg0, %c0_i32 : i32, i32
  }
}

module attributes {stable_mosaic.version = 14 : i64} {
  func.func @_layer_body(%arg0: i32, %arg1: memref<2x1024x32xf32, #tpu.memory_space<vmem>>, %arg2: memref<1024x32xf32, #tpu.memory_space<vmem>>, %arg3: memref<1024x32xf32, #tpu.memory_space<vmem>>, %arg4: memref<32x32xf32, #tpu.memory_space<vmem>>, %arg5: memref<1x32xf32, #tpu.memory_space<vmem>>, %arg6: memref<1024x32xf32, #tpu.memory_space<vmem>>, %arg7: memref<1024x32xf32, #tpu.memory_space<vmem>>) attributes {dimension_semantics = [#tpu.dimension_semantics<arbitrary>], iteration_bounds = array<i64: 10>, scalar_prefetch = 0 : i64, scratch_operands = 0 : i64, tpu.core_type = #tpu.core_type<tc>, window_params = [{transform_indices = @transform_0, window_bounds = array<i64: 2, 1024, 32>}, {transform_indices = @transform_1, window_bounds = array<i64: 1024, 32>}, {transform_indices = @transform_2, window_bounds = array<i64: 1024, 32>}, {pipeline_mode = #tpu.pipeline_mode<synchronous>, transform_indices = @transform_3, window_bounds = array<i64: 32, 32>}, {pipeline_mode = #tpu.pipeline_mode<synchronous>, transform_indices = @transform_4, window_bounds = array<i64: 1, 32>}, {transform_indices = @transform_5, window_bounds = array<i64: 1024, 32>}, {transform_indices = @transform_6, window_bounds = array<i64: 1024, 32>}]} {
    %get3A = arith.constant 0 : index
    %get3A_0 = arith.constant 0 : index
    %get3A_1 = vector.load %arg3[%get3A, %get3A_0] : memref<1024x32xf32, #tpu.memory_space<vmem>>, vector<1024x32xf32>
    %get3A_2 = arith.constant 0 : index
    %get3A_3 = arith.constant 0 : index
    %get3A_4 = arith.constant 0 : index
    %get3A_5 = vector.load %arg1[%get3A_2, %get3A_3, %get3A_4] : memref<2x1024x32xf32, #tpu.memory_space<vmem>>, vector<1x1024x32xf32>
    %get3A_6 = vector.shape_cast %get3A_5 : vector<1x1024x32xf32> to vector<1024x32xf32>
    %get3A_7 = arith.constant 1 : index
    %get3A_8 = arith.constant 0 : index
    %get3A_9 = arith.constant 0 : index
    %get3A_10 = vector.load %arg1[%get3A_7, %get3A_8, %get3A_9] : memref<2x1024x32xf32, #tpu.memory_space<vmem>>, vector<1x1024x32xf32>
    %get3A_11 = vector.shape_cast %get3A_10 : vector<1x1024x32xf32> to vector<1024x32xf32>
    %add3A = arith.addf %get3A_6, %get3A_11 : vector<1024x32xf32>
    %get3A_12 = arith.constant 0 : index
    %get3A_13 = arith.constant 0 : index
    %get3A_14 = vector.load %arg2[%get3A_12, %get3A_13] : memref<1024x32xf32, #tpu.memory_space<vmem>>, vector<1024x32xf32>
    %add3A_15 = arith.addf %add3A, %get3A_14 : vector<1024x32xf32>
    %mul3A = arith.mulf %get3A_1, %add3A_15 : vector<1024x32xf32>
    %get3A_16 = arith.constant 0 : index
    %get3A_17 = arith.constant 0 : index
    %get3A_18 = vector.load %arg5[%get3A_16, %get3A_17] : memref<1x32xf32, #tpu.memory_space<vmem>>, vector<1x32xf32>
    %add3A_19 = vector.broadcast %get3A_18 : vector<1x32xf32> to vector<1024x32xf32>
    %add3A_20 = arith.addf %mul3A, %add3A_19 : vector<1024x32xf32>
    %max3A = arith.constant 0.000000e+00 : f32
    %max3A_21 = vector.broadcast %max3A : f32 to vector<1024x32xf32>
    %max3A_22 = arith.maximumf %add3A_20, %max3A_21 : vector<1024x32xf32>
    %swap3A = arith.constant 0 : index
    %swap3A_23 = arith.constant 0 : index
    %swap3A_24 = vector.load %arg6[%swap3A, %swap3A_23] : memref<1024x32xf32, #tpu.memory_space<vmem>>, vector<1024x32xf32>
    tpu.vector_store %arg6[%swap3A, %swap3A_23], %max3A_22 {strides = array<i32>} : memref<1024x32xf32, #tpu.memory_space<vmem>>, vector<1024x32xf32>,
    %get3A_25 = arith.constant 0 : index
    %get3A_26 = arith.constant 0 : index
    %get3A_27 = vector.load %arg3[%get3A_25, %get3A_26] : memref<1024x32xf32, #tpu.memory_space<vmem>>, vector<1024x32xf32>
    %get3A_28 = arith.constant 0 : index
    %get3A_29 = arith.constant 0 : index
    %get3A_30 = vector.load %arg4[%get3A_28, %get3A_29] : memref<32x32xf32, #tpu.memory_space<vmem>>, vector<32x32xf32>
    %dot_general3A = arith.constant dense<0.000000e+00> : vector<1024x32xf32>
    %dot_general3A_31 = tpu.matmul %max3A_22, %get3A_30, %dot_general3A {dimension_numbers = #tpu.dot_dimension_numbers<[1], [0], [0], [1], [0, 0, 1, 1], [], []>, transpose_lhs_hint = false} : vector<1024x32xf32>, vector<32x32xf32>, vector<1024x32xf32> -> vector<1024x32xf32>
    %mul3A_32 = arith.mulf %get3A_27, %dot_general3A_31 : vector<1024x32xf32>
    %swap3A_33 = arith.constant 0 : index
    %swap3A_34 = arith.constant 0 : index
    %swap3A_35 = vector.load %arg7[%swap3A_33, %swap3A_34] : memref<1024x32xf32, #tpu.memory_space<vmem>>, vector<1024x32xf32>
    tpu.vector_store %arg7[%swap3A_33, %swap3A_34], %mul3A_32 {strides = array<i32>} : memref<1024x32xf32, #tpu.memory_space<vmem>>, vector<1024x32xf32>,
    return
  }
  func.func @transform_0(%arg0: i32) -> (i32, i32, i32) {
    %c0_i32 = arith.constant 0 : i32
    %c0_i32_0 = arith.constant 0 : i32
    %c0_i32_1 = arith.constant 0 : i32
    return %c0_i32, %arg0, %c0_i32_0 : i32, i32, i32
  }
  func.func @transform_1(%arg0: i32) -> (i32, i32) {
    %c0_i32 = arith.constant 0 : i32
    %c0_i32_0 = arith.constant 0 : i32
    return %arg0, %c0_i32 : i32, i32
  }
  func.func @transform_2(%arg0: i32) -> (i32, i32) {
    %c0_i32 = arith.constant 0 : i32
    %c0_i32_0 = arith.constant 0 : i32
    return %arg0, %c0_i32 : i32, i32
  }
  func.func @transform_3(%arg0: i32) -> (i32, i32) {
    %c0_i32 = arith.constant 0 : i32
    %c0_i32_0 = arith.constant 0 : i32
    %c0_i32_1 = arith.constant 0 : i32
    return %c0_i32, %c0_i32_0 : i32, i32
  }
  func.func @transform_4(%arg0: i32) -> (i32, i32) {
    %c0_i32 = arith.constant 0 : i32
    %c0_i32_0 = arith.constant 0 : i32
    %c0_i32_1 = arith.constant 0 : i32
    return %c0_i32, %c0_i32_0 : i32, i32
  }
  func.func @transform_5(%arg0: i32) -> (i32, i32) {
    %c0_i32 = arith.constant 0 : i32
    %c0_i32_0 = arith.constant 0 : i32
    return %arg0, %c0_i32 : i32, i32
  }
  func.func @transform_6(%arg0: i32) -> (i32, i32) {
    %c0_i32 = arith.constant 0 : i32
    %c0_i32_0 = arith.constant 0 : i32
    return %arg0, %c0_i32 : i32, i32
  }
}

module attributes {stable_mosaic.version = 14 : i64} {
  func.func @_layer_body(%arg0: i32, %arg1: memref<2x1024x32xf32, #tpu.memory_space<vmem>>, %arg2: memref<1024x32xf32, #tpu.memory_space<vmem>>, %arg3: memref<1024x32xf32, #tpu.memory_space<vmem>>, %arg4: memref<32x32xf32, #tpu.memory_space<vmem>>, %arg5: memref<1x32xf32, #tpu.memory_space<vmem>>, %arg6: memref<1024x32xf32, #tpu.memory_space<vmem>>, %arg7: memref<1024x32xf32, #tpu.memory_space<vmem>>) attributes {dimension_semantics = [#tpu.dimension_semantics<arbitrary>], iteration_bounds = array<i64: 10>, scalar_prefetch = 0 : i64, scratch_operands = 0 : i64, tpu.core_type = #tpu.core_type<tc>, window_params = [{transform_indices = @transform_0, window_bounds = array<i64: 2, 1024, 32>}, {transform_indices = @transform_1, window_bounds = array<i64: 1024, 32>}, {transform_indices = @transform_2, window_bounds = array<i64: 1024, 32>}, {pipeline_mode = #tpu.pipeline_mode<synchronous>, transform_indices = @transform_3, window_bounds = array<i64: 32, 32>}, {pipeline_mode = #tpu.pipeline_mode<synchronous>, transform_indices = @transform_4, window_bounds = array<i64: 1, 32>}, {transform_indices = @transform_5, window_bounds = array<i64: 1024, 32>}, {transform_indices = @transform_6, window_bounds = array<i64: 1024, 32>}]} {
    %get3A = arith.constant 0 : index
    %get3A_0 = arith.constant 0 : index
    %get3A_1 = vector.load %arg3[%get3A, %get3A_0] : memref<1024x32xf32, #tpu.memory_space<vmem>>, vector<1024x32xf32>
    %get3A_2 = arith.constant 0 : index
    %get3A_3 = arith.constant 0 : index
    %get3A_4 = arith.constant 0 : index
    %get3A_5 = vector.load %arg1[%get3A_2, %get3A_3, %get3A_4] : memref<2x1024x32xf32, #tpu.memory_space<vmem>>, vector<1x1024x32xf32>
    %get3A_6 = vector.shape_cast %get3A_5 : vector<1x1024x32xf32> to vector<1024x32xf32>
    %get3A_7 = arith.constant 1 : index
    %get3A_8 = arith.constant 0 : index
    %get3A_9 = arith.constant 0 : index
    %get3A_10 = vector.load %arg1[%get3A_7, %get3A_8, %get3A_9] : memref<2x1024x32xf32, #tpu.memory_space<vmem>>, vector<1x1024x32xf32>
    %get3A_11 = vector.shape_cast %get3A_10 : vector<1x1024x32xf32> to vector<1024x32xf32>
    %add3A = arith.addf %get3A_6, %get3A_11 : vector<1024x32xf32>
    %get3A_12 = arith.constant 0 : index
    %get3A_13 = arith.constant 0 : index
    %get3A_14 = vector.load %arg2[%get3A_12, %get3A_13] : memref<1024x32xf32, #tpu.memory_space<vmem>>, vector<1024x32xf32>
    %add3A_15 = arith.addf %add3A, %get3A_14 : vector<1024x32xf32>
    %mul3A = arith.mulf %get3A_1, %add3A_15 : vector<1024x32xf32>
    %max3A = arith.constant 0.000000e+00 : f32
    %max3A_16 = vector.broadcast %max3A : f32 to vector<1024x32xf32>
    %max3A_17 = arith.maximumf %mul3A, %max3A_16 : vector<1024x32xf32>
    %get3A_18 = arith.constant 0 : index
    %get3A_19 = arith.constant 0 : index
    %get3A_20 = vector.load %arg5[%get3A_18, %get3A_19] : memref<1x32xf32, #tpu.memory_space<vmem>>, vector<1x32xf32>
    %add3A_21 = vector.broadcast %get3A_20 : vector<1x32xf32> to vector<1024x32xf32>
    %add3A_22 = arith.addf %max3A_17, %add3A_21 : vector<1024x32xf32>
    %max3A_23 = arith.constant 0.000000e+00 : f32
    %max3A_24 = vector.broadcast %max3A_23 : f32 to vector<1024x32xf32>
    %max3A_25 = arith.maximumf %add3A_22, %max3A_24 : vector<1024x32xf32>
    %swap3A = arith.constant 0 : index
    %swap3A_26 = arith.constant 0 : index
    %swap3A_27 = vector.load %arg6[%swap3A, %swap3A_26] : memref<1024x32xf32, #tpu.memory_space<vmem>>, vector<1024x32xf32>
    tpu.vector_store %arg6[%swap3A, %swap3A_26], %max3A_25 {strides = array<i32>} : memref<1024x32xf32, #tpu.memory_space<vmem>>, vector<1024x32xf32>,
    %get3A_28 = arith.constant 0 : index
    %get3A_29 = arith.constant 0 : index
    %get3A_30 = vector.load %arg3[%get3A_28, %get3A_29] : memref<1024x32xf32, #tpu.memory_space<vmem>>, vector<1024x32xf32>
    %get3A_31 = arith.constant 0 : index
    %get3A_32 = arith.constant 0 : index
    %get3A_33 = vector.load %arg4[%get3A_31, %get3A_32] : memref<32x32xf32, #tpu.memory_space<vmem>>, vector<32x32xf32>
    %dot_general3A = arith.constant dense<0.000000e+00> : vector<1024x32xf32>
    %dot_general3A_34 = tpu.matmul %max3A_25, %get3A_33, %dot_general3A {dimension_numbers = #tpu.dot_dimension_numbers<[1], [0], [0], [1], [0, 0, 1, 1], [], []>, transpose_lhs_hint = false} : vector<1024x32xf32>, vector<32x32xf32>, vector<1024x32xf32> -> vector<1024x32xf32>
    %mul3A_35 = arith.mulf %get3A_30, %dot_general3A_34 : vector<1024x32xf32>
    %swap3A_36 = arith.constant 0 : index
    %swap3A_37 = arith.constant 0 : index
    %swap3A_38 = vector.load %arg7[%swap3A_36, %swap3A_37] : memref<1024x32xf32, #tpu.memory_space<vmem>>, vector<1024x32xf32>
    tpu.vector_store %arg7[%swap3A_36, %swap3A_37], %mul3A_35 {strides = array<i32>} : memref<1024x32xf32, #tpu.memory_space<vmem>>, vector<1024x32xf32>,
    return
  }
  func.func @transform_0(%arg0: i32) -> (i32, i32, i32) {
    %c0_i32 = arith.constant 0 : i32
    %c0_i32_0 = arith.constant 0 : i32
    %c0_i32_1 = arith.constant 0 : i32
    return %c0_i32, %arg0, %c0_i32_0 : i32, i32, i32
  }
  func.func @transform_1(%arg0: i32) -> (i32, i32) {
    %c0_i32 = arith.constant 0 : i32
    %c0_i32_0 = arith.constant 0 : i32
    return %arg0, %c0_i32 : i32, i32
  }
  func.func @transform_2(%arg0: i32) -> (i32, i32) {
    %c0_i32 = arith.constant 0 : i32
    %c0_i32_0 = arith.constant 0 : i32
    return %arg0, %c0_i32 : i32, i32
  }
  func.func @transform_3(%arg0: i32) -> (i32, i32) {
    %c0_i32 = arith.constant 0 : i32
    %c0_i32_0 = arith.constant 0 : i32
    %c0_i32_1 = arith.constant 0 : i32
    return %c0_i32, %c0_i32_0 : i32, i32
  }
  func.func @transform_4(%arg0: i32) -> (i32, i32) {
    %c0_i32 = arith.constant 0 : i32
    %c0_i32_0 = arith.constant 0 : i32
    %c0_i32_1 = arith.constant 0 : i32
    return %c0_i32, %c0_i32_0 : i32, i32
  }
  func.func @transform_5(%arg0: i32) -> (i32, i32) {
    %c0_i32 = arith.constant 0 : i32
    %c0_i32_0 = arith.constant 0 : i32
    return %arg0, %c0_i32 : i32, i32
  }
  func.func @transform_6(%arg0: i32) -> (i32, i32) {
    %c0_i32 = arith.constant 0 : i32
    %c0_i32_0 = arith.constant 0 : i32
    return %arg0, %c0_i32 : i32, i32
  }
}

module attributes {stable_mosaic.version = 14 : i64} {
  func.func @_final_body(%arg0: i32, %arg1: memref<2x1024x32xf32, #tpu.memory_space<vmem>>, %arg2: memref<1024x32xf32, #tpu.memory_space<vmem>>, %arg3: memref<1024x32xf32, #tpu.memory_space<vmem>>, %arg4: memref<1x32xf32, #tpu.memory_space<vmem>>, %arg5: memref<1024x32xf32, #tpu.memory_space<vmem>>, %arg6: memref<1024x32xf32, #tpu.memory_space<vmem>>, %arg7: memref<64x40xf32, #tpu.memory_space<vmem>>, %arg8: memref<1x40xf32, #tpu.memory_space<vmem>>, %arg9: memref<1024x40xf32, #tpu.memory_space<vmem>>) attributes {dimension_semantics = [#tpu.dimension_semantics<arbitrary>], iteration_bounds = array<i64: 10>, scalar_prefetch = 0 : i64, scratch_operands = 0 : i64, tpu.core_type = #tpu.core_type<tc>, window_params = [{transform_indices = @transform_0, window_bounds = array<i64: 2, 1024, 32>}, {transform_indices = @transform_1, window_bounds = array<i64: 1024, 32>}, {transform_indices = @transform_2, window_bounds = array<i64: 1024, 32>}, {pipeline_mode = #tpu.pipeline_mode<synchronous>, transform_indices = @transform_3, window_bounds = array<i64: 1, 32>}, {transform_indices = @transform_4, window_bounds = array<i64: 1024, 32>}, {transform_indices = @transform_5, window_bounds = array<i64: 1024, 32>}, {pipeline_mode = #tpu.pipeline_mode<synchronous>, transform_indices = @transform_6, window_bounds = array<i64: 64, 40>}, {pipeline_mode = #tpu.pipeline_mode<synchronous>, transform_indices = @transform_7, window_bounds = array<i64: 1, 40>}, {transform_indices = @transform_8, window_bounds = array<i64: 1024, 40>}]} {
    %get3A = arith.constant 0 : index
    %get3A_0 = arith.constant 0 : index
    %get3A_1 = vector.load %arg3[%get3A, %get3A_0] : memref<1024x32xf32, #tpu.memory_space<vmem>>, vector<1024x32xf32>
    %get3A_2 = arith.constant 0 : index
    %get3A_3 = arith.constant 0 : index
    %get3A_4 = arith.constant 0 : index
    %get3A_5 = vector.load %arg1[%get3A_2, %get3A_3, %get3A_4] : memref<2x1024x32xf32, #tpu.memory_space<vmem>>, vector<1x1024x32xf32>
    %get3A_6 = vector.shape_cast %get3A_5 : vector<1x1024x32xf32> to vector<1024x32xf32>
    %get3A_7 = arith.constant 1 : index
    %get3A_8 = arith.constant 0 : index
    %get3A_9 = arith.constant 0 : index
    %get3A_10 = vector.load %arg1[%get3A_7, %get3A_8, %get3A_9] : memref<2x1024x32xf32, #tpu.memory_space<vmem>>, vector<1x1024x32xf32>
    %get3A_11 = vector.shape_cast %get3A_10 : vector<1x1024x32xf32> to vector<1024x32xf32>
    %add3A = arith.addf %get3A_6, %get3A_11 : vector<1024x32xf32>
    %get3A_12 = arith.constant 0 : index
    %get3A_13 = arith.constant 0 : index
    %get3A_14 = vector.load %arg2[%get3A_12, %get3A_13] : memref<1024x32xf32, #tpu.memory_space<vmem>>, vector<1024x32xf32>
    %add3A_15 = arith.addf %add3A, %get3A_14 : vector<1024x32xf32>
    %mul3A = arith.mulf %get3A_1, %add3A_15 : vector<1024x32xf32>
    %get3A_16 = arith.constant 0 : index
    %get3A_17 = arith.constant 0 : index
    %get3A_18 = vector.load %arg4[%get3A_16, %get3A_17] : memref<1x32xf32, #tpu.memory_space<vmem>>, vector<1x32xf32>
    %add3A_19 = vector.broadcast %get3A_18 : vector<1x32xf32> to vector<1024x32xf32>
    %add3A_20 = arith.addf %mul3A, %add3A_19 : vector<1024x32xf32>
    %max3A = arith.constant 0.000000e+00 : f32
    %max3A_21 = vector.broadcast %max3A : f32 to vector<1024x32xf32>
    %max3A_22 = arith.maximumf %add3A_20, %max3A_21 : vector<1024x32xf32>
    %get3A_23 = arith.constant 0 : index
    %get3A_24 = arith.constant 0 : index
    %get3A_25 = vector.load %arg5[%get3A_23, %get3A_24] : memref<1024x32xf32, #tpu.memory_space<vmem>>, vector<1024x32xf32>
    %slice3A = vector.extract_strided_slice %get3A_25 {offsets = [0, 0], sizes = [1024, 20], strides = [1, 1]} : vector<1024x32xf32> to vector<1024x20xf32>
    %get3A_26 = arith.constant 0 : index
    %get3A_27 = arith.constant 0 : index
    %get3A_28 = vector.load %arg6[%get3A_26, %get3A_27] : memref<1024x32xf32, #tpu.memory_space<vmem>>, vector<1024x32xf32>
    %slice3A_29 = vector.extract_strided_slice %get3A_28 {offsets = [0, 0], sizes = [1024, 20], strides = [1, 1]} : vector<1024x32xf32> to vector<1024x20xf32>
    %slice3A_30 = vector.extract_strided_slice %max3A_22 {offsets = [0, 0], sizes = [1024, 20], strides = [1, 1]} : vector<1024x32xf32> to vector<1024x20xf32>
    %broadcast_in_dim3A = arith.constant 0.000000e+00 : f32
    %broadcast_in_dim3A_31 = vector.broadcast %broadcast_in_dim3A : f32 to vector<1024x4xf32>
    %concatenate3A = tpu.concatenate %slice3A, %slice3A_29, %slice3A_30, %broadcast_in_dim3A_31 in 1 : vector<1024x20xf32>, vector<1024x20xf32>, vector<1024x20xf32>, vector<1024x4xf32> -> vector<1024x64xf32>
    %get3A_32 = arith.constant 0 : index
    %get3A_33 = arith.constant 0 : index
    %get3A_34 = vector.load %arg7[%get3A_32, %get3A_33] : memref<64x40xf32, #tpu.memory_space<vmem>>, vector<64x40xf32>
    %dot_general3A = arith.constant dense<0.000000e+00> : vector<1024x40xf32>
    %dot_general3A_35 = tpu.matmul %concatenate3A, %get3A_34, %dot_general3A {dimension_numbers = #tpu.dot_dimension_numbers<[1], [0], [0], [1], [0, 0, 1, 1], [], []>, transpose_lhs_hint = false} : vector<1024x64xf32>, vector<64x40xf32>, vector<1024x40xf32> -> vector<1024x40xf32>
    %get3A_36 = arith.constant 0 : index
    %get3A_37 = arith.constant 0 : index
    %get3A_38 = vector.load %arg8[%get3A_36, %get3A_37] : memref<1x40xf32, #tpu.memory_space<vmem>>, vector<1x40xf32>
    %add3A_39 = vector.broadcast %get3A_38 : vector<1x40xf32> to vector<1024x40xf32>
    %add3A_40 = arith.addf %dot_general3A_35, %add3A_39 : vector<1024x40xf32>
    %reduce_max3A = arith.constant dense<0xFF800000> : vector<1024xf32>
    %reduce_max3A_41 = vector.multi_reduction <maximumf>, %add3A_40, %reduce_max3A [1] : vector<1024x40xf32> to vector<1024xf32>
    %broadcast_in_dim3A_42 = vector.shape_cast %reduce_max3A_41 : vector<1024xf32> to vector<1024x1xf32>
    %sub3A = vector.broadcast %broadcast_in_dim3A_42 : vector<1024x1xf32> to vector<1024x40xf32>
    %sub3A_43 = arith.subf %add3A_40, %sub3A : vector<1024x40xf32>
    %exp3A = math.exp %sub3A_43 : vector<1024x40xf32>
    %reduce_sum3A = arith.constant dense<0.000000e+00> : vector<1024xf32>
    %reduce_sum3A_44 = vector.multi_reduction <add>, %exp3A, %reduce_sum3A [1] : vector<1024x40xf32> to vector<1024xf32>
    %broadcast_in_dim3A_45 = vector.shape_cast %reduce_sum3A_44 : vector<1024xf32> to vector<1024x1xf32>
    %log3A = math.log %broadcast_in_dim3A_45 : vector<1024x1xf32>
    %add3A_46 = arith.addf %log3A, %broadcast_in_dim3A_42 : vector<1024x1xf32>
    %sub3A_47 = vector.broadcast %add3A_46 : vector<1024x1xf32> to vector<1024x40xf32>
    %sub3A_48 = arith.subf %add3A_40, %sub3A_47 : vector<1024x40xf32>
    %swap3A = arith.constant 0 : index
    %swap3A_49 = arith.constant 0 : index
    %swap3A_50 = vector.load %arg9[%swap3A, %swap3A_49] : memref<1024x40xf32, #tpu.memory_space<vmem>>, vector<1024x40xf32>
    tpu.vector_store %arg9[%swap3A, %swap3A_49], %sub3A_48 {strides = array<i32>} : memref<1024x40xf32, #tpu.memory_space<vmem>>, vector<1024x40xf32>,
    return
  }
  func.func @transform_0(%arg0: i32) -> (i32, i32, i32) {
    %c0_i32 = arith.constant 0 : i32
    %c0_i32_0 = arith.constant 0 : i32
    %c0_i32_1 = arith.constant 0 : i32
    return %c0_i32, %arg0, %c0_i32_0 : i32, i32, i32
  }
  func.func @transform_1(%arg0: i32) -> (i32, i32) {
    %c0_i32 = arith.constant 0 : i32
    %c0_i32_0 = arith.constant 0 : i32
    return %arg0, %c0_i32 : i32, i32
  }
  func.func @transform_2(%arg0: i32) -> (i32, i32) {
    %c0_i32 = arith.constant 0 : i32
    %c0_i32_0 = arith.constant 0 : i32
    return %arg0, %c0_i32 : i32, i32
  }
  func.func @transform_3(%arg0: i32) -> (i32, i32) {
    %c0_i32 = arith.constant 0 : i32
    %c0_i32_0 = arith.constant 0 : i32
    %c0_i32_1 = arith.constant 0 : i32
    return %c0_i32, %c0_i32_0 : i32, i32
  }
  func.func @transform_4(%arg0: i32) -> (i32, i32) {
    %c0_i32 = arith.constant 0 : i32
    %c0_i32_0 = arith.constant 0 : i32
    return %arg0, %c0_i32 : i32, i32
  }
  func.func @transform_5(%arg0: i32) -> (i32, i32) {
    %c0_i32 = arith.constant 0 : i32
    %c0_i32_0 = arith.constant 0 : i32
    return %arg0, %c0_i32 : i32, i32
  }
  func.func @transform_6(%arg0: i32) -> (i32, i32) {
    %c0_i32 = arith.constant 0 : i32
    %c0_i32_0 = arith.constant 0 : i32
    %c0_i32_1 = arith.constant 0 : i32
    return %c0_i32, %c0_i32_0 : i32, i32
  }
  func.func @transform_7(%arg0: i32) -> (i32, i32) {
    %c0_i32 = arith.constant 0 : i32
    %c0_i32_0 = arith.constant 0 : i32
    %c0_i32_1 = arith.constant 0 : i32
    return %c0_i32, %c0_i32_0 : i32, i32
  }
  func.func @transform_8(%arg0: i32) -> (i32, i32) {
    %c0_i32 = arith.constant 0 : i32
    %c0_i32_0 = arith.constant 0 : i32
    return %arg0, %c0_i32 : i32, i32
  }
}

</mosaic_0001>

<sc_bundles>
// kernel: kernel.10.cloned.1.call-start
scs
__scs_entry_jumppad:
0x0: {  	(pc) =	sbr.rel $0x88, $3  }
0x1: {  	(tag) =	ssettag $0x0;
	lr =	simm.s32 $0x1  }
0x2: {  	[smem:$0x3F96] =	sst lr;
	_ =	strace $0xD0000000  }
0x3: {  	_ = 	snop  }
0x4: {  	_ = 	snop  }
0x5: {  	_ = 	snop  }
0x6: {  	_ = 	snop  }
0x7: {  	_ = 	snop  }
__scs_overlays_trampoline_lowered:
0x8: {  	[smem:$0x3FA5] =	sst s0  }
0x9: {  	[smem:$0x3FA6] =	sst s1  }
0xa: {  	[smem:$0x3FA7] =	sst s2  }
0xb: {  	[smem:$0x3FA8] =	sst s3  }
0xc: {  	[smem:$0x3FA9] =	sst s4  }
0xd: {  	[smem:$0x3FAA] =	sst s5  }
0xe: {  	[smem:$0x3FAB] =	sst s6  }
0xf: {  	[smem:$0x3FAC] =	sst s7  }
0x10: {  	[smem:$0x3FAD] =	sst s8  }
0x11: {  	[smem:$0x3FAE] =	sst s9;
	s0 =	simm.s32 @!p0 $0x0  }
0x12: {  	s1 =	sld [smem:$0x3F94];
	s0 =	simm.s32 @p0 $0x1  }
0x13: {  	[smem:$0x3FAF] =	sst s0;
	s0 =	simm.s32 @!p1 $0x0  }
0x14: {  	s2 =	sld [smem:$0x3F93];
	s0 =	simm.s32 @p1 $0x1  }
0x15: {  	[smem:$0x3FB0] =	sst s0;
	s0 =	simm.s32 @!p2 $0x0  }
0x16: {  	s3 =	sld [smem:$0x3FDB];
	s0 =	simm.s32 @p2 $0x1  }
0x17: {  	s4 =	simm.s32 $0x1BF5;
	[smem:$0x3FB2] =	sst s0  }
0x18: {  	s0 =	sld [smem:$0x3F95];
	_ =	swait.ge [sflag:s4], $0x0  }
0x19: {  	s7 =	sld [smem:$0x3F96]  }
0x1a: {  	s8 =	sadd.s32 $0xFFFFE003, lr  }
0x1b: {  	s9 =	sadd.s32 $0xFFFFFEF7, lr;
	s5 =	simm.s32 $0xFFFFFFFF;
	p2 =	slt.u32 s8, $0xFFFFF086  }
0x1c: {  	p1 =	slt.u32 s9, $0xF7A;
	s5 =	simm.s32 @!p2 $0x0  }
0x1d: {  	s5 =	simm.s32 @p1 $0x1;
	p0 =	seq.s32 s7, s2  }
0x1e: {  	s7 =	smul.u32 @!p0 $0xF7A, s2;
	p2 =	seq.s32 @!p0 s5, $0x0  }
0x1f: {  	s9 =	smul.u32 $0xF7A, s1;
	s8 =	simm.s32 @!p0 $0x1BF5;
	p2 =	por !p2, p0  }
0x20: {  	[sflag:s8] =	ssyncset.s32 @!p0 $0xFFFFF086;
	s6 =	sadd.s32 @!p0 s3, s7;
	s7 =	simm.s32 @!p0 $0x108  }
0x21: {  	s3 =	sadd.s32 s3, s9;
	s6 =	sadd.s32 @!p0 $0x88, s6;
	s7 =	simm.s32 @p2 $0x1082  }
0x22: {  	[simem:s7], [sflag:s8] =	dma.local @!p0 [hbm:s6], $0xF7A  }
0x23: {  	s9 =	sor.u32 $0xD0000000, s2;
	s6 =	simm.s32 $0x108;
	_ =	swait.ge @!p0 [sflag:s8], $0x0  }
0x24: {  	s3 =	sadd.s32 $0x88, s3;
	s6 =	simm.s32 @!p1 $0x1082;
	[sflag:s4] =	ssyncset.s32 $0xFFFFF086  }
0x25: {  	[simem:s6], [sflag:s4] =	dma.local [hbm:s3], $0xF7A  }
0x26: {  	[smem:$0x3F96] =	sst s1;
	(tag) =	ssettag s2;
	_ =	strace s9  }
0x27: {  	s1 =	sld [smem:$0x3FA6]  }
0x28: {  	s2 =	sld [smem:$0x3FA7]  }
0x29: {  	s4 =	sld [smem:$0x3FA9]  }
0x2a: {  	p0 =	seq.s32 s5, $0x0;
	s5 =	sld [smem:$0x3FAA]  }
0x2b: {  	s6 =	sld [smem:$0x3FAB]  }
0x2c: {  	s7 =	sld [smem:$0x3FAC]  }
0x2d: {  	s3 =	simm.s32 $0x108;
	s8 =	sld [smem:$0x3FAD]  }
0x2e: {  	s3 =	simm.s32 @!p0 $0x1082;
	s9 =	sld [smem:$0x3FAE]  }
0x2f: {  	lr =	sadd.s32 s0, s3;
	s0 =	sld [smem:$0x3FA5]  }
0x30: {  	s3 =	sld [smem:$0x3FA8]  }
0x31: {  	[smem:$0x3FB1] =	sst s10  }
0x32: {  	s10 =	sld [smem:$0x3FAF];
	_ =	sdelay $0x3  }
0x33: {  	p0 =	seq.s32 s10, $0x1;
	s10 =	sld [smem:$0x3FB1];
	_ =	sdelay $0x3  }
0x34: {  	[smem:$0x3FB1] =	sst s10  }
0x35: {  	s10 =	sld [smem:$0x3FB0];
	_ =	sdelay $0x3  }
0x36: {  	p1 =	seq.s32 s10, $0x1;
	s10 =	sld [smem:$0x3FB1];
	_ =	sdelay $0x3  }
0x37: {  	[smem:$0x3FB1] =	sst s10  }
0x38: {  	s10 =	sld [smem:$0x3FB2]  }
0x39: {  	_ = 	snop;
	(pc) =	sbr.ind lr, $3  }
0x3a: {  	_ = 	snop  }
0x3b: {  	_ = 	snop  }
0x3c: {  	p2 =	seq.s32 s10, $0x1;
	s10 =	sld [smem:$0x3FB1]  }
0x3d: {  	_ =	shalt  }
0x3e: {  	_ =	shalt  }
0x3f: {  	_ =	shalt  }
0x40: {  	_ =	shalt  }
0x41: {  	_ =	shalt  }
0x42: {  	_ =	shalt  }
0x43: {  	_ =	shalt  }
0x44: {  	_ =	shalt  }
0x45: {  	_ =	shalt  }
0x46: {  	_ =	shalt  }
0x47: {  	_ =	shalt  }
0x48: {  	_ =	shalt  }
0x49: {  	_ =	shalt  }
0x4a: {  	_ =	shalt  }
0x4b: {  	_ =	shalt  }
0x4c: {  	_ =	shalt  }
0x4d: {  	_ =	shalt  }
0x4e: {  	_ =	shalt  }
0x4f: {  	_ =	shalt  }
0x50: {  	_ =	shalt  }
0x51: {  	_ =	shalt  }
0x52: {  	_ =	shalt  }
0x53: {  	_ =	shalt  }
0x54: {  	_ =	shalt  }
0x55: {  	_ =	shalt  }
0x56: {  	_ =	shalt  }
0x57: {  	_ =	shalt  }
0x58: {  	_ =	shalt  }
0x59: {  	_ =	shalt  }
0x5a: {  	_ =	shalt  }
0x5b: {  	_ =	shalt  }
0x5c: {  	_ =	shalt  }
0x5d: {  	_ =	shalt  }
0x5e: {  	_ =	shalt  }
0x5f: {  	_ =	shalt  }
0x60: {  	_ =	shalt  }
0x61: {  	_ =	shalt  }
0x62: {  	_ =	shalt  }
0x63: {  	_ =	shalt  }
0x64: {  	_ =	shalt  }
0x65: {  	_ =	shalt  }
0x66: {  	_ =	shalt  }
0x67: {  	_ =	shalt  }
0x68: {  	_ =	shalt  }
0x69: {  	_ =	shalt  }
0x6a: {  	_ =	shalt  }
0x6b: {  	_ =	shalt  }
0x6c: {  	_ =	shalt  }
0x6d: {  	_ =	shalt  }
0x6e: {  	_ =	shalt  }
0x6f: {  	_ =	shalt  }
0x70: {  	_ =	shalt  }
0x71: {  	_ =	shalt  }
0x72: {  	_ =	shalt  }
0x73: {  	_ =	shalt  }
0x74: {  	_ =	shalt  }
0x75: {  	_ =	shalt  }
0x76: {  	_ =	shalt  }
0x77: {  	_ =	shalt  }
0x78: {  	_ =	shalt  }
0x79: {  	_ =	shalt  }
0x7a: {  	_ =	shalt  }
0x7b: {  	_ =	shalt  }
0x7c: {  	_ =	shalt  }
0x7d: {  	_ =	shalt  }
0x7e: {  	_ =	shalt  }
0x7f: {  	_ =	shalt  }
0x80: {  	_ =	shalt  }
0x81: {  	_ =	shalt  }
0x82: {  	_ =	shalt  }
0x83: {  	_ =	shalt  }
0x84: {  	_ =	shalt  }
0x85: {  	_ =	shalt  }
0x86: {  	_ =	shalt  }
0x87: {  	_ =	shalt  }
.Lfunc_end0:
.L_simem_size_0:
called_computation_lowered:
.L_overlay_start_0:
0x88: {  	s2 =	sld [smem:$0x3FD9]  }
0x89: {  	s3 =	sld [smem:$0x3FFE];
	_ =	sdelay $0x1  }
0x8a: {  	s1 =	srdreg.scid  }
0x8b: {  	s0 =	sand.u32 $0x1, s1  }
0x8c: {  	s17 =	sshll.u32 s0, $0xA;
	s2 =	sadd.s32 s3, s2  }
0x8d: {  	s2 =	sadd.s32 s2, s17  }
0x8e: {  	[smem:$0x3FBD] =	sst s2  }
0x8f: {  	_ = 	snop  }
0x90: {  	s2 =	sld [smem:$0x3FC7]  }
0x91: {  	s18 =	sld [smem:$0x3FD0];
	(tm) =	ssettm $0x1  }
0x92: {  	s4 =	sld [smem:$0x3FFB];
	_ =	sdelay $0x3  }
0x93: {  	_ =	strace s4  }
0x94: {  	s4 =	sld [smem:$0x3FFC];
	_ =	sdelay $0x3  }
0x95: {  	_ =	strace s4  }
0x96: {  	s4 =	sld [smem:$0x3FFD];
	_ =	sdelay $0x3  }
0x97: {  	_ =	strace s4  }
0x98: {  	_ =	strace $0x8FFFFFFF  }
0x99: {  	s19 =	sld [smem:$0x3FDB];
	_ =	sdelay $0x1  }
0x9a: {  	s5 =	simm.s32 $_scs_section_size  }
0x9b: {  	s6 =	simm.s32 $_size__tile_overlayer_lowered;
	s7 =	simm.s32 $_tile_overlayer_lowered  }
0x9c: {  	s22 =	simm.s32 $0x1BFF;
	s21 =	sshll.u32 s7, $0x1;
	s4 =	sadd.s32 s5, s19  }
0x9d: {  	s8 =	simm.s32 $0x0;
	s20 =	sshll.u32 s6, $0x1;
	s6 =	sadd.s32 s21, s4  }
0x9e: {  	[timem:s8], [sflag:s22] =	dma.local [hbm:s6], s20  }
0x9f: {  	_ =	swait.ge [sflag:s22], s20  }
0xa0: {  	s5 =	ssub.s32 $0x0, s20;
	[sflag:s22] =	ssyncset.done $0x0  }
0xa1: {  	[sflag:s22] =	ssyncadd.s32 s5;
	_ =	sdelay $0x1  }
0xa2: {  	s23 =	simm.s32 $0x1B8B  }
0xa3: {  	_ =	swait.ge [sflag:s23], $0x1  }
0xa4: {  	[sflag:s23] =	ssyncset.done $0x0  }
0xa5: {  	s25 =	simm.s32 $0x1B8E;
	s24 =	sld [smem:$0x3FFE];
	[sflag:s23] =	ssyncadd.s32 $0xFFFFFFFF  }
0xa6: {  	s26 =	simm.s32 $execute0_lowered;
	[smem:$0x3FD2] =	sst s25  }
0xa7: {  	s6 =	sshll.u32 s26, $0x1;
	_ =	strace $0x80000046;
	[dreg:$0x1] =	wrdreg $0xFFFFFFFF  }
0xa8: {  	s28 =	simm.s32 $_size_execute0_lowered;
	s4 =	sadd.s32 s4, s6;
	[dreg:$0x0] =	wrdreg $0x0  }
0xa9: {  	s6 =	sshll.u32 s28, $0x1;
	[dreg:$0x2] =	wrdreg s4  }
0xaa: {  	[dreg:$0x3] =	wrdreg s6  }
0xab: {  	[dreg:$0x4] =	wrdreg $0xC0  }
0xac: {  	_ =	task [dreg:s8], $0x5FFFF  }
0xad: {  	[dreg:$0x1] =	wrdreg $0xFFFFFFFF  }
0xae: {  	[dreg:$0x0] =	wrdreg $0x60  }
0xaf: {  	[dreg:$0x2] =	wrdreg s24  }
0xb0: {  	[dreg:$0x3] =	wrdreg s2  }
0xb1: {  	[dreg:$0x4] =	wrdreg s18  }
0xb2: {  	[dreg:$0x5] =	wrdreg $0x4800  }
0xb3: {  	[dreg:$0x6] =	wrdreg $0x9  }
0xb4: {  	_ =	task.clear_ibuf [dreg:s8], $0x7FFFF;
	_ =	strace $0x90000046  }
0xb5: {  	s29 =	simm.s32 $0x9;
	_ =	strace $0x80000048  }
0xb6: {  	_ =	swait.ge [sflag:s29], $0x1  }
0xb7: {  	[sflag:s29] =	ssyncadd.s32 $0xFFFFFFFF  }
0xb8: {  	_ =	strace $0x90000048  }
0xb9: {  	_ =	sfence  }
0xba: {  	s30 =	sld [smem:$0x0];
	_ =	sdelay $0x2  }
0xbb: {  	s31 =	sshll.u32 s1, $0xD;
	s1 =	sshrl.u32 s1, $0x2  }
0xbc: {  	s3 =	sand.u32 $0x4000, s31;
	s1 =	sadd.s32 s1, s30  }
0xbd: {  	s0 =	sor.u32 s3, s0;
	s1 =	sshll.u32 s1, $0x11  }
0xbe: {  	s0 =	sor.u32 s1, s0  }
0xbf: {  	s0 =	sadd.s32 $0x8F2B, s0  }
0xc0: {  	[sflag:s0] =	ssyncadd.remote.s32 $0x1  }
0xc1: {  	_ =	sfence.sel $0xFFFF  }
0xc2: {  	[dreg:$0x0] =	wrdreg $0xFFFFFFFF;
	(pc) =	sbr.abs _section_cstart, $3  }
0xc3: {  	[dreg:$0x1] =	wrdreg $0xFFFFFFFF  }
0xc4: {  	_ =	task.clear_ibuf [dreg:s8], $0x2FFFF;
	_ =	strace $0x9FFFFFFF  }
0xc5: {  	(tm) =	ssettm $0x7FFFFFFF  }
tec
execute0_lowered:
.L_overlay_start_1:
0x0: {  	(tag) =	ssettag $0x1  }
0x1: {  	s0 =	rddreg [dreg:$0x0]  }
0x2: {  	s1 =	srdreg.scid;
	s12 =	rddreg [dreg:$0x1]  }
0x3: {  	s9 =	rddreg [dreg:$0x2];
	s7 =	stileid.u32  }
0x4: {  	s2 =	rddreg [dreg:$0x3];
	s13 =	simm.s32 $0x50;
	s16 =	simm.s32 $0x5  }
0x5: {  	s17 =	simm.s32 $0x100;
	s18 =	simm.s32 $0x80;
	s19 =	simm.s32 $0x180  }
0x6: {  	s20 =	simm.s32 $0x1;
	s21 =	simm.s32 $0x2;
	s22 =	simm.s32 $0x3  }
0x7: {  	s23 =	simm.s32 $0x4;
	s1 =	sand.u32 $0x1, s1;
	s0 =	sadd.s32 $0x2800, s0  }
0x8: {  	s10 =	smul.u32 $0x280, s7;
	s3 =	sshll.u32 s1, $0x4;
	s25 =	ssub.s32 $0x2, s1  }
0x9: {  	s1 =	smul.u32 $0x500, s1;
	s4 =	sor.u32 s7, s3;
	s3 =	simm.s32 $0x0  }
0xa: {  	s26 =	sshrl.u32 s25, $0x1;
	s24 =	sshrl.u32 s10, $0x3;
	s5 =	smul.u32 $0x4E, s4  }
0xb: {  	[smem:$0x7FF] =	sst s3;
	s6 =	smul.u32 $0x50, s4;
	p0 =	slt.u32 s4, $0x2  }
0xc: {  	s11 =	ssub.s32 s25, s26;
	s1 =	sadd.s32 s9, s1;
	s25 =	simm.s32 $0x0  }
0xd: {  	_ =	strace $0x80000047;
	s13 =	simm.s32 @!p0 $0x4E;
	s4 =	sadd.s32 $0x4, s5  }
0xe: {  	s9 =	smax.u32 s11, $0x1;
	s24 =	sadd.s32 s24, s1;
	s4 =	smov.u32 @p0 s6  }
0xf: {  	s15 =	sshrl.u32 s13, $0x1;
	s11 =	sadd.s32 $0xFFFFFFFD, s13;
	s14 =	sshll.u32 s4, $0x4  }
0x10: {  	s4 =	sadd.s32 s10, s2;
	s10 =	sadd.s32 $0xFFFFFFFE, s13;
	s28 =	sand.u32 $0x1FFFFFE0, s14  }
0x11: {  	s31 =	sadd.s32 s14, s12;
	s29 =	sadd.s32 s0, s28;
	s30 =	sadd.s32 s12, s28  }
0x12: {  	s8 =	sor.u32 $0x10, s28;
	s13 =	sadd.s32 $0x30, s31;
	[dreg:$0x5] =	wrdreg s29  }
0x13: {  	[dreg:$0x6] =	wrdreg s30;
	s7 =	sadd.s32 s0, s8;
	s0 =	sadd.s32 s14, s0  }
0x14: {  	v0 =	vimm.f32 $0.0e+00;
	s8 =	sadd.s32 s12, s8;
	s12 =	sadd.s32 $0xFFFFFFFF, s15;
	s14 =	sadd.s32 $0x30, s0  }
.LBB2_1:
0x15: {  	[tilespmem:$0x200] =	vst v0  }
0x16: {  	[tilespmem:$0x210] =	vst v0  }
0x17: {  	[tilespmem:$0x220] =	vst v0  }
0x18: {  	[tilespmem:$0x230] =	vst v0  }
0x19: {  	[tilespmem:$0x240] =	vst v0  }
0x1a: {  	[tilespmem:$0x250] =	vst v0  }
0x1b: {  	[tilespmem:$0x260] =	vst v0  }
0x1c: {  	[tilespmem:$0x270] =	vst v0  }
0x1d: {  	[tilespmem:$0x280] =	vst v0  }
0x1e: {  	[tilespmem:$0x290] =	vst v0  }
0x1f: {  	[tilespmem:$0x2A0] =	vst v0  }
0x20: {  	[tilespmem:$0x2B0] =	vst v0  }
0x21: {  	[tilespmem:$0x2C0] =	vst v0  }
0x22: {  	[tilespmem:$0x2D0] =	vst v0  }
0x23: {  	[tilespmem:$0x2E0] =	vst v0  }
0x24: {  	[tilespmem:$0x2F0] =	vst v0  }
0x25: {  	[tilespmem:$0x300] =	vst v0  }
0x26: {  	[tilespmem:$0x310] =	vst v0  }
0x27: {  	[tilespmem:$0x320] =	vst v0  }
0x28: {  	[tilespmem:$0x330] =	vst v0  }
0x29: {  	[tilespmem:$0x340] =	vst v0  }
0x2a: {  	[tilespmem:$0x350] =	vst v0  }
0x2b: {  	[tilespmem:$0x360] =	vst v0  }
0x2c: {  	[tilespmem:$0x370] =	vst v0  }
0x2d: {  	[tilespmem:$0x380] =	vst v0  }
0x2e: {  	[tilespmem:$0x390] =	vst v0  }
0x2f: {  	[tilespmem:$0x3A0] =	vst v0  }
0x30: {  	[tilespmem:$0x3B0] =	vst v0  }
0x31: {  	[tilespmem:$0x3C0] =	vst v0  }
0x32: {  	[tilespmem:$0x3D0] =	vst v0  }
0x33: {  	[tilespmem:$0x3E0] =	vst v0  }
0x34: {  	[tilespmem:$0x3F0] =	vst v0  }
0x35: {  	[tilespmem:$0x400] =	vst v0  }
0x36: {  	[tilespmem:$0x410] =	vst v0  }
0x37: {  	[tilespmem:$0x420] =	vst v0  }
0x38: {  	[tilespmem:$0x430] =	vst v0  }
0x39: {  	[tilespmem:$0x440] =	vst v0  }
0x3a: {  	[tilespmem:$0x450] =	vst v0  }
0x3b: {  	[tilespmem:$0x460] =	vst v0  }
0x3c: {  	[tilespmem:$0x470] =	vst v0;
	s0 =	simm.s32 $0x200  }
0x3d: {  	[spmem:s4] =	stream.linear.scatter [tilespmem:s0], [sflag:$0x5], $0x280, $0x38;
	[tilespmem:$0x700] =	vst v63  }
0x3e: {  	_ =	swait.ge [sflag:s16], $0x280  }
0x3f: {  	[sflag:s16] =	ssyncset.done $0x0  }
0x40: {  	[sflag:s16] =	ssyncadd.s32 $0xFFFFFD80  }
0x41: {  	[bflag:$0x0] =	sbarrier.arrive $0xFFFF  }
0x42: {  	s15 =	rddreg [dreg:$0x5]  }
0x43: {  	[tilespmem:s3], [sflag:$0x1] =	stream.linear.gather [hbm4b:s15+s3], $0x80, $0x38;
	[tilespmem:$0x700] =	vst v63  }
0x44: {  	s26 =	rddreg [dreg:$0x6]  }
0x45: {  	[tilespmem:s17], [sflag:$0x1] =	stream.linear.gather [hbm4b:s26+s3], $0x80, $0x38;
	[tilespmem:$0x700] =	vst v63  }
0x46: {  	_ = 	snop  }
0x47: {  	[tilespmem:s18], [sflag:$0x2] =	stream.linear.gather [hbm4b:s7+s3], $0x80, $0x38;
	[tilespmem:$0x700] =	vst v63  }
0x48: {  	_ = 	snop  }
0x49: {  	[tilespmem:s19], [sflag:$0x2] =	stream.linear.gather [hbm4b:s8+s3], $0x80, $0x38;
	[tilespmem:$0x700] =	vst v63  }
0x4a: {  	_ =	swait.ge [sflag:s20], $0x80  }
0x4b: {  	[sflag:s20] =	ssyncset.done $0x0  }
0x4c: {  	[sflag:s20] =	ssyncadd.s32 $0xFFFFFF80  }
0x4d: {  	_ =	swait.ge [sflag:s20], $0x80  }
0x4e: {  	p0 =	sle.u32 s10, $0x0;
	[sflag:s20] =	ssyncset.done $0x0  }
0x4f: {  	s0 =	simm.s32 @!p0 $0x3;
	[sflag:s20] =	ssyncadd.s32 $0xFFFFFF80  }
0x50: {  	[spmem:s2] =	stream.indirect.scatter.add.f32 [tilespmem:s17], [sflag:$0x3], $0x1, s3, s18, $0xb8;
	[tilespmem:$0x700] =	vst v63  }
0x51: {  	_ =	swait.ge @!p0 [sflag:s0], $0x80  }
0x52: {  	[sflag:s0] =	ssyncset.done @!p0 $0x0  }
0x53: {  	s1 =	sadd.s32 @!p0 $0xFFFFFFF0, s14;
	s26 =	simm.s32 @!p0 $0x0;
	[sflag:s0] =	ssyncadd.s32 @!p0 $0xFFFFFF80  }
0x54: {  	[tilespmem:s26], [sflag:$0x1] =	stream.linear.gather @!p0 [hbm4b:s1+s26], $0x80, $0x38;
	[tilespmem:$0x700] =	vst v63  }
0x55: {  	s0 =	sadd.s32 @!p0 $0xFFFFFFF0, s13;
	s1 =	simm.s32 @!p0 $0x100  }
0x56: {  	[tilespmem:s1], [sflag:$0x1] =	stream.linear.gather @!p0 [hbm4b:s0+s26], $0x80, $0x38;
	[tilespmem:$0x700] =	vst v63  }
0x57: {  	_ =	swait.ge [sflag:s21], $0x80  }
0x58: {  	[sflag:s21] =	ssyncset.done $0x0  }
0x59: {  	[sflag:s21] =	ssyncadd.s32 $0xFFFFFF80  }
0x5a: {  	_ =	swait.ge [sflag:s21], $0x80  }
0x5b: {  	p1 =	sle.u32 s11, $0x0;
	s29 =	sadd.s32 $0xFFFFFFFF, s12;
	[sflag:s21] =	ssyncset.done $0x0  }
0x5c: {  	s0 =	simm.s32 @!p1 $0x4;
	p0 =	sne.s32 s29, $0x0;
	[sflag:s21] =	ssyncadd.s32 $0xFFFFFF80  }
0x5d: {  	[spmem:s2] =	stream.indirect.scatter.add.f32 [tilespmem:s19], [sflag:$0x4], $0x1, s18, s18, $0xb8;
	[tilespmem:$0x700] =	vst v63  }
.Ltmp0:
0x5e: {  	_ =	swait.ge @!p1 [sflag:s0], $0x80;
	(pc) =	sbr.rel @!p0 .LBB2_3-.Ltmp0, $4  }
0x5f: {  	s30 =	simm.s32 $0x0;
	s28 =	smov.u32 s13;
	[sflag:s0] =	ssyncset.done @!p1 $0x0  }
0x60: {  	s1 =	simm.s32 @!p1 $0x0;
	s26 =	simm.s32 @!p1 $0x80;
	[sflag:s0] =	ssyncadd.s32 @!p1 $0xFFFFFF80  }
0x61: {  	[tilespmem:s26], [sflag:$0x2] =	stream.linear.gather @!p1 [hbm4b:s14+s1], $0x80, $0x38;
	[tilespmem:$0x700] =	vst v63  }
0x62: {  	s31 =	smov.u32 s13;
	s0 =	simm.s32 @!p1 $0x180;
	s26 =	sadd.s32 $0x20, s14  }
.LBB2_2:
0x63: {  	s29 =	sadd.s32 $0xFFFFFFFF, s29;
	s30 =	sadd.s32 $0x2, s30;
	s28 =	sadd.s32 $0x20, s28  }
0x64: {  	[tilespmem:s0], [sflag:$0x2] =	stream.linear.gather @!p1 [hbm4b:s31+s1], $0x80, $0x38;
	[tilespmem:$0x700] =	vst v63  }
0x65: {  	p0 =	sne.s32 s29, $0x0;
	s31 =	smov.u32 s28;
	_ =	swait.ge [sflag:s20], $0x80  }
0x66: {  	s15 =	smov.u32 s26;
	[sflag:s20] =	ssyncset.done $0x0  }
0x67: {  	[sflag:s20] =	ssyncadd.s32 $0xFFFFFF80  }
0x68: {  	_ =	swait.ge [sflag:s20], $0x80  }
0x69: {  	[sflag:s20] =	ssyncset.done $0x0  }
0x6a: {  	p1 =	sge.u32 s30, s10;
	[sflag:s20] =	ssyncadd.s32 $0xFFFFFF80  }
0x6b: {  	[spmem:s2] =	stream.indirect.scatter.add.f32 [tilespmem:s17], [sflag:$0x3], $0x1, s3, s18, $0xb8;
	[tilespmem:$0x700] =	vst v63  }
0x6c: {  	s0 =	simm.s32 @!p1 $0x3  }
0x6d: {  	_ =	swait.ge @!p1 [sflag:s0], $0x80  }
0x6e: {  	s1 =	sadd.s32 @!p1 $0xFFFFFFF0, s26;
	s5 =	simm.s32 @!p1 $0x0;
	[sflag:s0] =	ssyncset.done @!p1 $0x0  }
0x6f: {  	s6 =	simm.s32 @!p1 $0x100;
	[sflag:s0] =	ssyncadd.s32 @!p1 $0xFFFFFF80;
	s0 =	sadd.s32 @!p1 $0xFFFFFFF0, s28  }
0x70: {  	[tilespmem:s5], [sflag:$0x1] =	stream.linear.gather @!p1 [hbm4b:s1+s5], $0x80, $0x38;
	[tilespmem:$0x700] =	vst v63  }
0x71: {  	_ = 	snop  }
0x72: {  	[tilespmem:s6], [sflag:$0x1] =	stream.linear.gather @!p1 [hbm4b:s0+s5], $0x80, $0x38;
	[tilespmem:$0x700] =	vst v63  }
0x73: {  	_ =	swait.ge [sflag:s21], $0x80  }
0x74: {  	[sflag:s21] =	ssyncset.done $0x0  }
0x75: {  	[sflag:s21] =	ssyncadd.s32 $0xFFFFFF80  }
0x76: {  	_ =	swait.ge [sflag:s21], $0x80  }
0x77: {  	p1 =	sge.u32 s30, s11;
	[sflag:s21] =	ssyncset.done $0x0  }
0x78: {  	s0 =	simm.s32 @!p1 $0x4;
	[sflag:s21] =	ssyncadd.s32 $0xFFFFFF80  }
0x79: {  	[spmem:s2] =	stream.indirect.scatter.add.f32 [tilespmem:s19], [sflag:$0x4], $0x1, s18, s18, $0xb8;
	[tilespmem:$0x700] =	vst v63  }
.Ltmp1:
0x7a: {  	_ = 	snop;
	(pc) =	sbr.rel @p0 .LBB2_2-.Ltmp1, $4  }
0x7b: {  	_ =	swait.ge @!p1 [sflag:s0], $0x80  }
0x7c: {  	s1 =	simm.s32 @!p1 $0x0;
	s5 =	simm.s32 @!p1 $0x80;
	[sflag:s0] =	ssyncset.done @!p1 $0x0  }
0x7d: {  	s26 =	sadd.s32 $0x20, s26;
	[sflag:s0] =	ssyncadd.s32 @!p1 $0xFFFFFF80;
	s0 =	simm.s32 @!p1 $0x180  }
0x7e: {  	[tilespmem:s5], [sflag:$0x2] =	stream.linear.gather @!p1 [hbm4b:s15+s1], $0x80, $0x38;
	[tilespmem:$0x700] =	vst v63  }
.LBB2_3:
0x7f: {  	[tilespmem:s0], [sflag:$0x2] =	stream.linear.gather @!p1 [hbm4b:s31+s1], $0x80, $0x38;
	[tilespmem:$0x700] =	vst v63  }
0x80: {  	_ =	swait.ge [sflag:s20], $0x80  }
0x81: {  	[sflag:s20] =	ssyncset.done $0x0  }
0x82: {  	[sflag:s20] =	ssyncadd.s32 $0xFFFFFF80  }
0x83: {  	s29 =	sadd.s32 $0x2, s30;
	_ =	swait.ge [sflag:s20], $0x80  }
0x84: {  	p0 =	sge.u32 s29, s10;
	[sflag:s20] =	ssyncset.done $0x0  }
0x85: {  	s1 =	simm.s32 @!p0 $0x3;
	[sflag:s20] =	ssyncadd.s32 $0xFFFFFF80  }
0x86: {  	[spmem:s2] =	stream.indirect.scatter.add.f32 [tilespmem:s17], [sflag:$0x3], $0x1, s3, s18, $0xb8;
	[tilespmem:$0x700] =	vst v63  }
0x87: {  	_ =	swait.ge @!p0 [sflag:s1], $0x80  }
0x88: {  	s5 =	sadd.s32 $0x20, s28;
	[sflag:s1] =	ssyncset.done @!p0 $0x0  }
0x89: {  	s6 =	simm.s32 @!p0 $0x0;
	[sflag:s1] =	ssyncadd.s32 @!p0 $0xFFFFFF80;
	s1 =	sadd.s32 @!p0 $0xFFFFFFF0, s26  }
0x8a: {  	[tilespmem:s6], [sflag:$0x1] =	stream.linear.gather @!p0 [hbm4b:s1+s6], $0x80, $0x38;
	[tilespmem:$0x700] =	vst v63  }
0x8b: {  	s15 =	simm.s32 @!p0 $0x100;
	s1 =	sadd.s32 @!p0 $0xFFFFFFF0, s5  }
0x8c: {  	[tilespmem:s15], [sflag:$0x1] =	stream.linear.gather @!p0 [hbm4b:s1+s6], $0x80, $0x38;
	[tilespmem:$0x700] =	vst v63  }
0x8d: {  	_ =	swait.ge [sflag:s21], $0x80  }
0x8e: {  	[sflag:s21] =	ssyncset.done $0x0  }
0x8f: {  	[sflag:s21] =	ssyncadd.s32 $0xFFFFFF80  }
0x90: {  	_ =	swait.ge [sflag:s21], $0x80  }
0x91: {  	p0 =	sge.u32 s29, s11;
	[sflag:s21] =	ssyncset.done $0x0  }
0x92: {  	s0 =	simm.s32 @!p0 $0x4;
	[sflag:s21] =	ssyncadd.s32 $0xFFFFFF80  }
0x93: {  	[spmem:s2] =	stream.indirect.scatter.add.f32 [tilespmem:s19], [sflag:$0x4], $0x1, s18, s18, $0xb8;
	[tilespmem:$0x700] =	vst v63  }
0x94: {  	_ =	swait.ge @!p0 [sflag:s0], $0x80  }
0x95: {  	[sflag:s0] =	ssyncset.done @!p0 $0x0  }
0x96: {  	s1 =	simm.s32 @!p0 $0x80;
	[sflag:s0] =	ssyncadd.s32 @!p0 $0xFFFFFF80;
	s0 =	simm.s32 @!p0 $0x0  }
0x97: {  	[tilespmem:s1], [sflag:$0x2] =	stream.linear.gather @!p0 [hbm4b:s26+s0], $0x80, $0x38;
	[tilespmem:$0x700] =	vst v63  }
0x98: {  	s1 =	simm.s32 @!p0 $0x180  }
0x99: {  	[tilespmem:s1], [sflag:$0x2] =	stream.linear.gather @!p0 [hbm4b:s5+s0], $0x80, $0x38;
	[tilespmem:$0x700] =	vst v63  }
0x9a: {  	_ =	swait.ge [sflag:s22], $0x80  }
0x9b: {  	[sflag:s22] =	ssyncset.done $0x0  }
0x9c: {  	[sflag:s22] =	ssyncadd.s32 $0xFFFFFF80  }
0x9d: {  	s30 =	stileid.u32;
	_ =	swait.ge [sflag:s23], $0x80  }
0x9e: {  	s31 =	sshrl.u32 s4, $0x3;
	s25 =	sadd.s32 $0x1, s25;
	[sflag:s23] =	ssyncset.done $0x0  }
0x9f: {  	s0 =	sshll.u32 s30, $0x6;
	p0 =	sne.s32 s25, s9;
	[sflag:s23] =	ssyncadd.s32 $0xFFFFFF80  }
.Ltmp2:
0xa0: {  	s0 =	sor.u32 $0x1C05, s0;
	[bflag:$0x0] =	sbarrier.arrive $0xFFFF;
	(pc) =	sbr.rel @p0 .LBB2_1-.Ltmp2, $4  }
0xa1: {  	[hbm:s24], [sflag:s0] =	dma.local [spmem:s31], $0x50  }
0xa2: {  	_ =	swait.ge [sflag:s16], $0x50  }
0xa3: {  	[sflag:s16] =	ssyncset.done $0x0  }
0xa4: {  	[sflag:s16] =	ssyncadd.s32 $0xFFFFFFB0  }
0xa5: {  	_ =	sfence.sel $0x180000  }
0xa6: {  	[bflag:$0x0] =	sbarrier.arrive $0xFFFF  }
0xa7: {  	_ =	strace $0x90000047  }
0xa8: {  	s0 =	stileid.u32;
	[bflag:$0x2] =	sbarrier.arrive $0xFFFF  }
0xa9: {  	p0 =	sne.s32 s0, $0x0;
	s0 =	rddreg [dreg:$0x4]  }
0xaa: {  	s0 =	sadd.s32 @!p0 $0x100000, s0  }
0xab: {  	[sflag:s0] =	ssyncadd.tile.s32 @!p0 $0x1;
	_ =	shalt  }
.Lfunc_end2:
_tile_overlayer_lowered:
.L_overlay_start_2:
0xac: {  	(tag) =	ssettag $0x2  }
0xad: {  	s0 =	rddreg [dreg:$0x0];
	s2 =	stileid.u32  }
0xae: {  	s1 =	rddreg [dreg:$0x1];
	p0 =	sne.s32 s2, $0x0  }
0xaf: {  	s3 =	rddreg [dreg:$0x2];
	[bflag:$0x3] =	sbarrier.arrive $0xFFFF;
	s2 =	simm.s32 @!p0 $0x1C05  }
0xb0: {  	[timem:s3], [sflag:s2] =	dma.local @!p0 [hbm:s0], s1  }
0xb1: {  	s0 =	simm.s32 @!p0 $0x5  }
0xb2: {  	_ =	swait.ge @!p0 [sflag:s0], s1  }
0xb3: {  	s1 =	ssub.s32 @!p0 $0x0, s1;
	[sflag:s0] =	ssyncset.done @!p0 $0x0  }
0xb4: {  	[sflag:s0] =	ssyncadd.s32 @!p0 s1  }
0xb5: {  	[bflag:$0x3] =	sbarrier.arrive $0xFFFF  }
0xb6: {  	_ =	shalt  }

// kernel: kernel.13.cloned.1.call-start
scs
__scs_entry_jumppad:
0x0: {  	(pc) =	sbr.rel $0x88, $3  }
0x1: {  	(tag) =	ssettag $0x0;
	lr =	simm.s32 $0x1  }
0x2: {  	[smem:$0x3F96] =	sst lr;
	_ =	strace $0xD0000000  }
0x3: {  	_ = 	snop  }
0x4: {  	_ = 	snop  }
0x5: {  	_ = 	snop  }
0x6: {  	_ = 	snop  }
0x7: {  	_ = 	snop  }
__scs_overlays_trampoline_lowered:
0x8: {  	[smem:$0x3FA5] =	sst s0  }
0x9: {  	[smem:$0x3FA6] =	sst s1  }
0xa: {  	[smem:$0x3FA7] =	sst s2  }
0xb: {  	[smem:$0x3FA8] =	sst s3  }
0xc: {  	[smem:$0x3FA9] =	sst s4  }
0xd: {  	[smem:$0x3FAA] =	sst s5  }
0xe: {  	[smem:$0x3FAB] =	sst s6  }
0xf: {  	[smem:$0x3FAC] =	sst s7  }
0x10: {  	[smem:$0x3FAD] =	sst s8  }
0x11: {  	[smem:$0x3FAE] =	sst s9;
	s0 =	simm.s32 @!p0 $0x0  }
0x12: {  	s1 =	sld [smem:$0x3F94];
	s0 =	simm.s32 @p0 $0x1  }
0x13: {  	[smem:$0x3FAF] =	sst s0;
	s0 =	simm.s32 @!p1 $0x0  }
0x14: {  	s2 =	sld [smem:$0x3F93];
	s0 =	simm.s32 @p1 $0x1  }
0x15: {  	[smem:$0x3FB0] =	sst s0;
	s0 =	simm.s32 @!p2 $0x0  }
0x16: {  	s3 =	sld [smem:$0x3FDB];
	s0 =	simm.s32 @p2 $0x1  }
0x17: {  	s4 =	simm.s32 $0x1BF5;
	[smem:$0x3FB2] =	sst s0  }
0x18: {  	s0 =	sld [smem:$0x3F95];
	_ =	swait.ge [sflag:s4], $0x0  }
0x19: {  	s7 =	sld [smem:$0x3F96]  }
0x1a: {  	s8 =	sadd.s32 $0xFFFFE003, lr  }
0x1b: {  	s9 =	sadd.s32 $0xFFFFFEF7, lr;
	s5 =	simm.s32 $0xFFFFFFFF;
	p2 =	slt.u32 s8, $0xFFFFF086  }
0x1c: {  	p1 =	slt.u32 s9, $0xF7A;
	s5 =	simm.s32 @!p2 $0x0  }
0x1d: {  	s5 =	simm.s32 @p1 $0x1;
	p0 =	seq.s32 s7, s2  }
0x1e: {  	s7 =	smul.u32 @!p0 $0xF7A, s2;
	p2 =	seq.s32 @!p0 s5, $0x0  }
0x1f: {  	s9 =	smul.u32 $0xF7A, s1;
	s8 =	simm.s32 @!p0 $0x1BF5;
	p2 =	por !p2, p0  }
0x20: {  	[sflag:s8] =	ssyncset.s32 @!p0 $0xFFFFF086;
	s6 =	sadd.s32 @!p0 s3, s7;
	s7 =	simm.s32 @!p0 $0x108  }
0x21: {  	s3 =	sadd.s32 s3, s9;
	s6 =	sadd.s32 @!p0 $0x88, s6;
	s7 =	simm.s32 @p2 $0x1082  }
0x22: {  	[simem:s7], [sflag:s8] =	dma.local @!p0 [hbm:s6], $0xF7A  }
0x23: {  	s9 =	sor.u32 $0xD0000000, s2;
	s6 =	simm.s32 $0x108;
	_ =	swait.ge @!p0 [sflag:s8], $0x0  }
0x24: {  	s3 =	sadd.s32 $0x88, s3;
	s6 =	simm.s32 @!p1 $0x1082;
	[sflag:s4] =	ssyncset.s32 $0xFFFFF086  }
0x25: {  	[simem:s6], [sflag:s4] =	dma.local [hbm:s3], $0xF7A  }
0x26: {  	[smem:$0x3F96] =	sst s1;
	(tag) =	ssettag s2;
	_ =	strace s9  }
0x27: {  	s1 =	sld [smem:$0x3FA6]  }
0x28: {  	s2 =	sld [smem:$0x3FA7]  }
0x29: {  	s4 =	sld [smem:$0x3FA9]  }
0x2a: {  	p0 =	seq.s32 s5, $0x0;
	s5 =	sld [smem:$0x3FAA]  }
0x2b: {  	s6 =	sld [smem:$0x3FAB]  }
0x2c: {  	s7 =	sld [smem:$0x3FAC]  }
0x2d: {  	s3 =	simm.s32 $0x108;
	s8 =	sld [smem:$0x3FAD]  }
0x2e: {  	s3 =	simm.s32 @!p0 $0x1082;
	s9 =	sld [smem:$0x3FAE]  }
0x2f: {  	lr =	sadd.s32 s0, s3;
	s0 =	sld [smem:$0x3FA5]  }
0x30: {  	s3 =	sld [smem:$0x3FA8]  }
0x31: {  	[smem:$0x3FB1] =	sst s10  }
0x32: {  	s10 =	sld [smem:$0x3FAF];
	_ =	sdelay $0x3  }
0x33: {  	p0 =	seq.s32 s10, $0x1;
	s10 =	sld [smem:$0x3FB1];
	_ =	sdelay $0x3  }
0x34: {  	[smem:$0x3FB1] =	sst s10  }
0x35: {  	s10 =	sld [smem:$0x3FB0];
	_ =	sdelay $0x3  }
0x36: {  	p1 =	seq.s32 s10, $0x1;
	s10 =	sld [smem:$0x3FB1];
	_ =	sdelay $0x3  }
0x37: {  	[smem:$0x3FB1] =	sst s10  }
0x38: {  	s10 =	sld [smem:$0x3FB2]  }
0x39: {  	_ = 	snop;
	(pc) =	sbr.ind lr, $3  }
0x3a: {  	_ = 	snop  }
0x3b: {  	_ = 	snop  }
0x3c: {  	p2 =	seq.s32 s10, $0x1;
	s10 =	sld [smem:$0x3FB1]  }
0x3d: {  	_ =	shalt  }
0x3e: {  	_ =	shalt  }
0x3f: {  	_ =	shalt  }
0x40: {  	_ =	shalt  }
0x41: {  	_ =	shalt  }
0x42: {  	_ =	shalt  }
0x43: {  	_ =	shalt  }
0x44: {  	_ =	shalt  }
0x45: {  	_ =	shalt  }
0x46: {  	_ =	shalt  }
0x47: {  	_ =	shalt  }
0x48: {  	_ =	shalt  }
0x49: {  	_ =	shalt  }
0x4a: {  	_ =	shalt  }
0x4b: {  	_ =	shalt  }
0x4c: {  	_ =	shalt  }
0x4d: {  	_ =	shalt  }
0x4e: {  	_ =	shalt  }
0x4f: {  	_ =	shalt  }
0x50: {  	_ =	shalt  }
0x51: {  	_ =	shalt  }
0x52: {  	_ =	shalt  }
0x53: {  	_ =	shalt  }
0x54: {  	_ =	shalt  }
0x55: {  	_ =	shalt  }
0x56: {  	_ =	shalt  }
0x57: {  	_ =	shalt  }
0x58: {  	_ =	shalt  }
0x59: {  	_ =	shalt  }
0x5a: {  	_ =	shalt  }
0x5b: {  	_ =	shalt  }
0x5c: {  	_ =	shalt  }
0x5d: {  	_ =	shalt  }
0x5e: {  	_ =	shalt  }
0x5f: {  	_ =	shalt  }
0x60: {  	_ =	shalt  }
0x61: {  	_ =	shalt  }
0x62: {  	_ =	shalt  }
0x63: {  	_ =	shalt  }
0x64: {  	_ =	shalt  }
0x65: {  	_ =	shalt  }
0x66: {  	_ =	shalt  }
0x67: {  	_ =	shalt  }
0x68: {  	_ =	shalt  }
0x69: {  	_ =	shalt  }
0x6a: {  	_ =	shalt  }
0x6b: {  	_ =	shalt  }
0x6c: {  	_ =	shalt  }
0x6d: {  	_ =	shalt  }
0x6e: {  	_ =	shalt  }
0x6f: {  	_ =	shalt  }
0x70: {  	_ =	shalt  }
0x71: {  	_ =	shalt  }
0x72: {  	_ =	shalt  }
0x73: {  	_ =	shalt  }
0x74: {  	_ =	shalt  }
0x75: {  	_ =	shalt  }
0x76: {  	_ =	shalt  }
0x77: {  	_ =	shalt  }
0x78: {  	_ =	shalt  }
0x79: {  	_ =	shalt  }
0x7a: {  	_ =	shalt  }
0x7b: {  	_ =	shalt  }
0x7c: {  	_ =	shalt  }
0x7d: {  	_ =	shalt  }
0x7e: {  	_ =	shalt  }
0x7f: {  	_ =	shalt  }
0x80: {  	_ =	shalt  }
0x81: {  	_ =	shalt  }
0x82: {  	_ =	shalt  }
0x83: {  	_ =	shalt  }
0x84: {  	_ =	shalt  }
0x85: {  	_ =	shalt  }
0x86: {  	_ =	shalt  }
0x87: {  	_ =	shalt  }
.Lfunc_end0:
.L_simem_size_0:
called_computation.1_lowered:
.L_overlay_start_0:
0x88: {  	s2 =	sld [smem:$0x3FD9]  }
0x89: {  	s3 =	sld [smem:$0x3FFE];
	_ =	sdelay $0x1  }
0x8a: {  	s1 =	srdreg.scid  }
0x8b: {  	s0 =	sand.u32 $0x1, s1  }
0x8c: {  	s17 =	sshll.u32 s0, $0xA;
	s2 =	sadd.s32 s3, s2  }
0x8d: {  	s2 =	sadd.s32 s2, s17  }
0x8e: {  	[smem:$0x3FBD] =	sst s2  }
0x8f: {  	_ = 	snop  }
0x90: {  	s2 =	sld [smem:$0x3FC7]  }
0x91: {  	s18 =	sld [smem:$0x3FD0];
	(tm) =	ssettm $0x1  }
0x92: {  	s4 =	sld [smem:$0x3FFB];
	_ =	sdelay $0x3  }
0x93: {  	_ =	strace s4  }
0x94: {  	s4 =	sld [smem:$0x3FFC];
	_ =	sdelay $0x3  }
0x95: {  	_ =	strace s4  }
0x96: {  	s4 =	sld [smem:$0x3FFD];
	_ =	sdelay $0x3  }
0x97: {  	_ =	strace s4  }
0x98: {  	_ =	strace $0x8FFFFFFF  }
0x99: {  	s19 =	sld [smem:$0x3FDB];
	_ =	sdelay $0x1  }
0x9a: {  	s5 =	simm.s32 $_scs_section_size  }
0x9b: {  	s6 =	simm.s32 $_size__tile_overlayer_lowered;
	s7 =	simm.s32 $_tile_overlayer_lowered  }
0x9c: {  	s22 =	simm.s32 $0x1BFF;
	s21 =	sshll.u32 s7, $0x1;
	s4 =	sadd.s32 s5, s19  }
0x9d: {  	s8 =	simm.s32 $0x0;
	s20 =	sshll.u32 s6, $0x1;
	s6 =	sadd.s32 s21, s4  }
0x9e: {  	[timem:s8], [sflag:s22] =	dma.local [hbm:s6], s20  }
0x9f: {  	_ =	swait.ge [sflag:s22], s20  }
0xa0: {  	s5 =	ssub.s32 $0x0, s20;
	[sflag:s22] =	ssyncset.done $0x0  }
0xa1: {  	[sflag:s22] =	ssyncadd.s32 s5;
	_ =	sdelay $0x1  }
0xa2: {  	s23 =	simm.s32 $0x1B8B  }
0xa3: {  	_ =	swait.ge [sflag:s23], $0x1  }
0xa4: {  	[sflag:s23] =	ssyncset.done $0x0  }
0xa5: {  	s25 =	simm.s32 $0x1B8E;
	s24 =	sld [smem:$0x3FFE];
	[sflag:s23] =	ssyncadd.s32 $0xFFFFFFFF  }
0xa6: {  	s26 =	simm.s32 $execute0_lowered;
	[smem:$0x3FD2] =	sst s25  }
0xa7: {  	s6 =	sshll.u32 s26, $0x1;
	_ =	strace $0x80000049;
	[dreg:$0x1] =	wrdreg $0xFFFFFFFF  }
0xa8: {  	s28 =	simm.s32 $_size_execute0_lowered;
	s4 =	sadd.s32 s4, s6;
	[dreg:$0x0] =	wrdreg $0x0  }
0xa9: {  	s6 =	sshll.u32 s28, $0x1;
	[dreg:$0x2] =	wrdreg s4  }
0xaa: {  	[dreg:$0x3] =	wrdreg s6  }
0xab: {  	[dreg:$0x4] =	wrdreg $0xC0  }
0xac: {  	_ =	task [dreg:s8], $0x5FFFF  }
0xad: {  	[dreg:$0x1] =	wrdreg $0xFFFFFFFF  }
0xae: {  	[dreg:$0x0] =	wrdreg $0x60  }
0xaf: {  	[dreg:$0x2] =	wrdreg s24  }
0xb0: {  	[dreg:$0x3] =	wrdreg s2  }
0xb1: {  	[dreg:$0x4] =	wrdreg s18  }
0xb2: {  	[dreg:$0x5] =	wrdreg $0x73000  }
0xb3: {  	[dreg:$0x6] =	wrdreg $0x9  }
0xb4: {  	_ =	task.clear_ibuf [dreg:s8], $0x7FFFF;
	_ =	strace $0x90000049  }
0xb5: {  	s29 =	simm.s32 $0x9;
	_ =	strace $0x8000004B  }
0xb6: {  	_ =	swait.ge [sflag:s29], $0x1  }
0xb7: {  	[sflag:s29] =	ssyncadd.s32 $0xFFFFFFFF  }
0xb8: {  	_ =	strace $0x9000004B  }
0xb9: {  	_ =	sfence  }
0xba: {  	s30 =	sld [smem:$0x0];
	_ =	sdelay $0x2  }
0xbb: {  	s31 =	sshll.u32 s1, $0xD;
	s1 =	sshrl.u32 s1, $0x2  }
0xbc: {  	s3 =	sand.u32 $0x4000, s31;
	s1 =	sadd.s32 s1, s30  }
0xbd: {  	s0 =	sor.u32 s3, s0;
	s1 =	sshll.u32 s1, $0x11  }
0xbe: {  	s0 =	sor.u32 s1, s0  }
0xbf: {  	s0 =	sadd.s32 $0x8F2B, s0  }
0xc0: {  	[sflag:s0] =	ssyncadd.remote.s32 $0x1  }
0xc1: {  	_ =	sfence.sel $0xFFFF  }
0xc2: {  	[dreg:$0x0] =	wrdreg $0xFFFFFFFF;
	(pc) =	sbr.abs _section_cstart, $3  }
0xc3: {  	[dreg:$0x1] =	wrdreg $0xFFFFFFFF  }
0xc4: {  	_ =	task.clear_ibuf [dreg:s8], $0x2FFFF;
	_ =	strace $0x9FFFFFFF  }
0xc5: {  	(tm) =	ssettm $0x7FFFFFFF  }
tec
execute0_lowered:
.L_overlay_start_1:
0x0: {  	(tag) =	ssettag $0x1  }
0x1: {  	s0 =	rddreg [dreg:$0x0]  }
0x2: {  	s1 =	rddreg [dreg:$0x1]  }
0x3: {  	s2 =	rddreg [dreg:$0x2]  }
0x4: {  	s3 =	rddreg [dreg:$0x3]  }
0x5: {  	s4 =	srdreg.scid;
	s5 =	simm.s32 $0x0;
	s13 =	stileid.u32  }
0x6: {  	s28 =	simm.s32 $0x1;
	s29 =	simm.s32 $0x100;
	s30 =	simm.s32 $0x300  }
0x7: {  	s31 =	simm.s32 $0x5;
	s4 =	sand.u32 $0x1, s4;
	[smem:$0x7FF] =	sst s5  }
0x8: {  	s7 =	sadd.s32 $0x2800, s0;
	s20 =	smul.u32 $0x5000, s13;
	s17 =	sadd.s32 $0x2810, s0  }
0x9: {  	s6 =	sshll.u32 s4, $0x4;
	s9 =	smul.u32 $0xA000, s4;
	_ =	strace $0x8000004A  }
0xa: {  	s4 =	ssub.s32 $0x2, s4;
	s8 =	sor.u32 s13, s6;
	s6 =	sadd.s32 $0xC600, s0  }
0xb: {  	s12 =	sshrl.u32 s4, $0x1;
	s14 =	sadd.s32 s20, s3;
	s10 =	smul.u32 $0x4E, s8  }
0xc: {  	s26 =	sshrl.u32 s20, $0x3;
	s11 =	smul.u32 $0x50, s8;
	p0 =	slt.u32 s8, $0x2  }
0xd: {  	s19 =	sadd.s32 s9, s0;
	s9 =	simm.s32 $0x50;
	s4 =	ssub.s32 s4, s12  }
0xe: {  	[dreg:$0x5] =	wrdreg s14;
	s9 =	simm.s32 @!p0 $0x4E;
	s25 =	sadd.s32 $0x16400, s19  }
0xf: {  	s4 =	smax.u32 s4, $0x1;
	s8 =	sadd.s32 $0x4, s10;
	s16 =	sshrl.u32 s9, $0x1  }
0x10: {  	[dreg:$0xb] =	wrdreg s4;
	s19 =	sadd.s32 $0xFFFFFFFE, s9;
	s8 =	smov.u32 @p0 s11  }
0x11: {  	s20 =	sadd.s32 $0xFFFFFFFD, s9;
	s0 =	sadd.s32 s26, s25;
	s21 =	sshll.u32 s8, $0x4  }
0x12: {  	s25 =	simm.s32 $0x80;
	s26 =	simm.s32 $0x280;
	s22 =	sand.u32 $0x1FFFFFE0, s21  }
0x13: {  	s4 =	simm.s32 $0x180;
	[dreg:$0xc] =	wrdreg s0;
	s13 =	sadd.s32 s6, s22  }
0x14: {  	s0 =	simm.s32 $0x3;
	s15 =	sadd.s32 s1, s22;
	[dreg:$0x6] =	wrdreg s13  }
0x15: {  	s23 =	sor.u32 $0x10, s22;
	s12 =	sadd.s32 s7, s22;
	[dreg:$0x7] =	wrdreg s15  }
0x16: {  	s11 =	simm.s32 $0x1300;
	s24 =	sadd.s32 s6, s23;
	[dreg:$0xa] =	wrdreg s12  }
0x17: {  	s21 =	simm.s32 $0x4;
	s13 =	sadd.s32 s1, s23;
	[dreg:$0x8] =	wrdreg s24  }
0x18: {  	v0 =	vimm.f32 $0.0e+00;
	s23 =	simm.s32 $0x200;
	[dreg:$0x9] =	wrdreg s13;
	s13 =	simm.s32 $0x9  }
.LBB2_1:
0x19: {  	s10 =	simm.s32 $0x2340  }
0x1a: {  	[tilespmem:s10+$0xFFFFFFC0] =	vst v0  }
0x1b: {  	[tilespmem:s10+$0x30] =	vst v0  }
0x1c: {  	[tilespmem:s10+$0x20] =	vst v0  }
0x1d: {  	[tilespmem:s10+$0x10] =	vst v0  }
0x1e: {  	[tilespmem:s10+$0x0] =	vst v0  }
0x1f: {  	[tilespmem:s10+$0xFFFFFFF0] =	vst v0  }
0x20: {  	s12 =	simm.s32 $0x0;
	[tilespmem:s10+$0xFFFFFFE0] =	vst v0  }
.LBB2_2:
0x21: {  	s12 =	sadd.s32 $0x4, s12;
	[tilespmem:s10+$0xFFFFFFD0] =	vst v0;
	s10 =	sadd.s32 $0x80, s10  }
0x22: {  	[tilespmem:s10+$0xFFFFFFC0] =	vst v0;
	p0 =	slt.u32 s12, $0x27C  }
0x23: {  	[tilespmem:s10+$0x30] =	vst v0  }
.Ltmp0:
0x24: {  	[tilespmem:s10+$0x20] =	vst v0;
	(pc) =	sbr.rel @p0 .LBB2_2-.Ltmp0, $4  }
0x25: {  	[tilespmem:s10+$0x10] =	vst v0  }
0x26: {  	[tilespmem:s10+$0x0] =	vst v0  }
0x27: {  	[tilespmem:s10+$0xFFFFFFF0] =	vst v0  }
0x28: {  	[tilespmem:s10+$0xFFFFFFE0] =	vst v0  }
0x29: {  	[tilespmem:s10+$0xFFFFFFD0] =	vst v0;
	s12 =	simm.s32 $0x2300  }
0x2a: {  	[spmem:s14] =	stream.linear.scatter [tilespmem:s12], [sflag:$0x9], $0x5000, $0x38;
	[tilespmem:$0xC300] =	vst v63  }
0x2b: {  	_ =	swait.ge [sflag:s13], $0x5000  }
0x2c: {  	[sflag:s13] =	ssyncset.done $0x0  }
0x2d: {  	[sflag:s13] =	ssyncadd.s32 $0xFFFFB000  }
0x2e: {  	[bflag:$0x0] =	sbarrier.arrive $0xFFFF  }
0x2f: {  	s14 =	simm.s32 $0x0;
	s13 =	rddreg [dreg:$0x6]  }
0x30: {  	[tilespmem:s14], [sflag:$0x1] =	stream.linear.gather [hbm4b:s13+s14], $0x80, $0x38;
	[tilespmem:$0xC300] =	vst v63  }
0x31: {  	s15 =	rddreg [dreg:$0x7]  }
0x32: {  	[tilespmem:s23], [sflag:$0x1] =	stream.linear.gather [hbm4b:s15+s14], $0x80, $0x38;
	[tilespmem:$0xC300] =	vst v63  }
0x33: {  	s18 =	rddreg [dreg:$0x8]  }
0x34: {  	[tilespmem:s25], [sflag:$0x2] =	stream.linear.gather [hbm4b:s18+s14], $0x80, $0x38;
	[tilespmem:$0xC300] =	vst v63  }
0x35: {  	s22 =	rddreg [dreg:$0x9]  }
0x36: {  	[tilespmem:s26], [sflag:$0x2] =	stream.linear.gather [hbm4b:s22+s14], $0x80, $0x38;
	[tilespmem:$0xC300] =	vst v63  }
0x37: {  	_ =	swait.ge [sflag:s28], $0x80  }
0x38: {  	[sflag:s28] =	ssyncset.done $0x0  }
0x39: {  	[sflag:s28] =	ssyncadd.s32 $0xFFFFFF80  }
0x3a: {  	_ =	swait.ge [sflag:s28], $0x80  }
0x3b: {  	[sflag:s28] =	ssyncset.done $0x0  }
0x3c: {  	s24 =	rddreg [dreg:$0xa];
	[sflag:s28] =	ssyncadd.s32 $0xFFFFFF80  }
0x3d: {  	[tilespmem:s29], [sflag:$0x3] =	stream.linear.gather [hbm4b:s24+s14], $0x80, $0x38;
	[tilespmem:$0xC300] =	vst v63  }
0x3e: {  	s15 =	simm.s32 $0x0  }
0x3f: {  	[tilespmem:s30], [sflag:$0x5] =	stream.indirect.gather [hbm4b:s2+s25], $0x20, s14, s25, $0xb8;
	[tilespmem:$0xC300] =	vst v63  }
.LBB2_4:
0x40: {  	_ =	swait.ge [sflag:s31], $0x1000;
	s18 =	sshllo.u32 s15, $0x1  }
0x41: {  	[sflag:s31] =	ssyncset.done $0x0;
	p0 =	sge.u32 s18, s9  }
0x42: {  	[sflag:s31] =	ssyncadd.s32 $0xFFFFF000;
	s10 =	simm.s32 @!p0 $0x2  }
0x43: {  	_ =	swait.ge @!p0 [sflag:s10], $0x80  }
0x44: {  	[sflag:s10] =	ssyncset.done @!p0 $0x0  }
0x45: {  	[sflag:s10] =	ssyncadd.s32 @!p0 $0xFFFFFF80  }
0x46: {  	p1 =	seq.s32 @!p0 s15, $0x0;
	_ =	swait.ge @!p0 [sflag:s10], $0x80  }
0x47: {  	p1 =	por p1, p0;
	[sflag:s10] =	ssyncset.done @!p0 $0x0  }
0x48: {  	[sflag:s10] =	ssyncadd.s32 @!p0 $0xFFFFFF80;
	s10 =	simm.s32 @!p1 $0x8  }
0x49: {  	_ =	swait.ge @!p1 [sflag:s10], $0x1000  }
0x4a: {  	s24 =	sshll.u32 s15, $0x1;
	v1 =	vmov s14;
	[sflag:s10] =	ssyncset.done @!p1 $0x0  }
0x4b: {  	v1 =	vand.u32 $0xFFFFFFFC, v1;
	s12 =	simm.s32 @!p0 $0x1300;
	[sflag:s10] =	ssyncadd.s32 @!p1 $0xFFFFF000;
	s10 =	simm.s32 @!p0 $0x80  }
0x4c: {  	v1 =	vbroadcast v1, $0x0;
	[tilespmem:s12], [sflag:$0x6] =	stream.indirect.gather @!p0 [hbm4b:s2+s10], $0x20, s10, s10, $0xb8;
	[tilespmem:$0xC300] =	vst v63  }
0x4d: {  	s10 =	sadd.s32 @!p0 s8, s24  }
0x4e: {  	s10 =	sshll.u32 @!p0 s10, $0x4  }
0x4f: {  	s10 =	sand.u32 @!p0 $0x1FFFFFE0, s10  }
0x50: {  	s13 =	simm.s32 @!p0 $0x180;
	s12 =	simm.s32 @!p0 $0x0;
	s10 =	sadd.s32 @!p0 s10, s17  }
0x51: {  	[tilespmem:s13], [sflag:$0x4] =	stream.linear.gather @!p0 [hbm4b:s10+s12], $0x80, $0x38;
	[tilespmem:$0xC300] =	vst v63  }
0x52: {  	s12 =	simm.s32 $0x340;
	v1 =	vld.idx.msk [tilespmem:v1+s23+$0x0], $0xffff  }
0x53: {  	s22 =	simm.s32 $0x1;
	v2 =	vld [tilespmem:s12+$0xFFFFFFC0]  }
0x54: {  	v4 =	vmov s22;
	v3 =	vld [tilespmem:s12+$0xFFFFFFD0]  }
0x55: {  	v4 =	vand.u32 $0xFFFFFFFD, v4  }
0x56: {  	v4 =	vbroadcast v4, $0x0;
	_ =	sdelay $0x1  }
0x57: {  	v2 =	vmul.f32 v2, v1  }
0x58: {  	v1 =	vmul.f32 v3, v1  }
0x59: {  	[tilespmem:s12+$0xFFFFFFC0] =	vst v2  }
0x5a: {  	[tilespmem:s12+$0xFFFFFFD0] =	vst v1;
	v2 =	vld [tilespmem:s12+$0xFFFFFFE0]  }
0x5b: {  	s13 =	simm.s32 $0x2;
	v1 =	vld.idx.msk [tilespmem:v4+s23+$0x0], $0xffff  }
0x5c: {  	v3 =	vld [tilespmem:s12+$0xFFFFFFF0];
	v4 =	vmov s13  }
0x5d: {  	v4 =	vand.u32 $0xFFFFFFFE, v4  }
0x5e: {  	v4 =	vbroadcast v4, $0x0;
	_ =	sdelay $0x1  }
0x5f: {  	v2 =	vmul.f32 v2, v1  }
0x60: {  	v1 =	vmul.f32 v3, v1  }
0x61: {  	[tilespmem:s12+$0xFFFFFFE0] =	vst v2  }
0x62: {  	[tilespmem:s12+$0xFFFFFFF0] =	vst v1;
	v1 =	vld [tilespmem:s12+$0x10]  }
0x63: {  	v2 =	vld.idx.msk [tilespmem:v4+s23+$0x0], $0xffff  }
0x64: {  	v3 =	vld [tilespmem:s12+$0x0];
	_ =	sdelay $0x1  }
0x65: {  	s22 =	simm.s32 $0x3  }
0x66: {  	v4 =	vmov s22  }
0x67: {  	v1 =	vmul.f32 v1, v2  }
0x68: {  	v2 =	vmul.f32 v3, v2  }
0x69: {  	[tilespmem:s12+$0x10] =	vst v1  }
0x6a: {  	[tilespmem:s12+$0x0] =	vst v2;
	v1 =	vld [tilespmem:s12+$0x30]  }
0x6b: {  	v2 =	vld.idx.msk [tilespmem:v4+s23+$0x0], $0xffff  }
0x6c: {  	s13 =	simm.s32 $0x4;
	v4 =	vld [tilespmem:s12+$0x20]  }
0x6d: {  	v3 =	vmov s13  }
0x6e: {  	v3 =	vand.u32 $0xFFFFFFFC, v3  }
0x6f: {  	s10 =	simm.s32 $0x8;
	v3 =	vbroadcast v3, $0x0  }
.LBB2_5:
0x70: {  	p0 =	slt.u32 s10, $0x7C  }
0x71: {  	v1 =	vmul.f32 v1, v2;
	v4 =	vmul.f32 v4, v2;
	_ =	sdelay $0x1  }
0x72: {  	[tilespmem:s12+$0x20] =	vst v4  }
0x73: {  	[tilespmem:s12+$0x30] =	vst v1  }
0x74: {  	s12 =	sadd.s32 $0x80, s12;
	v1 =	vld.idx.msk [tilespmem:v3+s23+$0x0], $0xffff  }
0x75: {  	s22 =	sadd.s32 $0x1, s13;
	v2 =	vld [tilespmem:s12+$0xFFFFFFC0]  }
0x76: {  	v4 =	vmov s22;
	v3 =	vld [tilespmem:s12+$0xFFFFFFD0]  }
0x77: {  	v4 =	vand.u32 $0xFFFFFFFD, v4  }
0x78: {  	v4 =	vbroadcast v4, $0x0;
	_ =	sdelay $0x1  }
0x79: {  	v2 =	vmul.f32 v2, v1  }
0x7a: {  	v1 =	vmul.f32 v3, v1  }
0x7b: {  	[tilespmem:s12+$0xFFFFFFC0] =	vst v2  }
0x7c: {  	[tilespmem:s12+$0xFFFFFFD0] =	vst v1  }
0x7d: {  	v1 =	vld.idx.msk [tilespmem:v4+s23+$0x0], $0xffff  }
0x7e: {  	s22 =	sadd.s32 $0x2, s13;
	v2 =	vld [tilespmem:s12+$0xFFFFFFE0]  }
0x7f: {  	v4 =	vmov s22;
	v3 =	vld [tilespmem:s12+$0xFFFFFFF0]  }
0x80: {  	v4 =	vand.u32 $0xFFFFFFFE, v4  }
0x81: {  	v4 =	vbroadcast v4, $0x0;
	_ =	sdelay $0x1  }
0x82: {  	v2 =	vmul.f32 v2, v1  }
0x83: {  	v1 =	vmul.f32 v3, v1  }
0x84: {  	[tilespmem:s12+$0xFFFFFFE0] =	vst v2  }
0x85: {  	[tilespmem:s12+$0xFFFFFFF0] =	vst v1;
	v1 =	vld [tilespmem:s12+$0x10]  }
0x86: {  	v2 =	vld.idx.msk [tilespmem:v4+s23+$0x0], $0xffff  }
0x87: {  	v3 =	vld [tilespmem:s12+$0x0];
	_ =	sdelay $0x2  }
0x88: {  	s22 =	sadd.s32 $0x3, s13;
	s13 =	smov.u32 s10  }
0x89: {  	v4 =	vmov s22  }
0x8a: {  	v1 =	vmul.f32 v1, v2;
	v3 =	vmul.f32 v3, v2;
	_ =	sdelay $0x1  }
0x8b: {  	[tilespmem:s12+$0x10] =	vst v1  }
0x8c: {  	[tilespmem:s12+$0x0] =	vst v3;
	v1 =	vld [tilespmem:s12+$0x30]  }
.Ltmp1:
0x8d: {  	v2 =	vld.idx.msk [tilespmem:v4+s23+$0x0], $0xffff;
	(pc) =	sbr.rel @p0 .LBB2_5-.Ltmp1, $4  }
0x8e: {  	v4 =	vld [tilespmem:s12+$0x20]  }
0x8f: {  	v3 =	vmov s10  }
0x90: {  	v3 =	vand.u32 $0xFFFFFFFC, v3  }
0x91: {  	s10 =	sadd.s32 $0x4, s10;
	v3 =	vbroadcast v3, $0x0  }
0x92: {  	_ = 	snop  }
0x93: {  	v1 =	vmul.f32 v1, v2  }
0x94: {  	v4 =	vmul.f32 v4, v2  }
0x95: {  	s10 =	sadd.s32 $0x80, s12;
	[tilespmem:s12+$0x30] =	vst v1  }
0x96: {  	v2 =	vld [tilespmem:s10+$0xFFFFFFC0];
	[tilespmem:s12+$0x20] =	vst v4  }
0x97: {  	s22 =	sadd.s32 $0x1, s13;
	v1 =	vld.idx.msk [tilespmem:v3+s23+$0x0], $0xffff  }
0x98: {  	v4 =	vmov s22;
	v3 =	vld [tilespmem:s10+$0xFFFFFFD0]  }
0x99: {  	v4 =	vand.u32 $0xFFFFFFFD, v4  }
0x9a: {  	v4 =	vbroadcast v4, $0x0;
	_ =	sdelay $0x1  }
0x9b: {  	v2 =	vmul.f32 v2, v1  }
0x9c: {  	v1 =	vmul.f32 v3, v1  }
0x9d: {  	[tilespmem:s10+$0xFFFFFFC0] =	vst v2  }
0x9e: {  	[tilespmem:s10+$0xFFFFFFD0] =	vst v1;
	v2 =	vld [tilespmem:s10+$0xFFFFFFE0]  }
0x9f: {  	s22 =	sadd.s32 $0x2, s13;
	v1 =	vld.idx.msk [tilespmem:v4+s23+$0x0], $0xffff  }
0xa0: {  	v3 =	vld [tilespmem:s10+$0xFFFFFFF0];
	v4 =	vmov s22  }
0xa1: {  	v4 =	vand.u32 $0xFFFFFFFE, v4  }
0xa2: {  	v4 =	vbroadcast v4, $0x0;
	_ =	sdelay $0x1  }
0xa3: {  	v2 =	vmul.f32 v2, v1  }
0xa4: {  	v1 =	vmul.f32 v3, v1  }
0xa5: {  	[tilespmem:s10+$0xFFFFFFE0] =	vst v2  }
0xa6: {  	[tilespmem:s10+$0xFFFFFFF0] =	vst v1;
	v1 =	vld [tilespmem:s10+$0x10]  }
0xa7: {  	v2 =	vld.idx.msk [tilespmem:v4+s23+$0x0], $0xffff  }
0xa8: {  	v3 =	vld [tilespmem:s10+$0x0];
	_ =	sdelay $0x1  }
0xa9: {  	s13 =	sadd.s32 $0x3, s13  }
0xaa: {  	v4 =	vmov s13  }
0xab: {  	v1 =	vmul.f32 v1, v2  }
0xac: {  	v2 =	vmul.f32 v3, v2  }
0xad: {  	[tilespmem:s10+$0x10] =	vst v1  }
0xae: {  	[tilespmem:s10+$0x0] =	vst v2;
	v2 =	vld [tilespmem:s10+$0x20]  }
0xaf: {  	v1 =	vld.idx.msk [tilespmem:v4+s23+$0x0], $0xffff  }
0xb0: {  	v3 =	vld [tilespmem:s10+$0x30];
	_ =	sdelay $0x3  }
0xb1: {  	v2 =	vmul.f32 v2, v1  }
0xb2: {  	v1 =	vmul.f32 v3, v1  }
0xb3: {  	[tilespmem:s10+$0x20] =	vst v2  }
0xb4: {  	[tilespmem:s10+$0x30] =	vst v1  }
0xb5: {  	p0 =	sge.u32 s24, s19;
	_ =	swait.ge [sflag:s0], $0x80  }
0xb6: {  	s10 =	sadd.s32 @!p0 s8, s24;
	[sflag:s0] =	ssyncset.done $0x0  }
0xb7: {  	s12 =	simm.s32 @p0 $0x6;
	s10 =	sshll.u32 @!p0 s10, $0x4;
	[sflag:s0] =	ssyncadd.s32 $0xFFFFFF80  }
0xb8: {  	[spmem:s3] =	stream.indirect.scatter.add.f32 [tilespmem:s30], [sflag:$0x7], $0x20, s29, s25, $0xb8;
	[tilespmem:$0xC300] =	vst v63  }
0xb9: {  	s10 =	sand.u32 @!p0 $0x1FFFFFF0, s10;
	_ =	swait.ge @p0 [sflag:s12], $0x1000  }
0xba: {  	s10 =	sadd.s32 @!p0 $0x20, s10;
	[sflag:s12] =	ssyncset.done @p0 $0x0  }
0xbb: {  	s13 =	simm.s32 @!p0 $0x0;
	[sflag:s12] =	ssyncadd.s32 @p0 $0xFFFFF000;
	s12 =	sadd.s32 @!p0 s6, s10  }
0xbc: {  	[tilespmem:s13], [sflag:$0x1] =	stream.linear.gather @!p0 [hbm4b:s12+s13], $0x80, $0x38;
	[tilespmem:$0xC300] =	vst v63  }
0xbd: {  	s10 =	sadd.s32 @!p0 s1, s10;
	s12 =	simm.s32 @!p0 $0x200  }
0xbe: {  	[tilespmem:s12], [sflag:$0x1] =	stream.linear.gather @!p0 [hbm4b:s10+s13], $0x80, $0x38;
	[tilespmem:$0xC300] =	vst v63  }
0xbf: {  	s10 =	simm.s32 @!p0 $0x6  }
0xc0: {  	_ =	swait.ge @!p0 [sflag:s10], $0x1000  }
0xc1: {  	[sflag:s10] =	ssyncset.done @!p0 $0x0  }
0xc2: {  	[sflag:s10] =	ssyncadd.s32 @!p0 $0xFFFFF000;
	s10 =	simm.s32 @!p0 $0x1  }
0xc3: {  	_ =	swait.ge @!p0 [sflag:s10], $0x80  }
0xc4: {  	[sflag:s10] =	ssyncset.done @!p0 $0x0  }
0xc5: {  	[sflag:s10] =	ssyncadd.s32 @!p0 $0xFFFFFF80  }
0xc6: {  	_ =	swait.ge @!p0 [sflag:s10], $0x80  }
0xc7: {  	[sflag:s10] =	ssyncset.done @!p0 $0x0  }
0xc8: {  	[sflag:s10] =	ssyncadd.s32 @!p0 $0xFFFFFF80;
	s10 =	simm.s32 @!p0 $0x7  }
0xc9: {  	_ =	swait.ge @!p0 [sflag:s10], $0x1000  }
0xca: {  	s22 =	simm.s32 $0x0;
	[sflag:s10] =	ssyncset.done @!p0 $0x0  }
0xcb: {  	v1 =	vmov s22;
	s12 =	simm.s32 @!p0 $0x300;
	[sflag:s10] =	ssyncadd.s32 @!p0 $0xFFFFF000;
	s10 =	simm.s32 @!p0 $0x80  }
0xcc: {  	v1 =	vand.u32 $0xFFFFFFFC, v1;
	[tilespmem:s12], [sflag:$0x5] =	stream.indirect.gather @!p0 [hbm4b:s2+s10], $0x20, s13, s10, $0xb8;
	[tilespmem:$0xC300] =	vst v63  }
0xcd: {  	v1 =	vbroadcast v1, $0x0;
	s10 =	sadd.s32 @!p0 s8, s18  }
0xce: {  	s10 =	sshll.u32 @!p0 s10, $0x4  }
0xcf: {  	s10 =	sand.u32 @!p0 $0x1FFFFFF0, s10  }
0xd0: {  	s10 =	sadd.s32 @!p0 s7, s10  }
0xd1: {  	s12 =	simm.s32 @!p0 $0x100;
	s10 =	sadd.s32 @!p0 $0x10, s10  }
0xd2: {  	[tilespmem:s12], [sflag:$0x3] =	stream.linear.gather @!p0 [hbm4b:s10+s13], $0x80, $0x38;
	[tilespmem:$0xC300] =	vst v63  }
0xd3: {  	s12 =	simm.s32 $0x1340;
	v1 =	vld.idx.msk [tilespmem:v1+s26+$0x0], $0xffff  }
0xd4: {  	s22 =	simm.s32 $0x1;
	v2 =	vld [tilespmem:s12+$0xFFFFFFC0]  }
0xd5: {  	v4 =	vmov s22;
	v3 =	vld [tilespmem:s12+$0xFFFFFFD0]  }
0xd6: {  	v4 =	vand.u32 $0xFFFFFFFD, v4  }
0xd7: {  	v4 =	vbroadcast v4, $0x0;
	_ =	sdelay $0x1  }
0xd8: {  	v2 =	vmul.f32 v2, v1  }
0xd9: {  	v1 =	vmul.f32 v3, v1  }
0xda: {  	[tilespmem:s12+$0xFFFFFFC0] =	vst v2  }
0xdb: {  	[tilespmem:s12+$0xFFFFFFD0] =	vst v1;
	v2 =	vld [tilespmem:s12+$0xFFFFFFE0]  }
0xdc: {  	s13 =	simm.s32 $0x2;
	v1 =	vld.idx.msk [tilespmem:v4+s26+$0x0], $0xffff  }
0xdd: {  	v3 =	vld [tilespmem:s12+$0xFFFFFFF0];
	v4 =	vmov s13  }
0xde: {  	v4 =	vand.u32 $0xFFFFFFFE, v4  }
0xdf: {  	v4 =	vbroadcast v4, $0x0;
	_ =	sdelay $0x1  }
0xe0: {  	v2 =	vmul.f32 v2, v1  }
0xe1: {  	v1 =	vmul.f32 v3, v1  }
0xe2: {  	[tilespmem:s12+$0xFFFFFFE0] =	vst v2  }
0xe3: {  	[tilespmem:s12+$0xFFFFFFF0] =	vst v1;
	v1 =	vld [tilespmem:s12+$0x10]  }
0xe4: {  	v2 =	vld.idx.msk [tilespmem:v4+s26+$0x0], $0xffff  }
0xe5: {  	v3 =	vld [tilespmem:s12+$0x0];
	_ =	sdelay $0x1  }
0xe6: {  	s22 =	simm.s32 $0x3  }
0xe7: {  	v4 =	vmov s22  }
0xe8: {  	v1 =	vmul.f32 v1, v2  }
0xe9: {  	v2 =	vmul.f32 v3, v2  }
0xea: {  	[tilespmem:s12+$0x10] =	vst v1  }
0xeb: {  	[tilespmem:s12+$0x0] =	vst v2;
	v1 =	vld [tilespmem:s12+$0x30]  }
0xec: {  	v2 =	vld.idx.msk [tilespmem:v4+s26+$0x0], $0xffff  }
0xed: {  	s13 =	simm.s32 $0x4;
	v4 =	vld [tilespmem:s12+$0x20]  }
0xee: {  	v3 =	vmov s13  }
0xef: {  	v3 =	vand.u32 $0xFFFFFFFC, v3  }
0xf0: {  	s10 =	simm.s32 $0x8;
	v3 =	vbroadcast v3, $0x0  }
.LBB2_7:
0xf1: {  	p0 =	slt.u32 s10, $0x7C  }
0xf2: {  	v1 =	vmul.f32 v1, v2;
	v4 =	vmul.f32 v4, v2;
	_ =	sdelay $0x1  }
0xf3: {  	[tilespmem:s12+$0x20] =	vst v4  }
0xf4: {  	[tilespmem:s12+$0x30] =	vst v1  }
0xf5: {  	s12 =	sadd.s32 $0x80, s12;
	v1 =	vld.idx.msk [tilespmem:v3+s26+$0x0], $0xffff  }
0xf6: {  	s22 =	sadd.s32 $0x1, s13;
	v2 =	vld [tilespmem:s12+$0xFFFFFFC0]  }
0xf7: {  	v4 =	vmov s22;
	v3 =	vld [tilespmem:s12+$0xFFFFFFD0]  }
0xf8: {  	v4 =	vand.u32 $0xFFFFFFFD, v4  }
0xf9: {  	v4 =	vbroadcast v4, $0x0;
	_ =	sdelay $0x1  }
0xfa: {  	v2 =	vmul.f32 v2, v1  }
0xfb: {  	v1 =	vmul.f32 v3, v1  }
0xfc: {  	[tilespmem:s12+$0xFFFFFFC0] =	vst v2  }
0xfd: {  	[tilespmem:s12+$0xFFFFFFD0] =	vst v1  }
0xfe: {  	v1 =	vld.idx.msk [tilespmem:v4+s26+$0x0], $0xffff  }
0xff: {  	s22 =	sadd.s32 $0x2, s13;
	v2 =	vld [tilespmem:s12+$0xFFFFFFE0]  }
0x100: {  	v4 =	vmov s22;
	v3 =	vld [tilespmem:s12+$0xFFFFFFF0]  }
0x101: {  	v4 =	vand.u32 $0xFFFFFFFE, v4  }
0x102: {  	v4 =	vbroadcast v4, $0x0;
	_ =	sdelay $0x1  }
0x103: {  	v2 =	vmul.f32 v2, v1  }
0x104: {  	v1 =	vmul.f32 v3, v1  }
0x105: {  	[tilespmem:s12+$0xFFFFFFE0] =	vst v2  }
0x106: {  	[tilespmem:s12+$0xFFFFFFF0] =	vst v1;
	v1 =	vld [tilespmem:s12+$0x10]  }
0x107: {  	v2 =	vld.idx.msk [tilespmem:v4+s26+$0x0], $0xffff  }
0x108: {  	v3 =	vld [tilespmem:s12+$0x0];
	_ =	sdelay $0x2  }
0x109: {  	s22 =	sadd.s32 $0x3, s13;
	s13 =	smov.u32 s10  }
0x10a: {  	v4 =	vmov s22  }
0x10b: {  	v1 =	vmul.f32 v1, v2;
	v3 =	vmul.f32 v3, v2;
	_ =	sdelay $0x1  }
0x10c: {  	[tilespmem:s12+$0x10] =	vst v1  }
0x10d: {  	[tilespmem:s12+$0x0] =	vst v3;
	v1 =	vld [tilespmem:s12+$0x30]  }
.Ltmp2:
0x10e: {  	v2 =	vld.idx.msk [tilespmem:v4+s26+$0x0], $0xffff;
	(pc) =	sbr.rel @p0 .LBB2_7-.Ltmp2, $4  }
0x10f: {  	v4 =	vld [tilespmem:s12+$0x20]  }
0x110: {  	v3 =	vmov s10  }
0x111: {  	v3 =	vand.u32 $0xFFFFFFFC, v3  }
0x112: {  	s10 =	sadd.s32 $0x4, s10;
	v3 =	vbroadcast v3, $0x0  }
0x113: {  	_ = 	snop  }
0x114: {  	v1 =	vmul.f32 v1, v2  }
0x115: {  	v4 =	vmul.f32 v4, v2  }
0x116: {  	s10 =	sadd.s32 $0x80, s12;
	[tilespmem:s12+$0x30] =	vst v1  }
0x117: {  	v2 =	vld [tilespmem:s10+$0xFFFFFFC0];
	[tilespmem:s12+$0x20] =	vst v4  }
0x118: {  	s22 =	sadd.s32 $0x1, s13;
	v1 =	vld.idx.msk [tilespmem:v3+s26+$0x0], $0xffff  }
0x119: {  	v61 =	vmov s22;
	v3 =	vld [tilespmem:s10+$0xFFFFFFD0]  }
0x11a: {  	v4 =	vand.u32 $0xFFFFFFFD, v61  }
0x11b: {  	v4 =	vbroadcast v4, $0x0;
	_ =	sdelay $0x1  }
0x11c: {  	v2 =	vmul.f32 v2, v1  }
0x11d: {  	v1 =	vmul.f32 v3, v1  }
0x11e: {  	[tilespmem:s10+$0xFFFFFFC0] =	vst v2  }
0x11f: {  	[tilespmem:s10+$0xFFFFFFD0] =	vst v1;
	v2 =	vld [tilespmem:s10+$0xFFFFFFE0]  }
0x120: {  	s22 =	sadd.s32 $0x2, s13;
	v1 =	vld.idx.msk [tilespmem:v4+s26+$0x0], $0xffff  }
0x121: {  	v62 =	vmov s22;
	v3 =	vld [tilespmem:s10+$0xFFFFFFF0]  }
0x122: {  	v4 =	vand.u32 $0xFFFFFFFE, v62  }
0x123: {  	v4 =	vbroadcast v4, $0x0;
	_ =	sdelay $0x1  }
0x124: {  	v2 =	vmul.f32 v2, v1  }
0x125: {  	v1 =	vmul.f32 v3, v1  }
0x126: {  	[tilespmem:s10+$0xFFFFFFE0] =	vst v2  }
0x127: {  	[tilespmem:s10+$0xFFFFFFF0] =	vst v1;
	v1 =	vld [tilespmem:s10+$0x10]  }
0x128: {  	v2 =	vld.idx.msk [tilespmem:v4+s26+$0x0], $0xffff  }
0x129: {  	v3 =	vld [tilespmem:s10+$0x0];
	_ =	sdelay $0x1  }
0x12a: {  	s22 =	sadd.s32 $0x3, s13  }
0x12b: {  	v63 =	vmov s22  }
0x12c: {  	v1 =	vmul.f32 v1, v2  }
0x12d: {  	v2 =	vmul.f32 v3, v2  }
0x12e: {  	[tilespmem:s10+$0x10] =	vst v1  }
0x12f: {  	[tilespmem:s10+$0x0] =	vst v2;
	v2 =	vld [tilespmem:s10+$0x20]  }
0x130: {  	v1 =	vld.idx.msk [tilespmem:v63+s26+$0x0], $0xffff  }
0x131: {  	v3 =	vld [tilespmem:s10+$0x30];
	_ =	sdelay $0x3  }
0x132: {  	v2 =	vmul.f32 v2, v1  }
0x133: {  	v1 =	vmul.f32 v3, v1  }
0x134: {  	p0 =	sge.u32 s24, s20;
	[tilespmem:s10+$0x20] =	vst v2  }
0x135: {  	[tilespmem:s10+$0x30] =	vst v1;
	s10 =	sadd.s32 @!p0 s8, s18  }
0x136: {  	_ =	swait.ge [sflag:s21], $0x80;
	s10 =	sshll.u32 @!p0 s10, $0x4  }
0x137: {  	[sflag:s21] =	ssyncset.done $0x0;
	s10 =	sand.u32 @!p0 $0x1FFFFFF0, s10  }
0x138: {  	[sflag:s21] =	ssyncadd.s32 $0xFFFFFF80;
	s10 =	sadd.s32 @!p0 $0x20, s10  }
0x139: {  	[spmem:s3] =	stream.indirect.scatter.add.f32 [tilespmem:s11], [sflag:$0x8], $0x20, s4, s25, $0xb8;
	[tilespmem:$0xC300] =	vst v63  }
0x13a: {  	s13 =	simm.s32 @!p0 $0x0;
	s18 =	simm.s32 @!p0 $0x80;
	s12 =	sadd.s32 @!p0 s6, s10  }
0x13b: {  	[tilespmem:s18], [sflag:$0x2] =	stream.linear.gather @!p0 [hbm4b:s12+s13], $0x80, $0x38;
	[tilespmem:$0xC300] =	vst v63  }
0x13c: {  	s15 =	sadd.s32 $0x1, s15;
	s10 =	sadd.s32 @!p0 s1, s10;
	s12 =	simm.s32 @!p0 $0x280  }
0x13d: {  	[tilespmem:s12], [sflag:$0x2] =	stream.linear.gather @!p0 [hbm4b:s10+s13], $0x80, $0x38;
	[tilespmem:$0xC300] =	vst v63  }
0x13e: {  	p0 =	sne.s32 s15, s16  }
.Ltmp3:
0x13f: {  	_ = 	snop;
	(pc) =	sbr.rel @p0 .LBB2_4-.Ltmp3, $1  }
0x140: {  	_ =	sdelay $0x3  }
0x141: {  	s10 =	simm.s32 $0x7  }
0x142: {  	_ =	swait.ge [sflag:s10], $0x1000  }
0x143: {  	[sflag:s10] =	ssyncset.done $0x0  }
0x144: {  	s18 =	simm.s32 $0x8;
	[sflag:s10] =	ssyncadd.s32 $0xFFFFF000  }
0x145: {  	_ =	swait.ge [sflag:s18], $0x1000  }
0x146: {  	[sflag:s18] =	ssyncset.done $0x0  }
0x147: {  	[sflag:s18] =	ssyncadd.s32 $0xFFFFF000  }
0x148: {  	s22 =	stileid.u32;
	[bflag:$0x0] =	sbarrier.arrive $0xFFFF  }
0x149: {  	s10 =	sshll.u32 s22, $0x6;
	s14 =	rddreg [dreg:$0x5]  }
0x14a: {  	s10 =	sor.u32 $0x1C09, s10;
	s13 =	rddreg [dreg:$0xc];
	s12 =	sshrl.u32 s14, $0x3  }
0x14b: {  	[hbm:s13], [sflag:s10] =	dma.local [spmem:s12], $0xA00  }
0x14c: {  	s13 =	simm.s32 $0x9  }
0x14d: {  	_ =	swait.ge [sflag:s13], $0xA00  }
0x14e: {  	s5 =	sadd.s32 $0x1, s5;
	s24 =	rddreg [dreg:$0xb]  }
0x14f: {  	p0 =	sne.s32 s5, s24  }
.Ltmp4:
0x150: {  	_ = 	snop;
	(pc) =	sbr.rel @p0 .LBB2_1-.Ltmp4, $3  }
0x151: {  	_ =	sdelay $0x1  }
0x152: {  	[sflag:s13] =	ssyncset.done $0x0  }
0x153: {  	[sflag:s13] =	ssyncadd.s32 $0xFFFFF600  }
0x154: {  	_ =	sfence.sel $0x180000  }
0x155: {  	[bflag:$0x0] =	sbarrier.arrive $0xFFFF  }
0x156: {  	_ =	strace $0x9000004A  }
0x157: {  	s0 =	stileid.u32;
	[bflag:$0x2] =	sbarrier.arrive $0xFFFF  }
0x158: {  	p0 =	sne.s32 s0, $0x0;
	s0 =	rddreg [dreg:$0x4]  }
0x159: {  	s0 =	sadd.s32 @!p0 $0x100000, s0  }
0x15a: {  	[sflag:s0] =	ssyncadd.tile.s32 @!p0 $0x1;
	_ =	shalt  }
.Lfunc_end2:
_tile_overlayer_lowered:
.L_overlay_start_2:
0x15b: {  	(tag) =	ssettag $0x2  }
0x15c: {  	s0 =	rddreg [dreg:$0x0];
	s2 =	stileid.u32  }
0x15d: {  	s1 =	rddreg [dreg:$0x1];
	p0 =	sne.s32 s2, $0x0  }
0x15e: {  	s3 =	rddreg [dreg:$0x2];
	[bflag:$0x3] =	sbarrier.arrive $0xFFFF;
	s2 =	simm.s32 @!p0 $0x1C09  }
0x15f: {  	[timem:s3], [sflag:s2] =	dma.local @!p0 [hbm:s0], s1  }
0x160: {  	s0 =	simm.s32 @!p0 $0x9  }
0x161: {  	_ =	swait.ge @!p0 [sflag:s0], s1  }
0x162: {  	s1 =	ssub.s32 @!p0 $0x0, s1;
	[sflag:s0] =	ssyncset.done @!p0 $0x0  }
0x163: {  	[sflag:s0] =	ssyncadd.s32 @!p0 s1  }
0x164: {  	[bflag:$0x3] =	sbarrier.arrive $0xFFFF  }
0x165: {  	_ =	shalt  }

// kernel: kernel.16.cloned.1.call-start
scs
__scs_entry_jumppad:
0x0: {  	(pc) =	sbr.rel $0x88, $3  }
0x1: {  	(tag) =	ssettag $0x0;
	lr =	simm.s32 $0x1  }
0x2: {  	[smem:$0x3F96] =	sst lr;
	_ =	strace $0xD0000000  }
0x3: {  	_ = 	snop  }
0x4: {  	_ = 	snop  }
0x5: {  	_ = 	snop  }
0x6: {  	_ = 	snop  }
0x7: {  	_ = 	snop  }
__scs_overlays_trampoline_lowered:
0x8: {  	[smem:$0x3FA5] =	sst s0  }
0x9: {  	[smem:$0x3FA6] =	sst s1  }
0xa: {  	[smem:$0x3FA7] =	sst s2  }
0xb: {  	[smem:$0x3FA8] =	sst s3  }
0xc: {  	[smem:$0x3FA9] =	sst s4  }
0xd: {  	[smem:$0x3FAA] =	sst s5  }
0xe: {  	[smem:$0x3FAB] =	sst s6  }
0xf: {  	[smem:$0x3FAC] =	sst s7  }
0x10: {  	[smem:$0x3FAD] =	sst s8  }
0x11: {  	[smem:$0x3FAE] =	sst s9;
	s0 =	simm.s32 @!p0 $0x0  }
0x12: {  	s1 =	sld [smem:$0x3F94];
	s0 =	simm.s32 @p0 $0x1  }
0x13: {  	[smem:$0x3FAF] =	sst s0;
	s0 =	simm.s32 @!p1 $0x0  }
0x14: {  	s2 =	sld [smem:$0x3F93];
	s0 =	simm.s32 @p1 $0x1  }
0x15: {  	[smem:$0x3FB0] =	sst s0;
	s0 =	simm.s32 @!p2 $0x0  }
0x16: {  	s3 =	sld [smem:$0x3FDB];
	s0 =	simm.s32 @p2 $0x1  }
0x17: {  	s4 =	simm.s32 $0x1BF5;
	[smem:$0x3FB2] =	sst s0  }
0x18: {  	s0 =	sld [smem:$0x3F95];
	_ =	swait.ge [sflag:s4], $0x0  }
0x19: {  	s7 =	sld [smem:$0x3F96]  }
0x1a: {  	s8 =	sadd.s32 $0xFFFFE003, lr  }
0x1b: {  	s9 =	sadd.s32 $0xFFFFFEF7, lr;
	s5 =	simm.s32 $0xFFFFFFFF;
	p2 =	slt.u32 s8, $0xFFFFF086  }
0x1c: {  	p1 =	slt.u32 s9, $0xF7A;
	s5 =	simm.s32 @!p2 $0x0  }
0x1d: {  	s5 =	simm.s32 @p1 $0x1;
	p0 =	seq.s32 s7, s2  }
0x1e: {  	s7 =	smul.u32 @!p0 $0xF7A, s2;
	p2 =	seq.s32 @!p0 s5, $0x0  }
0x1f: {  	s9 =	smul.u32 $0xF7A, s1;
	s8 =	simm.s32 @!p0 $0x1BF5;
	p2 =	por !p2, p0  }
0x20: {  	[sflag:s8] =	ssyncset.s32 @!p0 $0xFFFFF086;
	s6 =	sadd.s32 @!p0 s3, s7;
	s7 =	simm.s32 @!p0 $0x108  }
0x21: {  	s3 =	sadd.s32 s3, s9;
	s6 =	sadd.s32 @!p0 $0x88, s6;
	s7 =	simm.s32 @p2 $0x1082  }
0x22: {  	[simem:s7], [sflag:s8] =	dma.local @!p0 [hbm:s6], $0xF7A  }
0x23: {  	s9 =	sor.u32 $0xD0000000, s2;
	s6 =	simm.s32 $0x108;
	_ =	swait.ge @!p0 [sflag:s8], $0x0  }
0x24: {  	s3 =	sadd.s32 $0x88, s3;
	s6 =	simm.s32 @!p1 $0x1082;
	[sflag:s4] =	ssyncset.s32 $0xFFFFF086  }
0x25: {  	[simem:s6], [sflag:s4] =	dma.local [hbm:s3], $0xF7A  }
0x26: {  	[smem:$0x3F96] =	sst s1;
	(tag) =	ssettag s2;
	_ =	strace s9  }
0x27: {  	s1 =	sld [smem:$0x3FA6]  }
0x28: {  	s2 =	sld [smem:$0x3FA7]  }
0x29: {  	s4 =	sld [smem:$0x3FA9]  }
0x2a: {  	p0 =	seq.s32 s5, $0x0;
	s5 =	sld [smem:$0x3FAA]  }
0x2b: {  	s6 =	sld [smem:$0x3FAB]  }
0x2c: {  	s7 =	sld [smem:$0x3FAC]  }
0x2d: {  	s3 =	simm.s32 $0x108;
	s8 =	sld [smem:$0x3FAD]  }
0x2e: {  	s3 =	simm.s32 @!p0 $0x1082;
	s9 =	sld [smem:$0x3FAE]  }
0x2f: {  	lr =	sadd.s32 s0, s3;
	s0 =	sld [smem:$0x3FA5]  }
0x30: {  	s3 =	sld [smem:$0x3FA8]  }
0x31: {  	[smem:$0x3FB1] =	sst s10  }
0x32: {  	s10 =	sld [smem:$0x3FAF];
	_ =	sdelay $0x3  }
0x33: {  	p0 =	seq.s32 s10, $0x1;
	s10 =	sld [smem:$0x3FB1];
	_ =	sdelay $0x3  }
0x34: {  	[smem:$0x3FB1] =	sst s10  }
0x35: {  	s10 =	sld [smem:$0x3FB0];
	_ =	sdelay $0x3  }
0x36: {  	p1 =	seq.s32 s10, $0x1;
	s10 =	sld [smem:$0x3FB1];
	_ =	sdelay $0x3  }
0x37: {  	[smem:$0x3FB1] =	sst s10  }
0x38: {  	s10 =	sld [smem:$0x3FB2]  }
0x39: {  	_ = 	snop;
	(pc) =	sbr.ind lr, $3  }
0x3a: {  	_ = 	snop  }
0x3b: {  	_ = 	snop  }
0x3c: {  	p2 =	seq.s32 s10, $0x1;
	s10 =	sld [smem:$0x3FB1]  }
0x3d: {  	_ =	shalt  }
0x3e: {  	_ =	shalt  }
0x3f: {  	_ =	shalt  }
0x40: {  	_ =	shalt  }
0x41: {  	_ =	shalt  }
0x42: {  	_ =	shalt  }
0x43: {  	_ =	shalt  }
0x44: {  	_ =	shalt  }
0x45: {  	_ =	shalt  }
0x46: {  	_ =	shalt  }
0x47: {  	_ =	shalt  }
0x48: {  	_ =	shalt  }
0x49: {  	_ =	shalt  }
0x4a: {  	_ =	shalt  }
0x4b: {  	_ =	shalt  }
0x4c: {  	_ =	shalt  }
0x4d: {  	_ =	shalt  }
0x4e: {  	_ =	shalt  }
0x4f: {  	_ =	shalt  }
0x50: {  	_ =	shalt  }
0x51: {  	_ =	shalt  }
0x52: {  	_ =	shalt  }
0x53: {  	_ =	shalt  }
0x54: {  	_ =	shalt  }
0x55: {  	_ =	shalt  }
0x56: {  	_ =	shalt  }
0x57: {  	_ =	shalt  }
0x58: {  	_ =	shalt  }
0x59: {  	_ =	shalt  }
0x5a: {  	_ =	shalt  }
0x5b: {  	_ =	shalt  }
0x5c: {  	_ =	shalt  }
0x5d: {  	_ =	shalt  }
0x5e: {  	_ =	shalt  }
0x5f: {  	_ =	shalt  }
0x60: {  	_ =	shalt  }
0x61: {  	_ =	shalt  }
0x62: {  	_ =	shalt  }
0x63: {  	_ =	shalt  }
0x64: {  	_ =	shalt  }
0x65: {  	_ =	shalt  }
0x66: {  	_ =	shalt  }
0x67: {  	_ =	shalt  }
0x68: {  	_ =	shalt  }
0x69: {  	_ =	shalt  }
0x6a: {  	_ =	shalt  }
0x6b: {  	_ =	shalt  }
0x6c: {  	_ =	shalt  }
0x6d: {  	_ =	shalt  }
0x6e: {  	_ =	shalt  }
0x6f: {  	_ =	shalt  }
0x70: {  	_ =	shalt  }
0x71: {  	_ =	shalt  }
0x72: {  	_ =	shalt  }
0x73: {  	_ =	shalt  }
0x74: {  	_ =	shalt  }
0x75: {  	_ =	shalt  }
0x76: {  	_ =	shalt  }
0x77: {  	_ =	shalt  }
0x78: {  	_ =	shalt  }
0x79: {  	_ =	shalt  }
0x7a: {  	_ =	shalt  }
0x7b: {  	_ =	shalt  }
0x7c: {  	_ =	shalt  }
0x7d: {  	_ =	shalt  }
0x7e: {  	_ =	shalt  }
0x7f: {  	_ =	shalt  }
0x80: {  	_ =	shalt  }
0x81: {  	_ =	shalt  }
0x82: {  	_ =	shalt  }
0x83: {  	_ =	shalt  }
0x84: {  	_ =	shalt  }
0x85: {  	_ =	shalt  }
0x86: {  	_ =	shalt  }
0x87: {  	_ =	shalt  }
.Lfunc_end0:
.L_simem_size_0:
called_computation.2_lowered:
.L_overlay_start_0:
0x88: {  	s2 =	sld [smem:$0x3FD9]  }
0x89: {  	s3 =	sld [smem:$0x3FFE];
	_ =	sdelay $0x1  }
0x8a: {  	s1 =	srdreg.scid  }
0x8b: {  	s0 =	sand.u32 $0x1, s1  }
0x8c: {  	s17 =	sshll.u32 s0, $0xA;
	s2 =	sadd.s32 s3, s2  }
0x8d: {  	s2 =	sadd.s32 s2, s17  }
0x8e: {  	[smem:$0x3FBD] =	sst s2  }
0x8f: {  	_ = 	snop  }
0x90: {  	s2 =	sld [smem:$0x3FC7]  }
0x91: {  	s18 =	sld [smem:$0x3FD0];
	(tm) =	ssettm $0x1  }
0x92: {  	s4 =	sld [smem:$0x3FFB];
	_ =	sdelay $0x3  }
0x93: {  	_ =	strace s4  }
0x94: {  	s4 =	sld [smem:$0x3FFC];
	_ =	sdelay $0x3  }
0x95: {  	_ =	strace s4  }
0x96: {  	s4 =	sld [smem:$0x3FFD];
	_ =	sdelay $0x3  }
0x97: {  	_ =	strace s4  }
0x98: {  	_ =	strace $0x8FFFFFFF  }
0x99: {  	s19 =	sld [smem:$0x3FDB];
	_ =	sdelay $0x1  }
0x9a: {  	s5 =	simm.s32 $_scs_section_size  }
0x9b: {  	s6 =	simm.s32 $_size__tile_overlayer_lowered;
	s7 =	simm.s32 $_tile_overlayer_lowered  }
0x9c: {  	s22 =	simm.s32 $0x1BFF;
	s21 =	sshll.u32 s7, $0x1;
	s4 =	sadd.s32 s5, s19  }
0x9d: {  	s8 =	simm.s32 $0x0;
	s20 =	sshll.u32 s6, $0x1;
	s6 =	sadd.s32 s21, s4  }
0x9e: {  	[timem:s8], [sflag:s22] =	dma.local [hbm:s6], s20  }
0x9f: {  	_ =	swait.ge [sflag:s22], s20  }
0xa0: {  	s5 =	ssub.s32 $0x0, s20;
	[sflag:s22] =	ssyncset.done $0x0  }
0xa1: {  	[sflag:s22] =	ssyncadd.s32 s5;
	_ =	sdelay $0x1  }
0xa2: {  	s23 =	simm.s32 $0x1B8B  }
0xa3: {  	_ =	swait.ge [sflag:s23], $0x1  }
0xa4: {  	[sflag:s23] =	ssyncset.done $0x0  }
0xa5: {  	s25 =	simm.s32 $0x1B8E;
	s24 =	sld [smem:$0x3FFE];
	[sflag:s23] =	ssyncadd.s32 $0xFFFFFFFF  }
0xa6: {  	s26 =	simm.s32 $execute0_lowered;
	[smem:$0x3FD2] =	sst s25  }
0xa7: {  	s6 =	sshll.u32 s26, $0x1;
	_ =	strace $0x8000004C;
	[dreg:$0x1] =	wrdreg $0xFFFFFFFF  }
0xa8: {  	s28 =	simm.s32 $_size_execute0_lowered;
	s4 =	sadd.s32 s4, s6;
	[dreg:$0x0] =	wrdreg $0x0  }
0xa9: {  	s6 =	sshll.u32 s28, $0x1;
	[dreg:$0x2] =	wrdreg s4  }
0xaa: {  	[dreg:$0x3] =	wrdreg s6  }
0xab: {  	[dreg:$0x4] =	wrdreg $0xC0  }
0xac: {  	_ =	task [dreg:s8], $0x5FFFF  }
0xad: {  	[dreg:$0x1] =	wrdreg $0xFFFFFFFF  }
0xae: {  	[dreg:$0x0] =	wrdreg $0x60  }
0xaf: {  	[dreg:$0x2] =	wrdreg s24  }
0xb0: {  	[dreg:$0x3] =	wrdreg s2  }
0xb1: {  	[dreg:$0x4] =	wrdreg s18  }
0xb2: {  	[dreg:$0x5] =	wrdreg $0x73000  }
0xb3: {  	[dreg:$0x6] =	wrdreg $0x9  }
0xb4: {  	_ =	task.clear_ibuf [dreg:s8], $0x7FFFF;
	_ =	strace $0x9000004C  }
0xb5: {  	s29 =	simm.s32 $0x9;
	_ =	strace $0x8000004E  }
0xb6: {  	_ =	swait.ge [sflag:s29], $0x1  }
0xb7: {  	[sflag:s29] =	ssyncadd.s32 $0xFFFFFFFF  }
0xb8: {  	_ =	strace $0x9000004E  }
0xb9: {  	_ =	sfence  }
0xba: {  	s30 =	sld [smem:$0x0];
	_ =	sdelay $0x2  }
0xbb: {  	s31 =	sshll.u32 s1, $0xD;
	s1 =	sshrl.u32 s1, $0x2  }
0xbc: {  	s3 =	sand.u32 $0x4000, s31;
	s1 =	sadd.s32 s1, s30  }
0xbd: {  	s0 =	sor.u32 s3, s0;
	s1 =	sshll.u32 s1, $0x11  }
0xbe: {  	s0 =	sor.u32 s1, s0  }
0xbf: {  	s0 =	sadd.s32 $0x8F2B, s0  }
0xc0: {  	[sflag:s0] =	ssyncadd.remote.s32 $0x1  }
0xc1: {  	_ =	sfence.sel $0xFFFF  }
0xc2: {  	[dreg:$0x0] =	wrdreg $0xFFFFFFFF;
	(pc) =	sbr.abs _section_cstart, $3  }
0xc3: {  	[dreg:$0x1] =	wrdreg $0xFFFFFFFF  }
0xc4: {  	_ =	task.clear_ibuf [dreg:s8], $0x2FFFF;
	_ =	strace $0x9FFFFFFF  }
0xc5: {  	(tm) =	ssettm $0x7FFFFFFF  }
tec
execute0_lowered:
.L_overlay_start_1:
0x0: {  	(tag) =	ssettag $0x1  }
0x1: {  	s0 =	rddreg [dreg:$0x0]  }
0x2: {  	s1 =	rddreg [dreg:$0x1]  }
0x3: {  	s2 =	rddreg [dreg:$0x2]  }
0x4: {  	s3 =	rddreg [dreg:$0x3]  }
0x5: {  	s4 =	srdreg.scid;
	s5 =	simm.s32 $0x0;
	s13 =	stileid.u32  }
0x6: {  	s28 =	simm.s32 $0x1;
	s29 =	simm.s32 $0x100;
	s30 =	simm.s32 $0x300  }
0x7: {  	s31 =	simm.s32 $0x5;
	s4 =	sand.u32 $0x1, s4;
	[smem:$0x7FF] =	sst s5  }
0x8: {  	s7 =	sadd.s32 $0x2800, s0;
	s20 =	smul.u32 $0x5000, s13;
	s17 =	sadd.s32 $0x2810, s0  }
0x9: {  	s6 =	sshll.u32 s4, $0x4;
	s9 =	smul.u32 $0xA000, s4;
	_ =	strace $0x8000004D  }
0xa: {  	s4 =	ssub.s32 $0x2, s4;
	s8 =	sor.u32 s13, s6;
	s6 =	sadd.s32 $0xC600, s0  }
0xb: {  	s12 =	sshrl.u32 s4, $0x1;
	s14 =	sadd.s32 s20, s3;
	s10 =	smul.u32 $0x4E, s8  }
0xc: {  	s26 =	sshrl.u32 s20, $0x3;
	s11 =	smul.u32 $0x50, s8;
	p0 =	slt.u32 s8, $0x2  }
0xd: {  	s19 =	sadd.s32 s9, s0;
	s9 =	simm.s32 $0x50;
	s4 =	ssub.s32 s4, s12  }
0xe: {  	[dreg:$0x5] =	wrdreg s14;
	s9 =	simm.s32 @!p0 $0x4E;
	s25 =	sadd.s32 $0x16400, s19  }
0xf: {  	s4 =	smax.u32 s4, $0x1;
	s8 =	sadd.s32 $0x4, s10;
	s16 =	sshrl.u32 s9, $0x1  }
0x10: {  	[dreg:$0xb] =	wrdreg s4;
	s19 =	sadd.s32 $0xFFFFFFFE, s9;
	s8 =	smov.u32 @p0 s11  }
0x11: {  	s20 =	sadd.s32 $0xFFFFFFFD, s9;
	s0 =	sadd.s32 s26, s25;
	s21 =	sshll.u32 s8, $0x4  }
0x12: {  	s25 =	simm.s32 $0x80;
	s26 =	simm.s32 $0x280;
	s22 =	sand.u32 $0x1FFFFFE0, s21  }
0x13: {  	s4 =	simm.s32 $0x180;
	[dreg:$0xc] =	wrdreg s0;
	s13 =	sadd.s32 s6, s22  }
0x14: {  	s0 =	simm.s32 $0x3;
	s15 =	sadd.s32 s1, s22;
	[dreg:$0x6] =	wrdreg s13  }
0x15: {  	s23 =	sor.u32 $0x10, s22;
	s12 =	sadd.s32 s7, s22;
	[dreg:$0x7] =	wrdreg s15  }
0x16: {  	s11 =	simm.s32 $0x1300;
	s24 =	sadd.s32 s6, s23;
	[dreg:$0xa] =	wrdreg s12  }
0x17: {  	s21 =	simm.s32 $0x4;
	s13 =	sadd.s32 s1, s23;
	[dreg:$0x8] =	wrdreg s24  }
0x18: {  	v0 =	vimm.f32 $0.0e+00;
	s23 =	simm.s32 $0x200;
	[dreg:$0x9] =	wrdreg s13;
	s13 =	simm.s32 $0x9  }
.LBB2_1:
0x19: {  	s10 =	simm.s32 $0x2340  }
0x1a: {  	[tilespmem:s10+$0xFFFFFFC0] =	vst v0  }
0x1b: {  	[tilespmem:s10+$0x30] =	vst v0  }
0x1c: {  	[tilespmem:s10+$0x20] =	vst v0  }
0x1d: {  	[tilespmem:s10+$0x10] =	vst v0  }
0x1e: {  	[tilespmem:s10+$0x0] =	vst v0  }
0x1f: {  	[tilespmem:s10+$0xFFFFFFF0] =	vst v0  }
0x20: {  	s12 =	simm.s32 $0x0;
	[tilespmem:s10+$0xFFFFFFE0] =	vst v0  }
.LBB2_2:
0x21: {  	s12 =	sadd.s32 $0x4, s12;
	[tilespmem:s10+$0xFFFFFFD0] =	vst v0;
	s10 =	sadd.s32 $0x80, s10  }
0x22: {  	[tilespmem:s10+$0xFFFFFFC0] =	vst v0;
	p0 =	slt.u32 s12, $0x27C  }
0x23: {  	[tilespmem:s10+$0x30] =	vst v0  }
.Ltmp0:
0x24: {  	[tilespmem:s10+$0x20] =	vst v0;
	(pc) =	sbr.rel @p0 .LBB2_2-.Ltmp0, $4  }
0x25: {  	[tilespmem:s10+$0x10] =	vst v0  }
0x26: {  	[tilespmem:s10+$0x0] =	vst v0  }
0x27: {  	[tilespmem:s10+$0xFFFFFFF0] =	vst v0  }
0x28: {  	[tilespmem:s10+$0xFFFFFFE0] =	vst v0  }
0x29: {  	[tilespmem:s10+$0xFFFFFFD0] =	vst v0;
	s12 =	simm.s32 $0x2300  }
0x2a: {  	[spmem:s14] =	stream.linear.scatter [tilespmem:s12], [sflag:$0x9], $0x5000, $0x38;
	[tilespmem:$0xC300] =	vst v63  }
0x2b: {  	_ =	swait.ge [sflag:s13], $0x5000  }
0x2c: {  	[sflag:s13] =	ssyncset.done $0x0  }
0x2d: {  	[sflag:s13] =	ssyncadd.s32 $0xFFFFB000  }
0x2e: {  	[bflag:$0x0] =	sbarrier.arrive $0xFFFF  }
0x2f: {  	s14 =	simm.s32 $0x0;
	s13 =	rddreg [dreg:$0x6]  }
0x30: {  	[tilespmem:s14], [sflag:$0x1] =	stream.linear.gather [hbm4b:s13+s14], $0x80, $0x38;
	[tilespmem:$0xC300] =	vst v63  }
0x31: {  	s15 =	rddreg [dreg:$0x7]  }
0x32: {  	[tilespmem:s23], [sflag:$0x1] =	stream.linear.gather [hbm4b:s15+s14], $0x80, $0x38;
	[tilespmem:$0xC300] =	vst v63  }
0x33: {  	s18 =	rddreg [dreg:$0x8]  }
0x34: {  	[tilespmem:s25], [sflag:$0x2] =	stream.linear.gather [hbm4b:s18+s14], $0x80, $0x38;
	[tilespmem:$0xC300] =	vst v63  }
0x35: {  	s22 =	rddreg [dreg:$0x9]  }
0x36: {  	[tilespmem:s26], [sflag:$0x2] =	stream.linear.gather [hbm4b:s22+s14], $0x80, $0x38;
	[tilespmem:$0xC300] =	vst v63  }
0x37: {  	_ =	swait.ge [sflag:s28], $0x80  }
0x38: {  	[sflag:s28] =	ssyncset.done $0x0  }
0x39: {  	[sflag:s28] =	ssyncadd.s32 $0xFFFFFF80  }
0x3a: {  	_ =	swait.ge [sflag:s28], $0x80  }
0x3b: {  	[sflag:s28] =	ssyncset.done $0x0  }
0x3c: {  	s24 =	rddreg [dreg:$0xa];
	[sflag:s28] =	ssyncadd.s32 $0xFFFFFF80  }
0x3d: {  	[tilespmem:s29], [sflag:$0x3] =	stream.linear.gather [hbm4b:s24+s14], $0x80, $0x38;
	[tilespmem:$0xC300] =	vst v63  }
0x3e: {  	s15 =	simm.s32 $0x0  }
0x3f: {  	[tilespmem:s30], [sflag:$0x5] =	stream.indirect.gather [hbm4b:s2+s25], $0x20, s14, s25, $0xb8;
	[tilespmem:$0xC300] =	vst v63  }
.LBB2_4:
0x40: {  	_ =	swait.ge [sflag:s31], $0x1000;
	s18 =	sshllo.u32 s15, $0x1  }
0x41: {  	[sflag:s31] =	ssyncset.done $0x0;
	p0 =	sge.u32 s18, s9  }
0x42: {  	[sflag:s31] =	ssyncadd.s32 $0xFFFFF000;
	s10 =	simm.s32 @!p0 $0x2  }
0x43: {  	_ =	swait.ge @!p0 [sflag:s10], $0x80  }
0x44: {  	[sflag:s10] =	ssyncset.done @!p0 $0x0  }
0x45: {  	[sflag:s10] =	ssyncadd.s32 @!p0 $0xFFFFFF80  }
0x46: {  	p1 =	seq.s32 @!p0 s15, $0x0;
	_ =	swait.ge @!p0 [sflag:s10], $0x80  }
0x47: {  	p1 =	por p1, p0;
	[sflag:s10] =	ssyncset.done @!p0 $0x0  }
0x48: {  	[sflag:s10] =	ssyncadd.s32 @!p0 $0xFFFFFF80;
	s10 =	simm.s32 @!p1 $0x8  }
0x49: {  	_ =	swait.ge @!p1 [sflag:s10], $0x1000  }
0x4a: {  	s24 =	sshll.u32 s15, $0x1;
	v1 =	vmov s14;
	[sflag:s10] =	ssyncset.done @!p1 $0x0  }
0x4b: {  	v1 =	vand.u32 $0xFFFFFFFC, v1;
	s12 =	simm.s32 @!p0 $0x1300;
	[sflag:s10] =	ssyncadd.s32 @!p1 $0xFFFFF000;
	s10 =	simm.s32 @!p0 $0x80  }
0x4c: {  	v1 =	vbroadcast v1, $0x0;
	[tilespmem:s12], [sflag:$0x6] =	stream.indirect.gather @!p0 [hbm4b:s2+s10], $0x20, s10, s10, $0xb8;
	[tilespmem:$0xC300] =	vst v63  }
0x4d: {  	s10 =	sadd.s32 @!p0 s8, s24  }
0x4e: {  	s10 =	sshll.u32 @!p0 s10, $0x4  }
0x4f: {  	s10 =	sand.u32 @!p0 $0x1FFFFFE0, s10  }
0x50: {  	s13 =	simm.s32 @!p0 $0x180;
	s12 =	simm.s32 @!p0 $0x0;
	s10 =	sadd.s32 @!p0 s10, s17  }
0x51: {  	[tilespmem:s13], [sflag:$0x4] =	stream.linear.gather @!p0 [hbm4b:s10+s12], $0x80, $0x38;
	[tilespmem:$0xC300] =	vst v63  }
0x52: {  	s12 =	simm.s32 $0x340;
	v1 =	vld.idx.msk [tilespmem:v1+s23+$0x0], $0xffff  }
0x53: {  	s22 =	simm.s32 $0x1;
	v2 =	vld [tilespmem:s12+$0xFFFFFFC0]  }
0x54: {  	v4 =	vmov s22;
	v3 =	vld [tilespmem:s12+$0xFFFFFFD0]  }
0x55: {  	v4 =	vand.u32 $0xFFFFFFFD, v4  }
0x56: {  	v4 =	vbroadcast v4, $0x0;
	_ =	sdelay $0x1  }
0x57: {  	v2 =	vmul.f32 v2, v1  }
0x58: {  	v1 =	vmul.f32 v3, v1  }
0x59: {  	[tilespmem:s12+$0xFFFFFFC0] =	vst v2  }
0x5a: {  	[tilespmem:s12+$0xFFFFFFD0] =	vst v1;
	v2 =	vld [tilespmem:s12+$0xFFFFFFE0]  }
0x5b: {  	s13 =	simm.s32 $0x2;
	v1 =	vld.idx.msk [tilespmem:v4+s23+$0x0], $0xffff  }
0x5c: {  	v3 =	vld [tilespmem:s12+$0xFFFFFFF0];
	v4 =	vmov s13  }
0x5d: {  	v4 =	vand.u32 $0xFFFFFFFE, v4  }
0x5e: {  	v4 =	vbroadcast v4, $0x0;
	_ =	sdelay $0x1  }
0x5f: {  	v2 =	vmul.f32 v2, v1  }
0x60: {  	v1 =	vmul.f32 v3, v1  }
0x61: {  	[tilespmem:s12+$0xFFFFFFE0] =	vst v2  }
0x62: {  	[tilespmem:s12+$0xFFFFFFF0] =	vst v1;
	v1 =	vld [tilespmem:s12+$0x10]  }
0x63: {  	v2 =	vld.idx.msk [tilespmem:v4+s23+$0x0], $0xffff  }
0x64: {  	v3 =	vld [tilespmem:s12+$0x0];
	_ =	sdelay $0x1  }
0x65: {  	s22 =	simm.s32 $0x3  }
0x66: {  	v4 =	vmov s22  }
0x67: {  	v1 =	vmul.f32 v1, v2  }
0x68: {  	v2 =	vmul.f32 v3, v2  }
0x69: {  	[tilespmem:s12+$0x10] =	vst v1  }
0x6a: {  	[tilespmem:s12+$0x0] =	vst v2;
	v1 =	vld [tilespmem:s12+$0x30]  }
0x6b: {  	v2 =	vld.idx.msk [tilespmem:v4+s23+$0x0], $0xffff  }
0x6c: {  	s13 =	simm.s32 $0x4;
	v4 =	vld [tilespmem:s12+$0x20]  }
0x6d: {  	v3 =	vmov s13  }
0x6e: {  	v3 =	vand.u32 $0xFFFFFFFC, v3  }
0x6f: {  	s10 =	simm.s32 $0x8;
	v3 =	vbroadcast v3, $0x0  }
.LBB2_5:
0x70: {  	p0 =	slt.u32 s10, $0x7C  }
0x71: {  	v1 =	vmul.f32 v1, v2;
	v4 =	vmul.f32 v4, v2;
	_ =	sdelay $0x1  }
0x72: {  	[tilespmem:s12+$0x20] =	vst v4  }
0x73: {  	[tilespmem:s12+$0x30] =	vst v1  }
0x74: {  	s12 =	sadd.s32 $0x80, s12;
	v1 =	vld.idx.msk [tilespmem:v3+s23+$0x0], $0xffff  }
0x75: {  	s22 =	sadd.s32 $0x1, s13;
	v2 =	vld [tilespmem:s12+$0xFFFFFFC0]  }
0x76: {  	v4 =	vmov s22;
	v3 =	vld [tilespmem:s12+$0xFFFFFFD0]  }
0x77: {  	v4 =	vand.u32 $0xFFFFFFFD, v4  }
0x78: {  	v4 =	vbroadcast v4, $0x0;
	_ =	sdelay $0x1  }
0x79: {  	v2 =	vmul.f32 v2, v1  }
0x7a: {  	v1 =	vmul.f32 v3, v1  }
0x7b: {  	[tilespmem:s12+$0xFFFFFFC0] =	vst v2  }
0x7c: {  	[tilespmem:s12+$0xFFFFFFD0] =	vst v1  }
0x7d: {  	v1 =	vld.idx.msk [tilespmem:v4+s23+$0x0], $0xffff  }
0x7e: {  	s22 =	sadd.s32 $0x2, s13;
	v2 =	vld [tilespmem:s12+$0xFFFFFFE0]  }
0x7f: {  	v4 =	vmov s22;
	v3 =	vld [tilespmem:s12+$0xFFFFFFF0]  }
0x80: {  	v4 =	vand.u32 $0xFFFFFFFE, v4  }
0x81: {  	v4 =	vbroadcast v4, $0x0;
	_ =	sdelay $0x1  }
0x82: {  	v2 =	vmul.f32 v2, v1  }
0x83: {  	v1 =	vmul.f32 v3, v1  }
0x84: {  	[tilespmem:s12+$0xFFFFFFE0] =	vst v2  }
0x85: {  	[tilespmem:s12+$0xFFFFFFF0] =	vst v1;
	v1 =	vld [tilespmem:s12+$0x10]  }
0x86: {  	v2 =	vld.idx.msk [tilespmem:v4+s23+$0x0], $0xffff  }
0x87: {  	v3 =	vld [tilespmem:s12+$0x0];
	_ =	sdelay $0x2  }
0x88: {  	s22 =	sadd.s32 $0x3, s13;
	s13 =	smov.u32 s10  }
0x89: {  	v4 =	vmov s22  }
0x8a: {  	v1 =	vmul.f32 v1, v2;
	v3 =	vmul.f32 v3, v2;
	_ =	sdelay $0x1  }
0x8b: {  	[tilespmem:s12+$0x10] =	vst v1  }
0x8c: {  	[tilespmem:s12+$0x0] =	vst v3;
	v1 =	vld [tilespmem:s12+$0x30]  }
.Ltmp1:
0x8d: {  	v2 =	vld.idx.msk [tilespmem:v4+s23+$0x0], $0xffff;
	(pc) =	sbr.rel @p0 .LBB2_5-.Ltmp1, $4  }
0x8e: {  	v4 =	vld [tilespmem:s12+$0x20]  }
0x8f: {  	v3 =	vmov s10  }
0x90: {  	v3 =	vand.u32 $0xFFFFFFFC, v3  }
0x91: {  	s10 =	sadd.s32 $0x4, s10;
	v3 =	vbroadcast v3, $0x0  }
0x92: {  	_ = 	snop  }
0x93: {  	v1 =	vmul.f32 v1, v2  }
0x94: {  	v4 =	vmul.f32 v4, v2  }
0x95: {  	s10 =	sadd.s32 $0x80, s12;
	[tilespmem:s12+$0x30] =	vst v1  }
0x96: {  	v2 =	vld [tilespmem:s10+$0xFFFFFFC0];
	[tilespmem:s12+$0x20] =	vst v4  }
0x97: {  	s22 =	sadd.s32 $0x1, s13;
	v1 =	vld.idx.msk [tilespmem:v3+s23+$0x0], $0xffff  }
0x98: {  	v4 =	vmov s22;
	v3 =	vld [tilespmem:s10+$0xFFFFFFD0]  }
0x99: {  	v4 =	vand.u32 $0xFFFFFFFD, v4  }
0x9a: {  	v4 =	vbroadcast v4, $0x0;
	_ =	sdelay $0x1  }
0x9b: {  	v2 =	vmul.f32 v2, v1  }
0x9c: {  	v1 =	vmul.f32 v3, v1  }
0x9d: {  	[tilespmem:s10+$0xFFFFFFC0] =	vst v2  }
0x9e: {  	[tilespmem:s10+$0xFFFFFFD0] =	vst v1;
	v2 =	vld [tilespmem:s10+$0xFFFFFFE0]  }
0x9f: {  	s22 =	sadd.s32 $0x2, s13;
	v1 =	vld.idx.msk [tilespmem:v4+s23+$0x0], $0xffff  }
0xa0: {  	v3 =	vld [tilespmem:s10+$0xFFFFFFF0];
	v4 =	vmov s22  }
0xa1: {  	v4 =	vand.u32 $0xFFFFFFFE, v4  }
0xa2: {  	v4 =	vbroadcast v4, $0x0;
	_ =	sdelay $0x1  }
0xa3: {  	v2 =	vmul.f32 v2, v1  }
0xa4: {  	v1 =	vmul.f32 v3, v1  }
0xa5: {  	[tilespmem:s10+$0xFFFFFFE0] =	vst v2  }
0xa6: {  	[tilespmem:s10+$0xFFFFFFF0] =	vst v1;
	v1 =	vld [tilespmem:s10+$0x10]  }
0xa7: {  	v2 =	vld.idx.msk [tilespmem:v4+s23+$0x0], $0xffff  }
0xa8: {  	v3 =	vld [tilespmem:s10+$0x0];
	_ =	sdelay $0x1  }
0xa9: {  	s13 =	sadd.s32 $0x3, s13  }
0xaa: {  	v4 =	vmov s13  }
0xab: {  	v1 =	vmul.f32 v1, v2  }
0xac: {  	v2 =	vmul.f32 v3, v2  }
0xad: {  	[tilespmem:s10+$0x10] =	vst v1  }
0xae: {  	[tilespmem:s10+$0x0] =	vst v2;
	v2 =	vld [tilespmem:s10+$0x20]  }
0xaf: {  	v1 =	vld.idx.msk [tilespmem:v4+s23+$0x0], $0xffff  }
0xb0: {  	v3 =	vld [tilespmem:s10+$0x30];
	_ =	sdelay $0x3  }
0xb1: {  	v2 =	vmul.f32 v2, v1  }
0xb2: {  	v1 =	vmul.f32 v3, v1  }
0xb3: {  	[tilespmem:s10+$0x20] =	vst v2  }
0xb4: {  	[tilespmem:s10+$0x30] =	vst v1  }
0xb5: {  	p0 =	sge.u32 s24, s19;
	_ =	swait.ge [sflag:s0], $0x80  }
0xb6: {  	s10 =	sadd.s32 @!p0 s8, s24;
	[sflag:s0] =	ssyncset.done $0x0  }
0xb7: {  	s12 =	simm.s32 @p0 $0x6;
	s10 =	sshll.u32 @!p0 s10, $0x4;
	[sflag:s0] =	ssyncadd.s32 $0xFFFFFF80  }
0xb8: {  	[spmem:s3] =	stream.indirect.scatter.add.f32 [tilespmem:s30], [sflag:$0x7], $0x20, s29, s25, $0xb8;
	[tilespmem:$0xC300] =	vst v63  }
0xb9: {  	s10 =	sand.u32 @!p0 $0x1FFFFFF0, s10;
	_ =	swait.ge @p0 [sflag:s12], $0x1000  }
0xba: {  	s10 =	sadd.s32 @!p0 $0x20, s10;
	[sflag:s12] =	ssyncset.done @p0 $0x0  }
0xbb: {  	s13 =	simm.s32 @!p0 $0x0;
	[sflag:s12] =	ssyncadd.s32 @p0 $0xFFFFF000;
	s12 =	sadd.s32 @!p0 s6, s10  }
0xbc: {  	[tilespmem:s13], [sflag:$0x1] =	stream.linear.gather @!p0 [hbm4b:s12+s13], $0x80, $0x38;
	[tilespmem:$0xC300] =	vst v63  }
0xbd: {  	s10 =	sadd.s32 @!p0 s1, s10;
	s12 =	simm.s32 @!p0 $0x200  }
0xbe: {  	[tilespmem:s12], [sflag:$0x1] =	stream.linear.gather @!p0 [hbm4b:s10+s13], $0x80, $0x38;
	[tilespmem:$0xC300] =	vst v63  }
0xbf: {  	s10 =	simm.s32 @!p0 $0x6  }
0xc0: {  	_ =	swait.ge @!p0 [sflag:s10], $0x1000  }
0xc1: {  	[sflag:s10] =	ssyncset.done @!p0 $0x0  }
0xc2: {  	[sflag:s10] =	ssyncadd.s32 @!p0 $0xFFFFF000;
	s10 =	simm.s32 @!p0 $0x1  }
0xc3: {  	_ =	swait.ge @!p0 [sflag:s10], $0x80  }
0xc4: {  	[sflag:s10] =	ssyncset.done @!p0 $0x0  }
0xc5: {  	[sflag:s10] =	ssyncadd.s32 @!p0 $0xFFFFFF80  }
0xc6: {  	_ =	swait.ge @!p0 [sflag:s10], $0x80  }
0xc7: {  	[sflag:s10] =	ssyncset.done @!p0 $0x0  }
0xc8: {  	[sflag:s10] =	ssyncadd.s32 @!p0 $0xFFFFFF80;
	s10 =	simm.s32 @!p0 $0x7  }
0xc9: {  	_ =	swait.ge @!p0 [sflag:s10], $0x1000  }
0xca: {  	s22 =	simm.s32 $0x0;
	[sflag:s10] =	ssyncset.done @!p0 $0x0  }
0xcb: {  	v1 =	vmov s22;
	s12 =	simm.s32 @!p0 $0x300;
	[sflag:s10] =	ssyncadd.s32 @!p0 $0xFFFFF000;
	s10 =	simm.s32 @!p0 $0x80  }
0xcc: {  	v1 =	vand.u32 $0xFFFFFFFC, v1;
	[tilespmem:s12], [sflag:$0x5] =	stream.indirect.gather @!p0 [hbm4b:s2+s10], $0x20, s13, s10, $0xb8;
	[tilespmem:$0xC300] =	vst v63  }
0xcd: {  	v1 =	vbroadcast v1, $0x0;
	s10 =	sadd.s32 @!p0 s8, s18  }
0xce: {  	s10 =	sshll.u32 @!p0 s10, $0x4  }
0xcf: {  	s10 =	sand.u32 @!p0 $0x1FFFFFF0, s10  }
0xd0: {  	s10 =	sadd.s32 @!p0 s7, s10  }
0xd1: {  	s12 =	simm.s32 @!p0 $0x100;
	s10 =	sadd.s32 @!p0 $0x10, s10  }
0xd2: {  	[tilespmem:s12], [sflag:$0x3] =	stream.linear.gather @!p0 [hbm4b:s10+s13], $0x80, $0x38;
	[tilespmem:$0xC300] =	vst v63  }
0xd3: {  	s12 =	simm.s32 $0x1340;
	v1 =	vld.idx.msk [tilespmem:v1+s26+$0x0], $0xffff  }
0xd4: {  	s22 =	simm.s32 $0x1;
	v2 =	vld [tilespmem:s12+$0xFFFFFFC0]  }
0xd5: {  	v4 =	vmov s22;
	v3 =	vld [tilespmem:s12+$0xFFFFFFD0]  }
0xd6: {  	v4 =	vand.u32 $0xFFFFFFFD, v4  }
0xd7: {  	v4 =	vbroadcast v4, $0x0;
	_ =	sdelay $0x1  }
0xd8: {  	v2 =	vmul.f32 v2, v1  }
0xd9: {  	v1 =	vmul.f32 v3, v1  }
0xda: {  	[tilespmem:s12+$0xFFFFFFC0] =	vst v2  }
0xdb: {  	[tilespmem:s12+$0xFFFFFFD0] =	vst v1;
	v2 =	vld [tilespmem:s12+$0xFFFFFFE0]  }
0xdc: {  	s13 =	simm.s32 $0x2;
	v1 =	vld.idx.msk [tilespmem:v4+s26+$0x0], $0xffff  }
0xdd: {  	v3 =	vld [tilespmem:s12+$0xFFFFFFF0];
	v4 =	vmov s13  }
0xde: {  	v4 =	vand.u32 $0xFFFFFFFE, v4  }
0xdf: {  	v4 =	vbroadcast v4, $0x0;
	_ =	sdelay $0x1  }
0xe0: {  	v2 =	vmul.f32 v2, v1  }
0xe1: {  	v1 =	vmul.f32 v3, v1  }
0xe2: {  	[tilespmem:s12+$0xFFFFFFE0] =	vst v2  }
0xe3: {  	[tilespmem:s12+$0xFFFFFFF0] =	vst v1;
	v1 =	vld [tilespmem:s12+$0x10]  }
0xe4: {  	v2 =	vld.idx.msk [tilespmem:v4+s26+$0x0], $0xffff  }
0xe5: {  	v3 =	vld [tilespmem:s12+$0x0];
	_ =	sdelay $0x1  }
0xe6: {  	s22 =	simm.s32 $0x3  }
0xe7: {  	v4 =	vmov s22  }
0xe8: {  	v1 =	vmul.f32 v1, v2  }
0xe9: {  	v2 =	vmul.f32 v3, v2  }
0xea: {  	[tilespmem:s12+$0x10] =	vst v1  }
0xeb: {  	[tilespmem:s12+$0x0] =	vst v2;
	v1 =	vld [tilespmem:s12+$0x30]  }
0xec: {  	v2 =	vld.idx.msk [tilespmem:v4+s26+$0x0], $0xffff  }
0xed: {  	s13 =	simm.s32 $0x4;
	v4 =	vld [tilespmem:s12+$0x20]  }
0xee: {  	v3 =	vmov s13  }
0xef: {  	v3 =	vand.u32 $0xFFFFFFFC, v3  }
0xf0: {  	s10 =	simm.s32 $0x8;
	v3 =	vbroadcast v3, $0x0  }
.LBB2_7:
0xf1: {  	p0 =	slt.u32 s10, $0x7C  }
0xf2: {  	v1 =	vmul.f32 v1, v2;
	v4 =	vmul.f32 v4, v2;
	_ =	sdelay $0x1  }
0xf3: {  	[tilespmem:s12+$0x20] =	vst v4  }
0xf4: {  	[tilespmem:s12+$0x30] =	vst v1  }
0xf5: {  	s12 =	sadd.s32 $0x80, s12;
	v1 =	vld.idx.msk [tilespmem:v3+s26+$0x0], $0xffff  }
0xf6: {  	s22 =	sadd.s32 $0x1, s13;
	v2 =	vld [tilespmem:s12+$0xFFFFFFC0]  }
0xf7: {  	v4 =	vmov s22;
	v3 =	vld [tilespmem:s12+$0xFFFFFFD0]  }
0xf8: {  	v4 =	vand.u32 $0xFFFFFFFD, v4  }
0xf9: {  	v4 =	vbroadcast v4, $0x0;
	_ =	sdelay $0x1  }
0xfa: {  	v2 =	vmul.f32 v2, v1  }
0xfb: {  	v1 =	vmul.f32 v3, v1  }
0xfc: {  	[tilespmem:s12+$0xFFFFFFC0] =	vst v2  }
0xfd: {  	[tilespmem:s12+$0xFFFFFFD0] =	vst v1  }
0xfe: {  	v1 =	vld.idx.msk [tilespmem:v4+s26+$0x0], $0xffff  }
0xff: {  	s22 =	sadd.s32 $0x2, s13;
	v2 =	vld [tilespmem:s12+$0xFFFFFFE0]  }
0x100: {  	v4 =	vmov s22;
	v3 =	vld [tilespmem:s12+$0xFFFFFFF0]  }
0x101: {  	v4 =	vand.u32 $0xFFFFFFFE, v4  }
0x102: {  	v4 =	vbroadcast v4, $0x0;
	_ =	sdelay $0x1  }
0x103: {  	v2 =	vmul.f32 v2, v1  }
0x104: {  	v1 =	vmul.f32 v3, v1  }
0x105: {  	[tilespmem:s12+$0xFFFFFFE0] =	vst v2  }
0x106: {  	[tilespmem:s12+$0xFFFFFFF0] =	vst v1;
	v1 =	vld [tilespmem:s12+$0x10]  }
0x107: {  	v2 =	vld.idx.msk [tilespmem:v4+s26+$0x0], $0xffff  }
0x108: {  	v3 =	vld [tilespmem:s12+$0x0];
	_ =	sdelay $0x2  }
0x109: {  	s22 =	sadd.s32 $0x3, s13;
	s13 =	smov.u32 s10  }
0x10a: {  	v4 =	vmov s22  }
0x10b: {  	v1 =	vmul.f32 v1, v2;
	v3 =	vmul.f32 v3, v2;
	_ =	sdelay $0x1  }
0x10c: {  	[tilespmem:s12+$0x10] =	vst v1  }
0x10d: {  	[tilespmem:s12+$0x0] =	vst v3;
	v1 =	vld [tilespmem:s12+$0x30]  }
.Ltmp2:
0x10e: {  	v2 =	vld.idx.msk [tilespmem:v4+s26+$0x0], $0xffff;
	(pc) =	sbr.rel @p0 .LBB2_7-.Ltmp2, $4  }
0x10f: {  	v4 =	vld [tilespmem:s12+$0x20]  }
0x110: {  	v3 =	vmov s10  }
0x111: {  	v3 =	vand.u32 $0xFFFFFFFC, v3  }
0x112: {  	s10 =	sadd.s32 $0x4, s10;
	v3 =	vbroadcast v3, $0x0  }
0x113: {  	_ = 	snop  }
0x114: {  	v1 =	vmul.f32 v1, v2  }
0x115: {  	v4 =	vmul.f32 v4, v2  }
0x116: {  	s10 =	sadd.s32 $0x80, s12;
	[tilespmem:s12+$0x30] =	vst v1  }
0x117: {  	v2 =	vld [tilespmem:s10+$0xFFFFFFC0];
	[tilespmem:s12+$0x20] =	vst v4  }
0x118: {  	s22 =	sadd.s32 $0x1, s13;
	v1 =	vld.idx.msk [tilespmem:v3+s26+$0x0], $0xffff  }
0x119: {  	v61 =	vmov s22;
	v3 =	vld [tilespmem:s10+$0xFFFFFFD0]  }
0x11a: {  	v4 =	vand.u32 $0xFFFFFFFD, v61  }
0x11b: {  	v4 =	vbroadcast v4, $0x0;
	_ =	sdelay $0x1  }
0x11c: {  	v2 =	vmul.f32 v2, v1  }
0x11d: {  	v1 =	vmul.f32 v3, v1  }
0x11e: {  	[tilespmem:s10+$0xFFFFFFC0] =	vst v2  }
0x11f: {  	[tilespmem:s10+$0xFFFFFFD0] =	vst v1;
	v2 =	vld [tilespmem:s10+$0xFFFFFFE0]  }
0x120: {  	s22 =	sadd.s32 $0x2, s13;
	v1 =	vld.idx.msk [tilespmem:v4+s26+$0x0], $0xffff  }
0x121: {  	v62 =	vmov s22;
	v3 =	vld [tilespmem:s10+$0xFFFFFFF0]  }
0x122: {  	v4 =	vand.u32 $0xFFFFFFFE, v62  }
0x123: {  	v4 =	vbroadcast v4, $0x0;
	_ =	sdelay $0x1  }
0x124: {  	v2 =	vmul.f32 v2, v1  }
0x125: {  	v1 =	vmul.f32 v3, v1  }
0x126: {  	[tilespmem:s10+$0xFFFFFFE0] =	vst v2  }
0x127: {  	[tilespmem:s10+$0xFFFFFFF0] =	vst v1;
	v1 =	vld [tilespmem:s10+$0x10]  }
0x128: {  	v2 =	vld.idx.msk [tilespmem:v4+s26+$0x0], $0xffff  }
0x129: {  	v3 =	vld [tilespmem:s10+$0x0];
	_ =	sdelay $0x1  }
0x12a: {  	s22 =	sadd.s32 $0x3, s13  }
0x12b: {  	v63 =	vmov s22  }
0x12c: {  	v1 =	vmul.f32 v1, v2  }
0x12d: {  	v2 =	vmul.f32 v3, v2  }
0x12e: {  	[tilespmem:s10+$0x10] =	vst v1  }
0x12f: {  	[tilespmem:s10+$0x0] =	vst v2;
	v2 =	vld [tilespmem:s10+$0x20]  }
0x130: {  	v1 =	vld.idx.msk [tilespmem:v63+s26+$0x0], $0xffff  }
0x131: {  	v3 =	vld [tilespmem:s10+$0x30];
	_ =	sdelay $0x3  }
0x132: {  	v2 =	vmul.f32 v2, v1  }
0x133: {  	v1 =	vmul.f32 v3, v1  }
0x134: {  	p0 =	sge.u32 s24, s20;
	[tilespmem:s10+$0x20] =	vst v2  }
0x135: {  	[tilespmem:s10+$0x30] =	vst v1;
	s10 =	sadd.s32 @!p0 s8, s18  }
0x136: {  	_ =	swait.ge [sflag:s21], $0x80;
	s10 =	sshll.u32 @!p0 s10, $0x4  }
0x137: {  	[sflag:s21] =	ssyncset.done $0x0;
	s10 =	sand.u32 @!p0 $0x1FFFFFF0, s10  }
0x138: {  	[sflag:s21] =	ssyncadd.s32 $0xFFFFFF80;
	s10 =	sadd.s32 @!p0 $0x20, s10  }
0x139: {  	[spmem:s3] =	stream.indirect.scatter.add.f32 [tilespmem:s11], [sflag:$0x8], $0x20, s4, s25, $0xb8;
	[tilespmem:$0xC300] =	vst v63  }
0x13a: {  	s13 =	simm.s32 @!p0 $0x0;
	s18 =	simm.s32 @!p0 $0x80;
	s12 =	sadd.s32 @!p0 s6, s10  }
0x13b: {  	[tilespmem:s18], [sflag:$0x2] =	stream.linear.gather @!p0 [hbm4b:s12+s13], $0x80, $0x38;
	[tilespmem:$0xC300] =	vst v63  }
0x13c: {  	s15 =	sadd.s32 $0x1, s15;
	s10 =	sadd.s32 @!p0 s1, s10;
	s12 =	simm.s32 @!p0 $0x280  }
0x13d: {  	[tilespmem:s12], [sflag:$0x2] =	stream.linear.gather @!p0 [hbm4b:s10+s13], $0x80, $0x38;
	[tilespmem:$0xC300] =	vst v63  }
0x13e: {  	p0 =	sne.s32 s15, s16  }
.Ltmp3:
0x13f: {  	_ = 	snop;
	(pc) =	sbr.rel @p0 .LBB2_4-.Ltmp3, $1  }
0x140: {  	_ =	sdelay $0x3  }
0x141: {  	s10 =	simm.s32 $0x7  }
0x142: {  	_ =	swait.ge [sflag:s10], $0x1000  }
0x143: {  	[sflag:s10] =	ssyncset.done $0x0  }
0x144: {  	s18 =	simm.s32 $0x8;
	[sflag:s10] =	ssyncadd.s32 $0xFFFFF000  }
0x145: {  	_ =	swait.ge [sflag:s18], $0x1000  }
0x146: {  	[sflag:s18] =	ssyncset.done $0x0  }
0x147: {  	[sflag:s18] =	ssyncadd.s32 $0xFFFFF000  }
0x148: {  	s22 =	stileid.u32;
	[bflag:$0x0] =	sbarrier.arrive $0xFFFF  }
0x149: {  	s10 =	sshll.u32 s22, $0x6;
	s14 =	rddreg [dreg:$0x5]  }
0x14a: {  	s10 =	sor.u32 $0x1C09, s10;
	s13 =	rddreg [dreg:$0xc];
	s12 =	sshrl.u32 s14, $0x3  }
0x14b: {  	[hbm:s13], [sflag:s10] =	dma.local [spmem:s12], $0xA00  }
0x14c: {  	s13 =	simm.s32 $0x9  }
0x14d: {  	_ =	swait.ge [sflag:s13], $0xA00  }
0x14e: {  	s5 =	sadd.s32 $0x1, s5;
	s24 =	rddreg [dreg:$0xb]  }
0x14f: {  	p0 =	sne.s32 s5, s24  }
.Ltmp4:
0x150: {  	_ = 	snop;
	(pc) =	sbr.rel @p0 .LBB2_1-.Ltmp4, $3  }
0x151: {  	_ =	sdelay $0x1  }
0x152: {  	[sflag:s13] =	ssyncset.done $0x0  }
0x153: {  	[sflag:s13] =	ssyncadd.s32 $0xFFFFF600  }
0x154: {  	_ =	sfence.sel $0x180000  }
0x155: {  	[bflag:$0x0] =	sbarrier.arrive $0xFFFF  }
0x156: {  	_ =	strace $0x9000004D  }
0x157: {  	s0 =	stileid.u32;
	[bflag:$0x2] =	sbarrier.arrive $0xFFFF  }
0x158: {  	p0 =	sne.s32 s0, $0x0;
	s0 =	rddreg [dreg:$0x4]  }
0x159: {  	s0 =	sadd.s32 @!p0 $0x100000, s0  }
0x15a: {  	[sflag:s0] =	ssyncadd.tile.s32 @!p0 $0x1;
	_ =	shalt  }
.Lfunc_end2:
_tile_overlayer_lowered:
.L_overlay_start_2:
0x15b: {  	(tag) =	ssettag $0x2  }
0x15c: {  	s0 =	rddreg [dreg:$0x0];
	s2 =	stileid.u32  }
0x15d: {  	s1 =	rddreg [dreg:$0x1];
	p0 =	sne.s32 s2, $0x0  }
0x15e: {  	s3 =	rddreg [dreg:$0x2];
	[bflag:$0x3] =	sbarrier.arrive $0xFFFF;
	s2 =	simm.s32 @!p0 $0x1C09  }
0x15f: {  	[timem:s3], [sflag:s2] =	dma.local @!p0 [hbm:s0], s1  }
0x160: {  	s0 =	simm.s32 @!p0 $0x9  }
0x161: {  	_ =	swait.ge @!p0 [sflag:s0], s1  }
0x162: {  	s1 =	ssub.s32 @!p0 $0x0, s1;
	[sflag:s0] =	ssyncset.done @!p0 $0x0  }
0x163: {  	[sflag:s0] =	ssyncadd.s32 @!p0 s1  }
0x164: {  	[bflag:$0x3] =	sbarrier.arrive $0xFFFF  }
0x165: {  	_ =	shalt  }

// kernel: kernel.19.cloned.1.call-start
scs
__scs_entry_jumppad:
0x0: {  	(pc) =	sbr.rel $0x88, $3  }
0x1: {  	(tag) =	ssettag $0x0;
	lr =	simm.s32 $0x1  }
0x2: {  	[smem:$0x3F96] =	sst lr;
	_ =	strace $0xD0000000  }
0x3: {  	_ = 	snop  }
0x4: {  	_ = 	snop  }
0x5: {  	_ = 	snop  }
0x6: {  	_ = 	snop  }
0x7: {  	_ = 	snop  }
__scs_overlays_trampoline_lowered:
0x8: {  	[smem:$0x3FA5] =	sst s0  }
0x9: {  	[smem:$0x3FA6] =	sst s1  }
0xa: {  	[smem:$0x3FA7] =	sst s2  }
0xb: {  	[smem:$0x3FA8] =	sst s3  }
0xc: {  	[smem:$0x3FA9] =	sst s4  }
0xd: {  	[smem:$0x3FAA] =	sst s5  }
0xe: {  	[smem:$0x3FAB] =	sst s6  }
0xf: {  	[smem:$0x3FAC] =	sst s7  }
0x10: {  	[smem:$0x3FAD] =	sst s8  }
0x11: {  	[smem:$0x3FAE] =	sst s9;
	s0 =	simm.s32 @!p0 $0x0  }
0x12: {  	s1 =	sld [smem:$0x3F94];
	s0 =	simm.s32 @p0 $0x1  }
0x13: {  	[smem:$0x3FAF] =	sst s0;
	s0 =	simm.s32 @!p1 $0x0  }
0x14: {  	s2 =	sld [smem:$0x3F93];
	s0 =	simm.s32 @p1 $0x1  }
0x15: {  	[smem:$0x3FB0] =	sst s0;
	s0 =	simm.s32 @!p2 $0x0  }
0x16: {  	s3 =	sld [smem:$0x3FDB];
	s0 =	simm.s32 @p2 $0x1  }
0x17: {  	s4 =	simm.s32 $0x1BF5;
	[smem:$0x3FB2] =	sst s0  }
0x18: {  	s0 =	sld [smem:$0x3F95];
	_ =	swait.ge [sflag:s4], $0x0  }
0x19: {  	s7 =	sld [smem:$0x3F96]  }
0x1a: {  	s8 =	sadd.s32 $0xFFFFE003, lr  }
0x1b: {  	s9 =	sadd.s32 $0xFFFFFEF7, lr;
	s5 =	simm.s32 $0xFFFFFFFF;
	p2 =	slt.u32 s8, $0xFFFFF086  }
0x1c: {  	p1 =	slt.u32 s9, $0xF7A;
	s5 =	simm.s32 @!p2 $0x0  }
0x1d: {  	s5 =	simm.s32 @p1 $0x1;
	p0 =	seq.s32 s7, s2  }
0x1e: {  	s7 =	smul.u32 @!p0 $0xF7A, s2;
	p2 =	seq.s32 @!p0 s5, $0x0  }
0x1f: {  	s9 =	smul.u32 $0xF7A, s1;
	s8 =	simm.s32 @!p0 $0x1BF5;
	p2 =	por !p2, p0  }
0x20: {  	[sflag:s8] =	ssyncset.s32 @!p0 $0xFFFFF086;
	s6 =	sadd.s32 @!p0 s3, s7;
	s7 =	simm.s32 @!p0 $0x108  }
0x21: {  	s3 =	sadd.s32 s3, s9;
	s6 =	sadd.s32 @!p0 $0x88, s6;
	s7 =	simm.s32 @p2 $0x1082  }
0x22: {  	[simem:s7], [sflag:s8] =	dma.local @!p0 [hbm:s6], $0xF7A  }
0x23: {  	s9 =	sor.u32 $0xD0000000, s2;
	s6 =	simm.s32 $0x108;
	_ =	swait.ge @!p0 [sflag:s8], $0x0  }
0x24: {  	s3 =	sadd.s32 $0x88, s3;
	s6 =	simm.s32 @!p1 $0x1082;
	[sflag:s4] =	ssyncset.s32 $0xFFFFF086  }
0x25: {  	[simem:s6], [sflag:s4] =	dma.local [hbm:s3], $0xF7A  }
0x26: {  	[smem:$0x3F96] =	sst s1;
	(tag) =	ssettag s2;
	_ =	strace s9  }
0x27: {  	s1 =	sld [smem:$0x3FA6]  }
0x28: {  	s2 =	sld [smem:$0x3FA7]  }
0x29: {  	s4 =	sld [smem:$0x3FA9]  }
0x2a: {  	p0 =	seq.s32 s5, $0x0;
	s5 =	sld [smem:$0x3FAA]  }
0x2b: {  	s6 =	sld [smem:$0x3FAB]  }
0x2c: {  	s7 =	sld [smem:$0x3FAC]  }
0x2d: {  	s3 =	simm.s32 $0x108;
	s8 =	sld [smem:$0x3FAD]  }
0x2e: {  	s3 =	simm.s32 @!p0 $0x1082;
	s9 =	sld [smem:$0x3FAE]  }
0x2f: {  	lr =	sadd.s32 s0, s3;
	s0 =	sld [smem:$0x3FA5]  }
0x30: {  	s3 =	sld [smem:$0x3FA8]  }
0x31: {  	[smem:$0x3FB1] =	sst s10  }
0x32: {  	s10 =	sld [smem:$0x3FAF];
	_ =	sdelay $0x3  }
0x33: {  	p0 =	seq.s32 s10, $0x1;
	s10 =	sld [smem:$0x3FB1];
	_ =	sdelay $0x3  }
0x34: {  	[smem:$0x3FB1] =	sst s10  }
0x35: {  	s10 =	sld [smem:$0x3FB0];
	_ =	sdelay $0x3  }
0x36: {  	p1 =	seq.s32 s10, $0x1;
	s10 =	sld [smem:$0x3FB1];
	_ =	sdelay $0x3  }
0x37: {  	[smem:$0x3FB1] =	sst s10  }
0x38: {  	s10 =	sld [smem:$0x3FB2]  }
0x39: {  	_ = 	snop;
	(pc) =	sbr.ind lr, $3  }
0x3a: {  	_ = 	snop  }
0x3b: {  	_ = 	snop  }
0x3c: {  	p2 =	seq.s32 s10, $0x1;
	s10 =	sld [smem:$0x3FB1]  }
0x3d: {  	_ =	shalt  }
0x3e: {  	_ =	shalt  }
0x3f: {  	_ =	shalt  }
0x40: {  	_ =	shalt  }
0x41: {  	_ =	shalt  }
0x42: {  	_ =	shalt  }
0x43: {  	_ =	shalt  }
0x44: {  	_ =	shalt  }
0x45: {  	_ =	shalt  }
0x46: {  	_ =	shalt  }
0x47: {  	_ =	shalt  }
0x48: {  	_ =	shalt  }
0x49: {  	_ =	shalt  }
0x4a: {  	_ =	shalt  }
0x4b: {  	_ =	shalt  }
0x4c: {  	_ =	shalt  }
0x4d: {  	_ =	shalt  }
0x4e: {  	_ =	shalt  }
0x4f: {  	_ =	shalt  }
0x50: {  	_ =	shalt  }
0x51: {  	_ =	shalt  }
0x52: {  	_ =	shalt  }
0x53: {  	_ =	shalt  }
0x54: {  	_ =	shalt  }
0x55: {  	_ =	shalt  }
0x56: {  	_ =	shalt  }
0x57: {  	_ =	shalt  }
0x58: {  	_ =	shalt  }
0x59: {  	_ =	shalt  }
0x5a: {  	_ =	shalt  }
0x5b: {  	_ =	shalt  }
0x5c: {  	_ =	shalt  }
0x5d: {  	_ =	shalt  }
0x5e: {  	_ =	shalt  }
0x5f: {  	_ =	shalt  }
0x60: {  	_ =	shalt  }
0x61: {  	_ =	shalt  }
0x62: {  	_ =	shalt  }
0x63: {  	_ =	shalt  }
0x64: {  	_ =	shalt  }
0x65: {  	_ =	shalt  }
0x66: {  	_ =	shalt  }
0x67: {  	_ =	shalt  }
0x68: {  	_ =	shalt  }
0x69: {  	_ =	shalt  }
0x6a: {  	_ =	shalt  }
0x6b: {  	_ =	shalt  }
0x6c: {  	_ =	shalt  }
0x6d: {  	_ =	shalt  }
0x6e: {  	_ =	shalt  }
0x6f: {  	_ =	shalt  }
0x70: {  	_ =	shalt  }
0x71: {  	_ =	shalt  }
0x72: {  	_ =	shalt  }
0x73: {  	_ =	shalt  }
0x74: {  	_ =	shalt  }
0x75: {  	_ =	shalt  }
0x76: {  	_ =	shalt  }
0x77: {  	_ =	shalt  }
0x78: {  	_ =	shalt  }
0x79: {  	_ =	shalt  }
0x7a: {  	_ =	shalt  }
0x7b: {  	_ =	shalt  }
0x7c: {  	_ =	shalt  }
0x7d: {  	_ =	shalt  }
0x7e: {  	_ =	shalt  }
0x7f: {  	_ =	shalt  }
0x80: {  	_ =	shalt  }
0x81: {  	_ =	shalt  }
0x82: {  	_ =	shalt  }
0x83: {  	_ =	shalt  }
0x84: {  	_ =	shalt  }
0x85: {  	_ =	shalt  }
0x86: {  	_ =	shalt  }
0x87: {  	_ =	shalt  }
.Lfunc_end0:
.L_simem_size_0:
called_computation.3_lowered:
.L_overlay_start_0:
0x88: {  	s2 =	sld [smem:$0x3FD9]  }
0x89: {  	s3 =	sld [smem:$0x3FFE];
	_ =	sdelay $0x1  }
0x8a: {  	s1 =	srdreg.scid  }
0x8b: {  	s0 =	sand.u32 $0x1, s1  }
0x8c: {  	s17 =	sshll.u32 s0, $0xA;
	s2 =	sadd.s32 s3, s2  }
0x8d: {  	s2 =	sadd.s32 s2, s17  }
0x8e: {  	[smem:$0x3FBD] =	sst s2  }
0x8f: {  	_ = 	snop  }
0x90: {  	s2 =	sld [smem:$0x3FC7]  }
0x91: {  	s18 =	sld [smem:$0x3FD0];
	(tm) =	ssettm $0x1  }
0x92: {  	s4 =	sld [smem:$0x3FFB];
	_ =	sdelay $0x3  }
0x93: {  	_ =	strace s4  }
0x94: {  	s4 =	sld [smem:$0x3FFC];
	_ =	sdelay $0x3  }
0x95: {  	_ =	strace s4  }
0x96: {  	s4 =	sld [smem:$0x3FFD];
	_ =	sdelay $0x3  }
0x97: {  	_ =	strace s4  }
0x98: {  	_ =	strace $0x8FFFFFFF  }
0x99: {  	s19 =	sld [smem:$0x3FDB];
	_ =	sdelay $0x1  }
0x9a: {  	s5 =	simm.s32 $_scs_section_size  }
0x9b: {  	s6 =	simm.s32 $_size__tile_overlayer_lowered;
	s7 =	simm.s32 $_tile_overlayer_lowered  }
0x9c: {  	s22 =	simm.s32 $0x1BFF;
	s21 =	sshll.u32 s7, $0x1;
	s4 =	sadd.s32 s5, s19  }
0x9d: {  	s8 =	simm.s32 $0x0;
	s20 =	sshll.u32 s6, $0x1;
	s6 =	sadd.s32 s21, s4  }
0x9e: {  	[timem:s8], [sflag:s22] =	dma.local [hbm:s6], s20  }
0x9f: {  	_ =	swait.ge [sflag:s22], s20  }
0xa0: {  	s5 =	ssub.s32 $0x0, s20;
	[sflag:s22] =	ssyncset.done $0x0  }
0xa1: {  	[sflag:s22] =	ssyncadd.s32 s5;
	_ =	sdelay $0x1  }
0xa2: {  	s23 =	simm.s32 $0x1B8B  }
0xa3: {  	_ =	swait.ge [sflag:s23], $0x1  }
0xa4: {  	[sflag:s23] =	ssyncset.done $0x0  }
0xa5: {  	s25 =	simm.s32 $0x1B8E;
	s24 =	sld [smem:$0x3FFE];
	[sflag:s23] =	ssyncadd.s32 $0xFFFFFFFF  }
0xa6: {  	s26 =	simm.s32 $execute0_lowered;
	[smem:$0x3FD2] =	sst s25  }
0xa7: {  	s6 =	sshll.u32 s26, $0x1;
	_ =	strace $0x8000004F;
	[dreg:$0x1] =	wrdreg $0xFFFFFFFF  }
0xa8: {  	s28 =	simm.s32 $_size_execute0_lowered;
	s4 =	sadd.s32 s4, s6;
	[dreg:$0x0] =	wrdreg $0x0  }
0xa9: {  	s6 =	sshll.u32 s28, $0x1;
	[dreg:$0x2] =	wrdreg s4  }
0xaa: {  	[dreg:$0x3] =	wrdreg s6  }
0xab: {  	[dreg:$0x4] =	wrdreg $0xC0  }
0xac: {  	_ =	task [dreg:s8], $0x5FFFF  }
0xad: {  	[dreg:$0x1] =	wrdreg $0xFFFFFFFF  }
0xae: {  	[dreg:$0x0] =	wrdreg $0x60  }
0xaf: {  	[dreg:$0x2] =	wrdreg s24  }
0xb0: {  	[dreg:$0x3] =	wrdreg s2  }
0xb1: {  	[dreg:$0x4] =	wrdreg s18  }
0xb2: {  	[dreg:$0x5] =	wrdreg $0x73000  }
0xb3: {  	[dreg:$0x6] =	wrdreg $0x9  }
0xb4: {  	_ =	task.clear_ibuf [dreg:s8], $0x7FFFF;
	_ =	strace $0x9000004F  }
0xb5: {  	s29 =	simm.s32 $0x9;
	_ =	strace $0x80000051  }
0xb6: {  	_ =	swait.ge [sflag:s29], $0x1  }
0xb7: {  	[sflag:s29] =	ssyncadd.s32 $0xFFFFFFFF  }
0xb8: {  	_ =	strace $0x90000051  }
0xb9: {  	_ =	sfence  }
0xba: {  	s30 =	sld [smem:$0x0];
	_ =	sdelay $0x2  }
0xbb: {  	s31 =	sshll.u32 s1, $0xD;
	s1 =	sshrl.u32 s1, $0x2  }
0xbc: {  	s3 =	sand.u32 $0x4000, s31;
	s1 =	sadd.s32 s1, s30  }
0xbd: {  	s0 =	sor.u32 s3, s0;
	s1 =	sshll.u32 s1, $0x11  }
0xbe: {  	s0 =	sor.u32 s1, s0  }
0xbf: {  	s0 =	sadd.s32 $0x8F2B, s0  }
0xc0: {  	[sflag:s0] =	ssyncadd.remote.s32 $0x1  }
0xc1: {  	_ =	sfence.sel $0xFFFF  }
0xc2: {  	[dreg:$0x0] =	wrdreg $0xFFFFFFFF;
	(pc) =	sbr.abs _section_cstart, $3  }
0xc3: {  	[dreg:$0x1] =	wrdreg $0xFFFFFFFF  }
0xc4: {  	_ =	task.clear_ibuf [dreg:s8], $0x2FFFF;
	_ =	strace $0x9FFFFFFF  }
0xc5: {  	(tm) =	ssettm $0x7FFFFFFF  }
tec
execute0_lowered:
.L_overlay_start_1:
0x0: {  	(tag) =	ssettag $0x1  }
0x1: {  	s0 =	rddreg [dreg:$0x0]  }
0x2: {  	s1 =	rddreg [dreg:$0x1]  }
0x3: {  	s2 =	rddreg [dreg:$0x2]  }
0x4: {  	s3 =	rddreg [dreg:$0x3]  }
0x5: {  	s4 =	srdreg.scid;
	s5 =	simm.s32 $0x0;
	s13 =	stileid.u32  }
0x6: {  	s28 =	simm.s32 $0x1;
	s29 =	simm.s32 $0x100;
	s30 =	simm.s32 $0x300  }
0x7: {  	s31 =	simm.s32 $0x5;
	s4 =	sand.u32 $0x1, s4;
	[smem:$0x7FF] =	sst s5  }
0x8: {  	s7 =	sadd.s32 $0x2800, s0;
	s20 =	smul.u32 $0x5000, s13;
	s17 =	sadd.s32 $0x2810, s0  }
0x9: {  	s6 =	sshll.u32 s4, $0x4;
	s9 =	smul.u32 $0xA000, s4;
	_ =	strace $0x80000050  }
0xa: {  	s4 =	ssub.s32 $0x2, s4;
	s8 =	sor.u32 s13, s6;
	s6 =	sadd.s32 $0xC600, s0  }
0xb: {  	s12 =	sshrl.u32 s4, $0x1;
	s14 =	sadd.s32 s20, s3;
	s10 =	smul.u32 $0x4E, s8  }
0xc: {  	s26 =	sshrl.u32 s20, $0x3;
	s11 =	smul.u32 $0x50, s8;
	p0 =	slt.u32 s8, $0x2  }
0xd: {  	s19 =	sadd.s32 s9, s0;
	s9 =	simm.s32 $0x50;
	s4 =	ssub.s32 s4, s12  }
0xe: {  	[dreg:$0x5] =	wrdreg s14;
	s9 =	simm.s32 @!p0 $0x4E;
	s25 =	sadd.s32 $0x3E400, s19  }
0xf: {  	s4 =	smax.u32 s4, $0x1;
	s8 =	sadd.s32 $0x4, s10;
	s16 =	sshrl.u32 s9, $0x1  }
0x10: {  	[dreg:$0xb] =	wrdreg s4;
	s19 =	sadd.s32 $0xFFFFFFFE, s9;
	s8 =	smov.u32 @p0 s11  }
0x11: {  	s20 =	sadd.s32 $0xFFFFFFFD, s9;
	s0 =	sadd.s32 s26, s25;
	s21 =	sshll.u32 s8, $0x4  }
0x12: {  	s25 =	simm.s32 $0x80;
	s26 =	simm.s32 $0x280;
	s22 =	sand.u32 $0x1FFFFFE0, s21  }
0x13: {  	s4 =	simm.s32 $0x180;
	[dreg:$0xc] =	wrdreg s0;
	s13 =	sadd.s32 s6, s22  }
0x14: {  	s0 =	simm.s32 $0x3;
	s15 =	sadd.s32 s1, s22;
	[dreg:$0x6] =	wrdreg s13  }
0x15: {  	s23 =	sor.u32 $0x10, s22;
	s12 =	sadd.s32 s7, s22;
	[dreg:$0x7] =	wrdreg s15  }
0x16: {  	s11 =	simm.s32 $0x1300;
	s24 =	sadd.s32 s6, s23;
	[dreg:$0xa] =	wrdreg s12  }
0x17: {  	s21 =	simm.s32 $0x4;
	s13 =	sadd.s32 s1, s23;
	[dreg:$0x8] =	wrdreg s24  }
0x18: {  	v0 =	vimm.f32 $0.0e+00;
	s23 =	simm.s32 $0x200;
	[dreg:$0x9] =	wrdreg s13;
	s13 =	simm.s32 $0x9  }
.LBB2_1:
0x19: {  	s10 =	simm.s32 $0x2340  }
0x1a: {  	[tilespmem:s10+$0xFFFFFFC0] =	vst v0  }
0x1b: {  	[tilespmem:s10+$0x30] =	vst v0  }
0x1c: {  	[tilespmem:s10+$0x20] =	vst v0  }
0x1d: {  	[tilespmem:s10+$0x10] =	vst v0  }
0x1e: {  	[tilespmem:s10+$0x0] =	vst v0  }
0x1f: {  	[tilespmem:s10+$0xFFFFFFF0] =	vst v0  }
0x20: {  	s12 =	simm.s32 $0x0;
	[tilespmem:s10+$0xFFFFFFE0] =	vst v0  }
.LBB2_2:
0x21: {  	s12 =	sadd.s32 $0x4, s12;
	[tilespmem:s10+$0xFFFFFFD0] =	vst v0;
	s10 =	sadd.s32 $0x80, s10  }
0x22: {  	[tilespmem:s10+$0xFFFFFFC0] =	vst v0;
	p0 =	slt.u32 s12, $0x27C  }
0x23: {  	[tilespmem:s10+$0x30] =	vst v0  }
.Ltmp0:
0x24: {  	[tilespmem:s10+$0x20] =	vst v0;
	(pc) =	sbr.rel @p0 .LBB2_2-.Ltmp0, $4  }
0x25: {  	[tilespmem:s10+$0x10] =	vst v0  }
0x26: {  	[tilespmem:s10+$0x0] =	vst v0  }
0x27: {  	[tilespmem:s10+$0xFFFFFFF0] =	vst v0  }
0x28: {  	[tilespmem:s10+$0xFFFFFFE0] =	vst v0  }
0x29: {  	[tilespmem:s10+$0xFFFFFFD0] =	vst v0;
	s12 =	simm.s32 $0x2300  }
0x2a: {  	[spmem:s14] =	stream.linear.scatter [tilespmem:s12], [sflag:$0x9], $0x5000, $0x38;
	[tilespmem:$0xC300] =	vst v63  }
0x2b: {  	_ =	swait.ge [sflag:s13], $0x5000  }
0x2c: {  	[sflag:s13] =	ssyncset.done $0x0  }
0x2d: {  	[sflag:s13] =	ssyncadd.s32 $0xFFFFB000  }
0x2e: {  	[bflag:$0x0] =	sbarrier.arrive $0xFFFF  }
0x2f: {  	s14 =	simm.s32 $0x0;
	s13 =	rddreg [dreg:$0x6]  }
0x30: {  	[tilespmem:s14], [sflag:$0x1] =	stream.linear.gather [hbm4b:s13+s14], $0x80, $0x38;
	[tilespmem:$0xC300] =	vst v63  }
0x31: {  	s15 =	rddreg [dreg:$0x7]  }
0x32: {  	[tilespmem:s23], [sflag:$0x1] =	stream.linear.gather [hbm4b:s15+s14], $0x80, $0x38;
	[tilespmem:$0xC300] =	vst v63  }
0x33: {  	s18 =	rddreg [dreg:$0x8]  }
0x34: {  	[tilespmem:s25], [sflag:$0x2] =	stream.linear.gather [hbm4b:s18+s14], $0x80, $0x38;
	[tilespmem:$0xC300] =	vst v63  }
0x35: {  	s22 =	rddreg [dreg:$0x9]  }
0x36: {  	[tilespmem:s26], [sflag:$0x2] =	stream.linear.gather [hbm4b:s22+s14], $0x80, $0x38;
	[tilespmem:$0xC300] =	vst v63  }
0x37: {  	_ =	swait.ge [sflag:s28], $0x80  }
0x38: {  	[sflag:s28] =	ssyncset.done $0x0  }
0x39: {  	[sflag:s28] =	ssyncadd.s32 $0xFFFFFF80  }
0x3a: {  	_ =	swait.ge [sflag:s28], $0x80  }
0x3b: {  	[sflag:s28] =	ssyncset.done $0x0  }
0x3c: {  	s24 =	rddreg [dreg:$0xa];
	[sflag:s28] =	ssyncadd.s32 $0xFFFFFF80  }
0x3d: {  	[tilespmem:s29], [sflag:$0x3] =	stream.linear.gather [hbm4b:s24+s14], $0x80, $0x38;
	[tilespmem:$0xC300] =	vst v63  }
0x3e: {  	s15 =	simm.s32 $0x0  }
0x3f: {  	[tilespmem:s30], [sflag:$0x5] =	stream.indirect.gather [hbm4b:s2+s25], $0x20, s14, s25, $0xb8;
	[tilespmem:$0xC300] =	vst v63  }
.LBB2_4:
0x40: {  	_ =	swait.ge [sflag:s31], $0x1000;
	s18 =	sshllo.u32 s15, $0x1  }
0x41: {  	[sflag:s31] =	ssyncset.done $0x0;
	p0 =	sge.u32 s18, s9  }
0x42: {  	[sflag:s31] =	ssyncadd.s32 $0xFFFFF000;
	s10 =	simm.s32 @!p0 $0x2  }
0x43: {  	_ =	swait.ge @!p0 [sflag:s10], $0x80  }
0x44: {  	[sflag:s10] =	ssyncset.done @!p0 $0x0  }
0x45: {  	[sflag:s10] =	ssyncadd.s32 @!p0 $0xFFFFFF80  }
0x46: {  	p1 =	seq.s32 @!p0 s15, $0x0;
	_ =	swait.ge @!p0 [sflag:s10], $0x80  }
0x47: {  	p1 =	por p1, p0;
	[sflag:s10] =	ssyncset.done @!p0 $0x0  }
0x48: {  	[sflag:s10] =	ssyncadd.s32 @!p0 $0xFFFFFF80;
	s10 =	simm.s32 @!p1 $0x8  }
0x49: {  	_ =	swait.ge @!p1 [sflag:s10], $0x1000  }
0x4a: {  	s24 =	sshll.u32 s15, $0x1;
	v1 =	vmov s14;
	[sflag:s10] =	ssyncset.done @!p1 $0x0  }
0x4b: {  	v1 =	vand.u32 $0xFFFFFFFC, v1;
	s12 =	simm.s32 @!p0 $0x1300;
	[sflag:s10] =	ssyncadd.s32 @!p1 $0xFFFFF000;
	s10 =	simm.s32 @!p0 $0x80  }
0x4c: {  	v1 =	vbroadcast v1, $0x0;
	[tilespmem:s12], [sflag:$0x6] =	stream.indirect.gather @!p0 [hbm4b:s2+s10], $0x20, s10, s10, $0xb8;
	[tilespmem:$0xC300] =	vst v63  }
0x4d: {  	s10 =	sadd.s32 @!p0 s8, s24  }
0x4e: {  	s10 =	sshll.u32 @!p0 s10, $0x4  }
0x4f: {  	s10 =	sand.u32 @!p0 $0x1FFFFFE0, s10  }
0x50: {  	s13 =	simm.s32 @!p0 $0x180;
	s12 =	simm.s32 @!p0 $0x0;
	s10 =	sadd.s32 @!p0 s10, s17  }
0x51: {  	[tilespmem:s13], [sflag:$0x4] =	stream.linear.gather @!p0 [hbm4b:s10+s12], $0x80, $0x38;
	[tilespmem:$0xC300] =	vst v63  }
0x52: {  	s12 =	simm.s32 $0x340;
	v1 =	vld.idx.msk [tilespmem:v1+s23+$0x0], $0xffff  }
0x53: {  	s22 =	simm.s32 $0x1;
	v2 =	vld [tilespmem:s12+$0xFFFFFFC0]  }
0x54: {  	v4 =	vmov s22;
	v3 =	vld [tilespmem:s12+$0xFFFFFFD0]  }
0x55: {  	v4 =	vand.u32 $0xFFFFFFFD, v4  }
0x56: {  	v4 =	vbroadcast v4, $0x0;
	_ =	sdelay $0x1  }
0x57: {  	v2 =	vmul.f32 v2, v1  }
0x58: {  	v1 =	vmul.f32 v3, v1  }
0x59: {  	[tilespmem:s12+$0xFFFFFFC0] =	vst v2  }
0x5a: {  	[tilespmem:s12+$0xFFFFFFD0] =	vst v1;
	v2 =	vld [tilespmem:s12+$0xFFFFFFE0]  }
0x5b: {  	s13 =	simm.s32 $0x2;
	v1 =	vld.idx.msk [tilespmem:v4+s23+$0x0], $0xffff  }
0x5c: {  	v3 =	vld [tilespmem:s12+$0xFFFFFFF0];
	v4 =	vmov s13  }
0x5d: {  	v4 =	vand.u32 $0xFFFFFFFE, v4  }
0x5e: {  	v4 =	vbroadcast v4, $0x0;
	_ =	sdelay $0x1  }
0x5f: {  	v2 =	vmul.f32 v2, v1  }
0x60: {  	v1 =	vmul.f32 v3, v1  }
0x61: {  	[tilespmem:s12+$0xFFFFFFE0] =	vst v2  }
0x62: {  	[tilespmem:s12+$0xFFFFFFF0] =	vst v1;
	v1 =	vld [tilespmem:s12+$0x10]  }
0x63: {  	v2 =	vld.idx.msk [tilespmem:v4+s23+$0x0], $0xffff  }
0x64: {  	v3 =	vld [tilespmem:s12+$0x0];
	_ =	sdelay $0x1  }
0x65: {  	s22 =	simm.s32 $0x3  }
0x66: {  	v4 =	vmov s22  }
0x67: {  	v1 =	vmul.f32 v1, v2  }
0x68: {  	v2 =	vmul.f32 v3, v2  }
0x69: {  	[tilespmem:s12+$0x10] =	vst v1  }
0x6a: {  	[tilespmem:s12+$0x0] =	vst v2;
	v1 =	vld [tilespmem:s12+$0x30]  }
0x6b: {  	v2 =	vld.idx.msk [tilespmem:v4+s23+$0x0], $0xffff  }
0x6c: {  	s13 =	simm.s32 $0x4;
	v4 =	vld [tilespmem:s12+$0x20]  }
0x6d: {  	v3 =	vmov s13  }
0x6e: {  	v3 =	vand.u32 $0xFFFFFFFC, v3  }
0x6f: {  	s10 =	simm.s32 $0x8;
	v3 =	vbroadcast v3, $0x0  }
.LBB2_5:
0x70: {  	p0 =	slt.u32 s10, $0x7C  }
0x71: {  	v1 =	vmul.f32 v1, v2;
	v4 =	vmul.f32 v4, v2;
	_ =	sdelay $0x1  }
0x72: {  	[tilespmem:s12+$0x20] =	vst v4  }
0x73: {  	[tilespmem:s12+$0x30] =	vst v1  }
0x74: {  	s12 =	sadd.s32 $0x80, s12;
	v1 =	vld.idx.msk [tilespmem:v3+s23+$0x0], $0xffff  }
0x75: {  	s22 =	sadd.s32 $0x1, s13;
	v2 =	vld [tilespmem:s12+$0xFFFFFFC0]  }
0x76: {  	v4 =	vmov s22;
	v3 =	vld [tilespmem:s12+$0xFFFFFFD0]  }
0x77: {  	v4 =	vand.u32 $0xFFFFFFFD, v4  }
0x78: {  	v4 =	vbroadcast v4, $0x0;
	_ =	sdelay $0x1  }
0x79: {  	v2 =	vmul.f32 v2, v1  }
0x7a: {  	v1 =	vmul.f32 v3, v1  }
0x7b: {  	[tilespmem:s12+$0xFFFFFFC0] =	vst v2  }
0x7c: {  	[tilespmem:s12+$0xFFFFFFD0] =	vst v1  }
0x7d: {  	v1 =	vld.idx.msk [tilespmem:v4+s23+$0x0], $0xffff  }
0x7e: {  	s22 =	sadd.s32 $0x2, s13;
	v2 =	vld [tilespmem:s12+$0xFFFFFFE0]  }
0x7f: {  	v4 =	vmov s22;
	v3 =	vld [tilespmem:s12+$0xFFFFFFF0]  }
0x80: {  	v4 =	vand.u32 $0xFFFFFFFE, v4  }
0x81: {  	v4 =	vbroadcast v4, $0x0;
	_ =	sdelay $0x1  }
0x82: {  	v2 =	vmul.f32 v2, v1  }
0x83: {  	v1 =	vmul.f32 v3, v1  }
0x84: {  	[tilespmem:s12+$0xFFFFFFE0] =	vst v2  }
0x85: {  	[tilespmem:s12+$0xFFFFFFF0] =	vst v1;
	v1 =	vld [tilespmem:s12+$0x10]  }
0x86: {  	v2 =	vld.idx.msk [tilespmem:v4+s23+$0x0], $0xffff  }
0x87: {  	v3 =	vld [tilespmem:s12+$0x0];
	_ =	sdelay $0x2  }
0x88: {  	s22 =	sadd.s32 $0x3, s13;
	s13 =	smov.u32 s10  }
0x89: {  	v4 =	vmov s22  }
0x8a: {  	v1 =	vmul.f32 v1, v2;
	v3 =	vmul.f32 v3, v2;
	_ =	sdelay $0x1  }
0x8b: {  	[tilespmem:s12+$0x10] =	vst v1  }
0x8c: {  	[tilespmem:s12+$0x0] =	vst v3;
	v1 =	vld [tilespmem:s12+$0x30]  }
.Ltmp1:
0x8d: {  	v2 =	vld.idx.msk [tilespmem:v4+s23+$0x0], $0xffff;
	(pc) =	sbr.rel @p0 .LBB2_5-.Ltmp1, $4  }
0x8e: {  	v4 =	vld [tilespmem:s12+$0x20]  }
0x8f: {  	v3 =	vmov s10  }
0x90: {  	v3 =	vand.u32 $0xFFFFFFFC, v3  }
0x91: {  	s10 =	sadd.s32 $0x4, s10;
	v3 =	vbroadcast v3, $0x0  }
0x92: {  	_ = 	snop  }
0x93: {  	v1 =	vmul.f32 v1, v2  }
0x94: {  	v4 =	vmul.f32 v4, v2  }
0x95: {  	s10 =	sadd.s32 $0x80, s12;
	[tilespmem:s12+$0x30] =	vst v1  }
0x96: {  	v2 =	vld [tilespmem:s10+$0xFFFFFFC0];
	[tilespmem:s12+$0x20] =	vst v4  }
0x97: {  	s22 =	sadd.s32 $0x1, s13;
	v1 =	vld.idx.msk [tilespmem:v3+s23+$0x0], $0xffff  }
0x98: {  	v4 =	vmov s22;
	v3 =	vld [tilespmem:s10+$0xFFFFFFD0]  }
0x99: {  	v4 =	vand.u32 $0xFFFFFFFD, v4  }
0x9a: {  	v4 =	vbroadcast v4, $0x0;
	_ =	sdelay $0x1  }
0x9b: {  	v2 =	vmul.f32 v2, v1  }
0x9c: {  	v1 =	vmul.f32 v3, v1  }
0x9d: {  	[tilespmem:s10+$0xFFFFFFC0] =	vst v2  }
0x9e: {  	[tilespmem:s10+$0xFFFFFFD0] =	vst v1;
	v2 =	vld [tilespmem:s10+$0xFFFFFFE0]  }
0x9f: {  	s22 =	sadd.s32 $0x2, s13;
	v1 =	vld.idx.msk [tilespmem:v4+s23+$0x0], $0xffff  }
0xa0: {  	v3 =	vld [tilespmem:s10+$0xFFFFFFF0];
	v4 =	vmov s22  }
0xa1: {  	v4 =	vand.u32 $0xFFFFFFFE, v4  }
0xa2: {  	v4 =	vbroadcast v4, $0x0;
	_ =	sdelay $0x1  }
0xa3: {  	v2 =	vmul.f32 v2, v1  }
0xa4: {  	v1 =	vmul.f32 v3, v1  }
0xa5: {  	[tilespmem:s10+$0xFFFFFFE0] =	vst v2  }
0xa6: {  	[tilespmem:s10+$0xFFFFFFF0] =	vst v1;
	v1 =	vld [tilespmem:s10+$0x10]  }
0xa7: {  	v2 =	vld.idx.msk [tilespmem:v4+s23+$0x0], $0xffff  }
0xa8: {  	v3 =	vld [tilespmem:s10+$0x0];
	_ =	sdelay $0x1  }
0xa9: {  	s13 =	sadd.s32 $0x3, s13  }
0xaa: {  	v4 =	vmov s13  }
0xab: {  	v1 =	vmul.f32 v1, v2  }
0xac: {  	v2 =	vmul.f32 v3, v2  }
0xad: {  	[tilespmem:s10+$0x10] =	vst v1  }
0xae: {  	[tilespmem:s10+$0x0] =	vst v2;
	v2 =	vld [tilespmem:s10+$0x20]  }
0xaf: {  	v1 =	vld.idx.msk [tilespmem:v4+s23+$0x0], $0xffff  }
0xb0: {  	v3 =	vld [tilespmem:s10+$0x30];
	_ =	sdelay $0x3  }
0xb1: {  	v2 =	vmul.f32 v2, v1  }
0xb2: {  	v1 =	vmul.f32 v3, v1  }
0xb3: {  	[tilespmem:s10+$0x20] =	vst v2  }
0xb4: {  	[tilespmem:s10+$0x30] =	vst v1  }
0xb5: {  	p0 =	sge.u32 s24, s19;
	_ =	swait.ge [sflag:s0], $0x80  }
0xb6: {  	s10 =	sadd.s32 @!p0 s8, s24;
	[sflag:s0] =	ssyncset.done $0x0  }
0xb7: {  	s12 =	simm.s32 @p0 $0x6;
	s10 =	sshll.u32 @!p0 s10, $0x4;
	[sflag:s0] =	ssyncadd.s32 $0xFFFFFF80  }
0xb8: {  	[spmem:s3] =	stream.indirect.scatter.add.f32 [tilespmem:s30], [sflag:$0x7], $0x20, s29, s25, $0xb8;
	[tilespmem:$0xC300] =	vst v63  }
0xb9: {  	s10 =	sand.u32 @!p0 $0x1FFFFFF0, s10;
	_ =	swait.ge @p0 [sflag:s12], $0x1000  }
0xba: {  	s10 =	sadd.s32 @!p0 $0x20, s10;
	[sflag:s12] =	ssyncset.done @p0 $0x0  }
0xbb: {  	s13 =	simm.s32 @!p0 $0x0;
	[sflag:s12] =	ssyncadd.s32 @p0 $0xFFFFF000;
	s12 =	sadd.s32 @!p0 s6, s10  }
0xbc: {  	[tilespmem:s13], [sflag:$0x1] =	stream.linear.gather @!p0 [hbm4b:s12+s13], $0x80, $0x38;
	[tilespmem:$0xC300] =	vst v63  }
0xbd: {  	s10 =	sadd.s32 @!p0 s1, s10;
	s12 =	simm.s32 @!p0 $0x200  }
0xbe: {  	[tilespmem:s12], [sflag:$0x1] =	stream.linear.gather @!p0 [hbm4b:s10+s13], $0x80, $0x38;
	[tilespmem:$0xC300] =	vst v63  }
0xbf: {  	s10 =	simm.s32 @!p0 $0x6  }
0xc0: {  	_ =	swait.ge @!p0 [sflag:s10], $0x1000  }
0xc1: {  	[sflag:s10] =	ssyncset.done @!p0 $0x0  }
0xc2: {  	[sflag:s10] =	ssyncadd.s32 @!p0 $0xFFFFF000;
	s10 =	simm.s32 @!p0 $0x1  }
0xc3: {  	_ =	swait.ge @!p0 [sflag:s10], $0x80  }
0xc4: {  	[sflag:s10] =	ssyncset.done @!p0 $0x0  }
0xc5: {  	[sflag:s10] =	ssyncadd.s32 @!p0 $0xFFFFFF80  }
0xc6: {  	_ =	swait.ge @!p0 [sflag:s10], $0x80  }
0xc7: {  	[sflag:s10] =	ssyncset.done @!p0 $0x0  }
0xc8: {  	[sflag:s10] =	ssyncadd.s32 @!p0 $0xFFFFFF80;
	s10 =	simm.s32 @!p0 $0x7  }
0xc9: {  	_ =	swait.ge @!p0 [sflag:s10], $0x1000  }
0xca: {  	s22 =	simm.s32 $0x0;
	[sflag:s10] =	ssyncset.done @!p0 $0x0  }
0xcb: {  	v1 =	vmov s22;
	s12 =	simm.s32 @!p0 $0x300;
	[sflag:s10] =	ssyncadd.s32 @!p0 $0xFFFFF000;
	s10 =	simm.s32 @!p0 $0x80  }
0xcc: {  	v1 =	vand.u32 $0xFFFFFFFC, v1;
	[tilespmem:s12], [sflag:$0x5] =	stream.indirect.gather @!p0 [hbm4b:s2+s10], $0x20, s13, s10, $0xb8;
	[tilespmem:$0xC300] =	vst v63  }
0xcd: {  	v1 =	vbroadcast v1, $0x0;
	s10 =	sadd.s32 @!p0 s8, s18  }
0xce: {  	s10 =	sshll.u32 @!p0 s10, $0x4  }
0xcf: {  	s10 =	sand.u32 @!p0 $0x1FFFFFF0, s10  }
0xd0: {  	s10 =	sadd.s32 @!p0 s7, s10  }
0xd1: {  	s12 =	simm.s32 @!p0 $0x100;
	s10 =	sadd.s32 @!p0 $0x10, s10  }
0xd2: {  	[tilespmem:s12], [sflag:$0x3] =	stream.linear.gather @!p0 [hbm4b:s10+s13], $0x80, $0x38;
	[tilespmem:$0xC300] =	vst v63  }
0xd3: {  	s12 =	simm.s32 $0x1340;
	v1 =	vld.idx.msk [tilespmem:v1+s26+$0x0], $0xffff  }
0xd4: {  	s22 =	simm.s32 $0x1;
	v2 =	vld [tilespmem:s12+$0xFFFFFFC0]  }
0xd5: {  	v4 =	vmov s22;
	v3 =	vld [tilespmem:s12+$0xFFFFFFD0]  }
0xd6: {  	v4 =	vand.u32 $0xFFFFFFFD, v4  }
0xd7: {  	v4 =	vbroadcast v4, $0x0;
	_ =	sdelay $0x1  }
0xd8: {  	v2 =	vmul.f32 v2, v1  }
0xd9: {  	v1 =	vmul.f32 v3, v1  }
0xda: {  	[tilespmem:s12+$0xFFFFFFC0] =	vst v2  }
0xdb: {  	[tilespmem:s12+$0xFFFFFFD0] =	vst v1;
	v2 =	vld [tilespmem:s12+$0xFFFFFFE0]  }
0xdc: {  	s13 =	simm.s32 $0x2;
	v1 =	vld.idx.msk [tilespmem:v4+s26+$0x0], $0xffff  }
0xdd: {  	v3 =	vld [tilespmem:s12+$0xFFFFFFF0];
	v4 =	vmov s13  }
0xde: {  	v4 =	vand.u32 $0xFFFFFFFE, v4  }
0xdf: {  	v4 =	vbroadcast v4, $0x0;
	_ =	sdelay $0x1  }
0xe0: {  	v2 =	vmul.f32 v2, v1  }
0xe1: {  	v1 =	vmul.f32 v3, v1  }
0xe2: {  	[tilespmem:s12+$0xFFFFFFE0] =	vst v2  }
0xe3: {  	[tilespmem:s12+$0xFFFFFFF0] =	vst v1;
	v1 =	vld [tilespmem:s12+$0x10]  }
0xe4: {  	v2 =	vld.idx.msk [tilespmem:v4+s26+$0x0], $0xffff  }
0xe5: {  	v3 =	vld [tilespmem:s12+$0x0];
	_ =	sdelay $0x1  }
0xe6: {  	s22 =	simm.s32 $0x3  }
0xe7: {  	v4 =	vmov s22  }
0xe8: {  	v1 =	vmul.f32 v1, v2  }
0xe9: {  	v2 =	vmul.f32 v3, v2  }
0xea: {  	[tilespmem:s12+$0x10] =	vst v1  }
0xeb: {  	[tilespmem:s12+$0x0] =	vst v2;
	v1 =	vld [tilespmem:s12+$0x30]  }
0xec: {  	v2 =	vld.idx.msk [tilespmem:v4+s26+$0x0], $0xffff  }
0xed: {  	s13 =	simm.s32 $0x4;
	v4 =	vld [tilespmem:s12+$0x20]  }
0xee: {  	v3 =	vmov s13  }
0xef: {  	v3 =	vand.u32 $0xFFFFFFFC, v3  }
0xf0: {  	s10 =	simm.s32 $0x8;
	v3 =	vbroadcast v3, $0x0  }
.LBB2_7:
0xf1: {  	p0 =	slt.u32 s10, $0x7C  }
0xf2: {  	v1 =	vmul.f32 v1, v2;
	v4 =	vmul.f32 v4, v2;
	_ =	sdelay $0x1  }
0xf3: {  	[tilespmem:s12+$0x20] =	vst v4  }
0xf4: {  	[tilespmem:s12+$0x30] =	vst v1  }
0xf5: {  	s12 =	sadd.s32 $0x80, s12;
	v1 =	vld.idx.msk [tilespmem:v3+s26+$0x0], $0xffff  }
0xf6: {  	s22 =	sadd.s32 $0x1, s13;
	v2 =	vld [tilespmem:s12+$0xFFFFFFC0]  }
0xf7: {  	v4 =	vmov s22;
	v3 =	vld [tilespmem:s12+$0xFFFFFFD0]  }
0xf8: {  	v4 =	vand.u32 $0xFFFFFFFD, v4  }
0xf9: {  	v4 =	vbroadcast v4, $0x0;
	_ =	sdelay $0x1  }
0xfa: {  	v2 =	vmul.f32 v2, v1  }
0xfb: {  	v1 =	vmul.f32 v3, v1  }
0xfc: {  	[tilespmem:s12+$0xFFFFFFC0] =	vst v2  }
0xfd: {  	[tilespmem:s12+$0xFFFFFFD0] =	vst v1  }
0xfe: {  	v1 =	vld.idx.msk [tilespmem:v4+s26+$0x0], $0xffff  }
0xff: {  	s22 =	sadd.s32 $0x2, s13;
	v2 =	vld [tilespmem:s12+$0xFFFFFFE0]  }
0x100: {  	v4 =	vmov s22;
	v3 =	vld [tilespmem:s12+$0xFFFFFFF0]  }
0x101: {  	v4 =	vand.u32 $0xFFFFFFFE, v4  }
0x102: {  	v4 =	vbroadcast v4, $0x0;
	_ =	sdelay $0x1  }
0x103: {  	v2 =	vmul.f32 v2, v1  }
0x104: {  	v1 =	vmul.f32 v3, v1  }
0x105: {  	[tilespmem:s12+$0xFFFFFFE0] =	vst v2  }
0x106: {  	[tilespmem:s12+$0xFFFFFFF0] =	vst v1;
	v1 =	vld [tilespmem:s12+$0x10]  }
0x107: {  	v2 =	vld.idx.msk [tilespmem:v4+s26+$0x0], $0xffff  }
0x108: {  	v3 =	vld [tilespmem:s12+$0x0];
	_ =	sdelay $0x2  }
0x109: {  	s22 =	sadd.s32 $0x3, s13;
	s13 =	smov.u32 s10  }
0x10a: {  	v4 =	vmov s22  }
0x10b: {  	v1 =	vmul.f32 v1, v2;
	v3 =	vmul.f32 v3, v2;
	_ =	sdelay $0x1  }
0x10c: {  	[tilespmem:s12+$0x10] =	vst v1  }
0x10d: {  	[tilespmem:s12+$0x0] =	vst v3;
	v1 =	vld [tilespmem:s12+$0x30]  }
.Ltmp2:
0x10e: {  	v2 =	vld.idx.msk [tilespmem:v4+s26+$0x0], $0xffff;
	(pc) =	sbr.rel @p0 .LBB2_7-.Ltmp2, $4  }
0x10f: {  	v4 =	vld [tilespmem:s12+$0x20]  }
0x110: {  	v3 =	vmov s10  }
0x111: {  	v3 =	vand.u32 $0xFFFFFFFC, v3  }
0x112: {  	s10 =	sadd.s32 $0x4, s10;
	v3 =	vbroadcast v3, $0x0  }
0x113: {  	_ = 	snop  }
0x114: {  	v1 =	vmul.f32 v1, v2  }
0x115: {  	v4 =	vmul.f32 v4, v2  }
0x116: {  	s10 =	sadd.s32 $0x80, s12;
	[tilespmem:s12+$0x30] =	vst v1  }
0x117: {  	v2 =	vld [tilespmem:s10+$0xFFFFFFC0];
	[tilespmem:s12+$0x20] =	vst v4  }
0x118: {  	s22 =	sadd.s32 $0x1, s13;
	v1 =	vld.idx.msk [tilespmem:v3+s26+$0x0], $0xffff  }
0x119: {  	v61 =	vmov s22;
	v3 =	vld [tilespmem:s10+$0xFFFFFFD0]  }
0x11a: {  	v4 =	vand.u32 $0xFFFFFFFD, v61  }
0x11b: {  	v4 =	vbroadcast v4, $0x0;
	_ =	sdelay $0x1  }
0x11c: {  	v2 =	vmul.f32 v2, v1  }
0x11d: {  	v1 =	vmul.f32 v3, v1  }
0x11e: {  	[tilespmem:s10+$0xFFFFFFC0] =	vst v2  }
0x11f: {  	[tilespmem:s10+$0xFFFFFFD0] =	vst v1;
	v2 =	vld [tilespmem:s10+$0xFFFFFFE0]  }
0x120: {  	s22 =	sadd.s32 $0x2, s13;
	v1 =	vld.idx.msk [tilespmem:v4+s26+$0x0], $0xffff  }
0x121: {  	v62 =	vmov s22;
	v3 =	vld [tilespmem:s10+$0xFFFFFFF0]  }
0x122: {  	v4 =	vand.u32 $0xFFFFFFFE, v62  }
0x123: {  	v4 =	vbroadcast v4, $0x0;
	_ =	sdelay $0x1  }
0x124: {  	v2 =	vmul.f32 v2, v1  }
0x125: {  	v1 =	vmul.f32 v3, v1  }
0x126: {  	[tilespmem:s10+$0xFFFFFFE0] =	vst v2  }
0x127: {  	[tilespmem:s10+$0xFFFFFFF0] =	vst v1;
	v1 =	vld [tilespmem:s10+$0x10]  }
0x128: {  	v2 =	vld.idx.msk [tilespmem:v4+s26+$0x0], $0xffff  }
0x129: {  	v3 =	vld [tilespmem:s10+$0x0];
	_ =	sdelay $0x1  }
0x12a: {  	s22 =	sadd.s32 $0x3, s13  }
0x12b: {  	v63 =	vmov s22  }
0x12c: {  	v1 =	vmul.f32 v1, v2  }
0x12d: {  	v2 =	vmul.f32 v3, v2  }
0x12e: {  	[tilespmem:s10+$0x10] =	vst v1  }
0x12f: {  	[tilespmem:s10+$0x0] =	vst v2;
	v2 =	vld [tilespmem:s10+$0x20]  }
0x130: {  	v1 =	vld.idx.msk [tilespmem:v63+s26+$0x0], $0xffff  }
0x131: {  	v3 =	vld [tilespmem:s10+$0x30];
	_ =	sdelay $0x3  }
0x132: {  	v2 =	vmul.f32 v2, v1  }
0x133: {  	v1 =	vmul.f32 v3, v1  }
0x134: {  	p0 =	sge.u32 s24, s20;
	[tilespmem:s10+$0x20] =	vst v2  }
0x135: {  	[tilespmem:s10+$0x30] =	vst v1;
	s10 =	sadd.s32 @!p0 s8, s18  }
0x136: {  	_ =	swait.ge [sflag:s21], $0x80;
	s10 =	sshll.u32 @!p0 s10, $0x4  }
0x137: {  	[sflag:s21] =	ssyncset.done $0x0;
	s10 =	sand.u32 @!p0 $0x1FFFFFF0, s10  }
0x138: {  	[sflag:s21] =	ssyncadd.s32 $0xFFFFFF80;
	s10 =	sadd.s32 @!p0 $0x20, s10  }
0x139: {  	[spmem:s3] =	stream.indirect.scatter.add.f32 [tilespmem:s11], [sflag:$0x8], $0x20, s4, s25, $0xb8;
	[tilespmem:$0xC300] =	vst v63  }
0x13a: {  	s13 =	simm.s32 @!p0 $0x0;
	s18 =	simm.s32 @!p0 $0x80;
	s12 =	sadd.s32 @!p0 s6, s10  }
0x13b: {  	[tilespmem:s18], [sflag:$0x2] =	stream.linear.gather @!p0 [hbm4b:s12+s13], $0x80, $0x38;
	[tilespmem:$0xC300] =	vst v63  }
0x13c: {  	s15 =	sadd.s32 $0x1, s15;
	s10 =	sadd.s32 @!p0 s1, s10;
	s12 =	simm.s32 @!p0 $0x280  }
0x13d: {  	[tilespmem:s12], [sflag:$0x2] =	stream.linear.gather @!p0 [hbm4b:s10+s13], $0x80, $0x38;
	[tilespmem:$0xC300] =	vst v63  }
0x13e: {  	p0 =	sne.s32 s15, s16  }
.Ltmp3:
0x13f: {  	_ = 	snop;
	(pc) =	sbr.rel @p0 .LBB2_4-.Ltmp3, $1  }
0x140: {  	_ =	sdelay $0x3  }
0x141: {  	s10 =	simm.s32 $0x7  }
0x142: {  	_ =	swait.ge [sflag:s10], $0x1000  }
0x143: {  	[sflag:s10] =	ssyncset.done $0x0  }
0x144: {  	s18 =	simm.s32 $0x8;
	[sflag:s10] =	ssyncadd.s32 $0xFFFFF000  }
0x145: {  	_ =	swait.ge [sflag:s18], $0x1000  }
0x146: {  	[sflag:s18] =	ssyncset.done $0x0  }
0x147: {  	[sflag:s18] =	ssyncadd.s32 $0xFFFFF000  }
0x148: {  	s22 =	stileid.u32;
	[bflag:$0x0] =	sbarrier.arrive $0xFFFF  }
0x149: {  	s10 =	sshll.u32 s22, $0x6;
	s14 =	rddreg [dreg:$0x5]  }
0x14a: {  	s10 =	sor.u32 $0x1C09, s10;
	s13 =	rddreg [dreg:$0xc];
	s12 =	sshrl.u32 s14, $0x3  }
0x14b: {  	[hbm:s13], [sflag:s10] =	dma.local [spmem:s12], $0xA00  }
0x14c: {  	s13 =	simm.s32 $0x9  }
0x14d: {  	_ =	swait.ge [sflag:s13], $0xA00  }
0x14e: {  	s5 =	sadd.s32 $0x1, s5;
	s24 =	rddreg [dreg:$0xb]  }
0x14f: {  	p0 =	sne.s32 s5, s24  }
.Ltmp4:
0x150: {  	_ = 	snop;
	(pc) =	sbr.rel @p0 .LBB2_1-.Ltmp4, $3  }
0x151: {  	_ =	sdelay $0x1  }
0x152: {  	[sflag:s13] =	ssyncset.done $0x0  }
0x153: {  	[sflag:s13] =	ssyncadd.s32 $0xFFFFF600  }
0x154: {  	_ =	sfence.sel $0x180000  }
0x155: {  	[bflag:$0x0] =	sbarrier.arrive $0xFFFF  }
0x156: {  	_ =	strace $0x90000050  }
0x157: {  	s0 =	stileid.u32;
	[bflag:$0x2] =	sbarrier.arrive $0xFFFF  }
0x158: {  	p0 =	sne.s32 s0, $0x0;
	s0 =	rddreg [dreg:$0x4]  }
0x159: {  	s0 =	sadd.s32 @!p0 $0x100000, s0  }
0x15a: {  	[sflag:s0] =	ssyncadd.tile.s32 @!p0 $0x1;
	_ =	shalt  }
.Lfunc_end2:
_tile_overlayer_lowered:
.L_overlay_start_2:
0x15b: {  	(tag) =	ssettag $0x2  }
0x15c: {  	s0 =	rddreg [dreg:$0x0];
	s2 =	stileid.u32  }
0x15d: {  	s1 =	rddreg [dreg:$0x1];
	p0 =	sne.s32 s2, $0x0  }
0x15e: {  	s3 =	rddreg [dreg:$0x2];
	[bflag:$0x3] =	sbarrier.arrive $0xFFFF;
	s2 =	simm.s32 @!p0 $0x1C09  }
0x15f: {  	[timem:s3], [sflag:s2] =	dma.local @!p0 [hbm:s0], s1  }
0x160: {  	s0 =	simm.s32 @!p0 $0x9  }
0x161: {  	_ =	swait.ge @!p0 [sflag:s0], s1  }
0x162: {  	s1 =	ssub.s32 @!p0 $0x0, s1;
	[sflag:s0] =	ssyncset.done @!p0 $0x0  }
0x163: {  	[sflag:s0] =	ssyncadd.s32 @!p0 s1  }
0x164: {  	[bflag:$0x3] =	sbarrier.arrive $0xFFFF  }
0x165: {  	_ =	shalt  }

</sc_bundles>
